<compile_context>
chip_gen: v7x
topology: tpu7x:2x2x1
jax: 0.10.2.dev20260603
libtpu: 0.0.44.dev20260713+nightly
codegen_flags: <defaults>
</compile_context>

<pallas_src>
import functools

import jax
import jax.numpy as jnp
from jax import lax
from jax.experimental import pallas as pl
from jax.experimental.pallas import tpu as pltpu
from jax.experimental.pallas import tpu_sc as plsc

_N = 10000
_E = 320000
_EA = _E + _N
_EAP = 334080
_D = 128
_L = 5
_NC = 2
_NS = 16
_NW = _NC * _NS
_CH = 128
_TW = 320
_ACCR = 328
_DUMP = 320

_mesh = plsc.VectorSubcoreMesh(core_axis_name="c", subcore_axis_name="s")


@functools.partial(
    pl.kernel,
    out_type=jax.ShapeDtypeStruct((_NW * _TW, _D), jnp.float32),
    mesh=_mesh,
    scratch_types=[
        pltpu.VMEM((48,), jnp.int32),
        pltpu.VMEM((48,), jnp.int32),
        pltpu.VMEM((_CH,), jnp.int32),
        pltpu.VMEM((_CH + 16,), jnp.int32),
        pltpu.VMEM((_CH,), jnp.int32),
        pltpu.VMEM((_CH, _D), jnp.float32),
        pltpu.VMEM((_CH, _D), jnp.float32),
        pltpu.VMEM((_ACCR, _D), jnp.float32),
        pltpu.SemaphoreType.DMA,
        pltpu.SemaphoreType.DMA,
    ],
)
def _seg_fold(h_hbm, etab_hbm, src_hbm, dstloc_hbm, combo_hbm, aoff_hbm,
              anch_hbm, z_hbm, out_hbm, aoff_v, anch_v, src_i, dst_i, cmb_i,
              rows, erows, acc, sem1, sem2):
    c = lax.axis_index("c")
    s = lax.axis_index("s")
    wid = c * _NS + s
    pltpu.sync_copy(z_hbm, acc)
    pltpu.sync_copy(aoff_hbm, aoff_v)
    pltpu.sync_copy(anch_hbm, anch_v)
    o0 = aoff_v[pl.ds(wid, 16)][0]
    nch = anch_v[pl.ds(wid, 16)][0]

    def chunk(j, carry):
        cb = pl.multiple_of(o0 + j * _CH, _CH)
        pltpu.sync_copy(src_hbm.at[pl.ds(cb, _CH)], src_i)
        pltpu.sync_copy(dstloc_hbm.at[pl.ds(cb, _CH)], dst_i.at[pl.ds(0, _CH)])
        pltpu.sync_copy(combo_hbm.at[pl.ds(cb, _CH)], cmb_i)
        g1 = pltpu.async_copy(h_hbm.at[src_i], rows, sem1)
        g2 = pltpu.async_copy(etab_hbm.at[cmb_i], erows, sem2)
        g1.wait()
        g2.wait()

        def edge(e, carry2):
            d = dst_i[pl.ds(e, 16)][0]
            for k in range(8):
                sl = pl.ds(k * 16, 16)
                acc[d, sl] = acc[d, sl] + (rows[e, sl] + erows[e, sl])
            return carry2

        lax.fori_loop(0, _CH, edge, 0, unroll=False)
        return carry

    lax.fori_loop(0, nch, chunk, 0, unroll=False)
    ob = pl.multiple_of(wid * _TW, 8)
    pltpu.sync_copy(acc.at[pl.ds(0, _TW)], out_hbm.at[pl.ds(ob, _TW)])


def _h0_body(x_ref, e1_ref, e2_ref, out_ref):
    x = x_ref[...]
    x0 = x[:, 0:1]
    x1 = x[:, 1:2]
    acc = jnp.zeros((_N, _D), jnp.float32)
    for k in range(3):
        acc = acc + (x0 == k).astype(jnp.float32) * e1_ref[k:k + 1, :]
        acc = acc + (x1 == k).astype(jnp.float32) * e2_ref[k:k + 1, :]
    out_ref[...] = acc


def _h0_call(x, x_emb1, x_emb2):
    return pl.pallas_call(
        _h0_body,
        out_shape=jax.ShapeDtypeStruct((_N, _D), jnp.float32),
    )(x, x_emb1, x_emb2)


def _etab_body(e1_ref, e2_ref, out_ref):
    e1 = e1_ref[...]
    e2 = e2_ref[...]
    for l in range(_L):
        rows = [e1[l, cb // 3:cb // 3 + 1, :] + e2[l, cb % 3:cb % 3 + 1, :]
                for cb in range(9)]
        rows.append(e1[l, 4:5, :] + e2[l, 0:1, :])
        rows.append(jnp.zeros((6, _D), jnp.float32))
        out_ref[l * 16:(l + 1) * 16, :] = jnp.concatenate(rows, axis=0)


def _etab_call(edge_emb1, edge_emb2):
    return pl.pallas_call(
        _etab_body,
        out_shape=jax.ShapeDtypeStruct((_L * 16, _D), jnp.float32),
    )(edge_emb1, edge_emb2)


def _layer_body(last, g_ref, w1_ref, b1_ref, w2_ref, b2_ref, gm_ref, bt_ref,
                out_ref):
    a = g_ref[: _N, :]
    hid = jnp.maximum(
        jnp.dot(a, w1_ref[...], preferred_element_type=jnp.float32)
        + b1_ref[...], 0.0)
    hp = (jnp.dot(hid, w2_ref[...], preferred_element_type=jnp.float32)
          + b2_ref[...])
    mu = jnp.mean(hp, axis=0, keepdims=True)
    var = jnp.mean((hp - mu) ** 2, axis=0, keepdims=True)
    h = (hp - mu) * lax.rsqrt(var + 1e-5) * gm_ref[...] + bt_ref[...]
    if not last:
        h = jnp.maximum(h, 0.0)
    out_ref[...] = h


def _layer_call(last, g, w1, b1, w2, b2, gm, bt):
    return pl.pallas_call(
        functools.partial(_layer_body, last),
        out_shape=jax.ShapeDtypeStruct((_N, _D), jnp.float32),
    )(g, w1, b1, w2, b2, gm, bt)


def kernel(x, edge_index, edge_attr, x_emb1, x_emb2, edge_emb1, edge_emb2,
           W1, b1, W2, b2, gamma, beta):
    x = x.astype(jnp.int32)
    ei = edge_index.astype(jnp.int32)
    ea = edge_attr.astype(jnp.int32)

    loop = jnp.arange(_N, dtype=jnp.int32)
    src_full = jnp.concatenate([ei[0], loop])
    dst_full = jnp.concatenate([ei[1], loop])
    combo_full = jnp.concatenate([ea[:, 0] * 3 + ea[:, 1],
                                  jnp.full((_N,), 9, jnp.int32)])
    tile_id = dst_full // _TW
    perm = jnp.argsort(tile_id, stable=True)
    tid_s = tile_id[perm]
    off = jnp.searchsorted(tid_s, jnp.arange(33, dtype=jnp.int32),
                           side="left").astype(jnp.int32)
    cnt = off[1:] - off[:-1]
    nch = (cnt + _CH - 1) // _CH
    aoff = jnp.concatenate([jnp.zeros((1,), jnp.int32),
                            jnp.cumsum(nch).astype(jnp.int32)]) * _CH
    pos = aoff[tid_s] + jnp.arange(_EA, dtype=jnp.int32) - off[tid_s]
    src_s = jnp.zeros((_EAP,), jnp.int32).at[pos].set(src_full[perm])
    dstloc_s = jnp.full((_EAP,), _DUMP, jnp.int32).at[pos].set(
        dst_full[perm] - tid_s * _TW)
    combo_s = jnp.full((_EAP,), 15, jnp.int32).at[pos].set(combo_full[perm])
    aoff_p = jnp.concatenate([aoff[:32], jnp.zeros((16,), jnp.int32)])
    anch_p = jnp.concatenate([nch, jnp.zeros((16,), jnp.int32)])
    zt = jnp.zeros((_ACCR, _D), jnp.float32)

    h = _h0_call(x, x_emb1, x_emb2)
    etabs = _etab_call(edge_emb1, edge_emb2)
    for l in range(_L):
        g = _seg_fold(h, etabs[l * 16:(l + 1) * 16], src_s, dstloc_s, combo_s,
                      aoff_p, anch_p, zt)
        h = _layer_call(
            l == _L - 1, g, W1[l], b1[l].reshape(1, -1),
            W2[l], b2[l].reshape(1, -1), gamma[l].reshape(1, -1),
            beta[l].reshape(1, -1))
    return h

# --- scband reference (transcript-rebuilt; emitter-appended) ---
"""Pipeline reference for scband-gnn-2972117369038 (READ-ONLY COPY).

The authoritative reference and input builder live on the scoring server;
editing this copy changes nothing except your own understanding.
"""

import jax, jax.numpy as jnp
import numpy as np

N = 10000
E = 320000
D = 128
L = 5


def setup_inputs(seed: int = 0) -> dict:
    key = jax.random.key(seed)
    ks = jax.random.split(key, 12)
    s = 0.05
    return {
        "x": jax.random.randint(ks[0], (N, 2), 0, 3, dtype=jnp.int64) if jax.config.jax_enable_x64 else jax.random.randint(ks[0], (N, 2), 0, 3).astype(jnp.int32),
        "edge_index": jax.random.randint(ks[1], (2, E), 0, N).astype(jnp.int32),
        "edge_attr": jax.random.randint(ks[2], (E, 2), 0, 3).astype(jnp.int32),
        "x_emb1": jax.random.normal(ks[3], (120, D), dtype=jnp.float32) * s,
        "x_emb2": jax.random.normal(ks[4], (3, D), dtype=jnp.float32) * s,
        "edge_emb1": jax.random.normal(ks[5], (L, 6, D), dtype=jnp.float32) * s,
        "edge_emb2": jax.random.normal(ks[6], (L, 3, D), dtype=jnp.float32) * s,
        "W1": jax.random.normal(ks[7], (L, D, 2 * D), dtype=jnp.float32) * s,
        "b1": jnp.zeros((L, 2 * D), dtype=jnp.float32),
        "W2": jax.random.normal(ks[8], (L, 2 * D, D), dtype=jnp.float32) * s,
        "b2": jnp.zeros((L, D), dtype=jnp.float32),
        "gamma": jnp.ones((L, D), dtype=jnp.float32),
        "beta": jnp.zeros((L, D), dtype=jnp.float32),
    }


def _forward(x, edge_index, edge_attr, x_emb1, x_emb2, edge_emb1, edge_emb2, W1, b1, W2, b2, gamma, beta):
    n = x.shape[0]
    # input atom embeddings: x_embedding1(x[:,0]) + x_embedding2(x[:,1])
    h = x_emb1[x[:, 0]] + x_emb2[x[:, 1]]
    # add self loops once (same for every layer)
    loop = jnp.arange(n, dtype=edge_index.dtype)
    ei = jnp.concatenate([edge_index, jnp.stack([loop, loop], axis=0)], axis=1)
    self_attr = jnp.concatenate(
        [jnp.full((n, 1), 4, dtype=edge_attr.dtype), jnp.zeros((n, 1), dtype=edge_attr.dtype)], axis=1
    )
    ea = jnp.concatenate([edge_attr, self_attr], axis=0)
    src = ei[0]
    dst = ei[1]
    for l in range(L):
        # GINConv: edge embeddings, message x_j + edge_attr, scatter-add, MLP
        e_emb = jnp.take(edge_emb1[l], ea[:, 0], axis=0) + jnp.take(edge_emb2[l], ea[:, 1], axis=0)
        msg = jnp.take(h, src, axis=0) + e_emb
        aggr = jax.ops.segment_sum(msg, dst, num_segments=n)
        hid = jnp.maximum(aggr @ W1[l] + b1[l], 0.0)
        h = hid @ W2[l] + b2[l]
        # BatchNorm1d (training-mode batch statistics, eps=1e-5)
        mu = jnp.mean(h, axis=0)
        var = jnp.var(h, axis=0)
        h = (h - mu) / jnp.sqrt(var + 1e-5) * gamma[l] + beta[l]
        # dropout ratio = 0; relu on all but last layer
        if l < L - 1:
            h = jnp.maximum(h, 0.0)
    # JK == 'last'
    return h


def reference(x, edge_index, edge_attr, x_emb1, x_emb2, edge_emb1, edge_emb2, W1, b1, W2, b2, gamma, beta):
    return _forward(x, edge_index, edge_attr, x_emb1, x_emb2, edge_emb1, edge_emb2, W1, b1, W2, b2, gamma, beta)

if __name__ == "__main__":
    import jax
    _d = setup_inputs()
    print(jax.jit(kernel)(*tuple(_d.values())))

</pallas_src>

<mosaic_0001>
#map = affine_map<(d0, d1) -> (0, 0)>
#map1 = affine_map<(d0, d1) -> (0)>
module attributes {stable_mosaic.version = 14 : i64} {
  func.func @_seg_fold(%arg0: i32, %arg1: i32, %arg2: memref<10000x128xf32, #tpu.memory_space<hbm>>, %arg3: memref<16x128xf32, #tpu.memory_space<hbm>>, %arg4: memref<334080xi32, #tpu.memory_space<hbm>>, %arg5: memref<334080xi32, #tpu.memory_space<hbm>>, %arg6: memref<334080xi32, #tpu.memory_space<hbm>>, %arg7: memref<48xi32, #tpu.memory_space<hbm>>, %arg8: memref<48xi32, #tpu.memory_space<hbm>>, %arg9: memref<328x128xf32, #tpu.memory_space<hbm>>, %arg10: memref<10240x128xf32, #tpu.memory_space<hbm>>, %arg11: memref<48xi32, #tpu.memory_space<vmem>>, %arg12: memref<48xi32, #tpu.memory_space<vmem>>, %arg13: memref<128xi32, #tpu.memory_space<vmem>>, %arg14: memref<144xi32, #tpu.memory_space<vmem>>, %arg15: memref<128xi32, #tpu.memory_space<vmem>>, %arg16: memref<128x128xf32, #tpu.memory_space<vmem>>, %arg17: memref<128x128xf32, #tpu.memory_space<vmem>>, %arg18: memref<328x128xf32, #tpu.memory_space<vmem>>, %arg19: memref<!tpu.dma_semaphore, #tpu.memory_space<semaphore_mem>>, %arg20: memref<!tpu.dma_semaphore, #tpu.memory_space<semaphore_mem>>) attributes {dimension_semantics = [#tpu.dimension_semantics<core_parallel>, #tpu.dimension_semantics<subcore_parallel>], iteration_bounds = array<i64: 2, 16>, scalar_prefetch = 0 : i64, scratch_operands = 10 : i64, tpu.core_type = #tpu.core_type<sc_vector_subcore>, window_params = [{transform_indices = #map}, {transform_indices = #map}, {transform_indices = #map1}, {transform_indices = #map1}, {transform_indices = #map1}, {transform_indices = #map1}, {transform_indices = #map1}, {transform_indices = #map}, {transform_indices = #map}]} {
    %mul3A = arith.constant 16 : i32
    %mul3A_0 = arith.muli %arg0, %mul3A : i32
    %add3A = arith.addi %mul3A_0, %arg1 : i32
    "tpu.region"() ({
      %run_scoped3A = tpu.sem_alloc : memref<!tpu.dma_semaphore, #tpu.memory_space<semaphore_mem>>
      tpu.enqueue_dma source(%arg9 : memref<328x128xf32, #tpu.memory_space<hbm>>) target(%arg18 : memref<328x128xf32, #tpu.memory_space<vmem>>) target_semaphore(%run_scoped3A : memref<!tpu.dma_semaphore, #tpu.memory_space<semaphore_mem>>)
      tpu.wait_dma2 semaphore(%run_scoped3A : memref<!tpu.dma_semaphore, #tpu.memory_space<semaphore_mem>>) src(%arg9 : memref<328x128xf32, #tpu.memory_space<hbm>>) dst(%arg18 : memref<328x128xf32, #tpu.memory_space<vmem>>)
      tpu.yield
    }) : () -> ()
    "tpu.region"() ({
      %run_scoped3A = tpu.sem_alloc : memref<!tpu.dma_semaphore, #tpu.memory_space<semaphore_mem>>
      tpu.enqueue_dma source(%arg7 : memref<48xi32, #tpu.memory_space<hbm>>) target(%arg11 : memref<48xi32, #tpu.memory_space<vmem>>) target_semaphore(%run_scoped3A : memref<!tpu.dma_semaphore, #tpu.memory_space<semaphore_mem>>)
      tpu.wait_dma2 semaphore(%run_scoped3A : memref<!tpu.dma_semaphore, #tpu.memory_space<semaphore_mem>>) src(%arg7 : memref<48xi32, #tpu.memory_space<hbm>>) dst(%arg11 : memref<48xi32, #tpu.memory_space<vmem>>)
      tpu.yield
    }) : () -> ()
    "tpu.region"() ({
      %run_scoped3A = tpu.sem_alloc : memref<!tpu.dma_semaphore, #tpu.memory_space<semaphore_mem>>
      tpu.enqueue_dma source(%arg8 : memref<48xi32, #tpu.memory_space<hbm>>) target(%arg12 : memref<48xi32, #tpu.memory_space<vmem>>) target_semaphore(%run_scoped3A : memref<!tpu.dma_semaphore, #tpu.memory_space<semaphore_mem>>)
      tpu.wait_dma2 semaphore(%run_scoped3A : memref<!tpu.dma_semaphore, #tpu.memory_space<semaphore_mem>>) src(%arg8 : memref<48xi32, #tpu.memory_space<hbm>>) dst(%arg12 : memref<48xi32, #tpu.memory_space<vmem>>)
      tpu.yield
    }) : () -> ()
    %get3A = arith.index_cast %add3A : i32 to index
    %get3A_1 = tpu.vector_load %arg11[%get3A] {strides = array<i32>} : memref<48xi32, #tpu.memory_space<vmem>>, vector<16xi32>,
    %get3A_2 = vector.shape_cast %get3A_1 : vector<16xi32> to vector<16xi32>
    %slice3A = vector.extract_strided_slice %get3A_2 {offsets = [0], sizes = [1], strides = [1]} : vector<16xi32> to vector<1xi32>
    %squeeze3A = vector.extract %slice3A[0] : i32 from vector<1xi32>
    %get3A_3 = arith.index_cast %add3A : i32 to index
    %get3A_4 = tpu.vector_load %arg12[%get3A_3] {strides = array<i32>} : memref<48xi32, #tpu.memory_space<vmem>>, vector<16xi32>,
    %get3A_5 = vector.shape_cast %get3A_4 : vector<16xi32> to vector<16xi32>
    %slice3A_6 = vector.extract_strided_slice %get3A_5 {offsets = [0], sizes = [1], strides = [1]} : vector<16xi32> to vector<1xi32>
    %squeeze3A_7 = vector.extract %slice3A_6[0] : i32 from vector<1xi32>
    %while3A = arith.constant 0 : i32
    %while3A_8 = arith.constant 0 : i32
    %while3A_9 = arith.subi %squeeze3A_7, %while3A_8 : i32
    %while3A_10 = arith.addi %while3A_8, %while3A_9 : i32
    %while3A_11 = arith.constant 1 : i32
    %while3A_12 = arith.divsi %while3A_9, %while3A_11 : i32
    %while3A_13 = arith.muli %while3A_12, %while3A_11 : i32
    %while3A_14 = arith.addi %while3A_8, %while3A_13 : i32
    %while3A_15 = arith.constant 1 : i32
    scf.for %while3A_19 = %while3A_8 to %while3A_14 step %while3A_15  : i32 {
      %mul3A_20 = arith.constant 128 : i32
      %mul3A_21 = arith.muli %while3A_19, %mul3A_20 : i32
      %add3A_22 = arith.addi %squeeze3A, %mul3A_21 : i32
      %multiple_of3A_23 = tpu.assume_multiple %add3A_22, 128 : i32
      "tpu.region"() ({
        %run_scoped3A = tpu.sem_alloc : memref<!tpu.dma_semaphore, #tpu.memory_space<semaphore_mem>>
        %dma_start3A_39 = tpu.memref_slice %arg4[%multiple_of3A_23] : memref<334080xi32, #tpu.memory_space<hbm>> -> memref<128xi32, #tpu.memory_space<hbm>>
        %dma_start3A_40 = tpu.memref_slice %arg4[%multiple_of3A_23] : memref<334080xi32, #tpu.memory_space<hbm>> -> memref<128xi32, #tpu.memory_space<hbm>>
        tpu.enqueue_dma source(%dma_start3A_40 : memref<128xi32, #tpu.memory_space<hbm>>) target(%arg13 : memref<128xi32, #tpu.memory_space<vmem>>) target_semaphore(%run_scoped3A : memref<!tpu.dma_semaphore, #tpu.memory_space<semaphore_mem>>)
        %dma_wait3A_41 = tpu.memref_slice %arg4[%multiple_of3A_23] : memref<334080xi32, #tpu.memory_space<hbm>> -> memref<128xi32, #tpu.memory_space<hbm>>
        %dma_wait3A_42 = tpu.memref_slice %arg4[%multiple_of3A_23] : memref<334080xi32, #tpu.memory_space<hbm>> -> memref<128xi32, #tpu.memory_space<hbm>>
        tpu.wait_dma2 semaphore(%run_scoped3A : memref<!tpu.dma_semaphore, #tpu.memory_space<semaphore_mem>>) src(%dma_wait3A_42 : memref<128xi32, #tpu.memory_space<hbm>>) dst(%arg13 : memref<128xi32, #tpu.memory_space<vmem>>)
        tpu.yield
      }) : () -> ()
      "tpu.region"() ({
        %run_scoped3A = tpu.sem_alloc : memref<!tpu.dma_semaphore, #tpu.memory_space<semaphore_mem>>
        %dma_start3A_39 = arith.constant 0 : i32
        %dma_start3A_40 = tpu.memref_slice %arg14[%dma_start3A_39] : memref<144xi32, #tpu.memory_space<vmem>> -> memref<128xi32, #tpu.memory_space<vmem>>
        %dma_start3A_41 = tpu.memref_slice %arg5[%multiple_of3A_23] : memref<334080xi32, #tpu.memory_space<hbm>> -> memref<128xi32, #tpu.memory_space<hbm>>
        %dma_start3A_42 = arith.constant 0 : i32
        %dma_start3A_43 = tpu.memref_slice %arg14[%dma_start3A_42] : memref<144xi32, #tpu.memory_space<vmem>> -> memref<128xi32, #tpu.memory_space<vmem>>
        %dma_start3A_44 = tpu.memref_slice %arg5[%multiple_of3A_23] : memref<334080xi32, #tpu.memory_space<hbm>> -> memref<128xi32, #tpu.memory_space<hbm>>
        tpu.enqueue_dma source(%dma_start3A_44 : memref<128xi32, #tpu.memory_space<hbm>>) target(%dma_start3A_43 : memref<128xi32, #tpu.memory_space<vmem>>) target_semaphore(%run_scoped3A : memref<!tpu.dma_semaphore, #tpu.memory_space<semaphore_mem>>)
        %dma_wait3A_45 = arith.constant 0 : i32
        %dma_wait3A_46 = tpu.memref_slice %arg14[%dma_wait3A_45] : memref<144xi32, #tpu.memory_space<vmem>> -> memref<128xi32, #tpu.memory_space<vmem>>
        %dma_wait3A_47 = tpu.memref_slice %arg5[%multiple_of3A_23] : memref<334080xi32, #tpu.memory_space<hbm>> -> memref<128xi32, #tpu.memory_space<hbm>>
        %dma_wait3A_48 = arith.constant 0 : i32
        %dma_wait3A_49 = tpu.memref_slice %arg14[%dma_wait3A_48] : memref<144xi32, #tpu.memory_space<vmem>> -> memref<128xi32, #tpu.memory_space<vmem>>
        %dma_wait3A_50 = tpu.memref_slice %arg5[%multiple_of3A_23] : memref<334080xi32, #tpu.memory_space<hbm>> -> memref<128xi32, #tpu.memory_space<hbm>>
        tpu.wait_dma2 semaphore(%run_scoped3A : memref<!tpu.dma_semaphore, #tpu.memory_space<semaphore_mem>>) src(%dma_wait3A_50 : memref<128xi32, #tpu.memory_space<hbm>>) dst(%dma_wait3A_49 : memref<128xi32, #tpu.memory_space<vmem>>)
        tpu.yield
      }) : () -> ()
      "tpu.region"() ({
        %run_scoped3A = tpu.sem_alloc : memref<!tpu.dma_semaphore, #tpu.memory_space<semaphore_mem>>
        %dma_start3A_39 = tpu.memref_slice %arg6[%multiple_of3A_23] : memref<334080xi32, #tpu.memory_space<hbm>> -> memref<128xi32, #tpu.memory_space<hbm>>
        %dma_start3A_40 = tpu.memref_slice %arg6[%multiple_of3A_23] : memref<334080xi32, #tpu.memory_space<hbm>> -> memref<128xi32, #tpu.memory_space<hbm>>
        tpu.enqueue_dma source(%dma_start3A_40 : memref<128xi32, #tpu.memory_space<hbm>>) target(%arg15 : memref<128xi32, #tpu.memory_space<vmem>>) target_semaphore(%run_scoped3A : memref<!tpu.dma_semaphore, #tpu.memory_space<semaphore_mem>>)
        %dma_wait3A_41 = tpu.memref_slice %arg6[%multiple_of3A_23] : memref<334080xi32, #tpu.memory_space<hbm>> -> memref<128xi32, #tpu.memory_space<hbm>>
        %dma_wait3A_42 = tpu.memref_slice %arg6[%multiple_of3A_23] : memref<334080xi32, #tpu.memory_space<hbm>> -> memref<128xi32, #tpu.memory_space<hbm>>
        tpu.wait_dma2 semaphore(%run_scoped3A : memref<!tpu.dma_semaphore, #tpu.memory_space<semaphore_mem>>) src(%dma_wait3A_42 : memref<128xi32, #tpu.memory_space<hbm>>) dst(%arg15 : memref<128xi32, #tpu.memory_space<vmem>>)
        tpu.yield
      }) : () -> ()
      %dma_start3A = arith.constant 0 : i32
      %dma_start3A_24 = arith.constant 0 : i32
      %dma_start3A_25 = tpu.memref_slice %arg2[%dma_start3A, %dma_start3A_24] : memref<10000x128xf32, #tpu.memory_space<hbm>> -> memref<10000x128xf32, #tpu.memory_space<hbm>>
      tpu.enqueue_indirect_dma source(%dma_start3A_25 : memref<10000x128xf32, #tpu.memory_space<hbm>>) target(%arg16 : memref<128x128xf32, #tpu.memory_space<vmem>>) offsets(%arg13 : memref<128xi32, #tpu.memory_space<vmem>>) semaphore(%arg19 : memref<!tpu.dma_semaphore, #tpu.memory_space<semaphore_mem>>)
      %dma_start3A_26 = arith.constant 0 : i32
      %dma_start3A_27 = arith.constant 0 : i32
      %dma_start3A_28 = tpu.memref_slice %arg3[%dma_start3A_26, %dma_start3A_27] : memref<16x128xf32, #tpu.memory_space<hbm>> -> memref<16x128xf32, #tpu.memory_space<hbm>>
      tpu.enqueue_indirect_dma source(%dma_start3A_28 : memref<16x128xf32, #tpu.memory_space<hbm>>) target(%arg17 : memref<128x128xf32, #tpu.memory_space<vmem>>) offsets(%arg15 : memref<128xi32, #tpu.memory_space<vmem>>) semaphore(%arg20 : memref<!tpu.dma_semaphore, #tpu.memory_space<semaphore_mem>>)
      %dma_wait3A = arith.constant 0 : i32
      %dma_wait3A_29 = arith.constant 0 : i32
      %dma_wait3A_30 = tpu.memref_slice %arg2[%dma_wait3A, %dma_wait3A_29] : memref<10000x128xf32, #tpu.memory_space<hbm>> -> memref<10000x128xf32, #tpu.memory_space<hbm>>
      tpu.wait_indirect_dma semaphore(%arg19 : memref<!tpu.dma_semaphore, #tpu.memory_space<semaphore_mem>>) src(%dma_wait3A_30 : memref<10000x128xf32, #tpu.memory_space<hbm>>) dst(%arg16 : memref<128x128xf32, #tpu.memory_space<vmem>>)
      %dma_wait3A_31 = arith.constant 0 : i32
      %dma_wait3A_32 = arith.constant 0 : i32
      %dma_wait3A_33 = tpu.memref_slice %arg3[%dma_wait3A_31, %dma_wait3A_32] : memref<16x128xf32, #tpu.memory_space<hbm>> -> memref<16x128xf32, #tpu.memory_space<hbm>>
      tpu.wait_indirect_dma semaphore(%arg20 : memref<!tpu.dma_semaphore, #tpu.memory_space<semaphore_mem>>) src(%dma_wait3A_33 : memref<16x128xf32, #tpu.memory_space<hbm>>) dst(%arg17 : memref<128x128xf32, #tpu.memory_space<vmem>>)
      %scan3A = arith.constant 0 : i32
      %scan3A_34 = arith.constant 0 : i32
      %scan3A_35 = arith.constant 128 : i32
      %scan3A_36 = arith.addi %scan3A_34, %scan3A_35 : i32
      %scan3A_37 = arith.constant 1 : i32
      scf.for %scan3A_39 = %scan3A_34 to %scan3A_36 step %scan3A_37  : i32 {
        %get3A_40 = arith.index_cast %scan3A_39 : i32 to index
        %get3A_41 = tpu.vector_load %arg14[%get3A_40] {strides = array<i32>} : memref<144xi32, #tpu.memory_space<vmem>>, vector<16xi32>,
        %get3A_42 = vector.shape_cast %get3A_41 : vector<16xi32> to vector<16xi32>
        %slice3A_43 = vector.extract_strided_slice %get3A_42 {offsets = [0], sizes = [1], strides = [1]} : vector<16xi32> to vector<1xi32>
        %squeeze3A_44 = vector.extract %slice3A_43[0] : i32 from vector<1xi32>
        %get3A_45 = arith.index_cast %squeeze3A_44 : i32 to index
        %get3A_46 = arith.constant 0 : index
        %get3A_47 = tpu.vector_load %arg18[%get3A_45, %get3A_46] {strides = array<i32>} : memref<328x128xf32, #tpu.memory_space<vmem>>, vector<1x16xf32>,
        %get3A_48 = vector.shape_cast %get3A_47 : vector<1x16xf32> to vector<16xf32>
        %get3A_49 = arith.index_cast %scan3A_39 : i32 to index
        %get3A_50 = arith.constant 0 : index
        %get3A_51 = tpu.vector_load %arg16[%get3A_49, %get3A_50] {strides = array<i32>} : memref<128x128xf32, #tpu.memory_space<vmem>>, vector<1x16xf32>,
        %get3A_52 = vector.shape_cast %get3A_51 : vector<1x16xf32> to vector<16xf32>
        %get3A_53 = arith.index_cast %scan3A_39 : i32 to index
        %get3A_54 = arith.constant 0 : index
        %get3A_55 = tpu.vector_load %arg17[%get3A_53, %get3A_54] {strides = array<i32>} : memref<128x128xf32, #tpu.memory_space<vmem>>, vector<1x16xf32>,
        %get3A_56 = vector.shape_cast %get3A_55 : vector<1x16xf32> to vector<16xf32>
        %add3A_57 = arith.addf %get3A_52, %get3A_56 : vector<16xf32>
        %add3A_58 = arith.addf %get3A_48, %add3A_57 : vector<16xf32>
        %swap3A = arith.index_cast %squeeze3A_44 : i32 to index
        %swap3A_59 = arith.constant 0 : index
        %swap3A_60 = tpu.vector_load %arg18[%swap3A, %swap3A_59] {strides = array<i32>} : memref<328x128xf32, #tpu.memory_space<vmem>>, vector<1x16xf32>,
        %swap3A_61 = vector.shape_cast %swap3A_60 : vector<1x16xf32> to vector<16xf32>
        %swap3A_62 = vector.shape_cast %add3A_58 : vector<16xf32> to vector<1x16xf32>
        tpu.vector_store %arg18[%swap3A, %swap3A_59], %swap3A_62 {strides = array<i32>} : memref<328x128xf32, #tpu.memory_space<vmem>>, vector<1x16xf32>,
        %get3A_63 = arith.index_cast %squeeze3A_44 : i32 to index
        %get3A_64 = arith.constant 16 : index
        %get3A_65 = tpu.vector_load %arg18[%get3A_63, %get3A_64] {strides = array<i32>} : memref<328x128xf32, #tpu.memory_space<vmem>>, vector<1x16xf32>,
        %get3A_66 = vector.shape_cast %get3A_65 : vector<1x16xf32> to vector<16xf32>
        %get3A_67 = arith.index_cast %scan3A_39 : i32 to index
        %get3A_68 = arith.constant 16 : index
        %get3A_69 = tpu.vector_load %arg16[%get3A_67, %get3A_68] {strides = array<i32>} : memref<128x128xf32, #tpu.memory_space<vmem>>, vector<1x16xf32>,
        %get3A_70 = vector.shape_cast %get3A_69 : vector<1x16xf32> to vector<16xf32>
        %get3A_71 = arith.index_cast %scan3A_39 : i32 to index
        %get3A_72 = arith.constant 16 : index
        %get3A_73 = tpu.vector_load %arg17[%get3A_71, %get3A_72] {strides = array<i32>} : memref<128x128xf32, #tpu.memory_space<vmem>>, vector<1x16xf32>,
        %get3A_74 = vector.shape_cast %get3A_73 : vector<1x16xf32> to vector<16xf32>
        %add3A_75 = arith.addf %get3A_70, %get3A_74 : vector<16xf32>
        %add3A_76 = arith.addf %get3A_66, %add3A_75 : vector<16xf32>
        %swap3A_77 = arith.index_cast %squeeze3A_44 : i32 to index
        %swap3A_78 = arith.constant 16 : index
        %swap3A_79 = tpu.vector_load %arg18[%swap3A_77, %swap3A_78] {strides = array<i32>} : memref<328x128xf32, #tpu.memory_space<vmem>>, vector<1x16xf32>,
        %swap3A_80 = vector.shape_cast %swap3A_79 : vector<1x16xf32> to vector<16xf32>
        %swap3A_81 = vector.shape_cast %add3A_76 : vector<16xf32> to vector<1x16xf32>
        tpu.vector_store %arg18[%swap3A_77, %swap3A_78], %swap3A_81 {strides = array<i32>} : memref<328x128xf32, #tpu.memory_space<vmem>>, vector<1x16xf32>,
        %get3A_82 = arith.index_cast %squeeze3A_44 : i32 to index
        %get3A_83 = arith.constant 32 : index
        %get3A_84 = tpu.vector_load %arg18[%get3A_82, %get3A_83] {strides = array<i32>} : memref<328x128xf32, #tpu.memory_space<vmem>>, vector<1x16xf32>,
        %get3A_85 = vector.shape_cast %get3A_84 : vector<1x16xf32> to vector<16xf32>
        %get3A_86 = arith.index_cast %scan3A_39 : i32 to index
        %get3A_87 = arith.constant 32 : index
        %get3A_88 = tpu.vector_load %arg16[%get3A_86, %get3A_87] {strides = array<i32>} : memref<128x128xf32, #tpu.memory_space<vmem>>, vector<1x16xf32>,
        %get3A_89 = vector.shape_cast %get3A_88 : vector<1x16xf32> to vector<16xf32>
        %get3A_90 = arith.index_cast %scan3A_39 : i32 to index
        %get3A_91 = arith.constant 32 : index
        %get3A_92 = tpu.vector_load %arg17[%get3A_90, %get3A_91] {strides = array<i32>} : memref<128x128xf32, #tpu.memory_space<vmem>>, vector<1x16xf32>,
        %get3A_93 = vector.shape_cast %get3A_92 : vector<1x16xf32> to vector<16xf32>
        %add3A_94 = arith.addf %get3A_89, %get3A_93 : vector<16xf32>
        %add3A_95 = arith.addf %get3A_85, %add3A_94 : vector<16xf32>
        %swap3A_96 = arith.index_cast %squeeze3A_44 : i32 to index
        %swap3A_97 = arith.constant 32 : index
        %swap3A_98 = tpu.vector_load %arg18[%swap3A_96, %swap3A_97] {strides = array<i32>} : memref<328x128xf32, #tpu.memory_space<vmem>>, vector<1x16xf32>,
        %swap3A_99 = vector.shape_cast %swap3A_98 : vector<1x16xf32> to vector<16xf32>
        %swap3A_100 = vector.shape_cast %add3A_95 : vector<16xf32> to vector<1x16xf32>
        tpu.vector_store %arg18[%swap3A_96, %swap3A_97], %swap3A_100 {strides = array<i32>} : memref<328x128xf32, #tpu.memory_space<vmem>>, vector<1x16xf32>,
        %get3A_101 = arith.index_cast %squeeze3A_44 : i32 to index
        %get3A_102 = arith.constant 48 : index
        %get3A_103 = tpu.vector_load %arg18[%get3A_101, %get3A_102] {strides = array<i32>} : memref<328x128xf32, #tpu.memory_space<vmem>>, vector<1x16xf32>,
        %get3A_104 = vector.shape_cast %get3A_103 : vector<1x16xf32> to vector<16xf32>
        %get3A_105 = arith.index_cast %scan3A_39 : i32 to index
        %get3A_106 = arith.constant 48 : index
        %get3A_107 = tpu.vector_load %arg16[%get3A_105, %get3A_106] {strides = array<i32>} : memref<128x128xf32, #tpu.memory_space<vmem>>, vector<1x16xf32>,
        %get3A_108 = vector.shape_cast %get3A_107 : vector<1x16xf32> to vector<16xf32>
        %get3A_109 = arith.index_cast %scan3A_39 : i32 to index
        %get3A_110 = arith.constant 48 : index
        %get3A_111 = tpu.vector_load %arg17[%get3A_109, %get3A_110] {strides = array<i32>} : memref<128x128xf32, #tpu.memory_space<vmem>>, vector<1x16xf32>,
        %get3A_112 = vector.shape_cast %get3A_111 : vector<1x16xf32> to vector<16xf32>
        %add3A_113 = arith.addf %get3A_108, %get3A_112 : vector<16xf32>
        %add3A_114 = arith.addf %get3A_104, %add3A_113 : vector<16xf32>
        %swap3A_115 = arith.index_cast %squeeze3A_44 : i32 to index
        %swap3A_116 = arith.constant 48 : index
        %swap3A_117 = tpu.vector_load %arg18[%swap3A_115, %swap3A_116] {strides = array<i32>} : memref<328x128xf32, #tpu.memory_space<vmem>>, vector<1x16xf32>,
        %swap3A_118 = vector.shape_cast %swap3A_117 : vector<1x16xf32> to vector<16xf32>
        %swap3A_119 = vector.shape_cast %add3A_114 : vector<16xf32> to vector<1x16xf32>
        tpu.vector_store %arg18[%swap3A_115, %swap3A_116], %swap3A_119 {strides = array<i32>} : memref<328x128xf32, #tpu.memory_space<vmem>>, vector<1x16xf32>,
        %get3A_120 = arith.index_cast %squeeze3A_44 : i32 to index
        %get3A_121 = arith.constant 64 : index
        %get3A_122 = tpu.vector_load %arg18[%get3A_120, %get3A_121] {strides = array<i32>} : memref<328x128xf32, #tpu.memory_space<vmem>>, vector<1x16xf32>,
        %get3A_123 = vector.shape_cast %get3A_122 : vector<1x16xf32> to vector<16xf32>
        %get3A_124 = arith.index_cast %scan3A_39 : i32 to index
        %get3A_125 = arith.constant 64 : index
        %get3A_126 = tpu.vector_load %arg16[%get3A_124, %get3A_125] {strides = array<i32>} : memref<128x128xf32, #tpu.memory_space<vmem>>, vector<1x16xf32>,
        %get3A_127 = vector.shape_cast %get3A_126 : vector<1x16xf32> to vector<16xf32>
        %get3A_128 = arith.index_cast %scan3A_39 : i32 to index
        %get3A_129 = arith.constant 64 : index
        %get3A_130 = tpu.vector_load %arg17[%get3A_128, %get3A_129] {strides = array<i32>} : memref<128x128xf32, #tpu.memory_space<vmem>>, vector<1x16xf32>,
        %get3A_131 = vector.shape_cast %get3A_130 : vector<1x16xf32> to vector<16xf32>
        %add3A_132 = arith.addf %get3A_127, %get3A_131 : vector<16xf32>
        %add3A_133 = arith.addf %get3A_123, %add3A_132 : vector<16xf32>
        %swap3A_134 = arith.index_cast %squeeze3A_44 : i32 to index
        %swap3A_135 = arith.constant 64 : index
        %swap3A_136 = tpu.vector_load %arg18[%swap3A_134, %swap3A_135] {strides = array<i32>} : memref<328x128xf32, #tpu.memory_space<vmem>>, vector<1x16xf32>,
        %swap3A_137 = vector.shape_cast %swap3A_136 : vector<1x16xf32> to vector<16xf32>
        %swap3A_138 = vector.shape_cast %add3A_133 : vector<16xf32> to vector<1x16xf32>
        tpu.vector_store %arg18[%swap3A_134, %swap3A_135], %swap3A_138 {strides = array<i32>} : memref<328x128xf32, #tpu.memory_space<vmem>>, vector<1x16xf32>,
        %get3A_139 = arith.index_cast %squeeze3A_44 : i32 to index
        %get3A_140 = arith.constant 80 : index
        %get3A_141 = tpu.vector_load %arg18[%get3A_139, %get3A_140] {strides = array<i32>} : memref<328x128xf32, #tpu.memory_space<vmem>>, vector<1x16xf32>,
        %get3A_142 = vector.shape_cast %get3A_141 : vector<1x16xf32> to vector<16xf32>
        %get3A_143 = arith.index_cast %scan3A_39 : i32 to index
        %get3A_144 = arith.constant 80 : index
        %get3A_145 = tpu.vector_load %arg16[%get3A_143, %get3A_144] {strides = array<i32>} : memref<128x128xf32, #tpu.memory_space<vmem>>, vector<1x16xf32>,
        %get3A_146 = vector.shape_cast %get3A_145 : vector<1x16xf32> to vector<16xf32>
        %get3A_147 = arith.index_cast %scan3A_39 : i32 to index
        %get3A_148 = arith.constant 80 : index
        %get3A_149 = tpu.vector_load %arg17[%get3A_147, %get3A_148] {strides = array<i32>} : memref<128x128xf32, #tpu.memory_space<vmem>>, vector<1x16xf32>,
        %get3A_150 = vector.shape_cast %get3A_149 : vector<1x16xf32> to vector<16xf32>
        %add3A_151 = arith.addf %get3A_146, %get3A_150 : vector<16xf32>
        %add3A_152 = arith.addf %get3A_142, %add3A_151 : vector<16xf32>
        %swap3A_153 = arith.index_cast %squeeze3A_44 : i32 to index
        %swap3A_154 = arith.constant 80 : index
        %swap3A_155 = tpu.vector_load %arg18[%swap3A_153, %swap3A_154] {strides = array<i32>} : memref<328x128xf32, #tpu.memory_space<vmem>>, vector<1x16xf32>,
        %swap3A_156 = vector.shape_cast %swap3A_155 : vector<1x16xf32> to vector<16xf32>
        %swap3A_157 = vector.shape_cast %add3A_152 : vector<16xf32> to vector<1x16xf32>
        tpu.vector_store %arg18[%swap3A_153, %swap3A_154], %swap3A_157 {strides = array<i32>} : memref<328x128xf32, #tpu.memory_space<vmem>>, vector<1x16xf32>,
        %get3A_158 = arith.index_cast %squeeze3A_44 : i32 to index
        %get3A_159 = arith.constant 96 : index
        %get3A_160 = tpu.vector_load %arg18[%get3A_158, %get3A_159] {strides = array<i32>} : memref<328x128xf32, #tpu.memory_space<vmem>>, vector<1x16xf32>,
        %get3A_161 = vector.shape_cast %get3A_160 : vector<1x16xf32> to vector<16xf32>
        %get3A_162 = arith.index_cast %scan3A_39 : i32 to index
        %get3A_163 = arith.constant 96 : index
        %get3A_164 = tpu.vector_load %arg16[%get3A_162, %get3A_163] {strides = array<i32>} : memref<128x128xf32, #tpu.memory_space<vmem>>, vector<1x16xf32>,
        %get3A_165 = vector.shape_cast %get3A_164 : vector<1x16xf32> to vector<16xf32>
        %get3A_166 = arith.index_cast %scan3A_39 : i32 to index
        %get3A_167 = arith.constant 96 : index
        %get3A_168 = tpu.vector_load %arg17[%get3A_166, %get3A_167] {strides = array<i32>} : memref<128x128xf32, #tpu.memory_space<vmem>>, vector<1x16xf32>,
        %get3A_169 = vector.shape_cast %get3A_168 : vector<1x16xf32> to vector<16xf32>
        %add3A_170 = arith.addf %get3A_165, %get3A_169 : vector<16xf32>
        %add3A_171 = arith.addf %get3A_161, %add3A_170 : vector<16xf32>
        %swap3A_172 = arith.index_cast %squeeze3A_44 : i32 to index
        %swap3A_173 = arith.constant 96 : index
        %swap3A_174 = tpu.vector_load %arg18[%swap3A_172, %swap3A_173] {strides = array<i32>} : memref<328x128xf32, #tpu.memory_space<vmem>>, vector<1x16xf32>,
        %swap3A_175 = vector.shape_cast %swap3A_174 : vector<1x16xf32> to vector<16xf32>
        %swap3A_176 = vector.shape_cast %add3A_171 : vector<16xf32> to vector<1x16xf32>
        tpu.vector_store %arg18[%swap3A_172, %swap3A_173], %swap3A_176 {strides = array<i32>} : memref<328x128xf32, #tpu.memory_space<vmem>>, vector<1x16xf32>,
        %get3A_177 = arith.index_cast %squeeze3A_44 : i32 to index
        %get3A_178 = arith.constant 112 : index
        %get3A_179 = tpu.vector_load %arg18[%get3A_177, %get3A_178] {strides = array<i32>} : memref<328x128xf32, #tpu.memory_space<vmem>>, vector<1x16xf32>,
        %get3A_180 = vector.shape_cast %get3A_179 : vector<1x16xf32> to vector<16xf32>
        %get3A_181 = arith.index_cast %scan3A_39 : i32 to index
        %get3A_182 = arith.constant 112 : index
        %get3A_183 = tpu.vector_load %arg16[%get3A_181, %get3A_182] {strides = array<i32>} : memref<128x128xf32, #tpu.memory_space<vmem>>, vector<1x16xf32>,
        %get3A_184 = vector.shape_cast %get3A_183 : vector<1x16xf32> to vector<16xf32>
        %get3A_185 = arith.index_cast %scan3A_39 : i32 to index
        %get3A_186 = arith.constant 112 : index
        %get3A_187 = tpu.vector_load %arg17[%get3A_185, %get3A_186] {strides = array<i32>} : memref<128x128xf32, #tpu.memory_space<vmem>>, vector<1x16xf32>,
        %get3A_188 = vector.shape_cast %get3A_187 : vector<1x16xf32> to vector<16xf32>
        %add3A_189 = arith.addf %get3A_184, %get3A_188 : vector<16xf32>
        %add3A_190 = arith.addf %get3A_180, %add3A_189 : vector<16xf32>
        %swap3A_191 = arith.index_cast %squeeze3A_44 : i32 to index
        %swap3A_192 = arith.constant 112 : index
        %swap3A_193 = tpu.vector_load %arg18[%swap3A_191, %swap3A_192] {strides = array<i32>} : memref<328x128xf32, #tpu.memory_space<vmem>>, vector<1x16xf32>,
        %swap3A_194 = vector.shape_cast %swap3A_193 : vector<1x16xf32> to vector<16xf32>
        %swap3A_195 = vector.shape_cast %add3A_190 : vector<16xf32> to vector<1x16xf32>
        tpu.vector_store %arg18[%swap3A_191, %swap3A_192], %swap3A_195 {strides = array<i32>} : memref<328x128xf32, #tpu.memory_space<vmem>>, vector<1x16xf32>,
      }
      %scan3A_38 = arith.constant 128 : i32
    }
    %while3A_16 = arith.constant 1 : i32
    scf.for %while3A_19 = %while3A_14 to %while3A_10 step %while3A_16  : i32 {
      %mul3A_20 = arith.constant 128 : i32
      %mul3A_21 = arith.muli %while3A_19, %mul3A_20 : i32
      %add3A_22 = arith.addi %squeeze3A, %mul3A_21 : i32
      %multiple_of3A_23 = tpu.assume_multiple %add3A_22, 128 : i32
      "tpu.region"() ({
        %run_scoped3A = tpu.sem_alloc : memref<!tpu.dma_semaphore, #tpu.memory_space<semaphore_mem>>
        %dma_start3A_39 = tpu.memref_slice %arg4[%multiple_of3A_23] : memref<334080xi32, #tpu.memory_space<hbm>> -> memref<128xi32, #tpu.memory_space<hbm>>
        %dma_start3A_40 = tpu.memref_slice %arg4[%multiple_of3A_23] : memref<334080xi32, #tpu.memory_space<hbm>> -> memref<128xi32, #tpu.memory_space<hbm>>
        tpu.enqueue_dma source(%dma_start3A_40 : memref<128xi32, #tpu.memory_space<hbm>>) target(%arg13 : memref<128xi32, #tpu.memory_space<vmem>>) target_semaphore(%run_scoped3A : memref<!tpu.dma_semaphore, #tpu.memory_space<semaphore_mem>>)
        %dma_wait3A_41 = tpu.memref_slice %arg4[%multiple_of3A_23] : memref<334080xi32, #tpu.memory_space<hbm>> -> memref<128xi32, #tpu.memory_space<hbm>>
        %dma_wait3A_42 = tpu.memref_slice %arg4[%multiple_of3A_23] : memref<334080xi32, #tpu.memory_space<hbm>> -> memref<128xi32, #tpu.memory_space<hbm>>
        tpu.wait_dma2 semaphore(%run_scoped3A : memref<!tpu.dma_semaphore, #tpu.memory_space<semaphore_mem>>) src(%dma_wait3A_42 : memref<128xi32, #tpu.memory_space<hbm>>) dst(%arg13 : memref<128xi32, #tpu.memory_space<vmem>>)
        tpu.yield
      }) : () -> ()
      "tpu.region"() ({
        %run_scoped3A = tpu.sem_alloc : memref<!tpu.dma_semaphore, #tpu.memory_space<semaphore_mem>>
        %dma_start3A_39 = arith.constant 0 : i32
        %dma_start3A_40 = tpu.memref_slice %arg14[%dma_start3A_39] : memref<144xi32, #tpu.memory_space<vmem>> -> memref<128xi32, #tpu.memory_space<vmem>>
        %dma_start3A_41 = tpu.memref_slice %arg5[%multiple_of3A_23] : memref<334080xi32, #tpu.memory_space<hbm>> -> memref<128xi32, #tpu.memory_space<hbm>>
        %dma_start3A_42 = arith.constant 0 : i32
        %dma_start3A_43 = tpu.memref_slice %arg14[%dma_start3A_42] : memref<144xi32, #tpu.memory_space<vmem>> -> memref<128xi32, #tpu.memory_space<vmem>>
        %dma_start3A_44 = tpu.memref_slice %arg5[%multiple_of3A_23] : memref<334080xi32, #tpu.memory_space<hbm>> -> memref<128xi32, #tpu.memory_space<hbm>>
        tpu.enqueue_dma source(%dma_start3A_44 : memref<128xi32, #tpu.memory_space<hbm>>) target(%dma_start3A_43 : memref<128xi32, #tpu.memory_space<vmem>>) target_semaphore(%run_scoped3A : memref<!tpu.dma_semaphore, #tpu.memory_space<semaphore_mem>>)
        %dma_wait3A_45 = arith.constant 0 : i32
        %dma_wait3A_46 = tpu.memref_slice %arg14[%dma_wait3A_45] : memref<144xi32, #tpu.memory_space<vmem>> -> memref<128xi32, #tpu.memory_space<vmem>>
        %dma_wait3A_47 = tpu.memref_slice %arg5[%multiple_of3A_23] : memref<334080xi32, #tpu.memory_space<hbm>> -> memref<128xi32, #tpu.memory_space<hbm>>
        %dma_wait3A_48 = arith.constant 0 : i32
        %dma_wait3A_49 = tpu.memref_slice %arg14[%dma_wait3A_48] : memref<144xi32, #tpu.memory_space<vmem>> -> memref<128xi32, #tpu.memory_space<vmem>>
        %dma_wait3A_50 = tpu.memref_slice %arg5[%multiple_of3A_23] : memref<334080xi32, #tpu.memory_space<hbm>> -> memref<128xi32, #tpu.memory_space<hbm>>
        tpu.wait_dma2 semaphore(%run_scoped3A : memref<!tpu.dma_semaphore, #tpu.memory_space<semaphore_mem>>) src(%dma_wait3A_50 : memref<128xi32, #tpu.memory_space<hbm>>) dst(%dma_wait3A_49 : memref<128xi32, #tpu.memory_space<vmem>>)
        tpu.yield
      }) : () -> ()
      "tpu.region"() ({
        %run_scoped3A = tpu.sem_alloc : memref<!tpu.dma_semaphore, #tpu.memory_space<semaphore_mem>>
        %dma_start3A_39 = tpu.memref_slice %arg6[%multiple_of3A_23] : memref<334080xi32, #tpu.memory_space<hbm>> -> memref<128xi32, #tpu.memory_space<hbm>>
        %dma_start3A_40 = tpu.memref_slice %arg6[%multiple_of3A_23] : memref<334080xi32, #tpu.memory_space<hbm>> -> memref<128xi32, #tpu.memory_space<hbm>>
        tpu.enqueue_dma source(%dma_start3A_40 : memref<128xi32, #tpu.memory_space<hbm>>) target(%arg15 : memref<128xi32, #tpu.memory_space<vmem>>) target_semaphore(%run_scoped3A : memref<!tpu.dma_semaphore, #tpu.memory_space<semaphore_mem>>)
        %dma_wait3A_41 = tpu.memref_slice %arg6[%multiple_of3A_23] : memref<334080xi32, #tpu.memory_space<hbm>> -> memref<128xi32, #tpu.memory_space<hbm>>
        %dma_wait3A_42 = tpu.memref_slice %arg6[%multiple_of3A_23] : memref<334080xi32, #tpu.memory_space<hbm>> -> memref<128xi32, #tpu.memory_space<hbm>>
        tpu.wait_dma2 semaphore(%run_scoped3A : memref<!tpu.dma_semaphore, #tpu.memory_space<semaphore_mem>>) src(%dma_wait3A_42 : memref<128xi32, #tpu.memory_space<hbm>>) dst(%arg15 : memref<128xi32, #tpu.memory_space<vmem>>)
        tpu.yield
      }) : () -> ()
      %dma_start3A = arith.constant 0 : i32
      %dma_start3A_24 = arith.constant 0 : i32
      %dma_start3A_25 = tpu.memref_slice %arg2[%dma_start3A, %dma_start3A_24] : memref<10000x128xf32, #tpu.memory_space<hbm>> -> memref<10000x128xf32, #tpu.memory_space<hbm>>
      tpu.enqueue_indirect_dma source(%dma_start3A_25 : memref<10000x128xf32, #tpu.memory_space<hbm>>) target(%arg16 : memref<128x128xf32, #tpu.memory_space<vmem>>) offsets(%arg13 : memref<128xi32, #tpu.memory_space<vmem>>) semaphore(%arg19 : memref<!tpu.dma_semaphore, #tpu.memory_space<semaphore_mem>>)
      %dma_start3A_26 = arith.constant 0 : i32
      %dma_start3A_27 = arith.constant 0 : i32
      %dma_start3A_28 = tpu.memref_slice %arg3[%dma_start3A_26, %dma_start3A_27] : memref<16x128xf32, #tpu.memory_space<hbm>> -> memref<16x128xf32, #tpu.memory_space<hbm>>
      tpu.enqueue_indirect_dma source(%dma_start3A_28 : memref<16x128xf32, #tpu.memory_space<hbm>>) target(%arg17 : memref<128x128xf32, #tpu.memory_space<vmem>>) offsets(%arg15 : memref<128xi32, #tpu.memory_space<vmem>>) semaphore(%arg20 : memref<!tpu.dma_semaphore, #tpu.memory_space<semaphore_mem>>)
      %dma_wait3A = arith.constant 0 : i32
      %dma_wait3A_29 = arith.constant 0 : i32
      %dma_wait3A_30 = tpu.memref_slice %arg2[%dma_wait3A, %dma_wait3A_29] : memref<10000x128xf32, #tpu.memory_space<hbm>> -> memref<10000x128xf32, #tpu.memory_space<hbm>>
      tpu.wait_indirect_dma semaphore(%arg19 : memref<!tpu.dma_semaphore, #tpu.memory_space<semaphore_mem>>) src(%dma_wait3A_30 : memref<10000x128xf32, #tpu.memory_space<hbm>>) dst(%arg16 : memref<128x128xf32, #tpu.memory_space<vmem>>)
      %dma_wait3A_31 = arith.constant 0 : i32
      %dma_wait3A_32 = arith.constant 0 : i32
      %dma_wait3A_33 = tpu.memref_slice %arg3[%dma_wait3A_31, %dma_wait3A_32] : memref<16x128xf32, #tpu.memory_space<hbm>> -> memref<16x128xf32, #tpu.memory_space<hbm>>
      tpu.wait_indirect_dma semaphore(%arg20 : memref<!tpu.dma_semaphore, #tpu.memory_space<semaphore_mem>>) src(%dma_wait3A_33 : memref<16x128xf32, #tpu.memory_space<hbm>>) dst(%arg17 : memref<128x128xf32, #tpu.memory_space<vmem>>)
      %scan3A = arith.constant 0 : i32
      %scan3A_34 = arith.constant 0 : i32
      %scan3A_35 = arith.constant 128 : i32
      %scan3A_36 = arith.addi %scan3A_34, %scan3A_35 : i32
      %scan3A_37 = arith.constant 1 : i32
      scf.for %scan3A_39 = %scan3A_34 to %scan3A_36 step %scan3A_37  : i32 {
        %get3A_40 = arith.index_cast %scan3A_39 : i32 to index
        %get3A_41 = tpu.vector_load %arg14[%get3A_40] {strides = array<i32>} : memref<144xi32, #tpu.memory_space<vmem>>, vector<16xi32>,
        %get3A_42 = vector.shape_cast %get3A_41 : vector<16xi32> to vector<16xi32>
        %slice3A_43 = vector.extract_strided_slice %get3A_42 {offsets = [0], sizes = [1], strides = [1]} : vector<16xi32> to vector<1xi32>
        %squeeze3A_44 = vector.extract %slice3A_43[0] : i32 from vector<1xi32>
        %get3A_45 = arith.index_cast %squeeze3A_44 : i32 to index
        %get3A_46 = arith.constant 0 : index
        %get3A_47 = tpu.vector_load %arg18[%get3A_45, %get3A_46] {strides = array<i32>} : memref<328x128xf32, #tpu.memory_space<vmem>>, vector<1x16xf32>,
        %get3A_48 = vector.shape_cast %get3A_47 : vector<1x16xf32> to vector<16xf32>
        %get3A_49 = arith.index_cast %scan3A_39 : i32 to index
        %get3A_50 = arith.constant 0 : index
        %get3A_51 = tpu.vector_load %arg16[%get3A_49, %get3A_50] {strides = array<i32>} : memref<128x128xf32, #tpu.memory_space<vmem>>, vector<1x16xf32>,
        %get3A_52 = vector.shape_cast %get3A_51 : vector<1x16xf32> to vector<16xf32>
        %get3A_53 = arith.index_cast %scan3A_39 : i32 to index
        %get3A_54 = arith.constant 0 : index
        %get3A_55 = tpu.vector_load %arg17[%get3A_53, %get3A_54] {strides = array<i32>} : memref<128x128xf32, #tpu.memory_space<vmem>>, vector<1x16xf32>,
        %get3A_56 = vector.shape_cast %get3A_55 : vector<1x16xf32> to vector<16xf32>
        %add3A_57 = arith.addf %get3A_52, %get3A_56 : vector<16xf32>
        %add3A_58 = arith.addf %get3A_48, %add3A_57 : vector<16xf32>
        %swap3A = arith.index_cast %squeeze3A_44 : i32 to index
        %swap3A_59 = arith.constant 0 : index
        %swap3A_60 = tpu.vector_load %arg18[%swap3A, %swap3A_59] {strides = array<i32>} : memref<328x128xf32, #tpu.memory_space<vmem>>, vector<1x16xf32>,
        %swap3A_61 = vector.shape_cast %swap3A_60 : vector<1x16xf32> to vector<16xf32>
        %swap3A_62 = vector.shape_cast %add3A_58 : vector<16xf32> to vector<1x16xf32>
        tpu.vector_store %arg18[%swap3A, %swap3A_59], %swap3A_62 {strides = array<i32>} : memref<328x128xf32, #tpu.memory_space<vmem>>, vector<1x16xf32>,
        %get3A_63 = arith.index_cast %squeeze3A_44 : i32 to index
        %get3A_64 = arith.constant 16 : index
        %get3A_65 = tpu.vector_load %arg18[%get3A_63, %get3A_64] {strides = array<i32>} : memref<328x128xf32, #tpu.memory_space<vmem>>, vector<1x16xf32>,
        %get3A_66 = vector.shape_cast %get3A_65 : vector<1x16xf32> to vector<16xf32>
        %get3A_67 = arith.index_cast %scan3A_39 : i32 to index
        %get3A_68 = arith.constant 16 : index
        %get3A_69 = tpu.vector_load %arg16[%get3A_67, %get3A_68] {strides = array<i32>} : memref<128x128xf32, #tpu.memory_space<vmem>>, vector<1x16xf32>,
        %get3A_70 = vector.shape_cast %get3A_69 : vector<1x16xf32> to vector<16xf32>
        %get3A_71 = arith.index_cast %scan3A_39 : i32 to index
        %get3A_72 = arith.constant 16 : index
        %get3A_73 = tpu.vector_load %arg17[%get3A_71, %get3A_72] {strides = array<i32>} : memref<128x128xf32, #tpu.memory_space<vmem>>, vector<1x16xf32>,
        %get3A_74 = vector.shape_cast %get3A_73 : vector<1x16xf32> to vector<16xf32>
        %add3A_75 = arith.addf %get3A_70, %get3A_74 : vector<16xf32>
        %add3A_76 = arith.addf %get3A_66, %add3A_75 : vector<16xf32>
        %swap3A_77 = arith.index_cast %squeeze3A_44 : i32 to index
        %swap3A_78 = arith.constant 16 : index
        %swap3A_79 = tpu.vector_load %arg18[%swap3A_77, %swap3A_78] {strides = array<i32>} : memref<328x128xf32, #tpu.memory_space<vmem>>, vector<1x16xf32>,
        %swap3A_80 = vector.shape_cast %swap3A_79 : vector<1x16xf32> to vector<16xf32>
        %swap3A_81 = vector.shape_cast %add3A_76 : vector<16xf32> to vector<1x16xf32>
        tpu.vector_store %arg18[%swap3A_77, %swap3A_78], %swap3A_81 {strides = array<i32>} : memref<328x128xf32, #tpu.memory_space<vmem>>, vector<1x16xf32>,
        %get3A_82 = arith.index_cast %squeeze3A_44 : i32 to index
        %get3A_83 = arith.constant 32 : index
        %get3A_84 = tpu.vector_load %arg18[%get3A_82, %get3A_83] {strides = array<i32>} : memref<328x128xf32, #tpu.memory_space<vmem>>, vector<1x16xf32>,
        %get3A_85 = vector.shape_cast %get3A_84 : vector<1x16xf32> to vector<16xf32>
        %get3A_86 = arith.index_cast %scan3A_39 : i32 to index
        %get3A_87 = arith.constant 32 : index
        %get3A_88 = tpu.vector_load %arg16[%get3A_86, %get3A_87] {strides = array<i32>} : memref<128x128xf32, #tpu.memory_space<vmem>>, vector<1x16xf32>,
        %get3A_89 = vector.shape_cast %get3A_88 : vector<1x16xf32> to vector<16xf32>
        %get3A_90 = arith.index_cast %scan3A_39 : i32 to index
        %get3A_91 = arith.constant 32 : index
        %get3A_92 = tpu.vector_load %arg17[%get3A_90, %get3A_91] {strides = array<i32>} : memref<128x128xf32, #tpu.memory_space<vmem>>, vector<1x16xf32>,
        %get3A_93 = vector.shape_cast %get3A_92 : vector<1x16xf32> to vector<16xf32>
        %add3A_94 = arith.addf %get3A_89, %get3A_93 : vector<16xf32>
        %add3A_95 = arith.addf %get3A_85, %add3A_94 : vector<16xf32>
        %swap3A_96 = arith.index_cast %squeeze3A_44 : i32 to index
        %swap3A_97 = arith.constant 32 : index
        %swap3A_98 = tpu.vector_load %arg18[%swap3A_96, %swap3A_97] {strides = array<i32>} : memref<328x128xf32, #tpu.memory_space<vmem>>, vector<1x16xf32>,
        %swap3A_99 = vector.shape_cast %swap3A_98 : vector<1x16xf32> to vector<16xf32>
        %swap3A_100 = vector.shape_cast %add3A_95 : vector<16xf32> to vector<1x16xf32>
        tpu.vector_store %arg18[%swap3A_96, %swap3A_97], %swap3A_100 {strides = array<i32>} : memref<328x128xf32, #tpu.memory_space<vmem>>, vector<1x16xf32>,
        %get3A_101 = arith.index_cast %squeeze3A_44 : i32 to index
        %get3A_102 = arith.constant 48 : index
        %get3A_103 = tpu.vector_load %arg18[%get3A_101, %get3A_102] {strides = array<i32>} : memref<328x128xf32, #tpu.memory_space<vmem>>, vector<1x16xf32>,
        %get3A_104 = vector.shape_cast %get3A_103 : vector<1x16xf32> to vector<16xf32>
        %get3A_105 = arith.index_cast %scan3A_39 : i32 to index
        %get3A_106 = arith.constant 48 : index
        %get3A_107 = tpu.vector_load %arg16[%get3A_105, %get3A_106] {strides = array<i32>} : memref<128x128xf32, #tpu.memory_space<vmem>>, vector<1x16xf32>,
        %get3A_108 = vector.shape_cast %get3A_107 : vector<1x16xf32> to vector<16xf32>
        %get3A_109 = arith.index_cast %scan3A_39 : i32 to index
        %get3A_110 = arith.constant 48 : index
        %get3A_111 = tpu.vector_load %arg17[%get3A_109, %get3A_110] {strides = array<i32>} : memref<128x128xf32, #tpu.memory_space<vmem>>, vector<1x16xf32>,
        %get3A_112 = vector.shape_cast %get3A_111 : vector<1x16xf32> to vector<16xf32>
        %add3A_113 = arith.addf %get3A_108, %get3A_112 : vector<16xf32>
        %add3A_114 = arith.addf %get3A_104, %add3A_113 : vector<16xf32>
        %swap3A_115 = arith.index_cast %squeeze3A_44 : i32 to index
        %swap3A_116 = arith.constant 48 : index
        %swap3A_117 = tpu.vector_load %arg18[%swap3A_115, %swap3A_116] {strides = array<i32>} : memref<328x128xf32, #tpu.memory_space<vmem>>, vector<1x16xf32>,
        %swap3A_118 = vector.shape_cast %swap3A_117 : vector<1x16xf32> to vector<16xf32>
        %swap3A_119 = vector.shape_cast %add3A_114 : vector<16xf32> to vector<1x16xf32>
        tpu.vector_store %arg18[%swap3A_115, %swap3A_116], %swap3A_119 {strides = array<i32>} : memref<328x128xf32, #tpu.memory_space<vmem>>, vector<1x16xf32>,
        %get3A_120 = arith.index_cast %squeeze3A_44 : i32 to index
        %get3A_121 = arith.constant 64 : index
        %get3A_122 = tpu.vector_load %arg18[%get3A_120, %get3A_121] {strides = array<i32>} : memref<328x128xf32, #tpu.memory_space<vmem>>, vector<1x16xf32>,
        %get3A_123 = vector.shape_cast %get3A_122 : vector<1x16xf32> to vector<16xf32>
        %get3A_124 = arith.index_cast %scan3A_39 : i32 to index
        %get3A_125 = arith.constant 64 : index
        %get3A_126 = tpu.vector_load %arg16[%get3A_124, %get3A_125] {strides = array<i32>} : memref<128x128xf32, #tpu.memory_space<vmem>>, vector<1x16xf32>,
        %get3A_127 = vector.shape_cast %get3A_126 : vector<1x16xf32> to vector<16xf32>
        %get3A_128 = arith.index_cast %scan3A_39 : i32 to index
        %get3A_129 = arith.constant 64 : index
        %get3A_130 = tpu.vector_load %arg17[%get3A_128, %get3A_129] {strides = array<i32>} : memref<128x128xf32, #tpu.memory_space<vmem>>, vector<1x16xf32>,
        %get3A_131 = vector.shape_cast %get3A_130 : vector<1x16xf32> to vector<16xf32>
        %add3A_132 = arith.addf %get3A_127, %get3A_131 : vector<16xf32>
        %add3A_133 = arith.addf %get3A_123, %add3A_132 : vector<16xf32>
        %swap3A_134 = arith.index_cast %squeeze3A_44 : i32 to index
        %swap3A_135 = arith.constant 64 : index
        %swap3A_136 = tpu.vector_load %arg18[%swap3A_134, %swap3A_135] {strides = array<i32>} : memref<328x128xf32, #tpu.memory_space<vmem>>, vector<1x16xf32>,
        %swap3A_137 = vector.shape_cast %swap3A_136 : vector<1x16xf32> to vector<16xf32>
        %swap3A_138 = vector.shape_cast %add3A_133 : vector<16xf32> to vector<1x16xf32>
        tpu.vector_store %arg18[%swap3A_134, %swap3A_135], %swap3A_138 {strides = array<i32>} : memref<328x128xf32, #tpu.memory_space<vmem>>, vector<1x16xf32>,
        %get3A_139 = arith.index_cast %squeeze3A_44 : i32 to index
        %get3A_140 = arith.constant 80 : index
        %get3A_141 = tpu.vector_load %arg18[%get3A_139, %get3A_140] {strides = array<i32>} : memref<328x128xf32, #tpu.memory_space<vmem>>, vector<1x16xf32>,
        %get3A_142 = vector.shape_cast %get3A_141 : vector<1x16xf32> to vector<16xf32>
        %get3A_143 = arith.index_cast %scan3A_39 : i32 to index
        %get3A_144 = arith.constant 80 : index
        %get3A_145 = tpu.vector_load %arg16[%get3A_143, %get3A_144] {strides = array<i32>} : memref<128x128xf32, #tpu.memory_space<vmem>>, vector<1x16xf32>,
        %get3A_146 = vector.shape_cast %get3A_145 : vector<1x16xf32> to vector<16xf32>
        %get3A_147 = arith.index_cast %scan3A_39 : i32 to index
        %get3A_148 = arith.constant 80 : index
        %get3A_149 = tpu.vector_load %arg17[%get3A_147, %get3A_148] {strides = array<i32>} : memref<128x128xf32, #tpu.memory_space<vmem>>, vector<1x16xf32>,
        %get3A_150 = vector.shape_cast %get3A_149 : vector<1x16xf32> to vector<16xf32>
        %add3A_151 = arith.addf %get3A_146, %get3A_150 : vector<16xf32>
        %add3A_152 = arith.addf %get3A_142, %add3A_151 : vector<16xf32>
        %swap3A_153 = arith.index_cast %squeeze3A_44 : i32 to index
        %swap3A_154 = arith.constant 80 : index
        %swap3A_155 = tpu.vector_load %arg18[%swap3A_153, %swap3A_154] {strides = array<i32>} : memref<328x128xf32, #tpu.memory_space<vmem>>, vector<1x16xf32>,
        %swap3A_156 = vector.shape_cast %swap3A_155 : vector<1x16xf32> to vector<16xf32>
        %swap3A_157 = vector.shape_cast %add3A_152 : vector<16xf32> to vector<1x16xf32>
        tpu.vector_store %arg18[%swap3A_153, %swap3A_154], %swap3A_157 {strides = array<i32>} : memref<328x128xf32, #tpu.memory_space<vmem>>, vector<1x16xf32>,
        %get3A_158 = arith.index_cast %squeeze3A_44 : i32 to index
        %get3A_159 = arith.constant 96 : index
        %get3A_160 = tpu.vector_load %arg18[%get3A_158, %get3A_159] {strides = array<i32>} : memref<328x128xf32, #tpu.memory_space<vmem>>, vector<1x16xf32>,
        %get3A_161 = vector.shape_cast %get3A_160 : vector<1x16xf32> to vector<16xf32>
        %get3A_162 = arith.index_cast %scan3A_39 : i32 to index
        %get3A_163 = arith.constant 96 : index
        %get3A_164 = tpu.vector_load %arg16[%get3A_162, %get3A_163] {strides = array<i32>} : memref<128x128xf32, #tpu.memory_space<vmem>>, vector<1x16xf32>,
        %get3A_165 = vector.shape_cast %get3A_164 : vector<1x16xf32> to vector<16xf32>
        %get3A_166 = arith.index_cast %scan3A_39 : i32 to index
        %get3A_167 = arith.constant 96 : index
        %get3A_168 = tpu.vector_load %arg17[%get3A_166, %get3A_167] {strides = array<i32>} : memref<128x128xf32, #tpu.memory_space<vmem>>, vector<1x16xf32>,
        %get3A_169 = vector.shape_cast %get3A_168 : vector<1x16xf32> to vector<16xf32>
        %add3A_170 = arith.addf %get3A_165, %get3A_169 : vector<16xf32>
        %add3A_171 = arith.addf %get3A_161, %add3A_170 : vector<16xf32>
        %swap3A_172 = arith.index_cast %squeeze3A_44 : i32 to index
        %swap3A_173 = arith.constant 96 : index
        %swap3A_174 = tpu.vector_load %arg18[%swap3A_172, %swap3A_173] {strides = array<i32>} : memref<328x128xf32, #tpu.memory_space<vmem>>, vector<1x16xf32>,
        %swap3A_175 = vector.shape_cast %swap3A_174 : vector<1x16xf32> to vector<16xf32>
        %swap3A_176 = vector.shape_cast %add3A_171 : vector<16xf32> to vector<1x16xf32>
        tpu.vector_store %arg18[%swap3A_172, %swap3A_173], %swap3A_176 {strides = array<i32>} : memref<328x128xf32, #tpu.memory_space<vmem>>, vector<1x16xf32>,
        %get3A_177 = arith.index_cast %squeeze3A_44 : i32 to index
        %get3A_178 = arith.constant 112 : index
        %get3A_179 = tpu.vector_load %arg18[%get3A_177, %get3A_178] {strides = array<i32>} : memref<328x128xf32, #tpu.memory_space<vmem>>, vector<1x16xf32>,
        %get3A_180 = vector.shape_cast %get3A_179 : vector<1x16xf32> to vector<16xf32>
        %get3A_181 = arith.index_cast %scan3A_39 : i32 to index
        %get3A_182 = arith.constant 112 : index
        %get3A_183 = tpu.vector_load %arg16[%get3A_181, %get3A_182] {strides = array<i32>} : memref<128x128xf32, #tpu.memory_space<vmem>>, vector<1x16xf32>,
        %get3A_184 = vector.shape_cast %get3A_183 : vector<1x16xf32> to vector<16xf32>
        %get3A_185 = arith.index_cast %scan3A_39 : i32 to index
        %get3A_186 = arith.constant 112 : index
        %get3A_187 = tpu.vector_load %arg17[%get3A_185, %get3A_186] {strides = array<i32>} : memref<128x128xf32, #tpu.memory_space<vmem>>, vector<1x16xf32>,
        %get3A_188 = vector.shape_cast %get3A_187 : vector<1x16xf32> to vector<16xf32>
        %add3A_189 = arith.addf %get3A_184, %get3A_188 : vector<16xf32>
        %add3A_190 = arith.addf %get3A_180, %add3A_189 : vector<16xf32>
        %swap3A_191 = arith.index_cast %squeeze3A_44 : i32 to index
        %swap3A_192 = arith.constant 112 : index
        %swap3A_193 = tpu.vector_load %arg18[%swap3A_191, %swap3A_192] {strides = array<i32>} : memref<328x128xf32, #tpu.memory_space<vmem>>, vector<1x16xf32>,
        %swap3A_194 = vector.shape_cast %swap3A_193 : vector<1x16xf32> to vector<16xf32>
        %swap3A_195 = vector.shape_cast %add3A_190 : vector<16xf32> to vector<1x16xf32>
        tpu.vector_store %arg18[%swap3A_191, %swap3A_192], %swap3A_195 {strides = array<i32>} : memref<328x128xf32, #tpu.memory_space<vmem>>, vector<1x16xf32>,
      }
      %scan3A_38 = arith.constant 128 : i32
    }
    %mul3A_17 = arith.constant 320 : i32
    %mul3A_18 = arith.muli %add3A, %mul3A_17 : i32
    %multiple_of3A = tpu.assume_multiple %mul3A_18, 8 : i32
    "tpu.region"() ({
      %run_scoped3A = tpu.sem_alloc : memref<!tpu.dma_semaphore, #tpu.memory_space<semaphore_mem>>
      %dma_start3A = arith.constant 0 : i32
      %dma_start3A_19 = arith.constant 0 : i32
      %dma_start3A_20 = tpu.memref_slice %arg18[%dma_start3A, %dma_start3A_19] : memref<328x128xf32, #tpu.memory_space<vmem>> -> memref<320x128xf32, #tpu.memory_space<vmem>>
      %dma_start3A_21 = arith.constant 0 : i32
      %dma_start3A_22 = tpu.memref_slice %arg10[%multiple_of3A, %dma_start3A_21] : memref<10240x128xf32, #tpu.memory_space<hbm>> -> memref<320x128xf32, #tpu.memory_space<hbm>>
      %dma_start3A_23 = arith.constant 0 : i32
      %dma_start3A_24 = tpu.memref_slice %arg10[%multiple_of3A, %dma_start3A_23] : memref<10240x128xf32, #tpu.memory_space<hbm>> -> memref<320x128xf32, #tpu.memory_space<hbm>>
      %dma_start3A_25 = arith.constant 0 : i32
      %dma_start3A_26 = arith.constant 0 : i32
      %dma_start3A_27 = tpu.memref_slice %arg18[%dma_start3A_25, %dma_start3A_26] : memref<328x128xf32, #tpu.memory_space<vmem>> -> memref<320x128xf32, #tpu.memory_space<vmem>>
      tpu.enqueue_dma source(%dma_start3A_27 : memref<320x128xf32, #tpu.memory_space<vmem>>) target(%dma_start3A_24 : memref<320x128xf32, #tpu.memory_space<hbm>>) target_semaphore(%run_scoped3A : memref<!tpu.dma_semaphore, #tpu.memory_space<semaphore_mem>>)
      %dma_wait3A = arith.constant 0 : i32
      %dma_wait3A_28 = arith.constant 0 : i32
      %dma_wait3A_29 = tpu.memref_slice %arg18[%dma_wait3A, %dma_wait3A_28] : memref<328x128xf32, #tpu.memory_space<vmem>> -> memref<320x128xf32, #tpu.memory_space<vmem>>
      %dma_wait3A_30 = arith.constant 0 : i32
      %dma_wait3A_31 = tpu.memref_slice %arg10[%multiple_of3A, %dma_wait3A_30] : memref<10240x128xf32, #tpu.memory_space<hbm>> -> memref<320x128xf32, #tpu.memory_space<hbm>>
      %dma_wait3A_32 = arith.constant 0 : i32
      %dma_wait3A_33 = tpu.memref_slice %arg10[%multiple_of3A, %dma_wait3A_32] : memref<10240x128xf32, #tpu.memory_space<hbm>> -> memref<320x128xf32, #tpu.memory_space<hbm>>
      %dma_wait3A_34 = arith.constant 0 : i32
      %dma_wait3A_35 = arith.constant 0 : i32
      %dma_wait3A_36 = tpu.memref_slice %arg18[%dma_wait3A_34, %dma_wait3A_35] : memref<328x128xf32, #tpu.memory_space<vmem>> -> memref<320x128xf32, #tpu.memory_space<vmem>>
      tpu.wait_dma2 semaphore(%run_scoped3A : memref<!tpu.dma_semaphore, #tpu.memory_space<semaphore_mem>>) src(%dma_wait3A_36 : memref<320x128xf32, #tpu.memory_space<vmem>>) dst(%dma_wait3A_33 : memref<320x128xf32, #tpu.memory_space<hbm>>)
      tpu.yield
    }) : () -> ()
    return
  }
}

#map = affine_map<(d0, d1) -> (0, 0)>
#map1 = affine_map<(d0, d1) -> (0)>
module attributes {stable_mosaic.version = 14 : i64} {
  func.func @_seg_fold(%arg0: i32, %arg1: i32, %arg2: memref<10000x128xf32, #tpu.memory_space<hbm>>, %arg3: memref<16x128xf32, #tpu.memory_space<hbm>>, %arg4: memref<334080xi32, #tpu.memory_space<hbm>>, %arg5: memref<334080xi32, #tpu.memory_space<hbm>>, %arg6: memref<334080xi32, #tpu.memory_space<hbm>>, %arg7: memref<48xi32, #tpu.memory_space<hbm>>, %arg8: memref<48xi32, #tpu.memory_space<hbm>>, %arg9: memref<328x128xf32, #tpu.memory_space<hbm>>, %arg10: memref<10240x128xf32, #tpu.memory_space<hbm>>, %arg11: memref<48xi32, #tpu.memory_space<vmem>>, %arg12: memref<48xi32, #tpu.memory_space<vmem>>, %arg13: memref<128xi32, #tpu.memory_space<vmem>>, %arg14: memref<144xi32, #tpu.memory_space<vmem>>, %arg15: memref<128xi32, #tpu.memory_space<vmem>>, %arg16: memref<128x128xf32, #tpu.memory_space<vmem>>, %arg17: memref<128x128xf32, #tpu.memory_space<vmem>>, %arg18: memref<328x128xf32, #tpu.memory_space<vmem>>, %arg19: memref<!tpu.dma_semaphore, #tpu.memory_space<semaphore_mem>>, %arg20: memref<!tpu.dma_semaphore, #tpu.memory_space<semaphore_mem>>) attributes {dimension_semantics = [#tpu.dimension_semantics<core_parallel>, #tpu.dimension_semantics<subcore_parallel>], iteration_bounds = array<i64: 2, 16>, scalar_prefetch = 0 : i64, scratch_operands = 10 : i64, tpu.core_type = #tpu.core_type<sc_vector_subcore>, window_params = [{transform_indices = #map}, {transform_indices = #map}, {transform_indices = #map1}, {transform_indices = #map1}, {transform_indices = #map1}, {transform_indices = #map1}, {transform_indices = #map1}, {transform_indices = #map}, {transform_indices = #map}]} {
    %mul3A = arith.constant 16 : i32
    %mul3A_0 = arith.muli %arg0, %mul3A : i32
    %add3A = arith.addi %mul3A_0, %arg1 : i32
    "tpu.region"() ({
      %run_scoped3A = tpu.sem_alloc : memref<!tpu.dma_semaphore, #tpu.memory_space<semaphore_mem>>
      tpu.enqueue_dma source(%arg9 : memref<328x128xf32, #tpu.memory_space<hbm>>) target(%arg18 : memref<328x128xf32, #tpu.memory_space<vmem>>) target_semaphore(%run_scoped3A : memref<!tpu.dma_semaphore, #tpu.memory_space<semaphore_mem>>)
      tpu.wait_dma2 semaphore(%run_scoped3A : memref<!tpu.dma_semaphore, #tpu.memory_space<semaphore_mem>>) src(%arg9 : memref<328x128xf32, #tpu.memory_space<hbm>>) dst(%arg18 : memref<328x128xf32, #tpu.memory_space<vmem>>)
      tpu.yield
    }) : () -> ()
    "tpu.region"() ({
      %run_scoped3A = tpu.sem_alloc : memref<!tpu.dma_semaphore, #tpu.memory_space<semaphore_mem>>
      tpu.enqueue_dma source(%arg7 : memref<48xi32, #tpu.memory_space<hbm>>) target(%arg11 : memref<48xi32, #tpu.memory_space<vmem>>) target_semaphore(%run_scoped3A : memref<!tpu.dma_semaphore, #tpu.memory_space<semaphore_mem>>)
      tpu.wait_dma2 semaphore(%run_scoped3A : memref<!tpu.dma_semaphore, #tpu.memory_space<semaphore_mem>>) src(%arg7 : memref<48xi32, #tpu.memory_space<hbm>>) dst(%arg11 : memref<48xi32, #tpu.memory_space<vmem>>)
      tpu.yield
    }) : () -> ()
    "tpu.region"() ({
      %run_scoped3A = tpu.sem_alloc : memref<!tpu.dma_semaphore, #tpu.memory_space<semaphore_mem>>
      tpu.enqueue_dma source(%arg8 : memref<48xi32, #tpu.memory_space<hbm>>) target(%arg12 : memref<48xi32, #tpu.memory_space<vmem>>) target_semaphore(%run_scoped3A : memref<!tpu.dma_semaphore, #tpu.memory_space<semaphore_mem>>)
      tpu.wait_dma2 semaphore(%run_scoped3A : memref<!tpu.dma_semaphore, #tpu.memory_space<semaphore_mem>>) src(%arg8 : memref<48xi32, #tpu.memory_space<hbm>>) dst(%arg12 : memref<48xi32, #tpu.memory_space<vmem>>)
      tpu.yield
    }) : () -> ()
    %get3A = arith.index_cast %add3A : i32 to index
    %get3A_1 = tpu.vector_load %arg11[%get3A] {strides = array<i32>} : memref<48xi32, #tpu.memory_space<vmem>>, vector<16xi32>,
    %get3A_2 = vector.shape_cast %get3A_1 : vector<16xi32> to vector<16xi32>
    %slice3A = vector.extract_strided_slice %get3A_2 {offsets = [0], sizes = [1], strides = [1]} : vector<16xi32> to vector<1xi32>
    %squeeze3A = vector.extract %slice3A[0] : i32 from vector<1xi32>
    %get3A_3 = arith.index_cast %add3A : i32 to index
    %get3A_4 = tpu.vector_load %arg12[%get3A_3] {strides = array<i32>} : memref<48xi32, #tpu.memory_space<vmem>>, vector<16xi32>,
    %get3A_5 = vector.shape_cast %get3A_4 : vector<16xi32> to vector<16xi32>
    %slice3A_6 = vector.extract_strided_slice %get3A_5 {offsets = [0], sizes = [1], strides = [1]} : vector<16xi32> to vector<1xi32>
    %squeeze3A_7 = vector.extract %slice3A_6[0] : i32 from vector<1xi32>
    %while3A = arith.constant 0 : i32
    %while3A_8 = arith.constant 0 : i32
    %while3A_9 = arith.subi %squeeze3A_7, %while3A_8 : i32
    %while3A_10 = arith.addi %while3A_8, %while3A_9 : i32
    %while3A_11 = arith.constant 1 : i32
    %while3A_12 = arith.divsi %while3A_9, %while3A_11 : i32
    %while3A_13 = arith.muli %while3A_12, %while3A_11 : i32
    %while3A_14 = arith.addi %while3A_8, %while3A_13 : i32
    %while3A_15 = arith.constant 1 : i32
    scf.for %while3A_19 = %while3A_8 to %while3A_14 step %while3A_15  : i32 {
      %mul3A_20 = arith.constant 128 : i32
      %mul3A_21 = arith.muli %while3A_19, %mul3A_20 : i32
      %add3A_22 = arith.addi %squeeze3A, %mul3A_21 : i32
      %multiple_of3A_23 = tpu.assume_multiple %add3A_22, 128 : i32
      "tpu.region"() ({
        %run_scoped3A = tpu.sem_alloc : memref<!tpu.dma_semaphore, #tpu.memory_space<semaphore_mem>>
        %dma_start3A_39 = tpu.memref_slice %arg4[%multiple_of3A_23] : memref<334080xi32, #tpu.memory_space<hbm>> -> memref<128xi32, #tpu.memory_space<hbm>>
        %dma_start3A_40 = tpu.memref_slice %arg4[%multiple_of3A_23] : memref<334080xi32, #tpu.memory_space<hbm>> -> memref<128xi32, #tpu.memory_space<hbm>>
        tpu.enqueue_dma source(%dma_start3A_40 : memref<128xi32, #tpu.memory_space<hbm>>) target(%arg13 : memref<128xi32, #tpu.memory_space<vmem>>) target_semaphore(%run_scoped3A : memref<!tpu.dma_semaphore, #tpu.memory_space<semaphore_mem>>)
        %dma_wait3A_41 = tpu.memref_slice %arg4[%multiple_of3A_23] : memref<334080xi32, #tpu.memory_space<hbm>> -> memref<128xi32, #tpu.memory_space<hbm>>
        %dma_wait3A_42 = tpu.memref_slice %arg4[%multiple_of3A_23] : memref<334080xi32, #tpu.memory_space<hbm>> -> memref<128xi32, #tpu.memory_space<hbm>>
        tpu.wait_dma2 semaphore(%run_scoped3A : memref<!tpu.dma_semaphore, #tpu.memory_space<semaphore_mem>>) src(%dma_wait3A_42 : memref<128xi32, #tpu.memory_space<hbm>>) dst(%arg13 : memref<128xi32, #tpu.memory_space<vmem>>)
        tpu.yield
      }) : () -> ()
      "tpu.region"() ({
        %run_scoped3A = tpu.sem_alloc : memref<!tpu.dma_semaphore, #tpu.memory_space<semaphore_mem>>
        %dma_start3A_39 = arith.constant 0 : i32
        %dma_start3A_40 = tpu.memref_slice %arg14[%dma_start3A_39] : memref<144xi32, #tpu.memory_space<vmem>> -> memref<128xi32, #tpu.memory_space<vmem>>
        %dma_start3A_41 = tpu.memref_slice %arg5[%multiple_of3A_23] : memref<334080xi32, #tpu.memory_space<hbm>> -> memref<128xi32, #tpu.memory_space<hbm>>
        %dma_start3A_42 = arith.constant 0 : i32
        %dma_start3A_43 = tpu.memref_slice %arg14[%dma_start3A_42] : memref<144xi32, #tpu.memory_space<vmem>> -> memref<128xi32, #tpu.memory_space<vmem>>
        %dma_start3A_44 = tpu.memref_slice %arg5[%multiple_of3A_23] : memref<334080xi32, #tpu.memory_space<hbm>> -> memref<128xi32, #tpu.memory_space<hbm>>
        tpu.enqueue_dma source(%dma_start3A_44 : memref<128xi32, #tpu.memory_space<hbm>>) target(%dma_start3A_43 : memref<128xi32, #tpu.memory_space<vmem>>) target_semaphore(%run_scoped3A : memref<!tpu.dma_semaphore, #tpu.memory_space<semaphore_mem>>)
        %dma_wait3A_45 = arith.constant 0 : i32
        %dma_wait3A_46 = tpu.memref_slice %arg14[%dma_wait3A_45] : memref<144xi32, #tpu.memory_space<vmem>> -> memref<128xi32, #tpu.memory_space<vmem>>
        %dma_wait3A_47 = tpu.memref_slice %arg5[%multiple_of3A_23] : memref<334080xi32, #tpu.memory_space<hbm>> -> memref<128xi32, #tpu.memory_space<hbm>>
        %dma_wait3A_48 = arith.constant 0 : i32
        %dma_wait3A_49 = tpu.memref_slice %arg14[%dma_wait3A_48] : memref<144xi32, #tpu.memory_space<vmem>> -> memref<128xi32, #tpu.memory_space<vmem>>
        %dma_wait3A_50 = tpu.memref_slice %arg5[%multiple_of3A_23] : memref<334080xi32, #tpu.memory_space<hbm>> -> memref<128xi32, #tpu.memory_space<hbm>>
        tpu.wait_dma2 semaphore(%run_scoped3A : memref<!tpu.dma_semaphore, #tpu.memory_space<semaphore_mem>>) src(%dma_wait3A_50 : memref<128xi32, #tpu.memory_space<hbm>>) dst(%dma_wait3A_49 : memref<128xi32, #tpu.memory_space<vmem>>)
        tpu.yield
      }) : () -> ()
      "tpu.region"() ({
        %run_scoped3A = tpu.sem_alloc : memref<!tpu.dma_semaphore, #tpu.memory_space<semaphore_mem>>
        %dma_start3A_39 = tpu.memref_slice %arg6[%multiple_of3A_23] : memref<334080xi32, #tpu.memory_space<hbm>> -> memref<128xi32, #tpu.memory_space<hbm>>
        %dma_start3A_40 = tpu.memref_slice %arg6[%multiple_of3A_23] : memref<334080xi32, #tpu.memory_space<hbm>> -> memref<128xi32, #tpu.memory_space<hbm>>
        tpu.enqueue_dma source(%dma_start3A_40 : memref<128xi32, #tpu.memory_space<hbm>>) target(%arg15 : memref<128xi32, #tpu.memory_space<vmem>>) target_semaphore(%run_scoped3A : memref<!tpu.dma_semaphore, #tpu.memory_space<semaphore_mem>>)
        %dma_wait3A_41 = tpu.memref_slice %arg6[%multiple_of3A_23] : memref<334080xi32, #tpu.memory_space<hbm>> -> memref<128xi32, #tpu.memory_space<hbm>>
        %dma_wait3A_42 = tpu.memref_slice %arg6[%multiple_of3A_23] : memref<334080xi32, #tpu.memory_space<hbm>> -> memref<128xi32, #tpu.memory_space<hbm>>
        tpu.wait_dma2 semaphore(%run_scoped3A : memref<!tpu.dma_semaphore, #tpu.memory_space<semaphore_mem>>) src(%dma_wait3A_42 : memref<128xi32, #tpu.memory_space<hbm>>) dst(%arg15 : memref<128xi32, #tpu.memory_space<vmem>>)
        tpu.yield
      }) : () -> ()
      %dma_start3A = arith.constant 0 : i32
      %dma_start3A_24 = arith.constant 0 : i32
      %dma_start3A_25 = tpu.memref_slice %arg2[%dma_start3A, %dma_start3A_24] : memref<10000x128xf32, #tpu.memory_space<hbm>> -> memref<10000x128xf32, #tpu.memory_space<hbm>>
      tpu.enqueue_indirect_dma source(%dma_start3A_25 : memref<10000x128xf32, #tpu.memory_space<hbm>>) target(%arg16 : memref<128x128xf32, #tpu.memory_space<vmem>>) offsets(%arg13 : memref<128xi32, #tpu.memory_space<vmem>>) semaphore(%arg19 : memref<!tpu.dma_semaphore, #tpu.memory_space<semaphore_mem>>)
      %dma_start3A_26 = arith.constant 0 : i32
      %dma_start3A_27 = arith.constant 0 : i32
      %dma_start3A_28 = tpu.memref_slice %arg3[%dma_start3A_26, %dma_start3A_27] : memref<16x128xf32, #tpu.memory_space<hbm>> -> memref<16x128xf32, #tpu.memory_space<hbm>>
      tpu.enqueue_indirect_dma source(%dma_start3A_28 : memref<16x128xf32, #tpu.memory_space<hbm>>) target(%arg17 : memref<128x128xf32, #tpu.memory_space<vmem>>) offsets(%arg15 : memref<128xi32, #tpu.memory_space<vmem>>) semaphore(%arg20 : memref<!tpu.dma_semaphore, #tpu.memory_space<semaphore_mem>>)
      %dma_wait3A = arith.constant 0 : i32
      %dma_wait3A_29 = arith.constant 0 : i32
      %dma_wait3A_30 = tpu.memref_slice %arg2[%dma_wait3A, %dma_wait3A_29] : memref<10000x128xf32, #tpu.memory_space<hbm>> -> memref<10000x128xf32, #tpu.memory_space<hbm>>
      tpu.wait_indirect_dma semaphore(%arg19 : memref<!tpu.dma_semaphore, #tpu.memory_space<semaphore_mem>>) src(%dma_wait3A_30 : memref<10000x128xf32, #tpu.memory_space<hbm>>) dst(%arg16 : memref<128x128xf32, #tpu.memory_space<vmem>>)
      %dma_wait3A_31 = arith.constant 0 : i32
      %dma_wait3A_32 = arith.constant 0 : i32
      %dma_wait3A_33 = tpu.memref_slice %arg3[%dma_wait3A_31, %dma_wait3A_32] : memref<16x128xf32, #tpu.memory_space<hbm>> -> memref<16x128xf32, #tpu.memory_space<hbm>>
      tpu.wait_indirect_dma semaphore(%arg20 : memref<!tpu.dma_semaphore, #tpu.memory_space<semaphore_mem>>) src(%dma_wait3A_33 : memref<16x128xf32, #tpu.memory_space<hbm>>) dst(%arg17 : memref<128x128xf32, #tpu.memory_space<vmem>>)
      %scan3A = arith.constant 0 : i32
      %scan3A_34 = arith.constant 0 : i32
      %scan3A_35 = arith.constant 128 : i32
      %scan3A_36 = arith.addi %scan3A_34, %scan3A_35 : i32
      %scan3A_37 = arith.constant 1 : i32
      scf.for %scan3A_39 = %scan3A_34 to %scan3A_36 step %scan3A_37  : i32 {
        %get3A_40 = arith.index_cast %scan3A_39 : i32 to index
        %get3A_41 = tpu.vector_load %arg14[%get3A_40] {strides = array<i32>} : memref<144xi32, #tpu.memory_space<vmem>>, vector<16xi32>,
        %get3A_42 = vector.shape_cast %get3A_41 : vector<16xi32> to vector<16xi32>
        %slice3A_43 = vector.extract_strided_slice %get3A_42 {offsets = [0], sizes = [1], strides = [1]} : vector<16xi32> to vector<1xi32>
        %squeeze3A_44 = vector.extract %slice3A_43[0] : i32 from vector<1xi32>
        %get3A_45 = arith.index_cast %squeeze3A_44 : i32 to index
        %get3A_46 = arith.constant 0 : index
        %get3A_47 = tpu.vector_load %arg18[%get3A_45, %get3A_46] {strides = array<i32>} : memref<328x128xf32, #tpu.memory_space<vmem>>, vector<1x16xf32>,
        %get3A_48 = vector.shape_cast %get3A_47 : vector<1x16xf32> to vector<16xf32>
        %get3A_49 = arith.index_cast %scan3A_39 : i32 to index
        %get3A_50 = arith.constant 0 : index
        %get3A_51 = tpu.vector_load %arg16[%get3A_49, %get3A_50] {strides = array<i32>} : memref<128x128xf32, #tpu.memory_space<vmem>>, vector<1x16xf32>,
        %get3A_52 = vector.shape_cast %get3A_51 : vector<1x16xf32> to vector<16xf32>
        %get3A_53 = arith.index_cast %scan3A_39 : i32 to index
        %get3A_54 = arith.constant 0 : index
        %get3A_55 = tpu.vector_load %arg17[%get3A_53, %get3A_54] {strides = array<i32>} : memref<128x128xf32, #tpu.memory_space<vmem>>, vector<1x16xf32>,
        %get3A_56 = vector.shape_cast %get3A_55 : vector<1x16xf32> to vector<16xf32>
        %add3A_57 = arith.addf %get3A_52, %get3A_56 : vector<16xf32>
        %add3A_58 = arith.addf %get3A_48, %add3A_57 : vector<16xf32>
        %swap3A = arith.index_cast %squeeze3A_44 : i32 to index
        %swap3A_59 = arith.constant 0 : index
        %swap3A_60 = tpu.vector_load %arg18[%swap3A, %swap3A_59] {strides = array<i32>} : memref<328x128xf32, #tpu.memory_space<vmem>>, vector<1x16xf32>,
        %swap3A_61 = vector.shape_cast %swap3A_60 : vector<1x16xf32> to vector<16xf32>
        %swap3A_62 = vector.shape_cast %add3A_58 : vector<16xf32> to vector<1x16xf32>
        tpu.vector_store %arg18[%swap3A, %swap3A_59], %swap3A_62 {strides = array<i32>} : memref<328x128xf32, #tpu.memory_space<vmem>>, vector<1x16xf32>,
        %get3A_63 = arith.index_cast %squeeze3A_44 : i32 to index
        %get3A_64 = arith.constant 16 : index
        %get3A_65 = tpu.vector_load %arg18[%get3A_63, %get3A_64] {strides = array<i32>} : memref<328x128xf32, #tpu.memory_space<vmem>>, vector<1x16xf32>,
        %get3A_66 = vector.shape_cast %get3A_65 : vector<1x16xf32> to vector<16xf32>
        %get3A_67 = arith.index_cast %scan3A_39 : i32 to index
        %get3A_68 = arith.constant 16 : index
        %get3A_69 = tpu.vector_load %arg16[%get3A_67, %get3A_68] {strides = array<i32>} : memref<128x128xf32, #tpu.memory_space<vmem>>, vector<1x16xf32>,
        %get3A_70 = vector.shape_cast %get3A_69 : vector<1x16xf32> to vector<16xf32>
        %get3A_71 = arith.index_cast %scan3A_39 : i32 to index
        %get3A_72 = arith.constant 16 : index
        %get3A_73 = tpu.vector_load %arg17[%get3A_71, %get3A_72] {strides = array<i32>} : memref<128x128xf32, #tpu.memory_space<vmem>>, vector<1x16xf32>,
        %get3A_74 = vector.shape_cast %get3A_73 : vector<1x16xf32> to vector<16xf32>
        %add3A_75 = arith.addf %get3A_70, %get3A_74 : vector<16xf32>
        %add3A_76 = arith.addf %get3A_66, %add3A_75 : vector<16xf32>
        %swap3A_77 = arith.index_cast %squeeze3A_44 : i32 to index
        %swap3A_78 = arith.constant 16 : index
        %swap3A_79 = tpu.vector_load %arg18[%swap3A_77, %swap3A_78] {strides = array<i32>} : memref<328x128xf32, #tpu.memory_space<vmem>>, vector<1x16xf32>,
        %swap3A_80 = vector.shape_cast %swap3A_79 : vector<1x16xf32> to vector<16xf32>
        %swap3A_81 = vector.shape_cast %add3A_76 : vector<16xf32> to vector<1x16xf32>
        tpu.vector_store %arg18[%swap3A_77, %swap3A_78], %swap3A_81 {strides = array<i32>} : memref<328x128xf32, #tpu.memory_space<vmem>>, vector<1x16xf32>,
        %get3A_82 = arith.index_cast %squeeze3A_44 : i32 to index
        %get3A_83 = arith.constant 32 : index
        %get3A_84 = tpu.vector_load %arg18[%get3A_82, %get3A_83] {strides = array<i32>} : memref<328x128xf32, #tpu.memory_space<vmem>>, vector<1x16xf32>,
        %get3A_85 = vector.shape_cast %get3A_84 : vector<1x16xf32> to vector<16xf32>
        %get3A_86 = arith.index_cast %scan3A_39 : i32 to index
        %get3A_87 = arith.constant 32 : index
        %get3A_88 = tpu.vector_load %arg16[%get3A_86, %get3A_87] {strides = array<i32>} : memref<128x128xf32, #tpu.memory_space<vmem>>, vector<1x16xf32>,
        %get3A_89 = vector.shape_cast %get3A_88 : vector<1x16xf32> to vector<16xf32>
        %get3A_90 = arith.index_cast %scan3A_39 : i32 to index
        %get3A_91 = arith.constant 32 : index
        %get3A_92 = tpu.vector_load %arg17[%get3A_90, %get3A_91] {strides = array<i32>} : memref<128x128xf32, #tpu.memory_space<vmem>>, vector<1x16xf32>,
        %get3A_93 = vector.shape_cast %get3A_92 : vector<1x16xf32> to vector<16xf32>
        %add3A_94 = arith.addf %get3A_89, %get3A_93 : vector<16xf32>
        %add3A_95 = arith.addf %get3A_85, %add3A_94 : vector<16xf32>
        %swap3A_96 = arith.index_cast %squeeze3A_44 : i32 to index
        %swap3A_97 = arith.constant 32 : index
        %swap3A_98 = tpu.vector_load %arg18[%swap3A_96, %swap3A_97] {strides = array<i32>} : memref<328x128xf32, #tpu.memory_space<vmem>>, vector<1x16xf32>,
        %swap3A_99 = vector.shape_cast %swap3A_98 : vector<1x16xf32> to vector<16xf32>
        %swap3A_100 = vector.shape_cast %add3A_95 : vector<16xf32> to vector<1x16xf32>
        tpu.vector_store %arg18[%swap3A_96, %swap3A_97], %swap3A_100 {strides = array<i32>} : memref<328x128xf32, #tpu.memory_space<vmem>>, vector<1x16xf32>,
        %get3A_101 = arith.index_cast %squeeze3A_44 : i32 to index
        %get3A_102 = arith.constant 48 : index
        %get3A_103 = tpu.vector_load %arg18[%get3A_101, %get3A_102] {strides = array<i32>} : memref<328x128xf32, #tpu.memory_space<vmem>>, vector<1x16xf32>,
        %get3A_104 = vector.shape_cast %get3A_103 : vector<1x16xf32> to vector<16xf32>
        %get3A_105 = arith.index_cast %scan3A_39 : i32 to index
        %get3A_106 = arith.constant 48 : index
        %get3A_107 = tpu.vector_load %arg16[%get3A_105, %get3A_106] {strides = array<i32>} : memref<128x128xf32, #tpu.memory_space<vmem>>, vector<1x16xf32>,
        %get3A_108 = vector.shape_cast %get3A_107 : vector<1x16xf32> to vector<16xf32>
        %get3A_109 = arith.index_cast %scan3A_39 : i32 to index
        %get3A_110 = arith.constant 48 : index
        %get3A_111 = tpu.vector_load %arg17[%get3A_109, %get3A_110] {strides = array<i32>} : memref<128x128xf32, #tpu.memory_space<vmem>>, vector<1x16xf32>,
        %get3A_112 = vector.shape_cast %get3A_111 : vector<1x16xf32> to vector<16xf32>
        %add3A_113 = arith.addf %get3A_108, %get3A_112 : vector<16xf32>
        %add3A_114 = arith.addf %get3A_104, %add3A_113 : vector<16xf32>
        %swap3A_115 = arith.index_cast %squeeze3A_44 : i32 to index
        %swap3A_116 = arith.constant 48 : index
        %swap3A_117 = tpu.vector_load %arg18[%swap3A_115, %swap3A_116] {strides = array<i32>} : memref<328x128xf32, #tpu.memory_space<vmem>>, vector<1x16xf32>,
        %swap3A_118 = vector.shape_cast %swap3A_117 : vector<1x16xf32> to vector<16xf32>
        %swap3A_119 = vector.shape_cast %add3A_114 : vector<16xf32> to vector<1x16xf32>
        tpu.vector_store %arg18[%swap3A_115, %swap3A_116], %swap3A_119 {strides = array<i32>} : memref<328x128xf32, #tpu.memory_space<vmem>>, vector<1x16xf32>,
        %get3A_120 = arith.index_cast %squeeze3A_44 : i32 to index
        %get3A_121 = arith.constant 64 : index
        %get3A_122 = tpu.vector_load %arg18[%get3A_120, %get3A_121] {strides = array<i32>} : memref<328x128xf32, #tpu.memory_space<vmem>>, vector<1x16xf32>,
        %get3A_123 = vector.shape_cast %get3A_122 : vector<1x16xf32> to vector<16xf32>
        %get3A_124 = arith.index_cast %scan3A_39 : i32 to index
        %get3A_125 = arith.constant 64 : index
        %get3A_126 = tpu.vector_load %arg16[%get3A_124, %get3A_125] {strides = array<i32>} : memref<128x128xf32, #tpu.memory_space<vmem>>, vector<1x16xf32>,
        %get3A_127 = vector.shape_cast %get3A_126 : vector<1x16xf32> to vector<16xf32>
        %get3A_128 = arith.index_cast %scan3A_39 : i32 to index
        %get3A_129 = arith.constant 64 : index
        %get3A_130 = tpu.vector_load %arg17[%get3A_128, %get3A_129] {strides = array<i32>} : memref<128x128xf32, #tpu.memory_space<vmem>>, vector<1x16xf32>,
        %get3A_131 = vector.shape_cast %get3A_130 : vector<1x16xf32> to vector<16xf32>
        %add3A_132 = arith.addf %get3A_127, %get3A_131 : vector<16xf32>
        %add3A_133 = arith.addf %get3A_123, %add3A_132 : vector<16xf32>
        %swap3A_134 = arith.index_cast %squeeze3A_44 : i32 to index
        %swap3A_135 = arith.constant 64 : index
        %swap3A_136 = tpu.vector_load %arg18[%swap3A_134, %swap3A_135] {strides = array<i32>} : memref<328x128xf32, #tpu.memory_space<vmem>>, vector<1x16xf32>,
        %swap3A_137 = vector.shape_cast %swap3A_136 : vector<1x16xf32> to vector<16xf32>
        %swap3A_138 = vector.shape_cast %add3A_133 : vector<16xf32> to vector<1x16xf32>
        tpu.vector_store %arg18[%swap3A_134, %swap3A_135], %swap3A_138 {strides = array<i32>} : memref<328x128xf32, #tpu.memory_space<vmem>>, vector<1x16xf32>,
        %get3A_139 = arith.index_cast %squeeze3A_44 : i32 to index
        %get3A_140 = arith.constant 80 : index
        %get3A_141 = tpu.vector_load %arg18[%get3A_139, %get3A_140] {strides = array<i32>} : memref<328x128xf32, #tpu.memory_space<vmem>>, vector<1x16xf32>,
        %get3A_142 = vector.shape_cast %get3A_141 : vector<1x16xf32> to vector<16xf32>
        %get3A_143 = arith.index_cast %scan3A_39 : i32 to index
        %get3A_144 = arith.constant 80 : index
        %get3A_145 = tpu.vector_load %arg16[%get3A_143, %get3A_144] {strides = array<i32>} : memref<128x128xf32, #tpu.memory_space<vmem>>, vector<1x16xf32>,
        %get3A_146 = vector.shape_cast %get3A_145 : vector<1x16xf32> to vector<16xf32>
        %get3A_147 = arith.index_cast %scan3A_39 : i32 to index
        %get3A_148 = arith.constant 80 : index
        %get3A_149 = tpu.vector_load %arg17[%get3A_147, %get3A_148] {strides = array<i32>} : memref<128x128xf32, #tpu.memory_space<vmem>>, vector<1x16xf32>,
        %get3A_150 = vector.shape_cast %get3A_149 : vector<1x16xf32> to vector<16xf32>
        %add3A_151 = arith.addf %get3A_146, %get3A_150 : vector<16xf32>
        %add3A_152 = arith.addf %get3A_142, %add3A_151 : vector<16xf32>
        %swap3A_153 = arith.index_cast %squeeze3A_44 : i32 to index
        %swap3A_154 = arith.constant 80 : index
        %swap3A_155 = tpu.vector_load %arg18[%swap3A_153, %swap3A_154] {strides = array<i32>} : memref<328x128xf32, #tpu.memory_space<vmem>>, vector<1x16xf32>,
        %swap3A_156 = vector.shape_cast %swap3A_155 : vector<1x16xf32> to vector<16xf32>
        %swap3A_157 = vector.shape_cast %add3A_152 : vector<16xf32> to vector<1x16xf32>
        tpu.vector_store %arg18[%swap3A_153, %swap3A_154], %swap3A_157 {strides = array<i32>} : memref<328x128xf32, #tpu.memory_space<vmem>>, vector<1x16xf32>,
        %get3A_158 = arith.index_cast %squeeze3A_44 : i32 to index
        %get3A_159 = arith.constant 96 : index
        %get3A_160 = tpu.vector_load %arg18[%get3A_158, %get3A_159] {strides = array<i32>} : memref<328x128xf32, #tpu.memory_space<vmem>>, vector<1x16xf32>,
        %get3A_161 = vector.shape_cast %get3A_160 : vector<1x16xf32> to vector<16xf32>
        %get3A_162 = arith.index_cast %scan3A_39 : i32 to index
        %get3A_163 = arith.constant 96 : index
        %get3A_164 = tpu.vector_load %arg16[%get3A_162, %get3A_163] {strides = array<i32>} : memref<128x128xf32, #tpu.memory_space<vmem>>, vector<1x16xf32>,
        %get3A_165 = vector.shape_cast %get3A_164 : vector<1x16xf32> to vector<16xf32>
        %get3A_166 = arith.index_cast %scan3A_39 : i32 to index
        %get3A_167 = arith.constant 96 : index
        %get3A_168 = tpu.vector_load %arg17[%get3A_166, %get3A_167] {strides = array<i32>} : memref<128x128xf32, #tpu.memory_space<vmem>>, vector<1x16xf32>,
        %get3A_169 = vector.shape_cast %get3A_168 : vector<1x16xf32> to vector<16xf32>
        %add3A_170 = arith.addf %get3A_165, %get3A_169 : vector<16xf32>
        %add3A_171 = arith.addf %get3A_161, %add3A_170 : vector<16xf32>
        %swap3A_172 = arith.index_cast %squeeze3A_44 : i32 to index
        %swap3A_173 = arith.constant 96 : index
        %swap3A_174 = tpu.vector_load %arg18[%swap3A_172, %swap3A_173] {strides = array<i32>} : memref<328x128xf32, #tpu.memory_space<vmem>>, vector<1x16xf32>,
        %swap3A_175 = vector.shape_cast %swap3A_174 : vector<1x16xf32> to vector<16xf32>
        %swap3A_176 = vector.shape_cast %add3A_171 : vector<16xf32> to vector<1x16xf32>
        tpu.vector_store %arg18[%swap3A_172, %swap3A_173], %swap3A_176 {strides = array<i32>} : memref<328x128xf32, #tpu.memory_space<vmem>>, vector<1x16xf32>,
        %get3A_177 = arith.index_cast %squeeze3A_44 : i32 to index
        %get3A_178 = arith.constant 112 : index
        %get3A_179 = tpu.vector_load %arg18[%get3A_177, %get3A_178] {strides = array<i32>} : memref<328x128xf32, #tpu.memory_space<vmem>>, vector<1x16xf32>,
        %get3A_180 = vector.shape_cast %get3A_179 : vector<1x16xf32> to vector<16xf32>
        %get3A_181 = arith.index_cast %scan3A_39 : i32 to index
        %get3A_182 = arith.constant 112 : index
        %get3A_183 = tpu.vector_load %arg16[%get3A_181, %get3A_182] {strides = array<i32>} : memref<128x128xf32, #tpu.memory_space<vmem>>, vector<1x16xf32>,
        %get3A_184 = vector.shape_cast %get3A_183 : vector<1x16xf32> to vector<16xf32>
        %get3A_185 = arith.index_cast %scan3A_39 : i32 to index
        %get3A_186 = arith.constant 112 : index
        %get3A_187 = tpu.vector_load %arg17[%get3A_185, %get3A_186] {strides = array<i32>} : memref<128x128xf32, #tpu.memory_space<vmem>>, vector<1x16xf32>,
        %get3A_188 = vector.shape_cast %get3A_187 : vector<1x16xf32> to vector<16xf32>
        %add3A_189 = arith.addf %get3A_184, %get3A_188 : vector<16xf32>
        %add3A_190 = arith.addf %get3A_180, %add3A_189 : vector<16xf32>
        %swap3A_191 = arith.index_cast %squeeze3A_44 : i32 to index
        %swap3A_192 = arith.constant 112 : index
        %swap3A_193 = tpu.vector_load %arg18[%swap3A_191, %swap3A_192] {strides = array<i32>} : memref<328x128xf32, #tpu.memory_space<vmem>>, vector<1x16xf32>,
        %swap3A_194 = vector.shape_cast %swap3A_193 : vector<1x16xf32> to vector<16xf32>
        %swap3A_195 = vector.shape_cast %add3A_190 : vector<16xf32> to vector<1x16xf32>
        tpu.vector_store %arg18[%swap3A_191, %swap3A_192], %swap3A_195 {strides = array<i32>} : memref<328x128xf32, #tpu.memory_space<vmem>>, vector<1x16xf32>,
      }
      %scan3A_38 = arith.constant 128 : i32
    }
    %while3A_16 = arith.constant 1 : i32
    scf.for %while3A_19 = %while3A_14 to %while3A_10 step %while3A_16  : i32 {
      %mul3A_20 = arith.constant 128 : i32
      %mul3A_21 = arith.muli %while3A_19, %mul3A_20 : i32
      %add3A_22 = arith.addi %squeeze3A, %mul3A_21 : i32
      %multiple_of3A_23 = tpu.assume_multiple %add3A_22, 128 : i32
      "tpu.region"() ({
        %run_scoped3A = tpu.sem_alloc : memref<!tpu.dma_semaphore, #tpu.memory_space<semaphore_mem>>
        %dma_start3A_39 = tpu.memref_slice %arg4[%multiple_of3A_23] : memref<334080xi32, #tpu.memory_space<hbm>> -> memref<128xi32, #tpu.memory_space<hbm>>
        %dma_start3A_40 = tpu.memref_slice %arg4[%multiple_of3A_23] : memref<334080xi32, #tpu.memory_space<hbm>> -> memref<128xi32, #tpu.memory_space<hbm>>
        tpu.enqueue_dma source(%dma_start3A_40 : memref<128xi32, #tpu.memory_space<hbm>>) target(%arg13 : memref<128xi32, #tpu.memory_space<vmem>>) target_semaphore(%run_scoped3A : memref<!tpu.dma_semaphore, #tpu.memory_space<semaphore_mem>>)
        %dma_wait3A_41 = tpu.memref_slice %arg4[%multiple_of3A_23] : memref<334080xi32, #tpu.memory_space<hbm>> -> memref<128xi32, #tpu.memory_space<hbm>>
        %dma_wait3A_42 = tpu.memref_slice %arg4[%multiple_of3A_23] : memref<334080xi32, #tpu.memory_space<hbm>> -> memref<128xi32, #tpu.memory_space<hbm>>
        tpu.wait_dma2 semaphore(%run_scoped3A : memref<!tpu.dma_semaphore, #tpu.memory_space<semaphore_mem>>) src(%dma_wait3A_42 : memref<128xi32, #tpu.memory_space<hbm>>) dst(%arg13 : memref<128xi32, #tpu.memory_space<vmem>>)
        tpu.yield
      }) : () -> ()
      "tpu.region"() ({
        %run_scoped3A = tpu.sem_alloc : memref<!tpu.dma_semaphore, #tpu.memory_space<semaphore_mem>>
        %dma_start3A_39 = arith.constant 0 : i32
        %dma_start3A_40 = tpu.memref_slice %arg14[%dma_start3A_39] : memref<144xi32, #tpu.memory_space<vmem>> -> memref<128xi32, #tpu.memory_space<vmem>>
        %dma_start3A_41 = tpu.memref_slice %arg5[%multiple_of3A_23] : memref<334080xi32, #tpu.memory_space<hbm>> -> memref<128xi32, #tpu.memory_space<hbm>>
        %dma_start3A_42 = arith.constant 0 : i32
        %dma_start3A_43 = tpu.memref_slice %arg14[%dma_start3A_42] : memref<144xi32, #tpu.memory_space<vmem>> -> memref<128xi32, #tpu.memory_space<vmem>>
        %dma_start3A_44 = tpu.memref_slice %arg5[%multiple_of3A_23] : memref<334080xi32, #tpu.memory_space<hbm>> -> memref<128xi32, #tpu.memory_space<hbm>>
        tpu.enqueue_dma source(%dma_start3A_44 : memref<128xi32, #tpu.memory_space<hbm>>) target(%dma_start3A_43 : memref<128xi32, #tpu.memory_space<vmem>>) target_semaphore(%run_scoped3A : memref<!tpu.dma_semaphore, #tpu.memory_space<semaphore_mem>>)
        %dma_wait3A_45 = arith.constant 0 : i32
        %dma_wait3A_46 = tpu.memref_slice %arg14[%dma_wait3A_45] : memref<144xi32, #tpu.memory_space<vmem>> -> memref<128xi32, #tpu.memory_space<vmem>>
        %dma_wait3A_47 = tpu.memref_slice %arg5[%multiple_of3A_23] : memref<334080xi32, #tpu.memory_space<hbm>> -> memref<128xi32, #tpu.memory_space<hbm>>
        %dma_wait3A_48 = arith.constant 0 : i32
        %dma_wait3A_49 = tpu.memref_slice %arg14[%dma_wait3A_48] : memref<144xi32, #tpu.memory_space<vmem>> -> memref<128xi32, #tpu.memory_space<vmem>>
        %dma_wait3A_50 = tpu.memref_slice %arg5[%multiple_of3A_23] : memref<334080xi32, #tpu.memory_space<hbm>> -> memref<128xi32, #tpu.memory_space<hbm>>
        tpu.wait_dma2 semaphore(%run_scoped3A : memref<!tpu.dma_semaphore, #tpu.memory_space<semaphore_mem>>) src(%dma_wait3A_50 : memref<128xi32, #tpu.memory_space<hbm>>) dst(%dma_wait3A_49 : memref<128xi32, #tpu.memory_space<vmem>>)
        tpu.yield
      }) : () -> ()
      "tpu.region"() ({
        %run_scoped3A = tpu.sem_alloc : memref<!tpu.dma_semaphore, #tpu.memory_space<semaphore_mem>>
        %dma_start3A_39 = tpu.memref_slice %arg6[%multiple_of3A_23] : memref<334080xi32, #tpu.memory_space<hbm>> -> memref<128xi32, #tpu.memory_space<hbm>>
        %dma_start3A_40 = tpu.memref_slice %arg6[%multiple_of3A_23] : memref<334080xi32, #tpu.memory_space<hbm>> -> memref<128xi32, #tpu.memory_space<hbm>>
        tpu.enqueue_dma source(%dma_start3A_40 : memref<128xi32, #tpu.memory_space<hbm>>) target(%arg15 : memref<128xi32, #tpu.memory_space<vmem>>) target_semaphore(%run_scoped3A : memref<!tpu.dma_semaphore, #tpu.memory_space<semaphore_mem>>)
        %dma_wait3A_41 = tpu.memref_slice %arg6[%multiple_of3A_23] : memref<334080xi32, #tpu.memory_space<hbm>> -> memref<128xi32, #tpu.memory_space<hbm>>
        %dma_wait3A_42 = tpu.memref_slice %arg6[%multiple_of3A_23] : memref<334080xi32, #tpu.memory_space<hbm>> -> memref<128xi32, #tpu.memory_space<hbm>>
        tpu.wait_dma2 semaphore(%run_scoped3A : memref<!tpu.dma_semaphore, #tpu.memory_space<semaphore_mem>>) src(%dma_wait3A_42 : memref<128xi32, #tpu.memory_space<hbm>>) dst(%arg15 : memref<128xi32, #tpu.memory_space<vmem>>)
        tpu.yield
      }) : () -> ()
      %dma_start3A = arith.constant 0 : i32
      %dma_start3A_24 = arith.constant 0 : i32
      %dma_start3A_25 = tpu.memref_slice %arg2[%dma_start3A, %dma_start3A_24] : memref<10000x128xf32, #tpu.memory_space<hbm>> -> memref<10000x128xf32, #tpu.memory_space<hbm>>
      tpu.enqueue_indirect_dma source(%dma_start3A_25 : memref<10000x128xf32, #tpu.memory_space<hbm>>) target(%arg16 : memref<128x128xf32, #tpu.memory_space<vmem>>) offsets(%arg13 : memref<128xi32, #tpu.memory_space<vmem>>) semaphore(%arg19 : memref<!tpu.dma_semaphore, #tpu.memory_space<semaphore_mem>>)
      %dma_start3A_26 = arith.constant 0 : i32
      %dma_start3A_27 = arith.constant 0 : i32
      %dma_start3A_28 = tpu.memref_slice %arg3[%dma_start3A_26, %dma_start3A_27] : memref<16x128xf32, #tpu.memory_space<hbm>> -> memref<16x128xf32, #tpu.memory_space<hbm>>
      tpu.enqueue_indirect_dma source(%dma_start3A_28 : memref<16x128xf32, #tpu.memory_space<hbm>>) target(%arg17 : memref<128x128xf32, #tpu.memory_space<vmem>>) offsets(%arg15 : memref<128xi32, #tpu.memory_space<vmem>>) semaphore(%arg20 : memref<!tpu.dma_semaphore, #tpu.memory_space<semaphore_mem>>)
      %dma_wait3A = arith.constant 0 : i32
      %dma_wait3A_29 = arith.constant 0 : i32
      %dma_wait3A_30 = tpu.memref_slice %arg2[%dma_wait3A, %dma_wait3A_29] : memref<10000x128xf32, #tpu.memory_space<hbm>> -> memref<10000x128xf32, #tpu.memory_space<hbm>>
      tpu.wait_indirect_dma semaphore(%arg19 : memref<!tpu.dma_semaphore, #tpu.memory_space<semaphore_mem>>) src(%dma_wait3A_30 : memref<10000x128xf32, #tpu.memory_space<hbm>>) dst(%arg16 : memref<128x128xf32, #tpu.memory_space<vmem>>)
      %dma_wait3A_31 = arith.constant 0 : i32
      %dma_wait3A_32 = arith.constant 0 : i32
      %dma_wait3A_33 = tpu.memref_slice %arg3[%dma_wait3A_31, %dma_wait3A_32] : memref<16x128xf32, #tpu.memory_space<hbm>> -> memref<16x128xf32, #tpu.memory_space<hbm>>
      tpu.wait_indirect_dma semaphore(%arg20 : memref<!tpu.dma_semaphore, #tpu.memory_space<semaphore_mem>>) src(%dma_wait3A_33 : memref<16x128xf32, #tpu.memory_space<hbm>>) dst(%arg17 : memref<128x128xf32, #tpu.memory_space<vmem>>)
      %scan3A = arith.constant 0 : i32
      %scan3A_34 = arith.constant 0 : i32
      %scan3A_35 = arith.constant 128 : i32
      %scan3A_36 = arith.addi %scan3A_34, %scan3A_35 : i32
      %scan3A_37 = arith.constant 1 : i32
      scf.for %scan3A_39 = %scan3A_34 to %scan3A_36 step %scan3A_37  : i32 {
        %get3A_40 = arith.index_cast %scan3A_39 : i32 to index
        %get3A_41 = tpu.vector_load %arg14[%get3A_40] {strides = array<i32>} : memref<144xi32, #tpu.memory_space<vmem>>, vector<16xi32>,
        %get3A_42 = vector.shape_cast %get3A_41 : vector<16xi32> to vector<16xi32>
        %slice3A_43 = vector.extract_strided_slice %get3A_42 {offsets = [0], sizes = [1], strides = [1]} : vector<16xi32> to vector<1xi32>
        %squeeze3A_44 = vector.extract %slice3A_43[0] : i32 from vector<1xi32>
        %get3A_45 = arith.index_cast %squeeze3A_44 : i32 to index
        %get3A_46 = arith.constant 0 : index
        %get3A_47 = tpu.vector_load %arg18[%get3A_45, %get3A_46] {strides = array<i32>} : memref<328x128xf32, #tpu.memory_space<vmem>>, vector<1x16xf32>,
        %get3A_48 = vector.shape_cast %get3A_47 : vector<1x16xf32> to vector<16xf32>
        %get3A_49 = arith.index_cast %scan3A_39 : i32 to index
        %get3A_50 = arith.constant 0 : index
        %get3A_51 = tpu.vector_load %arg16[%get3A_49, %get3A_50] {strides = array<i32>} : memref<128x128xf32, #tpu.memory_space<vmem>>, vector<1x16xf32>,
        %get3A_52 = vector.shape_cast %get3A_51 : vector<1x16xf32> to vector<16xf32>
        %get3A_53 = arith.index_cast %scan3A_39 : i32 to index
        %get3A_54 = arith.constant 0 : index
        %get3A_55 = tpu.vector_load %arg17[%get3A_53, %get3A_54] {strides = array<i32>} : memref<128x128xf32, #tpu.memory_space<vmem>>, vector<1x16xf32>,
        %get3A_56 = vector.shape_cast %get3A_55 : vector<1x16xf32> to vector<16xf32>
        %add3A_57 = arith.addf %get3A_52, %get3A_56 : vector<16xf32>
        %add3A_58 = arith.addf %get3A_48, %add3A_57 : vector<16xf32>
        %swap3A = arith.index_cast %squeeze3A_44 : i32 to index
        %swap3A_59 = arith.constant 0 : index
        %swap3A_60 = tpu.vector_load %arg18[%swap3A, %swap3A_59] {strides = array<i32>} : memref<328x128xf32, #tpu.memory_space<vmem>>, vector<1x16xf32>,
        %swap3A_61 = vector.shape_cast %swap3A_60 : vector<1x16xf32> to vector<16xf32>
        %swap3A_62 = vector.shape_cast %add3A_58 : vector<16xf32> to vector<1x16xf32>
        tpu.vector_store %arg18[%swap3A, %swap3A_59], %swap3A_62 {strides = array<i32>} : memref<328x128xf32, #tpu.memory_space<vmem>>, vector<1x16xf32>,
        %get3A_63 = arith.index_cast %squeeze3A_44 : i32 to index
        %get3A_64 = arith.constant 16 : index
        %get3A_65 = tpu.vector_load %arg18[%get3A_63, %get3A_64] {strides = array<i32>} : memref<328x128xf32, #tpu.memory_space<vmem>>, vector<1x16xf32>,
        %get3A_66 = vector.shape_cast %get3A_65 : vector<1x16xf32> to vector<16xf32>
        %get3A_67 = arith.index_cast %scan3A_39 : i32 to index
        %get3A_68 = arith.constant 16 : index
        %get3A_69 = tpu.vector_load %arg16[%get3A_67, %get3A_68] {strides = array<i32>} : memref<128x128xf32, #tpu.memory_space<vmem>>, vector<1x16xf32>,
        %get3A_70 = vector.shape_cast %get3A_69 : vector<1x16xf32> to vector<16xf32>
        %get3A_71 = arith.index_cast %scan3A_39 : i32 to index
        %get3A_72 = arith.constant 16 : index
        %get3A_73 = tpu.vector_load %arg17[%get3A_71, %get3A_72] {strides = array<i32>} : memref<128x128xf32, #tpu.memory_space<vmem>>, vector<1x16xf32>,
        %get3A_74 = vector.shape_cast %get3A_73 : vector<1x16xf32> to vector<16xf32>
        %add3A_75 = arith.addf %get3A_70, %get3A_74 : vector<16xf32>
        %add3A_76 = arith.addf %get3A_66, %add3A_75 : vector<16xf32>
        %swap3A_77 = arith.index_cast %squeeze3A_44 : i32 to index
        %swap3A_78 = arith.constant 16 : index
        %swap3A_79 = tpu.vector_load %arg18[%swap3A_77, %swap3A_78] {strides = array<i32>} : memref<328x128xf32, #tpu.memory_space<vmem>>, vector<1x16xf32>,
        %swap3A_80 = vector.shape_cast %swap3A_79 : vector<1x16xf32> to vector<16xf32>
        %swap3A_81 = vector.shape_cast %add3A_76 : vector<16xf32> to vector<1x16xf32>
        tpu.vector_store %arg18[%swap3A_77, %swap3A_78], %swap3A_81 {strides = array<i32>} : memref<328x128xf32, #tpu.memory_space<vmem>>, vector<1x16xf32>,
        %get3A_82 = arith.index_cast %squeeze3A_44 : i32 to index
        %get3A_83 = arith.constant 32 : index
        %get3A_84 = tpu.vector_load %arg18[%get3A_82, %get3A_83] {strides = array<i32>} : memref<328x128xf32, #tpu.memory_space<vmem>>, vector<1x16xf32>,
        %get3A_85 = vector.shape_cast %get3A_84 : vector<1x16xf32> to vector<16xf32>
        %get3A_86 = arith.index_cast %scan3A_39 : i32 to index
        %get3A_87 = arith.constant 32 : index
        %get3A_88 = tpu.vector_load %arg16[%get3A_86, %get3A_87] {strides = array<i32>} : memref<128x128xf32, #tpu.memory_space<vmem>>, vector<1x16xf32>,
        %get3A_89 = vector.shape_cast %get3A_88 : vector<1x16xf32> to vector<16xf32>
        %get3A_90 = arith.index_cast %scan3A_39 : i32 to index
        %get3A_91 = arith.constant 32 : index
        %get3A_92 = tpu.vector_load %arg17[%get3A_90, %get3A_91] {strides = array<i32>} : memref<128x128xf32, #tpu.memory_space<vmem>>, vector<1x16xf32>,
        %get3A_93 = vector.shape_cast %get3A_92 : vector<1x16xf32> to vector<16xf32>
        %add3A_94 = arith.addf %get3A_89, %get3A_93 : vector<16xf32>
        %add3A_95 = arith.addf %get3A_85, %add3A_94 : vector<16xf32>
        %swap3A_96 = arith.index_cast %squeeze3A_44 : i32 to index
        %swap3A_97 = arith.constant 32 : index
        %swap3A_98 = tpu.vector_load %arg18[%swap3A_96, %swap3A_97] {strides = array<i32>} : memref<328x128xf32, #tpu.memory_space<vmem>>, vector<1x16xf32>,
        %swap3A_99 = vector.shape_cast %swap3A_98 : vector<1x16xf32> to vector<16xf32>
        %swap3A_100 = vector.shape_cast %add3A_95 : vector<16xf32> to vector<1x16xf32>
        tpu.vector_store %arg18[%swap3A_96, %swap3A_97], %swap3A_100 {strides = array<i32>} : memref<328x128xf32, #tpu.memory_space<vmem>>, vector<1x16xf32>,
        %get3A_101 = arith.index_cast %squeeze3A_44 : i32 to index
        %get3A_102 = arith.constant 48 : index
        %get3A_103 = tpu.vector_load %arg18[%get3A_101, %get3A_102] {strides = array<i32>} : memref<328x128xf32, #tpu.memory_space<vmem>>, vector<1x16xf32>,
        %get3A_104 = vector.shape_cast %get3A_103 : vector<1x16xf32> to vector<16xf32>
        %get3A_105 = arith.index_cast %scan3A_39 : i32 to index
        %get3A_106 = arith.constant 48 : index
        %get3A_107 = tpu.vector_load %arg16[%get3A_105, %get3A_106] {strides = array<i32>} : memref<128x128xf32, #tpu.memory_space<vmem>>, vector<1x16xf32>,
        %get3A_108 = vector.shape_cast %get3A_107 : vector<1x16xf32> to vector<16xf32>
        %get3A_109 = arith.index_cast %scan3A_39 : i32 to index
        %get3A_110 = arith.constant 48 : index
        %get3A_111 = tpu.vector_load %arg17[%get3A_109, %get3A_110] {strides = array<i32>} : memref<128x128xf32, #tpu.memory_space<vmem>>, vector<1x16xf32>,
        %get3A_112 = vector.shape_cast %get3A_111 : vector<1x16xf32> to vector<16xf32>
        %add3A_113 = arith.addf %get3A_108, %get3A_112 : vector<16xf32>
        %add3A_114 = arith.addf %get3A_104, %add3A_113 : vector<16xf32>
        %swap3A_115 = arith.index_cast %squeeze3A_44 : i32 to index
        %swap3A_116 = arith.constant 48 : index
        %swap3A_117 = tpu.vector_load %arg18[%swap3A_115, %swap3A_116] {strides = array<i32>} : memref<328x128xf32, #tpu.memory_space<vmem>>, vector<1x16xf32>,
        %swap3A_118 = vector.shape_cast %swap3A_117 : vector<1x16xf32> to vector<16xf32>
        %swap3A_119 = vector.shape_cast %add3A_114 : vector<16xf32> to vector<1x16xf32>
        tpu.vector_store %arg18[%swap3A_115, %swap3A_116], %swap3A_119 {strides = array<i32>} : memref<328x128xf32, #tpu.memory_space<vmem>>, vector<1x16xf32>,
        %get3A_120 = arith.index_cast %squeeze3A_44 : i32 to index
        %get3A_121 = arith.constant 64 : index
        %get3A_122 = tpu.vector_load %arg18[%get3A_120, %get3A_121] {strides = array<i32>} : memref<328x128xf32, #tpu.memory_space<vmem>>, vector<1x16xf32>,
        %get3A_123 = vector.shape_cast %get3A_122 : vector<1x16xf32> to vector<16xf32>
        %get3A_124 = arith.index_cast %scan3A_39 : i32 to index
        %get3A_125 = arith.constant 64 : index
        %get3A_126 = tpu.vector_load %arg16[%get3A_124, %get3A_125] {strides = array<i32>} : memref<128x128xf32, #tpu.memory_space<vmem>>, vector<1x16xf32>,
        %get3A_127 = vector.shape_cast %get3A_126 : vector<1x16xf32> to vector<16xf32>
        %get3A_128 = arith.index_cast %scan3A_39 : i32 to index
        %get3A_129 = arith.constant 64 : index
        %get3A_130 = tpu.vector_load %arg17[%get3A_128, %get3A_129] {strides = array<i32>} : memref<128x128xf32, #tpu.memory_space<vmem>>, vector<1x16xf32>,
        %get3A_131 = vector.shape_cast %get3A_130 : vector<1x16xf32> to vector<16xf32>
        %add3A_132 = arith.addf %get3A_127, %get3A_131 : vector<16xf32>
        %add3A_133 = arith.addf %get3A_123, %add3A_132 : vector<16xf32>
        %swap3A_134 = arith.index_cast %squeeze3A_44 : i32 to index
        %swap3A_135 = arith.constant 64 : index
        %swap3A_136 = tpu.vector_load %arg18[%swap3A_134, %swap3A_135] {strides = array<i32>} : memref<328x128xf32, #tpu.memory_space<vmem>>, vector<1x16xf32>,
        %swap3A_137 = vector.shape_cast %swap3A_136 : vector<1x16xf32> to vector<16xf32>
        %swap3A_138 = vector.shape_cast %add3A_133 : vector<16xf32> to vector<1x16xf32>
        tpu.vector_store %arg18[%swap3A_134, %swap3A_135], %swap3A_138 {strides = array<i32>} : memref<328x128xf32, #tpu.memory_space<vmem>>, vector<1x16xf32>,
        %get3A_139 = arith.index_cast %squeeze3A_44 : i32 to index
        %get3A_140 = arith.constant 80 : index
        %get3A_141 = tpu.vector_load %arg18[%get3A_139, %get3A_140] {strides = array<i32>} : memref<328x128xf32, #tpu.memory_space<vmem>>, vector<1x16xf32>,
        %get3A_142 = vector.shape_cast %get3A_141 : vector<1x16xf32> to vector<16xf32>
        %get3A_143 = arith.index_cast %scan3A_39 : i32 to index
        %get3A_144 = arith.constant 80 : index
        %get3A_145 = tpu.vector_load %arg16[%get3A_143, %get3A_144] {strides = array<i32>} : memref<128x128xf32, #tpu.memory_space<vmem>>, vector<1x16xf32>,
        %get3A_146 = vector.shape_cast %get3A_145 : vector<1x16xf32> to vector<16xf32>
        %get3A_147 = arith.index_cast %scan3A_39 : i32 to index
        %get3A_148 = arith.constant 80 : index
        %get3A_149 = tpu.vector_load %arg17[%get3A_147, %get3A_148] {strides = array<i32>} : memref<128x128xf32, #tpu.memory_space<vmem>>, vector<1x16xf32>,
        %get3A_150 = vector.shape_cast %get3A_149 : vector<1x16xf32> to vector<16xf32>
        %add3A_151 = arith.addf %get3A_146, %get3A_150 : vector<16xf32>
        %add3A_152 = arith.addf %get3A_142, %add3A_151 : vector<16xf32>
        %swap3A_153 = arith.index_cast %squeeze3A_44 : i32 to index
        %swap3A_154 = arith.constant 80 : index
        %swap3A_155 = tpu.vector_load %arg18[%swap3A_153, %swap3A_154] {strides = array<i32>} : memref<328x128xf32, #tpu.memory_space<vmem>>, vector<1x16xf32>,
        %swap3A_156 = vector.shape_cast %swap3A_155 : vector<1x16xf32> to vector<16xf32>
        %swap3A_157 = vector.shape_cast %add3A_152 : vector<16xf32> to vector<1x16xf32>
        tpu.vector_store %arg18[%swap3A_153, %swap3A_154], %swap3A_157 {strides = array<i32>} : memref<328x128xf32, #tpu.memory_space<vmem>>, vector<1x16xf32>,
        %get3A_158 = arith.index_cast %squeeze3A_44 : i32 to index
        %get3A_159 = arith.constant 96 : index
        %get3A_160 = tpu.vector_load %arg18[%get3A_158, %get3A_159] {strides = array<i32>} : memref<328x128xf32, #tpu.memory_space<vmem>>, vector<1x16xf32>,
        %get3A_161 = vector.shape_cast %get3A_160 : vector<1x16xf32> to vector<16xf32>
        %get3A_162 = arith.index_cast %scan3A_39 : i32 to index
        %get3A_163 = arith.constant 96 : index
        %get3A_164 = tpu.vector_load %arg16[%get3A_162, %get3A_163] {strides = array<i32>} : memref<128x128xf32, #tpu.memory_space<vmem>>, vector<1x16xf32>,
        %get3A_165 = vector.shape_cast %get3A_164 : vector<1x16xf32> to vector<16xf32>
        %get3A_166 = arith.index_cast %scan3A_39 : i32 to index
        %get3A_167 = arith.constant 96 : index
        %get3A_168 = tpu.vector_load %arg17[%get3A_166, %get3A_167] {strides = array<i32>} : memref<128x128xf32, #tpu.memory_space<vmem>>, vector<1x16xf32>,
        %get3A_169 = vector.shape_cast %get3A_168 : vector<1x16xf32> to vector<16xf32>
        %add3A_170 = arith.addf %get3A_165, %get3A_169 : vector<16xf32>
        %add3A_171 = arith.addf %get3A_161, %add3A_170 : vector<16xf32>
        %swap3A_172 = arith.index_cast %squeeze3A_44 : i32 to index
        %swap3A_173 = arith.constant 96 : index
        %swap3A_174 = tpu.vector_load %arg18[%swap3A_172, %swap3A_173] {strides = array<i32>} : memref<328x128xf32, #tpu.memory_space<vmem>>, vector<1x16xf32>,
        %swap3A_175 = vector.shape_cast %swap3A_174 : vector<1x16xf32> to vector<16xf32>
        %swap3A_176 = vector.shape_cast %add3A_171 : vector<16xf32> to vector<1x16xf32>
        tpu.vector_store %arg18[%swap3A_172, %swap3A_173], %swap3A_176 {strides = array<i32>} : memref<328x128xf32, #tpu.memory_space<vmem>>, vector<1x16xf32>,
        %get3A_177 = arith.index_cast %squeeze3A_44 : i32 to index
        %get3A_178 = arith.constant 112 : index
        %get3A_179 = tpu.vector_load %arg18[%get3A_177, %get3A_178] {strides = array<i32>} : memref<328x128xf32, #tpu.memory_space<vmem>>, vector<1x16xf32>,
        %get3A_180 = vector.shape_cast %get3A_179 : vector<1x16xf32> to vector<16xf32>
        %get3A_181 = arith.index_cast %scan3A_39 : i32 to index
        %get3A_182 = arith.constant 112 : index
        %get3A_183 = tpu.vector_load %arg16[%get3A_181, %get3A_182] {strides = array<i32>} : memref<128x128xf32, #tpu.memory_space<vmem>>, vector<1x16xf32>,
        %get3A_184 = vector.shape_cast %get3A_183 : vector<1x16xf32> to vector<16xf32>
        %get3A_185 = arith.index_cast %scan3A_39 : i32 to index
        %get3A_186 = arith.constant 112 : index
        %get3A_187 = tpu.vector_load %arg17[%get3A_185, %get3A_186] {strides = array<i32>} : memref<128x128xf32, #tpu.memory_space<vmem>>, vector<1x16xf32>,
        %get3A_188 = vector.shape_cast %get3A_187 : vector<1x16xf32> to vector<16xf32>
        %add3A_189 = arith.addf %get3A_184, %get3A_188 : vector<16xf32>
        %add3A_190 = arith.addf %get3A_180, %add3A_189 : vector<16xf32>
        %swap3A_191 = arith.index_cast %squeeze3A_44 : i32 to index
        %swap3A_192 = arith.constant 112 : index
        %swap3A_193 = tpu.vector_load %arg18[%swap3A_191, %swap3A_192] {strides = array<i32>} : memref<328x128xf32, #tpu.memory_space<vmem>>, vector<1x16xf32>,
        %swap3A_194 = vector.shape_cast %swap3A_193 : vector<1x16xf32> to vector<16xf32>
        %swap3A_195 = vector.shape_cast %add3A_190 : vector<16xf32> to vector<1x16xf32>
        tpu.vector_store %arg18[%swap3A_191, %swap3A_192], %swap3A_195 {strides = array<i32>} : memref<328x128xf32, #tpu.memory_space<vmem>>, vector<1x16xf32>,
      }
      %scan3A_38 = arith.constant 128 : i32
    }
    %mul3A_17 = arith.constant 320 : i32
    %mul3A_18 = arith.muli %add3A, %mul3A_17 : i32
    %multiple_of3A = tpu.assume_multiple %mul3A_18, 8 : i32
    "tpu.region"() ({
      %run_scoped3A = tpu.sem_alloc : memref<!tpu.dma_semaphore, #tpu.memory_space<semaphore_mem>>
      %dma_start3A = arith.constant 0 : i32
      %dma_start3A_19 = arith.constant 0 : i32
      %dma_start3A_20 = tpu.memref_slice %arg18[%dma_start3A, %dma_start3A_19] : memref<328x128xf32, #tpu.memory_space<vmem>> -> memref<320x128xf32, #tpu.memory_space<vmem>>
      %dma_start3A_21 = arith.constant 0 : i32
      %dma_start3A_22 = tpu.memref_slice %arg10[%multiple_of3A, %dma_start3A_21] : memref<10240x128xf32, #tpu.memory_space<hbm>> -> memref<320x128xf32, #tpu.memory_space<hbm>>
      %dma_start3A_23 = arith.constant 0 : i32
      %dma_start3A_24 = tpu.memref_slice %arg10[%multiple_of3A, %dma_start3A_23] : memref<10240x128xf32, #tpu.memory_space<hbm>> -> memref<320x128xf32, #tpu.memory_space<hbm>>
      %dma_start3A_25 = arith.constant 0 : i32
      %dma_start3A_26 = arith.constant 0 : i32
      %dma_start3A_27 = tpu.memref_slice %arg18[%dma_start3A_25, %dma_start3A_26] : memref<328x128xf32, #tpu.memory_space<vmem>> -> memref<320x128xf32, #tpu.memory_space<vmem>>
      tpu.enqueue_dma source(%dma_start3A_27 : memref<320x128xf32, #tpu.memory_space<vmem>>) target(%dma_start3A_24 : memref<320x128xf32, #tpu.memory_space<hbm>>) target_semaphore(%run_scoped3A : memref<!tpu.dma_semaphore, #tpu.memory_space<semaphore_mem>>)
      %dma_wait3A = arith.constant 0 : i32
      %dma_wait3A_28 = arith.constant 0 : i32
      %dma_wait3A_29 = tpu.memref_slice %arg18[%dma_wait3A, %dma_wait3A_28] : memref<328x128xf32, #tpu.memory_space<vmem>> -> memref<320x128xf32, #tpu.memory_space<vmem>>
      %dma_wait3A_30 = arith.constant 0 : i32
      %dma_wait3A_31 = tpu.memref_slice %arg10[%multiple_of3A, %dma_wait3A_30] : memref<10240x128xf32, #tpu.memory_space<hbm>> -> memref<320x128xf32, #tpu.memory_space<hbm>>
      %dma_wait3A_32 = arith.constant 0 : i32
      %dma_wait3A_33 = tpu.memref_slice %arg10[%multiple_of3A, %dma_wait3A_32] : memref<10240x128xf32, #tpu.memory_space<hbm>> -> memref<320x128xf32, #tpu.memory_space<hbm>>
      %dma_wait3A_34 = arith.constant 0 : i32
      %dma_wait3A_35 = arith.constant 0 : i32
      %dma_wait3A_36 = tpu.memref_slice %arg18[%dma_wait3A_34, %dma_wait3A_35] : memref<328x128xf32, #tpu.memory_space<vmem>> -> memref<320x128xf32, #tpu.memory_space<vmem>>
      tpu.wait_dma2 semaphore(%run_scoped3A : memref<!tpu.dma_semaphore, #tpu.memory_space<semaphore_mem>>) src(%dma_wait3A_36 : memref<320x128xf32, #tpu.memory_space<vmem>>) dst(%dma_wait3A_33 : memref<320x128xf32, #tpu.memory_space<hbm>>)
      tpu.yield
    }) : () -> ()
    return
  }
}

#map = affine_map<(d0, d1) -> (0, 0)>
#map1 = affine_map<(d0, d1) -> (0)>
module attributes {stable_mosaic.version = 14 : i64} {
  func.func @_seg_fold(%arg0: i32, %arg1: i32, %arg2: memref<10000x128xf32, #tpu.memory_space<hbm>>, %arg3: memref<16x128xf32, #tpu.memory_space<hbm>>, %arg4: memref<334080xi32, #tpu.memory_space<hbm>>, %arg5: memref<334080xi32, #tpu.memory_space<hbm>>, %arg6: memref<334080xi32, #tpu.memory_space<hbm>>, %arg7: memref<48xi32, #tpu.memory_space<hbm>>, %arg8: memref<48xi32, #tpu.memory_space<hbm>>, %arg9: memref<328x128xf32, #tpu.memory_space<hbm>>, %arg10: memref<10240x128xf32, #tpu.memory_space<hbm>>, %arg11: memref<48xi32, #tpu.memory_space<vmem>>, %arg12: memref<48xi32, #tpu.memory_space<vmem>>, %arg13: memref<128xi32, #tpu.memory_space<vmem>>, %arg14: memref<144xi32, #tpu.memory_space<vmem>>, %arg15: memref<128xi32, #tpu.memory_space<vmem>>, %arg16: memref<128x128xf32, #tpu.memory_space<vmem>>, %arg17: memref<128x128xf32, #tpu.memory_space<vmem>>, %arg18: memref<328x128xf32, #tpu.memory_space<vmem>>, %arg19: memref<!tpu.dma_semaphore, #tpu.memory_space<semaphore_mem>>, %arg20: memref<!tpu.dma_semaphore, #tpu.memory_space<semaphore_mem>>) attributes {dimension_semantics = [#tpu.dimension_semantics<core_parallel>, #tpu.dimension_semantics<subcore_parallel>], iteration_bounds = array<i64: 2, 16>, scalar_prefetch = 0 : i64, scratch_operands = 10 : i64, tpu.core_type = #tpu.core_type<sc_vector_subcore>, window_params = [{transform_indices = #map}, {transform_indices = #map}, {transform_indices = #map1}, {transform_indices = #map1}, {transform_indices = #map1}, {transform_indices = #map1}, {transform_indices = #map1}, {transform_indices = #map}, {transform_indices = #map}]} {
    %mul3A = arith.constant 16 : i32
    %mul3A_0 = arith.muli %arg0, %mul3A : i32
    %add3A = arith.addi %mul3A_0, %arg1 : i32
    "tpu.region"() ({
      %run_scoped3A = tpu.sem_alloc : memref<!tpu.dma_semaphore, #tpu.memory_space<semaphore_mem>>
      tpu.enqueue_dma source(%arg9 : memref<328x128xf32, #tpu.memory_space<hbm>>) target(%arg18 : memref<328x128xf32, #tpu.memory_space<vmem>>) target_semaphore(%run_scoped3A : memref<!tpu.dma_semaphore, #tpu.memory_space<semaphore_mem>>)
      tpu.wait_dma2 semaphore(%run_scoped3A : memref<!tpu.dma_semaphore, #tpu.memory_space<semaphore_mem>>) src(%arg9 : memref<328x128xf32, #tpu.memory_space<hbm>>) dst(%arg18 : memref<328x128xf32, #tpu.memory_space<vmem>>)
      tpu.yield
    }) : () -> ()
    "tpu.region"() ({
      %run_scoped3A = tpu.sem_alloc : memref<!tpu.dma_semaphore, #tpu.memory_space<semaphore_mem>>
      tpu.enqueue_dma source(%arg7 : memref<48xi32, #tpu.memory_space<hbm>>) target(%arg11 : memref<48xi32, #tpu.memory_space<vmem>>) target_semaphore(%run_scoped3A : memref<!tpu.dma_semaphore, #tpu.memory_space<semaphore_mem>>)
      tpu.wait_dma2 semaphore(%run_scoped3A : memref<!tpu.dma_semaphore, #tpu.memory_space<semaphore_mem>>) src(%arg7 : memref<48xi32, #tpu.memory_space<hbm>>) dst(%arg11 : memref<48xi32, #tpu.memory_space<vmem>>)
      tpu.yield
    }) : () -> ()
    "tpu.region"() ({
      %run_scoped3A = tpu.sem_alloc : memref<!tpu.dma_semaphore, #tpu.memory_space<semaphore_mem>>
      tpu.enqueue_dma source(%arg8 : memref<48xi32, #tpu.memory_space<hbm>>) target(%arg12 : memref<48xi32, #tpu.memory_space<vmem>>) target_semaphore(%run_scoped3A : memref<!tpu.dma_semaphore, #tpu.memory_space<semaphore_mem>>)
      tpu.wait_dma2 semaphore(%run_scoped3A : memref<!tpu.dma_semaphore, #tpu.memory_space<semaphore_mem>>) src(%arg8 : memref<48xi32, #tpu.memory_space<hbm>>) dst(%arg12 : memref<48xi32, #tpu.memory_space<vmem>>)
      tpu.yield
    }) : () -> ()
    %get3A = arith.index_cast %add3A : i32 to index
    %get3A_1 = tpu.vector_load %arg11[%get3A] {strides = array<i32>} : memref<48xi32, #tpu.memory_space<vmem>>, vector<16xi32>,
    %get3A_2 = vector.shape_cast %get3A_1 : vector<16xi32> to vector<16xi32>
    %slice3A = vector.extract_strided_slice %get3A_2 {offsets = [0], sizes = [1], strides = [1]} : vector<16xi32> to vector<1xi32>
    %squeeze3A = vector.extract %slice3A[0] : i32 from vector<1xi32>
    %get3A_3 = arith.index_cast %add3A : i32 to index
    %get3A_4 = tpu.vector_load %arg12[%get3A_3] {strides = array<i32>} : memref<48xi32, #tpu.memory_space<vmem>>, vector<16xi32>,
    %get3A_5 = vector.shape_cast %get3A_4 : vector<16xi32> to vector<16xi32>
    %slice3A_6 = vector.extract_strided_slice %get3A_5 {offsets = [0], sizes = [1], strides = [1]} : vector<16xi32> to vector<1xi32>
    %squeeze3A_7 = vector.extract %slice3A_6[0] : i32 from vector<1xi32>
    %while3A = arith.constant 0 : i32
    %while3A_8 = arith.constant 0 : i32
    %while3A_9 = arith.subi %squeeze3A_7, %while3A_8 : i32
    %while3A_10 = arith.addi %while3A_8, %while3A_9 : i32
    %while3A_11 = arith.constant 1 : i32
    %while3A_12 = arith.divsi %while3A_9, %while3A_11 : i32
    %while3A_13 = arith.muli %while3A_12, %while3A_11 : i32
    %while3A_14 = arith.addi %while3A_8, %while3A_13 : i32
    %while3A_15 = arith.constant 1 : i32
    scf.for %while3A_19 = %while3A_8 to %while3A_14 step %while3A_15  : i32 {
      %mul3A_20 = arith.constant 128 : i32
      %mul3A_21 = arith.muli %while3A_19, %mul3A_20 : i32
      %add3A_22 = arith.addi %squeeze3A, %mul3A_21 : i32
      %multiple_of3A_23 = tpu.assume_multiple %add3A_22, 128 : i32
      "tpu.region"() ({
        %run_scoped3A = tpu.sem_alloc : memref<!tpu.dma_semaphore, #tpu.memory_space<semaphore_mem>>
        %dma_start3A_39 = tpu.memref_slice %arg4[%multiple_of3A_23] : memref<334080xi32, #tpu.memory_space<hbm>> -> memref<128xi32, #tpu.memory_space<hbm>>
        %dma_start3A_40 = tpu.memref_slice %arg4[%multiple_of3A_23] : memref<334080xi32, #tpu.memory_space<hbm>> -> memref<128xi32, #tpu.memory_space<hbm>>
        tpu.enqueue_dma source(%dma_start3A_40 : memref<128xi32, #tpu.memory_space<hbm>>) target(%arg13 : memref<128xi32, #tpu.memory_space<vmem>>) target_semaphore(%run_scoped3A : memref<!tpu.dma_semaphore, #tpu.memory_space<semaphore_mem>>)
        %dma_wait3A_41 = tpu.memref_slice %arg4[%multiple_of3A_23] : memref<334080xi32, #tpu.memory_space<hbm>> -> memref<128xi32, #tpu.memory_space<hbm>>
        %dma_wait3A_42 = tpu.memref_slice %arg4[%multiple_of3A_23] : memref<334080xi32, #tpu.memory_space<hbm>> -> memref<128xi32, #tpu.memory_space<hbm>>
        tpu.wait_dma2 semaphore(%run_scoped3A : memref<!tpu.dma_semaphore, #tpu.memory_space<semaphore_mem>>) src(%dma_wait3A_42 : memref<128xi32, #tpu.memory_space<hbm>>) dst(%arg13 : memref<128xi32, #tpu.memory_space<vmem>>)
        tpu.yield
      }) : () -> ()
      "tpu.region"() ({
        %run_scoped3A = tpu.sem_alloc : memref<!tpu.dma_semaphore, #tpu.memory_space<semaphore_mem>>
        %dma_start3A_39 = arith.constant 0 : i32
        %dma_start3A_40 = tpu.memref_slice %arg14[%dma_start3A_39] : memref<144xi32, #tpu.memory_space<vmem>> -> memref<128xi32, #tpu.memory_space<vmem>>
        %dma_start3A_41 = tpu.memref_slice %arg5[%multiple_of3A_23] : memref<334080xi32, #tpu.memory_space<hbm>> -> memref<128xi32, #tpu.memory_space<hbm>>
        %dma_start3A_42 = arith.constant 0 : i32
        %dma_start3A_43 = tpu.memref_slice %arg14[%dma_start3A_42] : memref<144xi32, #tpu.memory_space<vmem>> -> memref<128xi32, #tpu.memory_space<vmem>>
        %dma_start3A_44 = tpu.memref_slice %arg5[%multiple_of3A_23] : memref<334080xi32, #tpu.memory_space<hbm>> -> memref<128xi32, #tpu.memory_space<hbm>>
        tpu.enqueue_dma source(%dma_start3A_44 : memref<128xi32, #tpu.memory_space<hbm>>) target(%dma_start3A_43 : memref<128xi32, #tpu.memory_space<vmem>>) target_semaphore(%run_scoped3A : memref<!tpu.dma_semaphore, #tpu.memory_space<semaphore_mem>>)
        %dma_wait3A_45 = arith.constant 0 : i32
        %dma_wait3A_46 = tpu.memref_slice %arg14[%dma_wait3A_45] : memref<144xi32, #tpu.memory_space<vmem>> -> memref<128xi32, #tpu.memory_space<vmem>>
        %dma_wait3A_47 = tpu.memref_slice %arg5[%multiple_of3A_23] : memref<334080xi32, #tpu.memory_space<hbm>> -> memref<128xi32, #tpu.memory_space<hbm>>
        %dma_wait3A_48 = arith.constant 0 : i32
        %dma_wait3A_49 = tpu.memref_slice %arg14[%dma_wait3A_48] : memref<144xi32, #tpu.memory_space<vmem>> -> memref<128xi32, #tpu.memory_space<vmem>>
        %dma_wait3A_50 = tpu.memref_slice %arg5[%multiple_of3A_23] : memref<334080xi32, #tpu.memory_space<hbm>> -> memref<128xi32, #tpu.memory_space<hbm>>
        tpu.wait_dma2 semaphore(%run_scoped3A : memref<!tpu.dma_semaphore, #tpu.memory_space<semaphore_mem>>) src(%dma_wait3A_50 : memref<128xi32, #tpu.memory_space<hbm>>) dst(%dma_wait3A_49 : memref<128xi32, #tpu.memory_space<vmem>>)
        tpu.yield
      }) : () -> ()
      "tpu.region"() ({
        %run_scoped3A = tpu.sem_alloc : memref<!tpu.dma_semaphore, #tpu.memory_space<semaphore_mem>>
        %dma_start3A_39 = tpu.memref_slice %arg6[%multiple_of3A_23] : memref<334080xi32, #tpu.memory_space<hbm>> -> memref<128xi32, #tpu.memory_space<hbm>>
        %dma_start3A_40 = tpu.memref_slice %arg6[%multiple_of3A_23] : memref<334080xi32, #tpu.memory_space<hbm>> -> memref<128xi32, #tpu.memory_space<hbm>>
        tpu.enqueue_dma source(%dma_start3A_40 : memref<128xi32, #tpu.memory_space<hbm>>) target(%arg15 : memref<128xi32, #tpu.memory_space<vmem>>) target_semaphore(%run_scoped3A : memref<!tpu.dma_semaphore, #tpu.memory_space<semaphore_mem>>)
        %dma_wait3A_41 = tpu.memref_slice %arg6[%multiple_of3A_23] : memref<334080xi32, #tpu.memory_space<hbm>> -> memref<128xi32, #tpu.memory_space<hbm>>
        %dma_wait3A_42 = tpu.memref_slice %arg6[%multiple_of3A_23] : memref<334080xi32, #tpu.memory_space<hbm>> -> memref<128xi32, #tpu.memory_space<hbm>>
        tpu.wait_dma2 semaphore(%run_scoped3A : memref<!tpu.dma_semaphore, #tpu.memory_space<semaphore_mem>>) src(%dma_wait3A_42 : memref<128xi32, #tpu.memory_space<hbm>>) dst(%arg15 : memref<128xi32, #tpu.memory_space<vmem>>)
        tpu.yield
      }) : () -> ()
      %dma_start3A = arith.constant 0 : i32
      %dma_start3A_24 = arith.constant 0 : i32
      %dma_start3A_25 = tpu.memref_slice %arg2[%dma_start3A, %dma_start3A_24] : memref<10000x128xf32, #tpu.memory_space<hbm>> -> memref<10000x128xf32, #tpu.memory_space<hbm>>
      tpu.enqueue_indirect_dma source(%dma_start3A_25 : memref<10000x128xf32, #tpu.memory_space<hbm>>) target(%arg16 : memref<128x128xf32, #tpu.memory_space<vmem>>) offsets(%arg13 : memref<128xi32, #tpu.memory_space<vmem>>) semaphore(%arg19 : memref<!tpu.dma_semaphore, #tpu.memory_space<semaphore_mem>>)
      %dma_start3A_26 = arith.constant 0 : i32
      %dma_start3A_27 = arith.constant 0 : i32
      %dma_start3A_28 = tpu.memref_slice %arg3[%dma_start3A_26, %dma_start3A_27] : memref<16x128xf32, #tpu.memory_space<hbm>> -> memref<16x128xf32, #tpu.memory_space<hbm>>
      tpu.enqueue_indirect_dma source(%dma_start3A_28 : memref<16x128xf32, #tpu.memory_space<hbm>>) target(%arg17 : memref<128x128xf32, #tpu.memory_space<vmem>>) offsets(%arg15 : memref<128xi32, #tpu.memory_space<vmem>>) semaphore(%arg20 : memref<!tpu.dma_semaphore, #tpu.memory_space<semaphore_mem>>)
      %dma_wait3A = arith.constant 0 : i32
      %dma_wait3A_29 = arith.constant 0 : i32
      %dma_wait3A_30 = tpu.memref_slice %arg2[%dma_wait3A, %dma_wait3A_29] : memref<10000x128xf32, #tpu.memory_space<hbm>> -> memref<10000x128xf32, #tpu.memory_space<hbm>>
      tpu.wait_indirect_dma semaphore(%arg19 : memref<!tpu.dma_semaphore, #tpu.memory_space<semaphore_mem>>) src(%dma_wait3A_30 : memref<10000x128xf32, #tpu.memory_space<hbm>>) dst(%arg16 : memref<128x128xf32, #tpu.memory_space<vmem>>)
      %dma_wait3A_31 = arith.constant 0 : i32
      %dma_wait3A_32 = arith.constant 0 : i32
      %dma_wait3A_33 = tpu.memref_slice %arg3[%dma_wait3A_31, %dma_wait3A_32] : memref<16x128xf32, #tpu.memory_space<hbm>> -> memref<16x128xf32, #tpu.memory_space<hbm>>
      tpu.wait_indirect_dma semaphore(%arg20 : memref<!tpu.dma_semaphore, #tpu.memory_space<semaphore_mem>>) src(%dma_wait3A_33 : memref<16x128xf32, #tpu.memory_space<hbm>>) dst(%arg17 : memref<128x128xf32, #tpu.memory_space<vmem>>)
      %scan3A = arith.constant 0 : i32
      %scan3A_34 = arith.constant 0 : i32
      %scan3A_35 = arith.constant 128 : i32
      %scan3A_36 = arith.addi %scan3A_34, %scan3A_35 : i32
      %scan3A_37 = arith.constant 1 : i32
      scf.for %scan3A_39 = %scan3A_34 to %scan3A_36 step %scan3A_37  : i32 {
        %get3A_40 = arith.index_cast %scan3A_39 : i32 to index
        %get3A_41 = tpu.vector_load %arg14[%get3A_40] {strides = array<i32>} : memref<144xi32, #tpu.memory_space<vmem>>, vector<16xi32>,
        %get3A_42 = vector.shape_cast %get3A_41 : vector<16xi32> to vector<16xi32>
        %slice3A_43 = vector.extract_strided_slice %get3A_42 {offsets = [0], sizes = [1], strides = [1]} : vector<16xi32> to vector<1xi32>
        %squeeze3A_44 = vector.extract %slice3A_43[0] : i32 from vector<1xi32>
        %get3A_45 = arith.index_cast %squeeze3A_44 : i32 to index
        %get3A_46 = arith.constant 0 : index
        %get3A_47 = tpu.vector_load %arg18[%get3A_45, %get3A_46] {strides = array<i32>} : memref<328x128xf32, #tpu.memory_space<vmem>>, vector<1x16xf32>,
        %get3A_48 = vector.shape_cast %get3A_47 : vector<1x16xf32> to vector<16xf32>
        %get3A_49 = arith.index_cast %scan3A_39 : i32 to index
        %get3A_50 = arith.constant 0 : index
        %get3A_51 = tpu.vector_load %arg16[%get3A_49, %get3A_50] {strides = array<i32>} : memref<128x128xf32, #tpu.memory_space<vmem>>, vector<1x16xf32>,
        %get3A_52 = vector.shape_cast %get3A_51 : vector<1x16xf32> to vector<16xf32>
        %get3A_53 = arith.index_cast %scan3A_39 : i32 to index
        %get3A_54 = arith.constant 0 : index
        %get3A_55 = tpu.vector_load %arg17[%get3A_53, %get3A_54] {strides = array<i32>} : memref<128x128xf32, #tpu.memory_space<vmem>>, vector<1x16xf32>,
        %get3A_56 = vector.shape_cast %get3A_55 : vector<1x16xf32> to vector<16xf32>
        %add3A_57 = arith.addf %get3A_52, %get3A_56 : vector<16xf32>
        %add3A_58 = arith.addf %get3A_48, %add3A_57 : vector<16xf32>
        %swap3A = arith.index_cast %squeeze3A_44 : i32 to index
        %swap3A_59 = arith.constant 0 : index
        %swap3A_60 = tpu.vector_load %arg18[%swap3A, %swap3A_59] {strides = array<i32>} : memref<328x128xf32, #tpu.memory_space<vmem>>, vector<1x16xf32>,
        %swap3A_61 = vector.shape_cast %swap3A_60 : vector<1x16xf32> to vector<16xf32>
        %swap3A_62 = vector.shape_cast %add3A_58 : vector<16xf32> to vector<1x16xf32>
        tpu.vector_store %arg18[%swap3A, %swap3A_59], %swap3A_62 {strides = array<i32>} : memref<328x128xf32, #tpu.memory_space<vmem>>, vector<1x16xf32>,
        %get3A_63 = arith.index_cast %squeeze3A_44 : i32 to index
        %get3A_64 = arith.constant 16 : index
        %get3A_65 = tpu.vector_load %arg18[%get3A_63, %get3A_64] {strides = array<i32>} : memref<328x128xf32, #tpu.memory_space<vmem>>, vector<1x16xf32>,
        %get3A_66 = vector.shape_cast %get3A_65 : vector<1x16xf32> to vector<16xf32>
        %get3A_67 = arith.index_cast %scan3A_39 : i32 to index
        %get3A_68 = arith.constant 16 : index
        %get3A_69 = tpu.vector_load %arg16[%get3A_67, %get3A_68] {strides = array<i32>} : memref<128x128xf32, #tpu.memory_space<vmem>>, vector<1x16xf32>,
        %get3A_70 = vector.shape_cast %get3A_69 : vector<1x16xf32> to vector<16xf32>
        %get3A_71 = arith.index_cast %scan3A_39 : i32 to index
        %get3A_72 = arith.constant 16 : index
        %get3A_73 = tpu.vector_load %arg17[%get3A_71, %get3A_72] {strides = array<i32>} : memref<128x128xf32, #tpu.memory_space<vmem>>, vector<1x16xf32>,
        %get3A_74 = vector.shape_cast %get3A_73 : vector<1x16xf32> to vector<16xf32>
        %add3A_75 = arith.addf %get3A_70, %get3A_74 : vector<16xf32>
        %add3A_76 = arith.addf %get3A_66, %add3A_75 : vector<16xf32>
        %swap3A_77 = arith.index_cast %squeeze3A_44 : i32 to index
        %swap3A_78 = arith.constant 16 : index
        %swap3A_79 = tpu.vector_load %arg18[%swap3A_77, %swap3A_78] {strides = array<i32>} : memref<328x128xf32, #tpu.memory_space<vmem>>, vector<1x16xf32>,
        %swap3A_80 = vector.shape_cast %swap3A_79 : vector<1x16xf32> to vector<16xf32>
        %swap3A_81 = vector.shape_cast %add3A_76 : vector<16xf32> to vector<1x16xf32>
        tpu.vector_store %arg18[%swap3A_77, %swap3A_78], %swap3A_81 {strides = array<i32>} : memref<328x128xf32, #tpu.memory_space<vmem>>, vector<1x16xf32>,
        %get3A_82 = arith.index_cast %squeeze3A_44 : i32 to index
        %get3A_83 = arith.constant 32 : index
        %get3A_84 = tpu.vector_load %arg18[%get3A_82, %get3A_83] {strides = array<i32>} : memref<328x128xf32, #tpu.memory_space<vmem>>, vector<1x16xf32>,
        %get3A_85 = vector.shape_cast %get3A_84 : vector<1x16xf32> to vector<16xf32>
        %get3A_86 = arith.index_cast %scan3A_39 : i32 to index
        %get3A_87 = arith.constant 32 : index
        %get3A_88 = tpu.vector_load %arg16[%get3A_86, %get3A_87] {strides = array<i32>} : memref<128x128xf32, #tpu.memory_space<vmem>>, vector<1x16xf32>,
        %get3A_89 = vector.shape_cast %get3A_88 : vector<1x16xf32> to vector<16xf32>
        %get3A_90 = arith.index_cast %scan3A_39 : i32 to index
        %get3A_91 = arith.constant 32 : index
        %get3A_92 = tpu.vector_load %arg17[%get3A_90, %get3A_91] {strides = array<i32>} : memref<128x128xf32, #tpu.memory_space<vmem>>, vector<1x16xf32>,
        %get3A_93 = vector.shape_cast %get3A_92 : vector<1x16xf32> to vector<16xf32>
        %add3A_94 = arith.addf %get3A_89, %get3A_93 : vector<16xf32>
        %add3A_95 = arith.addf %get3A_85, %add3A_94 : vector<16xf32>
        %swap3A_96 = arith.index_cast %squeeze3A_44 : i32 to index
        %swap3A_97 = arith.constant 32 : index
        %swap3A_98 = tpu.vector_load %arg18[%swap3A_96, %swap3A_97] {strides = array<i32>} : memref<328x128xf32, #tpu.memory_space<vmem>>, vector<1x16xf32>,
        %swap3A_99 = vector.shape_cast %swap3A_98 : vector<1x16xf32> to vector<16xf32>
        %swap3A_100 = vector.shape_cast %add3A_95 : vector<16xf32> to vector<1x16xf32>
        tpu.vector_store %arg18[%swap3A_96, %swap3A_97], %swap3A_100 {strides = array<i32>} : memref<328x128xf32, #tpu.memory_space<vmem>>, vector<1x16xf32>,
        %get3A_101 = arith.index_cast %squeeze3A_44 : i32 to index
        %get3A_102 = arith.constant 48 : index
        %get3A_103 = tpu.vector_load %arg18[%get3A_101, %get3A_102] {strides = array<i32>} : memref<328x128xf32, #tpu.memory_space<vmem>>, vector<1x16xf32>,
        %get3A_104 = vector.shape_cast %get3A_103 : vector<1x16xf32> to vector<16xf32>
        %get3A_105 = arith.index_cast %scan3A_39 : i32 to index
        %get3A_106 = arith.constant 48 : index
        %get3A_107 = tpu.vector_load %arg16[%get3A_105, %get3A_106] {strides = array<i32>} : memref<128x128xf32, #tpu.memory_space<vmem>>, vector<1x16xf32>,
        %get3A_108 = vector.shape_cast %get3A_107 : vector<1x16xf32> to vector<16xf32>
        %get3A_109 = arith.index_cast %scan3A_39 : i32 to index
        %get3A_110 = arith.constant 48 : index
        %get3A_111 = tpu.vector_load %arg17[%get3A_109, %get3A_110] {strides = array<i32>} : memref<128x128xf32, #tpu.memory_space<vmem>>, vector<1x16xf32>,
        %get3A_112 = vector.shape_cast %get3A_111 : vector<1x16xf32> to vector<16xf32>
        %add3A_113 = arith.addf %get3A_108, %get3A_112 : vector<16xf32>
        %add3A_114 = arith.addf %get3A_104, %add3A_113 : vector<16xf32>
        %swap3A_115 = arith.index_cast %squeeze3A_44 : i32 to index
        %swap3A_116 = arith.constant 48 : index
        %swap3A_117 = tpu.vector_load %arg18[%swap3A_115, %swap3A_116] {strides = array<i32>} : memref<328x128xf32, #tpu.memory_space<vmem>>, vector<1x16xf32>,
        %swap3A_118 = vector.shape_cast %swap3A_117 : vector<1x16xf32> to vector<16xf32>
        %swap3A_119 = vector.shape_cast %add3A_114 : vector<16xf32> to vector<1x16xf32>
        tpu.vector_store %arg18[%swap3A_115, %swap3A_116], %swap3A_119 {strides = array<i32>} : memref<328x128xf32, #tpu.memory_space<vmem>>, vector<1x16xf32>,
        %get3A_120 = arith.index_cast %squeeze3A_44 : i32 to index
        %get3A_121 = arith.constant 64 : index
        %get3A_122 = tpu.vector_load %arg18[%get3A_120, %get3A_121] {strides = array<i32>} : memref<328x128xf32, #tpu.memory_space<vmem>>, vector<1x16xf32>,
        %get3A_123 = vector.shape_cast %get3A_122 : vector<1x16xf32> to vector<16xf32>
        %get3A_124 = arith.index_cast %scan3A_39 : i32 to index
        %get3A_125 = arith.constant 64 : index
        %get3A_126 = tpu.vector_load %arg16[%get3A_124, %get3A_125] {strides = array<i32>} : memref<128x128xf32, #tpu.memory_space<vmem>>, vector<1x16xf32>,
        %get3A_127 = vector.shape_cast %get3A_126 : vector<1x16xf32> to vector<16xf32>
        %get3A_128 = arith.index_cast %scan3A_39 : i32 to index
        %get3A_129 = arith.constant 64 : index
        %get3A_130 = tpu.vector_load %arg17[%get3A_128, %get3A_129] {strides = array<i32>} : memref<128x128xf32, #tpu.memory_space<vmem>>, vector<1x16xf32>,
        %get3A_131 = vector.shape_cast %get3A_130 : vector<1x16xf32> to vector<16xf32>
        %add3A_132 = arith.addf %get3A_127, %get3A_131 : vector<16xf32>
        %add3A_133 = arith.addf %get3A_123, %add3A_132 : vector<16xf32>
        %swap3A_134 = arith.index_cast %squeeze3A_44 : i32 to index
        %swap3A_135 = arith.constant 64 : index
        %swap3A_136 = tpu.vector_load %arg18[%swap3A_134, %swap3A_135] {strides = array<i32>} : memref<328x128xf32, #tpu.memory_space<vmem>>, vector<1x16xf32>,
        %swap3A_137 = vector.shape_cast %swap3A_136 : vector<1x16xf32> to vector<16xf32>
        %swap3A_138 = vector.shape_cast %add3A_133 : vector<16xf32> to vector<1x16xf32>
        tpu.vector_store %arg18[%swap3A_134, %swap3A_135], %swap3A_138 {strides = array<i32>} : memref<328x128xf32, #tpu.memory_space<vmem>>, vector<1x16xf32>,
        %get3A_139 = arith.index_cast %squeeze3A_44 : i32 to index
        %get3A_140 = arith.constant 80 : index
        %get3A_141 = tpu.vector_load %arg18[%get3A_139, %get3A_140] {strides = array<i32>} : memref<328x128xf32, #tpu.memory_space<vmem>>, vector<1x16xf32>,
        %get3A_142 = vector.shape_cast %get3A_141 : vector<1x16xf32> to vector<16xf32>
        %get3A_143 = arith.index_cast %scan3A_39 : i32 to index
        %get3A_144 = arith.constant 80 : index
        %get3A_145 = tpu.vector_load %arg16[%get3A_143, %get3A_144] {strides = array<i32>} : memref<128x128xf32, #tpu.memory_space<vmem>>, vector<1x16xf32>,
        %get3A_146 = vector.shape_cast %get3A_145 : vector<1x16xf32> to vector<16xf32>
        %get3A_147 = arith.index_cast %scan3A_39 : i32 to index
        %get3A_148 = arith.constant 80 : index
        %get3A_149 = tpu.vector_load %arg17[%get3A_147, %get3A_148] {strides = array<i32>} : memref<128x128xf32, #tpu.memory_space<vmem>>, vector<1x16xf32>,
        %get3A_150 = vector.shape_cast %get3A_149 : vector<1x16xf32> to vector<16xf32>
        %add3A_151 = arith.addf %get3A_146, %get3A_150 : vector<16xf32>
        %add3A_152 = arith.addf %get3A_142, %add3A_151 : vector<16xf32>
        %swap3A_153 = arith.index_cast %squeeze3A_44 : i32 to index
        %swap3A_154 = arith.constant 80 : index
        %swap3A_155 = tpu.vector_load %arg18[%swap3A_153, %swap3A_154] {strides = array<i32>} : memref<328x128xf32, #tpu.memory_space<vmem>>, vector<1x16xf32>,
        %swap3A_156 = vector.shape_cast %swap3A_155 : vector<1x16xf32> to vector<16xf32>
        %swap3A_157 = vector.shape_cast %add3A_152 : vector<16xf32> to vector<1x16xf32>
        tpu.vector_store %arg18[%swap3A_153, %swap3A_154], %swap3A_157 {strides = array<i32>} : memref<328x128xf32, #tpu.memory_space<vmem>>, vector<1x16xf32>,
        %get3A_158 = arith.index_cast %squeeze3A_44 : i32 to index
        %get3A_159 = arith.constant 96 : index
        %get3A_160 = tpu.vector_load %arg18[%get3A_158, %get3A_159] {strides = array<i32>} : memref<328x128xf32, #tpu.memory_space<vmem>>, vector<1x16xf32>,
        %get3A_161 = vector.shape_cast %get3A_160 : vector<1x16xf32> to vector<16xf32>
        %get3A_162 = arith.index_cast %scan3A_39 : i32 to index
        %get3A_163 = arith.constant 96 : index
        %get3A_164 = tpu.vector_load %arg16[%get3A_162, %get3A_163] {strides = array<i32>} : memref<128x128xf32, #tpu.memory_space<vmem>>, vector<1x16xf32>,
        %get3A_165 = vector.shape_cast %get3A_164 : vector<1x16xf32> to vector<16xf32>
        %get3A_166 = arith.index_cast %scan3A_39 : i32 to index
        %get3A_167 = arith.constant 96 : index
        %get3A_168 = tpu.vector_load %arg17[%get3A_166, %get3A_167] {strides = array<i32>} : memref<128x128xf32, #tpu.memory_space<vmem>>, vector<1x16xf32>,
        %get3A_169 = vector.shape_cast %get3A_168 : vector<1x16xf32> to vector<16xf32>
        %add3A_170 = arith.addf %get3A_165, %get3A_169 : vector<16xf32>
        %add3A_171 = arith.addf %get3A_161, %add3A_170 : vector<16xf32>
        %swap3A_172 = arith.index_cast %squeeze3A_44 : i32 to index
        %swap3A_173 = arith.constant 96 : index
        %swap3A_174 = tpu.vector_load %arg18[%swap3A_172, %swap3A_173] {strides = array<i32>} : memref<328x128xf32, #tpu.memory_space<vmem>>, vector<1x16xf32>,
        %swap3A_175 = vector.shape_cast %swap3A_174 : vector<1x16xf32> to vector<16xf32>
        %swap3A_176 = vector.shape_cast %add3A_171 : vector<16xf32> to vector<1x16xf32>
        tpu.vector_store %arg18[%swap3A_172, %swap3A_173], %swap3A_176 {strides = array<i32>} : memref<328x128xf32, #tpu.memory_space<vmem>>, vector<1x16xf32>,
        %get3A_177 = arith.index_cast %squeeze3A_44 : i32 to index
        %get3A_178 = arith.constant 112 : index
        %get3A_179 = tpu.vector_load %arg18[%get3A_177, %get3A_178] {strides = array<i32>} : memref<328x128xf32, #tpu.memory_space<vmem>>, vector<1x16xf32>,
        %get3A_180 = vector.shape_cast %get3A_179 : vector<1x16xf32> to vector<16xf32>
        %get3A_181 = arith.index_cast %scan3A_39 : i32 to index
        %get3A_182 = arith.constant 112 : index
        %get3A_183 = tpu.vector_load %arg16[%get3A_181, %get3A_182] {strides = array<i32>} : memref<128x128xf32, #tpu.memory_space<vmem>>, vector<1x16xf32>,
        %get3A_184 = vector.shape_cast %get3A_183 : vector<1x16xf32> to vector<16xf32>
        %get3A_185 = arith.index_cast %scan3A_39 : i32 to index
        %get3A_186 = arith.constant 112 : index
        %get3A_187 = tpu.vector_load %arg17[%get3A_185, %get3A_186] {strides = array<i32>} : memref<128x128xf32, #tpu.memory_space<vmem>>, vector<1x16xf32>,
        %get3A_188 = vector.shape_cast %get3A_187 : vector<1x16xf32> to vector<16xf32>
        %add3A_189 = arith.addf %get3A_184, %get3A_188 : vector<16xf32>
        %add3A_190 = arith.addf %get3A_180, %add3A_189 : vector<16xf32>
        %swap3A_191 = arith.index_cast %squeeze3A_44 : i32 to index
        %swap3A_192 = arith.constant 112 : index
        %swap3A_193 = tpu.vector_load %arg18[%swap3A_191, %swap3A_192] {strides = array<i32>} : memref<328x128xf32, #tpu.memory_space<vmem>>, vector<1x16xf32>,
        %swap3A_194 = vector.shape_cast %swap3A_193 : vector<1x16xf32> to vector<16xf32>
        %swap3A_195 = vector.shape_cast %add3A_190 : vector<16xf32> to vector<1x16xf32>
        tpu.vector_store %arg18[%swap3A_191, %swap3A_192], %swap3A_195 {strides = array<i32>} : memref<328x128xf32, #tpu.memory_space<vmem>>, vector<1x16xf32>,
      }
      %scan3A_38 = arith.constant 128 : i32
    }
    %while3A_16 = arith.constant 1 : i32
    scf.for %while3A_19 = %while3A_14 to %while3A_10 step %while3A_16  : i32 {
      %mul3A_20 = arith.constant 128 : i32
      %mul3A_21 = arith.muli %while3A_19, %mul3A_20 : i32
      %add3A_22 = arith.addi %squeeze3A, %mul3A_21 : i32
      %multiple_of3A_23 = tpu.assume_multiple %add3A_22, 128 : i32
      "tpu.region"() ({
        %run_scoped3A = tpu.sem_alloc : memref<!tpu.dma_semaphore, #tpu.memory_space<semaphore_mem>>
        %dma_start3A_39 = tpu.memref_slice %arg4[%multiple_of3A_23] : memref<334080xi32, #tpu.memory_space<hbm>> -> memref<128xi32, #tpu.memory_space<hbm>>
        %dma_start3A_40 = tpu.memref_slice %arg4[%multiple_of3A_23] : memref<334080xi32, #tpu.memory_space<hbm>> -> memref<128xi32, #tpu.memory_space<hbm>>
        tpu.enqueue_dma source(%dma_start3A_40 : memref<128xi32, #tpu.memory_space<hbm>>) target(%arg13 : memref<128xi32, #tpu.memory_space<vmem>>) target_semaphore(%run_scoped3A : memref<!tpu.dma_semaphore, #tpu.memory_space<semaphore_mem>>)
        %dma_wait3A_41 = tpu.memref_slice %arg4[%multiple_of3A_23] : memref<334080xi32, #tpu.memory_space<hbm>> -> memref<128xi32, #tpu.memory_space<hbm>>
        %dma_wait3A_42 = tpu.memref_slice %arg4[%multiple_of3A_23] : memref<334080xi32, #tpu.memory_space<hbm>> -> memref<128xi32, #tpu.memory_space<hbm>>
        tpu.wait_dma2 semaphore(%run_scoped3A : memref<!tpu.dma_semaphore, #tpu.memory_space<semaphore_mem>>) src(%dma_wait3A_42 : memref<128xi32, #tpu.memory_space<hbm>>) dst(%arg13 : memref<128xi32, #tpu.memory_space<vmem>>)
        tpu.yield
      }) : () -> ()
      "tpu.region"() ({
        %run_scoped3A = tpu.sem_alloc : memref<!tpu.dma_semaphore, #tpu.memory_space<semaphore_mem>>
        %dma_start3A_39 = arith.constant 0 : i32
        %dma_start3A_40 = tpu.memref_slice %arg14[%dma_start3A_39] : memref<144xi32, #tpu.memory_space<vmem>> -> memref<128xi32, #tpu.memory_space<vmem>>
        %dma_start3A_41 = tpu.memref_slice %arg5[%multiple_of3A_23] : memref<334080xi32, #tpu.memory_space<hbm>> -> memref<128xi32, #tpu.memory_space<hbm>>
        %dma_start3A_42 = arith.constant 0 : i32
        %dma_start3A_43 = tpu.memref_slice %arg14[%dma_start3A_42] : memref<144xi32, #tpu.memory_space<vmem>> -> memref<128xi32, #tpu.memory_space<vmem>>
        %dma_start3A_44 = tpu.memref_slice %arg5[%multiple_of3A_23] : memref<334080xi32, #tpu.memory_space<hbm>> -> memref<128xi32, #tpu.memory_space<hbm>>
        tpu.enqueue_dma source(%dma_start3A_44 : memref<128xi32, #tpu.memory_space<hbm>>) target(%dma_start3A_43 : memref<128xi32, #tpu.memory_space<vmem>>) target_semaphore(%run_scoped3A : memref<!tpu.dma_semaphore, #tpu.memory_space<semaphore_mem>>)
        %dma_wait3A_45 = arith.constant 0 : i32
        %dma_wait3A_46 = tpu.memref_slice %arg14[%dma_wait3A_45] : memref<144xi32, #tpu.memory_space<vmem>> -> memref<128xi32, #tpu.memory_space<vmem>>
        %dma_wait3A_47 = tpu.memref_slice %arg5[%multiple_of3A_23] : memref<334080xi32, #tpu.memory_space<hbm>> -> memref<128xi32, #tpu.memory_space<hbm>>
        %dma_wait3A_48 = arith.constant 0 : i32
        %dma_wait3A_49 = tpu.memref_slice %arg14[%dma_wait3A_48] : memref<144xi32, #tpu.memory_space<vmem>> -> memref<128xi32, #tpu.memory_space<vmem>>
        %dma_wait3A_50 = tpu.memref_slice %arg5[%multiple_of3A_23] : memref<334080xi32, #tpu.memory_space<hbm>> -> memref<128xi32, #tpu.memory_space<hbm>>
        tpu.wait_dma2 semaphore(%run_scoped3A : memref<!tpu.dma_semaphore, #tpu.memory_space<semaphore_mem>>) src(%dma_wait3A_50 : memref<128xi32, #tpu.memory_space<hbm>>) dst(%dma_wait3A_49 : memref<128xi32, #tpu.memory_space<vmem>>)
        tpu.yield
      }) : () -> ()
      "tpu.region"() ({
        %run_scoped3A = tpu.sem_alloc : memref<!tpu.dma_semaphore, #tpu.memory_space<semaphore_mem>>
        %dma_start3A_39 = tpu.memref_slice %arg6[%multiple_of3A_23] : memref<334080xi32, #tpu.memory_space<hbm>> -> memref<128xi32, #tpu.memory_space<hbm>>
        %dma_start3A_40 = tpu.memref_slice %arg6[%multiple_of3A_23] : memref<334080xi32, #tpu.memory_space<hbm>> -> memref<128xi32, #tpu.memory_space<hbm>>
        tpu.enqueue_dma source(%dma_start3A_40 : memref<128xi32, #tpu.memory_space<hbm>>) target(%arg15 : memref<128xi32, #tpu.memory_space<vmem>>) target_semaphore(%run_scoped3A : memref<!tpu.dma_semaphore, #tpu.memory_space<semaphore_mem>>)
        %dma_wait3A_41 = tpu.memref_slice %arg6[%multiple_of3A_23] : memref<334080xi32, #tpu.memory_space<hbm>> -> memref<128xi32, #tpu.memory_space<hbm>>
        %dma_wait3A_42 = tpu.memref_slice %arg6[%multiple_of3A_23] : memref<334080xi32, #tpu.memory_space<hbm>> -> memref<128xi32, #tpu.memory_space<hbm>>
        tpu.wait_dma2 semaphore(%run_scoped3A : memref<!tpu.dma_semaphore, #tpu.memory_space<semaphore_mem>>) src(%dma_wait3A_42 : memref<128xi32, #tpu.memory_space<hbm>>) dst(%arg15 : memref<128xi32, #tpu.memory_space<vmem>>)
        tpu.yield
      }) : () -> ()
      %dma_start3A = arith.constant 0 : i32
      %dma_start3A_24 = arith.constant 0 : i32
      %dma_start3A_25 = tpu.memref_slice %arg2[%dma_start3A, %dma_start3A_24] : memref<10000x128xf32, #tpu.memory_space<hbm>> -> memref<10000x128xf32, #tpu.memory_space<hbm>>
      tpu.enqueue_indirect_dma source(%dma_start3A_25 : memref<10000x128xf32, #tpu.memory_space<hbm>>) target(%arg16 : memref<128x128xf32, #tpu.memory_space<vmem>>) offsets(%arg13 : memref<128xi32, #tpu.memory_space<vmem>>) semaphore(%arg19 : memref<!tpu.dma_semaphore, #tpu.memory_space<semaphore_mem>>)
      %dma_start3A_26 = arith.constant 0 : i32
      %dma_start3A_27 = arith.constant 0 : i32
      %dma_start3A_28 = tpu.memref_slice %arg3[%dma_start3A_26, %dma_start3A_27] : memref<16x128xf32, #tpu.memory_space<hbm>> -> memref<16x128xf32, #tpu.memory_space<hbm>>
      tpu.enqueue_indirect_dma source(%dma_start3A_28 : memref<16x128xf32, #tpu.memory_space<hbm>>) target(%arg17 : memref<128x128xf32, #tpu.memory_space<vmem>>) offsets(%arg15 : memref<128xi32, #tpu.memory_space<vmem>>) semaphore(%arg20 : memref<!tpu.dma_semaphore, #tpu.memory_space<semaphore_mem>>)
      %dma_wait3A = arith.constant 0 : i32
      %dma_wait3A_29 = arith.constant 0 : i32
      %dma_wait3A_30 = tpu.memref_slice %arg2[%dma_wait3A, %dma_wait3A_29] : memref<10000x128xf32, #tpu.memory_space<hbm>> -> memref<10000x128xf32, #tpu.memory_space<hbm>>
      tpu.wait_indirect_dma semaphore(%arg19 : memref<!tpu.dma_semaphore, #tpu.memory_space<semaphore_mem>>) src(%dma_wait3A_30 : memref<10000x128xf32, #tpu.memory_space<hbm>>) dst(%arg16 : memref<128x128xf32, #tpu.memory_space<vmem>>)
      %dma_wait3A_31 = arith.constant 0 : i32
      %dma_wait3A_32 = arith.constant 0 : i32
      %dma_wait3A_33 = tpu.memref_slice %arg3[%dma_wait3A_31, %dma_wait3A_32] : memref<16x128xf32, #tpu.memory_space<hbm>> -> memref<16x128xf32, #tpu.memory_space<hbm>>
      tpu.wait_indirect_dma semaphore(%arg20 : memref<!tpu.dma_semaphore, #tpu.memory_space<semaphore_mem>>) src(%dma_wait3A_33 : memref<16x128xf32, #tpu.memory_space<hbm>>) dst(%arg17 : memref<128x128xf32, #tpu.memory_space<vmem>>)
      %scan3A = arith.constant 0 : i32
      %scan3A_34 = arith.constant 0 : i32
      %scan3A_35 = arith.constant 128 : i32
      %scan3A_36 = arith.addi %scan3A_34, %scan3A_35 : i32
      %scan3A_37 = arith.constant 1 : i32
      scf.for %scan3A_39 = %scan3A_34 to %scan3A_36 step %scan3A_37  : i32 {
        %get3A_40 = arith.index_cast %scan3A_39 : i32 to index
        %get3A_41 = tpu.vector_load %arg14[%get3A_40] {strides = array<i32>} : memref<144xi32, #tpu.memory_space<vmem>>, vector<16xi32>,
        %get3A_42 = vector.shape_cast %get3A_41 : vector<16xi32> to vector<16xi32>
        %slice3A_43 = vector.extract_strided_slice %get3A_42 {offsets = [0], sizes = [1], strides = [1]} : vector<16xi32> to vector<1xi32>
        %squeeze3A_44 = vector.extract %slice3A_43[0] : i32 from vector<1xi32>
        %get3A_45 = arith.index_cast %squeeze3A_44 : i32 to index
        %get3A_46 = arith.constant 0 : index
        %get3A_47 = tpu.vector_load %arg18[%get3A_45, %get3A_46] {strides = array<i32>} : memref<328x128xf32, #tpu.memory_space<vmem>>, vector<1x16xf32>,
        %get3A_48 = vector.shape_cast %get3A_47 : vector<1x16xf32> to vector<16xf32>
        %get3A_49 = arith.index_cast %scan3A_39 : i32 to index
        %get3A_50 = arith.constant 0 : index
        %get3A_51 = tpu.vector_load %arg16[%get3A_49, %get3A_50] {strides = array<i32>} : memref<128x128xf32, #tpu.memory_space<vmem>>, vector<1x16xf32>,
        %get3A_52 = vector.shape_cast %get3A_51 : vector<1x16xf32> to vector<16xf32>
        %get3A_53 = arith.index_cast %scan3A_39 : i32 to index
        %get3A_54 = arith.constant 0 : index
        %get3A_55 = tpu.vector_load %arg17[%get3A_53, %get3A_54] {strides = array<i32>} : memref<128x128xf32, #tpu.memory_space<vmem>>, vector<1x16xf32>,
        %get3A_56 = vector.shape_cast %get3A_55 : vector<1x16xf32> to vector<16xf32>
        %add3A_57 = arith.addf %get3A_52, %get3A_56 : vector<16xf32>
        %add3A_58 = arith.addf %get3A_48, %add3A_57 : vector<16xf32>
        %swap3A = arith.index_cast %squeeze3A_44 : i32 to index
        %swap3A_59 = arith.constant 0 : index
        %swap3A_60 = tpu.vector_load %arg18[%swap3A, %swap3A_59] {strides = array<i32>} : memref<328x128xf32, #tpu.memory_space<vmem>>, vector<1x16xf32>,
        %swap3A_61 = vector.shape_cast %swap3A_60 : vector<1x16xf32> to vector<16xf32>
        %swap3A_62 = vector.shape_cast %add3A_58 : vector<16xf32> to vector<1x16xf32>
        tpu.vector_store %arg18[%swap3A, %swap3A_59], %swap3A_62 {strides = array<i32>} : memref<328x128xf32, #tpu.memory_space<vmem>>, vector<1x16xf32>,
        %get3A_63 = arith.index_cast %squeeze3A_44 : i32 to index
        %get3A_64 = arith.constant 16 : index
        %get3A_65 = tpu.vector_load %arg18[%get3A_63, %get3A_64] {strides = array<i32>} : memref<328x128xf32, #tpu.memory_space<vmem>>, vector<1x16xf32>,
        %get3A_66 = vector.shape_cast %get3A_65 : vector<1x16xf32> to vector<16xf32>
        %get3A_67 = arith.index_cast %scan3A_39 : i32 to index
        %get3A_68 = arith.constant 16 : index
        %get3A_69 = tpu.vector_load %arg16[%get3A_67, %get3A_68] {strides = array<i32>} : memref<128x128xf32, #tpu.memory_space<vmem>>, vector<1x16xf32>,
        %get3A_70 = vector.shape_cast %get3A_69 : vector<1x16xf32> to vector<16xf32>
        %get3A_71 = arith.index_cast %scan3A_39 : i32 to index
        %get3A_72 = arith.constant 16 : index
        %get3A_73 = tpu.vector_load %arg17[%get3A_71, %get3A_72] {strides = array<i32>} : memref<128x128xf32, #tpu.memory_space<vmem>>, vector<1x16xf32>,
        %get3A_74 = vector.shape_cast %get3A_73 : vector<1x16xf32> to vector<16xf32>
        %add3A_75 = arith.addf %get3A_70, %get3A_74 : vector<16xf32>
        %add3A_76 = arith.addf %get3A_66, %add3A_75 : vector<16xf32>
        %swap3A_77 = arith.index_cast %squeeze3A_44 : i32 to index
        %swap3A_78 = arith.constant 16 : index
        %swap3A_79 = tpu.vector_load %arg18[%swap3A_77, %swap3A_78] {strides = array<i32>} : memref<328x128xf32, #tpu.memory_space<vmem>>, vector<1x16xf32>,
        %swap3A_80 = vector.shape_cast %swap3A_79 : vector<1x16xf32> to vector<16xf32>
        %swap3A_81 = vector.shape_cast %add3A_76 : vector<16xf32> to vector<1x16xf32>
        tpu.vector_store %arg18[%swap3A_77, %swap3A_78], %swap3A_81 {strides = array<i32>} : memref<328x128xf32, #tpu.memory_space<vmem>>, vector<1x16xf32>,
        %get3A_82 = arith.index_cast %squeeze3A_44 : i32 to index
        %get3A_83 = arith.constant 32 : index
        %get3A_84 = tpu.vector_load %arg18[%get3A_82, %get3A_83] {strides = array<i32>} : memref<328x128xf32, #tpu.memory_space<vmem>>, vector<1x16xf32>,
        %get3A_85 = vector.shape_cast %get3A_84 : vector<1x16xf32> to vector<16xf32>
        %get3A_86 = arith.index_cast %scan3A_39 : i32 to index
        %get3A_87 = arith.constant 32 : index
        %get3A_88 = tpu.vector_load %arg16[%get3A_86, %get3A_87] {strides = array<i32>} : memref<128x128xf32, #tpu.memory_space<vmem>>, vector<1x16xf32>,
        %get3A_89 = vector.shape_cast %get3A_88 : vector<1x16xf32> to vector<16xf32>
        %get3A_90 = arith.index_cast %scan3A_39 : i32 to index
        %get3A_91 = arith.constant 32 : index
        %get3A_92 = tpu.vector_load %arg17[%get3A_90, %get3A_91] {strides = array<i32>} : memref<128x128xf32, #tpu.memory_space<vmem>>, vector<1x16xf32>,
        %get3A_93 = vector.shape_cast %get3A_92 : vector<1x16xf32> to vector<16xf32>
        %add3A_94 = arith.addf %get3A_89, %get3A_93 : vector<16xf32>
        %add3A_95 = arith.addf %get3A_85, %add3A_94 : vector<16xf32>
        %swap3A_96 = arith.index_cast %squeeze3A_44 : i32 to index
        %swap3A_97 = arith.constant 32 : index
        %swap3A_98 = tpu.vector_load %arg18[%swap3A_96, %swap3A_97] {strides = array<i32>} : memref<328x128xf32, #tpu.memory_space<vmem>>, vector<1x16xf32>,
        %swap3A_99 = vector.shape_cast %swap3A_98 : vector<1x16xf32> to vector<16xf32>
        %swap3A_100 = vector.shape_cast %add3A_95 : vector<16xf32> to vector<1x16xf32>
        tpu.vector_store %arg18[%swap3A_96, %swap3A_97], %swap3A_100 {strides = array<i32>} : memref<328x128xf32, #tpu.memory_space<vmem>>, vector<1x16xf32>,
        %get3A_101 = arith.index_cast %squeeze3A_44 : i32 to index
        %get3A_102 = arith.constant 48 : index
        %get3A_103 = tpu.vector_load %arg18[%get3A_101, %get3A_102] {strides = array<i32>} : memref<328x128xf32, #tpu.memory_space<vmem>>, vector<1x16xf32>,
        %get3A_104 = vector.shape_cast %get3A_103 : vector<1x16xf32> to vector<16xf32>
        %get3A_105 = arith.index_cast %scan3A_39 : i32 to index
        %get3A_106 = arith.constant 48 : index
        %get3A_107 = tpu.vector_load %arg16[%get3A_105, %get3A_106] {strides = array<i32>} : memref<128x128xf32, #tpu.memory_space<vmem>>, vector<1x16xf32>,
        %get3A_108 = vector.shape_cast %get3A_107 : vector<1x16xf32> to vector<16xf32>
        %get3A_109 = arith.index_cast %scan3A_39 : i32 to index
        %get3A_110 = arith.constant 48 : index
        %get3A_111 = tpu.vector_load %arg17[%get3A_109, %get3A_110] {strides = array<i32>} : memref<128x128xf32, #tpu.memory_space<vmem>>, vector<1x16xf32>,
        %get3A_112 = vector.shape_cast %get3A_111 : vector<1x16xf32> to vector<16xf32>
        %add3A_113 = arith.addf %get3A_108, %get3A_112 : vector<16xf32>
        %add3A_114 = arith.addf %get3A_104, %add3A_113 : vector<16xf32>
        %swap3A_115 = arith.index_cast %squeeze3A_44 : i32 to index
        %swap3A_116 = arith.constant 48 : index
        %swap3A_117 = tpu.vector_load %arg18[%swap3A_115, %swap3A_116] {strides = array<i32>} : memref<328x128xf32, #tpu.memory_space<vmem>>, vector<1x16xf32>,
        %swap3A_118 = vector.shape_cast %swap3A_117 : vector<1x16xf32> to vector<16xf32>
        %swap3A_119 = vector.shape_cast %add3A_114 : vector<16xf32> to vector<1x16xf32>
        tpu.vector_store %arg18[%swap3A_115, %swap3A_116], %swap3A_119 {strides = array<i32>} : memref<328x128xf32, #tpu.memory_space<vmem>>, vector<1x16xf32>,
        %get3A_120 = arith.index_cast %squeeze3A_44 : i32 to index
        %get3A_121 = arith.constant 64 : index
        %get3A_122 = tpu.vector_load %arg18[%get3A_120, %get3A_121] {strides = array<i32>} : memref<328x128xf32, #tpu.memory_space<vmem>>, vector<1x16xf32>,
        %get3A_123 = vector.shape_cast %get3A_122 : vector<1x16xf32> to vector<16xf32>
        %get3A_124 = arith.index_cast %scan3A_39 : i32 to index
        %get3A_125 = arith.constant 64 : index
        %get3A_126 = tpu.vector_load %arg16[%get3A_124, %get3A_125] {strides = array<i32>} : memref<128x128xf32, #tpu.memory_space<vmem>>, vector<1x16xf32>,
        %get3A_127 = vector.shape_cast %get3A_126 : vector<1x16xf32> to vector<16xf32>
        %get3A_128 = arith.index_cast %scan3A_39 : i32 to index
        %get3A_129 = arith.constant 64 : index
        %get3A_130 = tpu.vector_load %arg17[%get3A_128, %get3A_129] {strides = array<i32>} : memref<128x128xf32, #tpu.memory_space<vmem>>, vector<1x16xf32>,
        %get3A_131 = vector.shape_cast %get3A_130 : vector<1x16xf32> to vector<16xf32>
        %add3A_132 = arith.addf %get3A_127, %get3A_131 : vector<16xf32>
        %add3A_133 = arith.addf %get3A_123, %add3A_132 : vector<16xf32>
        %swap3A_134 = arith.index_cast %squeeze3A_44 : i32 to index
        %swap3A_135 = arith.constant 64 : index
        %swap3A_136 = tpu.vector_load %arg18[%swap3A_134, %swap3A_135] {strides = array<i32>} : memref<328x128xf32, #tpu.memory_space<vmem>>, vector<1x16xf32>,
        %swap3A_137 = vector.shape_cast %swap3A_136 : vector<1x16xf32> to vector<16xf32>
        %swap3A_138 = vector.shape_cast %add3A_133 : vector<16xf32> to vector<1x16xf32>
        tpu.vector_store %arg18[%swap3A_134, %swap3A_135], %swap3A_138 {strides = array<i32>} : memref<328x128xf32, #tpu.memory_space<vmem>>, vector<1x16xf32>,
        %get3A_139 = arith.index_cast %squeeze3A_44 : i32 to index
        %get3A_140 = arith.constant 80 : index
        %get3A_141 = tpu.vector_load %arg18[%get3A_139, %get3A_140] {strides = array<i32>} : memref<328x128xf32, #tpu.memory_space<vmem>>, vector<1x16xf32>,
        %get3A_142 = vector.shape_cast %get3A_141 : vector<1x16xf32> to vector<16xf32>
        %get3A_143 = arith.index_cast %scan3A_39 : i32 to index
        %get3A_144 = arith.constant 80 : index
        %get3A_145 = tpu.vector_load %arg16[%get3A_143, %get3A_144] {strides = array<i32>} : memref<128x128xf32, #tpu.memory_space<vmem>>, vector<1x16xf32>,
        %get3A_146 = vector.shape_cast %get3A_145 : vector<1x16xf32> to vector<16xf32>
        %get3A_147 = arith.index_cast %scan3A_39 : i32 to index
        %get3A_148 = arith.constant 80 : index
        %get3A_149 = tpu.vector_load %arg17[%get3A_147, %get3A_148] {strides = array<i32>} : memref<128x128xf32, #tpu.memory_space<vmem>>, vector<1x16xf32>,
        %get3A_150 = vector.shape_cast %get3A_149 : vector<1x16xf32> to vector<16xf32>
        %add3A_151 = arith.addf %get3A_146, %get3A_150 : vector<16xf32>
        %add3A_152 = arith.addf %get3A_142, %add3A_151 : vector<16xf32>
        %swap3A_153 = arith.index_cast %squeeze3A_44 : i32 to index
        %swap3A_154 = arith.constant 80 : index
        %swap3A_155 = tpu.vector_load %arg18[%swap3A_153, %swap3A_154] {strides = array<i32>} : memref<328x128xf32, #tpu.memory_space<vmem>>, vector<1x16xf32>,
        %swap3A_156 = vector.shape_cast %swap3A_155 : vector<1x16xf32> to vector<16xf32>
        %swap3A_157 = vector.shape_cast %add3A_152 : vector<16xf32> to vector<1x16xf32>
        tpu.vector_store %arg18[%swap3A_153, %swap3A_154], %swap3A_157 {strides = array<i32>} : memref<328x128xf32, #tpu.memory_space<vmem>>, vector<1x16xf32>,
        %get3A_158 = arith.index_cast %squeeze3A_44 : i32 to index
        %get3A_159 = arith.constant 96 : index
        %get3A_160 = tpu.vector_load %arg18[%get3A_158, %get3A_159] {strides = array<i32>} : memref<328x128xf32, #tpu.memory_space<vmem>>, vector<1x16xf32>,
        %get3A_161 = vector.shape_cast %get3A_160 : vector<1x16xf32> to vector<16xf32>
        %get3A_162 = arith.index_cast %scan3A_39 : i32 to index
        %get3A_163 = arith.constant 96 : index
        %get3A_164 = tpu.vector_load %arg16[%get3A_162, %get3A_163] {strides = array<i32>} : memref<128x128xf32, #tpu.memory_space<vmem>>, vector<1x16xf32>,
        %get3A_165 = vector.shape_cast %get3A_164 : vector<1x16xf32> to vector<16xf32>
        %get3A_166 = arith.index_cast %scan3A_39 : i32 to index
        %get3A_167 = arith.constant 96 : index
        %get3A_168 = tpu.vector_load %arg17[%get3A_166, %get3A_167] {strides = array<i32>} : memref<128x128xf32, #tpu.memory_space<vmem>>, vector<1x16xf32>,
        %get3A_169 = vector.shape_cast %get3A_168 : vector<1x16xf32> to vector<16xf32>
        %add3A_170 = arith.addf %get3A_165, %get3A_169 : vector<16xf32>
        %add3A_171 = arith.addf %get3A_161, %add3A_170 : vector<16xf32>
        %swap3A_172 = arith.index_cast %squeeze3A_44 : i32 to index
        %swap3A_173 = arith.constant 96 : index
        %swap3A_174 = tpu.vector_load %arg18[%swap3A_172, %swap3A_173] {strides = array<i32>} : memref<328x128xf32, #tpu.memory_space<vmem>>, vector<1x16xf32>,
        %swap3A_175 = vector.shape_cast %swap3A_174 : vector<1x16xf32> to vector<16xf32>
        %swap3A_176 = vector.shape_cast %add3A_171 : vector<16xf32> to vector<1x16xf32>
        tpu.vector_store %arg18[%swap3A_172, %swap3A_173], %swap3A_176 {strides = array<i32>} : memref<328x128xf32, #tpu.memory_space<vmem>>, vector<1x16xf32>,
        %get3A_177 = arith.index_cast %squeeze3A_44 : i32 to index
        %get3A_178 = arith.constant 112 : index
        %get3A_179 = tpu.vector_load %arg18[%get3A_177, %get3A_178] {strides = array<i32>} : memref<328x128xf32, #tpu.memory_space<vmem>>, vector<1x16xf32>,
        %get3A_180 = vector.shape_cast %get3A_179 : vector<1x16xf32> to vector<16xf32>
        %get3A_181 = arith.index_cast %scan3A_39 : i32 to index
        %get3A_182 = arith.constant 112 : index
        %get3A_183 = tpu.vector_load %arg16[%get3A_181, %get3A_182] {strides = array<i32>} : memref<128x128xf32, #tpu.memory_space<vmem>>, vector<1x16xf32>,
        %get3A_184 = vector.shape_cast %get3A_183 : vector<1x16xf32> to vector<16xf32>
        %get3A_185 = arith.index_cast %scan3A_39 : i32 to index
        %get3A_186 = arith.constant 112 : index
        %get3A_187 = tpu.vector_load %arg17[%get3A_185, %get3A_186] {strides = array<i32>} : memref<128x128xf32, #tpu.memory_space<vmem>>, vector<1x16xf32>,
        %get3A_188 = vector.shape_cast %get3A_187 : vector<1x16xf32> to vector<16xf32>
        %add3A_189 = arith.addf %get3A_184, %get3A_188 : vector<16xf32>
        %add3A_190 = arith.addf %get3A_180, %add3A_189 : vector<16xf32>
        %swap3A_191 = arith.index_cast %squeeze3A_44 : i32 to index
        %swap3A_192 = arith.constant 112 : index
        %swap3A_193 = tpu.vector_load %arg18[%swap3A_191, %swap3A_192] {strides = array<i32>} : memref<328x128xf32, #tpu.memory_space<vmem>>, vector<1x16xf32>,
        %swap3A_194 = vector.shape_cast %swap3A_193 : vector<1x16xf32> to vector<16xf32>
        %swap3A_195 = vector.shape_cast %add3A_190 : vector<16xf32> to vector<1x16xf32>
        tpu.vector_store %arg18[%swap3A_191, %swap3A_192], %swap3A_195 {strides = array<i32>} : memref<328x128xf32, #tpu.memory_space<vmem>>, vector<1x16xf32>,
      }
      %scan3A_38 = arith.constant 128 : i32
    }
    %mul3A_17 = arith.constant 320 : i32
    %mul3A_18 = arith.muli %add3A, %mul3A_17 : i32
    %multiple_of3A = tpu.assume_multiple %mul3A_18, 8 : i32
    "tpu.region"() ({
      %run_scoped3A = tpu.sem_alloc : memref<!tpu.dma_semaphore, #tpu.memory_space<semaphore_mem>>
      %dma_start3A = arith.constant 0 : i32
      %dma_start3A_19 = arith.constant 0 : i32
      %dma_start3A_20 = tpu.memref_slice %arg18[%dma_start3A, %dma_start3A_19] : memref<328x128xf32, #tpu.memory_space<vmem>> -> memref<320x128xf32, #tpu.memory_space<vmem>>
      %dma_start3A_21 = arith.constant 0 : i32
      %dma_start3A_22 = tpu.memref_slice %arg10[%multiple_of3A, %dma_start3A_21] : memref<10240x128xf32, #tpu.memory_space<hbm>> -> memref<320x128xf32, #tpu.memory_space<hbm>>
      %dma_start3A_23 = arith.constant 0 : i32
      %dma_start3A_24 = tpu.memref_slice %arg10[%multiple_of3A, %dma_start3A_23] : memref<10240x128xf32, #tpu.memory_space<hbm>> -> memref<320x128xf32, #tpu.memory_space<hbm>>
      %dma_start3A_25 = arith.constant 0 : i32
      %dma_start3A_26 = arith.constant 0 : i32
      %dma_start3A_27 = tpu.memref_slice %arg18[%dma_start3A_25, %dma_start3A_26] : memref<328x128xf32, #tpu.memory_space<vmem>> -> memref<320x128xf32, #tpu.memory_space<vmem>>
      tpu.enqueue_dma source(%dma_start3A_27 : memref<320x128xf32, #tpu.memory_space<vmem>>) target(%dma_start3A_24 : memref<320x128xf32, #tpu.memory_space<hbm>>) target_semaphore(%run_scoped3A : memref<!tpu.dma_semaphore, #tpu.memory_space<semaphore_mem>>)
      %dma_wait3A = arith.constant 0 : i32
      %dma_wait3A_28 = arith.constant 0 : i32
      %dma_wait3A_29 = tpu.memref_slice %arg18[%dma_wait3A, %dma_wait3A_28] : memref<328x128xf32, #tpu.memory_space<vmem>> -> memref<320x128xf32, #tpu.memory_space<vmem>>
      %dma_wait3A_30 = arith.constant 0 : i32
      %dma_wait3A_31 = tpu.memref_slice %arg10[%multiple_of3A, %dma_wait3A_30] : memref<10240x128xf32, #tpu.memory_space<hbm>> -> memref<320x128xf32, #tpu.memory_space<hbm>>
      %dma_wait3A_32 = arith.constant 0 : i32
      %dma_wait3A_33 = tpu.memref_slice %arg10[%multiple_of3A, %dma_wait3A_32] : memref<10240x128xf32, #tpu.memory_space<hbm>> -> memref<320x128xf32, #tpu.memory_space<hbm>>
      %dma_wait3A_34 = arith.constant 0 : i32
      %dma_wait3A_35 = arith.constant 0 : i32
      %dma_wait3A_36 = tpu.memref_slice %arg18[%dma_wait3A_34, %dma_wait3A_35] : memref<328x128xf32, #tpu.memory_space<vmem>> -> memref<320x128xf32, #tpu.memory_space<vmem>>
      tpu.wait_dma2 semaphore(%run_scoped3A : memref<!tpu.dma_semaphore, #tpu.memory_space<semaphore_mem>>) src(%dma_wait3A_36 : memref<320x128xf32, #tpu.memory_space<vmem>>) dst(%dma_wait3A_33 : memref<320x128xf32, #tpu.memory_space<hbm>>)
      tpu.yield
    }) : () -> ()
    return
  }
}

#map = affine_map<(d0, d1) -> (0, 0)>
#map1 = affine_map<(d0, d1) -> (0)>
module attributes {stable_mosaic.version = 14 : i64} {
  func.func @_seg_fold(%arg0: i32, %arg1: i32, %arg2: memref<10000x128xf32, #tpu.memory_space<hbm>>, %arg3: memref<16x128xf32, #tpu.memory_space<hbm>>, %arg4: memref<334080xi32, #tpu.memory_space<hbm>>, %arg5: memref<334080xi32, #tpu.memory_space<hbm>>, %arg6: memref<334080xi32, #tpu.memory_space<hbm>>, %arg7: memref<48xi32, #tpu.memory_space<hbm>>, %arg8: memref<48xi32, #tpu.memory_space<hbm>>, %arg9: memref<328x128xf32, #tpu.memory_space<hbm>>, %arg10: memref<10240x128xf32, #tpu.memory_space<hbm>>, %arg11: memref<48xi32, #tpu.memory_space<vmem>>, %arg12: memref<48xi32, #tpu.memory_space<vmem>>, %arg13: memref<128xi32, #tpu.memory_space<vmem>>, %arg14: memref<144xi32, #tpu.memory_space<vmem>>, %arg15: memref<128xi32, #tpu.memory_space<vmem>>, %arg16: memref<128x128xf32, #tpu.memory_space<vmem>>, %arg17: memref<128x128xf32, #tpu.memory_space<vmem>>, %arg18: memref<328x128xf32, #tpu.memory_space<vmem>>, %arg19: memref<!tpu.dma_semaphore, #tpu.memory_space<semaphore_mem>>, %arg20: memref<!tpu.dma_semaphore, #tpu.memory_space<semaphore_mem>>) attributes {dimension_semantics = [#tpu.dimension_semantics<core_parallel>, #tpu.dimension_semantics<subcore_parallel>], iteration_bounds = array<i64: 2, 16>, scalar_prefetch = 0 : i64, scratch_operands = 10 : i64, tpu.core_type = #tpu.core_type<sc_vector_subcore>, window_params = [{transform_indices = #map}, {transform_indices = #map}, {transform_indices = #map1}, {transform_indices = #map1}, {transform_indices = #map1}, {transform_indices = #map1}, {transform_indices = #map1}, {transform_indices = #map}, {transform_indices = #map}]} {
    %mul3A = arith.constant 16 : i32
    %mul3A_0 = arith.muli %arg0, %mul3A : i32
    %add3A = arith.addi %mul3A_0, %arg1 : i32
    "tpu.region"() ({
      %run_scoped3A = tpu.sem_alloc : memref<!tpu.dma_semaphore, #tpu.memory_space<semaphore_mem>>
      tpu.enqueue_dma source(%arg9 : memref<328x128xf32, #tpu.memory_space<hbm>>) target(%arg18 : memref<328x128xf32, #tpu.memory_space<vmem>>) target_semaphore(%run_scoped3A : memref<!tpu.dma_semaphore, #tpu.memory_space<semaphore_mem>>)
      tpu.wait_dma2 semaphore(%run_scoped3A : memref<!tpu.dma_semaphore, #tpu.memory_space<semaphore_mem>>) src(%arg9 : memref<328x128xf32, #tpu.memory_space<hbm>>) dst(%arg18 : memref<328x128xf32, #tpu.memory_space<vmem>>)
      tpu.yield
    }) : () -> ()
    "tpu.region"() ({
      %run_scoped3A = tpu.sem_alloc : memref<!tpu.dma_semaphore, #tpu.memory_space<semaphore_mem>>
      tpu.enqueue_dma source(%arg7 : memref<48xi32, #tpu.memory_space<hbm>>) target(%arg11 : memref<48xi32, #tpu.memory_space<vmem>>) target_semaphore(%run_scoped3A : memref<!tpu.dma_semaphore, #tpu.memory_space<semaphore_mem>>)
      tpu.wait_dma2 semaphore(%run_scoped3A : memref<!tpu.dma_semaphore, #tpu.memory_space<semaphore_mem>>) src(%arg7 : memref<48xi32, #tpu.memory_space<hbm>>) dst(%arg11 : memref<48xi32, #tpu.memory_space<vmem>>)
      tpu.yield
    }) : () -> ()
    "tpu.region"() ({
      %run_scoped3A = tpu.sem_alloc : memref<!tpu.dma_semaphore, #tpu.memory_space<semaphore_mem>>
      tpu.enqueue_dma source(%arg8 : memref<48xi32, #tpu.memory_space<hbm>>) target(%arg12 : memref<48xi32, #tpu.memory_space<vmem>>) target_semaphore(%run_scoped3A : memref<!tpu.dma_semaphore, #tpu.memory_space<semaphore_mem>>)
      tpu.wait_dma2 semaphore(%run_scoped3A : memref<!tpu.dma_semaphore, #tpu.memory_space<semaphore_mem>>) src(%arg8 : memref<48xi32, #tpu.memory_space<hbm>>) dst(%arg12 : memref<48xi32, #tpu.memory_space<vmem>>)
      tpu.yield
    }) : () -> ()
    %get3A = arith.index_cast %add3A : i32 to index
    %get3A_1 = tpu.vector_load %arg11[%get3A] {strides = array<i32>} : memref<48xi32, #tpu.memory_space<vmem>>, vector<16xi32>,
    %get3A_2 = vector.shape_cast %get3A_1 : vector<16xi32> to vector<16xi32>
    %slice3A = vector.extract_strided_slice %get3A_2 {offsets = [0], sizes = [1], strides = [1]} : vector<16xi32> to vector<1xi32>
    %squeeze3A = vector.extract %slice3A[0] : i32 from vector<1xi32>
    %get3A_3 = arith.index_cast %add3A : i32 to index
    %get3A_4 = tpu.vector_load %arg12[%get3A_3] {strides = array<i32>} : memref<48xi32, #tpu.memory_space<vmem>>, vector<16xi32>,
    %get3A_5 = vector.shape_cast %get3A_4 : vector<16xi32> to vector<16xi32>
    %slice3A_6 = vector.extract_strided_slice %get3A_5 {offsets = [0], sizes = [1], strides = [1]} : vector<16xi32> to vector<1xi32>
    %squeeze3A_7 = vector.extract %slice3A_6[0] : i32 from vector<1xi32>
    %while3A = arith.constant 0 : i32
    %while3A_8 = arith.constant 0 : i32
    %while3A_9 = arith.subi %squeeze3A_7, %while3A_8 : i32
    %while3A_10 = arith.addi %while3A_8, %while3A_9 : i32
    %while3A_11 = arith.constant 1 : i32
    %while3A_12 = arith.divsi %while3A_9, %while3A_11 : i32
    %while3A_13 = arith.muli %while3A_12, %while3A_11 : i32
    %while3A_14 = arith.addi %while3A_8, %while3A_13 : i32
    %while3A_15 = arith.constant 1 : i32
    scf.for %while3A_19 = %while3A_8 to %while3A_14 step %while3A_15  : i32 {
      %mul3A_20 = arith.constant 128 : i32
      %mul3A_21 = arith.muli %while3A_19, %mul3A_20 : i32
      %add3A_22 = arith.addi %squeeze3A, %mul3A_21 : i32
      %multiple_of3A_23 = tpu.assume_multiple %add3A_22, 128 : i32
      "tpu.region"() ({
        %run_scoped3A = tpu.sem_alloc : memref<!tpu.dma_semaphore, #tpu.memory_space<semaphore_mem>>
        %dma_start3A_39 = tpu.memref_slice %arg4[%multiple_of3A_23] : memref<334080xi32, #tpu.memory_space<hbm>> -> memref<128xi32, #tpu.memory_space<hbm>>
        %dma_start3A_40 = tpu.memref_slice %arg4[%multiple_of3A_23] : memref<334080xi32, #tpu.memory_space<hbm>> -> memref<128xi32, #tpu.memory_space<hbm>>
        tpu.enqueue_dma source(%dma_start3A_40 : memref<128xi32, #tpu.memory_space<hbm>>) target(%arg13 : memref<128xi32, #tpu.memory_space<vmem>>) target_semaphore(%run_scoped3A : memref<!tpu.dma_semaphore, #tpu.memory_space<semaphore_mem>>)
        %dma_wait3A_41 = tpu.memref_slice %arg4[%multiple_of3A_23] : memref<334080xi32, #tpu.memory_space<hbm>> -> memref<128xi32, #tpu.memory_space<hbm>>
        %dma_wait3A_42 = tpu.memref_slice %arg4[%multiple_of3A_23] : memref<334080xi32, #tpu.memory_space<hbm>> -> memref<128xi32, #tpu.memory_space<hbm>>
        tpu.wait_dma2 semaphore(%run_scoped3A : memref<!tpu.dma_semaphore, #tpu.memory_space<semaphore_mem>>) src(%dma_wait3A_42 : memref<128xi32, #tpu.memory_space<hbm>>) dst(%arg13 : memref<128xi32, #tpu.memory_space<vmem>>)
        tpu.yield
      }) : () -> ()
      "tpu.region"() ({
        %run_scoped3A = tpu.sem_alloc : memref<!tpu.dma_semaphore, #tpu.memory_space<semaphore_mem>>
        %dma_start3A_39 = arith.constant 0 : i32
        %dma_start3A_40 = tpu.memref_slice %arg14[%dma_start3A_39] : memref<144xi32, #tpu.memory_space<vmem>> -> memref<128xi32, #tpu.memory_space<vmem>>
        %dma_start3A_41 = tpu.memref_slice %arg5[%multiple_of3A_23] : memref<334080xi32, #tpu.memory_space<hbm>> -> memref<128xi32, #tpu.memory_space<hbm>>
        %dma_start3A_42 = arith.constant 0 : i32
        %dma_start3A_43 = tpu.memref_slice %arg14[%dma_start3A_42] : memref<144xi32, #tpu.memory_space<vmem>> -> memref<128xi32, #tpu.memory_space<vmem>>
        %dma_start3A_44 = tpu.memref_slice %arg5[%multiple_of3A_23] : memref<334080xi32, #tpu.memory_space<hbm>> -> memref<128xi32, #tpu.memory_space<hbm>>
        tpu.enqueue_dma source(%dma_start3A_44 : memref<128xi32, #tpu.memory_space<hbm>>) target(%dma_start3A_43 : memref<128xi32, #tpu.memory_space<vmem>>) target_semaphore(%run_scoped3A : memref<!tpu.dma_semaphore, #tpu.memory_space<semaphore_mem>>)
        %dma_wait3A_45 = arith.constant 0 : i32
        %dma_wait3A_46 = tpu.memref_slice %arg14[%dma_wait3A_45] : memref<144xi32, #tpu.memory_space<vmem>> -> memref<128xi32, #tpu.memory_space<vmem>>
        %dma_wait3A_47 = tpu.memref_slice %arg5[%multiple_of3A_23] : memref<334080xi32, #tpu.memory_space<hbm>> -> memref<128xi32, #tpu.memory_space<hbm>>
        %dma_wait3A_48 = arith.constant 0 : i32
        %dma_wait3A_49 = tpu.memref_slice %arg14[%dma_wait3A_48] : memref<144xi32, #tpu.memory_space<vmem>> -> memref<128xi32, #tpu.memory_space<vmem>>
        %dma_wait3A_50 = tpu.memref_slice %arg5[%multiple_of3A_23] : memref<334080xi32, #tpu.memory_space<hbm>> -> memref<128xi32, #tpu.memory_space<hbm>>
        tpu.wait_dma2 semaphore(%run_scoped3A : memref<!tpu.dma_semaphore, #tpu.memory_space<semaphore_mem>>) src(%dma_wait3A_50 : memref<128xi32, #tpu.memory_space<hbm>>) dst(%dma_wait3A_49 : memref<128xi32, #tpu.memory_space<vmem>>)
        tpu.yield
      }) : () -> ()
      "tpu.region"() ({
        %run_scoped3A = tpu.sem_alloc : memref<!tpu.dma_semaphore, #tpu.memory_space<semaphore_mem>>
        %dma_start3A_39 = tpu.memref_slice %arg6[%multiple_of3A_23] : memref<334080xi32, #tpu.memory_space<hbm>> -> memref<128xi32, #tpu.memory_space<hbm>>
        %dma_start3A_40 = tpu.memref_slice %arg6[%multiple_of3A_23] : memref<334080xi32, #tpu.memory_space<hbm>> -> memref<128xi32, #tpu.memory_space<hbm>>
        tpu.enqueue_dma source(%dma_start3A_40 : memref<128xi32, #tpu.memory_space<hbm>>) target(%arg15 : memref<128xi32, #tpu.memory_space<vmem>>) target_semaphore(%run_scoped3A : memref<!tpu.dma_semaphore, #tpu.memory_space<semaphore_mem>>)
        %dma_wait3A_41 = tpu.memref_slice %arg6[%multiple_of3A_23] : memref<334080xi32, #tpu.memory_space<hbm>> -> memref<128xi32, #tpu.memory_space<hbm>>
        %dma_wait3A_42 = tpu.memref_slice %arg6[%multiple_of3A_23] : memref<334080xi32, #tpu.memory_space<hbm>> -> memref<128xi32, #tpu.memory_space<hbm>>
        tpu.wait_dma2 semaphore(%run_scoped3A : memref<!tpu.dma_semaphore, #tpu.memory_space<semaphore_mem>>) src(%dma_wait3A_42 : memref<128xi32, #tpu.memory_space<hbm>>) dst(%arg15 : memref<128xi32, #tpu.memory_space<vmem>>)
        tpu.yield
      }) : () -> ()
      %dma_start3A = arith.constant 0 : i32
      %dma_start3A_24 = arith.constant 0 : i32
      %dma_start3A_25 = tpu.memref_slice %arg2[%dma_start3A, %dma_start3A_24] : memref<10000x128xf32, #tpu.memory_space<hbm>> -> memref<10000x128xf32, #tpu.memory_space<hbm>>
      tpu.enqueue_indirect_dma source(%dma_start3A_25 : memref<10000x128xf32, #tpu.memory_space<hbm>>) target(%arg16 : memref<128x128xf32, #tpu.memory_space<vmem>>) offsets(%arg13 : memref<128xi32, #tpu.memory_space<vmem>>) semaphore(%arg19 : memref<!tpu.dma_semaphore, #tpu.memory_space<semaphore_mem>>)
      %dma_start3A_26 = arith.constant 0 : i32
      %dma_start3A_27 = arith.constant 0 : i32
      %dma_start3A_28 = tpu.memref_slice %arg3[%dma_start3A_26, %dma_start3A_27] : memref<16x128xf32, #tpu.memory_space<hbm>> -> memref<16x128xf32, #tpu.memory_space<hbm>>
      tpu.enqueue_indirect_dma source(%dma_start3A_28 : memref<16x128xf32, #tpu.memory_space<hbm>>) target(%arg17 : memref<128x128xf32, #tpu.memory_space<vmem>>) offsets(%arg15 : memref<128xi32, #tpu.memory_space<vmem>>) semaphore(%arg20 : memref<!tpu.dma_semaphore, #tpu.memory_space<semaphore_mem>>)
      %dma_wait3A = arith.constant 0 : i32
      %dma_wait3A_29 = arith.constant 0 : i32
      %dma_wait3A_30 = tpu.memref_slice %arg2[%dma_wait3A, %dma_wait3A_29] : memref<10000x128xf32, #tpu.memory_space<hbm>> -> memref<10000x128xf32, #tpu.memory_space<hbm>>
      tpu.wait_indirect_dma semaphore(%arg19 : memref<!tpu.dma_semaphore, #tpu.memory_space<semaphore_mem>>) src(%dma_wait3A_30 : memref<10000x128xf32, #tpu.memory_space<hbm>>) dst(%arg16 : memref<128x128xf32, #tpu.memory_space<vmem>>)
      %dma_wait3A_31 = arith.constant 0 : i32
      %dma_wait3A_32 = arith.constant 0 : i32
      %dma_wait3A_33 = tpu.memref_slice %arg3[%dma_wait3A_31, %dma_wait3A_32] : memref<16x128xf32, #tpu.memory_space<hbm>> -> memref<16x128xf32, #tpu.memory_space<hbm>>
      tpu.wait_indirect_dma semaphore(%arg20 : memref<!tpu.dma_semaphore, #tpu.memory_space<semaphore_mem>>) src(%dma_wait3A_33 : memref<16x128xf32, #tpu.memory_space<hbm>>) dst(%arg17 : memref<128x128xf32, #tpu.memory_space<vmem>>)
      %scan3A = arith.constant 0 : i32
      %scan3A_34 = arith.constant 0 : i32
      %scan3A_35 = arith.constant 128 : i32
      %scan3A_36 = arith.addi %scan3A_34, %scan3A_35 : i32
      %scan3A_37 = arith.constant 1 : i32
      scf.for %scan3A_39 = %scan3A_34 to %scan3A_36 step %scan3A_37  : i32 {
        %get3A_40 = arith.index_cast %scan3A_39 : i32 to index
        %get3A_41 = tpu.vector_load %arg14[%get3A_40] {strides = array<i32>} : memref<144xi32, #tpu.memory_space<vmem>>, vector<16xi32>,
        %get3A_42 = vector.shape_cast %get3A_41 : vector<16xi32> to vector<16xi32>
        %slice3A_43 = vector.extract_strided_slice %get3A_42 {offsets = [0], sizes = [1], strides = [1]} : vector<16xi32> to vector<1xi32>
        %squeeze3A_44 = vector.extract %slice3A_43[0] : i32 from vector<1xi32>
        %get3A_45 = arith.index_cast %squeeze3A_44 : i32 to index
        %get3A_46 = arith.constant 0 : index
        %get3A_47 = tpu.vector_load %arg18[%get3A_45, %get3A_46] {strides = array<i32>} : memref<328x128xf32, #tpu.memory_space<vmem>>, vector<1x16xf32>,
        %get3A_48 = vector.shape_cast %get3A_47 : vector<1x16xf32> to vector<16xf32>
        %get3A_49 = arith.index_cast %scan3A_39 : i32 to index
        %get3A_50 = arith.constant 0 : index
        %get3A_51 = tpu.vector_load %arg16[%get3A_49, %get3A_50] {strides = array<i32>} : memref<128x128xf32, #tpu.memory_space<vmem>>, vector<1x16xf32>,
        %get3A_52 = vector.shape_cast %get3A_51 : vector<1x16xf32> to vector<16xf32>
        %get3A_53 = arith.index_cast %scan3A_39 : i32 to index
        %get3A_54 = arith.constant 0 : index
        %get3A_55 = tpu.vector_load %arg17[%get3A_53, %get3A_54] {strides = array<i32>} : memref<128x128xf32, #tpu.memory_space<vmem>>, vector<1x16xf32>,
        %get3A_56 = vector.shape_cast %get3A_55 : vector<1x16xf32> to vector<16xf32>
        %add3A_57 = arith.addf %get3A_52, %get3A_56 : vector<16xf32>
        %add3A_58 = arith.addf %get3A_48, %add3A_57 : vector<16xf32>
        %swap3A = arith.index_cast %squeeze3A_44 : i32 to index
        %swap3A_59 = arith.constant 0 : index
        %swap3A_60 = tpu.vector_load %arg18[%swap3A, %swap3A_59] {strides = array<i32>} : memref<328x128xf32, #tpu.memory_space<vmem>>, vector<1x16xf32>,
        %swap3A_61 = vector.shape_cast %swap3A_60 : vector<1x16xf32> to vector<16xf32>
        %swap3A_62 = vector.shape_cast %add3A_58 : vector<16xf32> to vector<1x16xf32>
        tpu.vector_store %arg18[%swap3A, %swap3A_59], %swap3A_62 {strides = array<i32>} : memref<328x128xf32, #tpu.memory_space<vmem>>, vector<1x16xf32>,
        %get3A_63 = arith.index_cast %squeeze3A_44 : i32 to index
        %get3A_64 = arith.constant 16 : index
        %get3A_65 = tpu.vector_load %arg18[%get3A_63, %get3A_64] {strides = array<i32>} : memref<328x128xf32, #tpu.memory_space<vmem>>, vector<1x16xf32>,
        %get3A_66 = vector.shape_cast %get3A_65 : vector<1x16xf32> to vector<16xf32>
        %get3A_67 = arith.index_cast %scan3A_39 : i32 to index
        %get3A_68 = arith.constant 16 : index
        %get3A_69 = tpu.vector_load %arg16[%get3A_67, %get3A_68] {strides = array<i32>} : memref<128x128xf32, #tpu.memory_space<vmem>>, vector<1x16xf32>,
        %get3A_70 = vector.shape_cast %get3A_69 : vector<1x16xf32> to vector<16xf32>
        %get3A_71 = arith.index_cast %scan3A_39 : i32 to index
        %get3A_72 = arith.constant 16 : index
        %get3A_73 = tpu.vector_load %arg17[%get3A_71, %get3A_72] {strides = array<i32>} : memref<128x128xf32, #tpu.memory_space<vmem>>, vector<1x16xf32>,
        %get3A_74 = vector.shape_cast %get3A_73 : vector<1x16xf32> to vector<16xf32>
        %add3A_75 = arith.addf %get3A_70, %get3A_74 : vector<16xf32>
        %add3A_76 = arith.addf %get3A_66, %add3A_75 : vector<16xf32>
        %swap3A_77 = arith.index_cast %squeeze3A_44 : i32 to index
        %swap3A_78 = arith.constant 16 : index
        %swap3A_79 = tpu.vector_load %arg18[%swap3A_77, %swap3A_78] {strides = array<i32>} : memref<328x128xf32, #tpu.memory_space<vmem>>, vector<1x16xf32>,
        %swap3A_80 = vector.shape_cast %swap3A_79 : vector<1x16xf32> to vector<16xf32>
        %swap3A_81 = vector.shape_cast %add3A_76 : vector<16xf32> to vector<1x16xf32>
        tpu.vector_store %arg18[%swap3A_77, %swap3A_78], %swap3A_81 {strides = array<i32>} : memref<328x128xf32, #tpu.memory_space<vmem>>, vector<1x16xf32>,
        %get3A_82 = arith.index_cast %squeeze3A_44 : i32 to index
        %get3A_83 = arith.constant 32 : index
        %get3A_84 = tpu.vector_load %arg18[%get3A_82, %get3A_83] {strides = array<i32>} : memref<328x128xf32, #tpu.memory_space<vmem>>, vector<1x16xf32>,
        %get3A_85 = vector.shape_cast %get3A_84 : vector<1x16xf32> to vector<16xf32>
        %get3A_86 = arith.index_cast %scan3A_39 : i32 to index
        %get3A_87 = arith.constant 32 : index
        %get3A_88 = tpu.vector_load %arg16[%get3A_86, %get3A_87] {strides = array<i32>} : memref<128x128xf32, #tpu.memory_space<vmem>>, vector<1x16xf32>,
        %get3A_89 = vector.shape_cast %get3A_88 : vector<1x16xf32> to vector<16xf32>
        %get3A_90 = arith.index_cast %scan3A_39 : i32 to index
        %get3A_91 = arith.constant 32 : index
        %get3A_92 = tpu.vector_load %arg17[%get3A_90, %get3A_91] {strides = array<i32>} : memref<128x128xf32, #tpu.memory_space<vmem>>, vector<1x16xf32>,
        %get3A_93 = vector.shape_cast %get3A_92 : vector<1x16xf32> to vector<16xf32>
        %add3A_94 = arith.addf %get3A_89, %get3A_93 : vector<16xf32>
        %add3A_95 = arith.addf %get3A_85, %add3A_94 : vector<16xf32>
        %swap3A_96 = arith.index_cast %squeeze3A_44 : i32 to index
        %swap3A_97 = arith.constant 32 : index
        %swap3A_98 = tpu.vector_load %arg18[%swap3A_96, %swap3A_97] {strides = array<i32>} : memref<328x128xf32, #tpu.memory_space<vmem>>, vector<1x16xf32>,
        %swap3A_99 = vector.shape_cast %swap3A_98 : vector<1x16xf32> to vector<16xf32>
        %swap3A_100 = vector.shape_cast %add3A_95 : vector<16xf32> to vector<1x16xf32>
        tpu.vector_store %arg18[%swap3A_96, %swap3A_97], %swap3A_100 {strides = array<i32>} : memref<328x128xf32, #tpu.memory_space<vmem>>, vector<1x16xf32>,
        %get3A_101 = arith.index_cast %squeeze3A_44 : i32 to index
        %get3A_102 = arith.constant 48 : index
        %get3A_103 = tpu.vector_load %arg18[%get3A_101, %get3A_102] {strides = array<i32>} : memref<328x128xf32, #tpu.memory_space<vmem>>, vector<1x16xf32>,
        %get3A_104 = vector.shape_cast %get3A_103 : vector<1x16xf32> to vector<16xf32>
        %get3A_105 = arith.index_cast %scan3A_39 : i32 to index
        %get3A_106 = arith.constant 48 : index
        %get3A_107 = tpu.vector_load %arg16[%get3A_105, %get3A_106] {strides = array<i32>} : memref<128x128xf32, #tpu.memory_space<vmem>>, vector<1x16xf32>,
        %get3A_108 = vector.shape_cast %get3A_107 : vector<1x16xf32> to vector<16xf32>
        %get3A_109 = arith.index_cast %scan3A_39 : i32 to index
        %get3A_110 = arith.constant 48 : index
        %get3A_111 = tpu.vector_load %arg17[%get3A_109, %get3A_110] {strides = array<i32>} : memref<128x128xf32, #tpu.memory_space<vmem>>, vector<1x16xf32>,
        %get3A_112 = vector.shape_cast %get3A_111 : vector<1x16xf32> to vector<16xf32>
        %add3A_113 = arith.addf %get3A_108, %get3A_112 : vector<16xf32>
        %add3A_114 = arith.addf %get3A_104, %add3A_113 : vector<16xf32>
        %swap3A_115 = arith.index_cast %squeeze3A_44 : i32 to index
        %swap3A_116 = arith.constant 48 : index
        %swap3A_117 = tpu.vector_load %arg18[%swap3A_115, %swap3A_116] {strides = array<i32>} : memref<328x128xf32, #tpu.memory_space<vmem>>, vector<1x16xf32>,
        %swap3A_118 = vector.shape_cast %swap3A_117 : vector<1x16xf32> to vector<16xf32>
        %swap3A_119 = vector.shape_cast %add3A_114 : vector<16xf32> to vector<1x16xf32>
        tpu.vector_store %arg18[%swap3A_115, %swap3A_116], %swap3A_119 {strides = array<i32>} : memref<328x128xf32, #tpu.memory_space<vmem>>, vector<1x16xf32>,
        %get3A_120 = arith.index_cast %squeeze3A_44 : i32 to index
        %get3A_121 = arith.constant 64 : index
        %get3A_122 = tpu.vector_load %arg18[%get3A_120, %get3A_121] {strides = array<i32>} : memref<328x128xf32, #tpu.memory_space<vmem>>, vector<1x16xf32>,
        %get3A_123 = vector.shape_cast %get3A_122 : vector<1x16xf32> to vector<16xf32>
        %get3A_124 = arith.index_cast %scan3A_39 : i32 to index
        %get3A_125 = arith.constant 64 : index
        %get3A_126 = tpu.vector_load %arg16[%get3A_124, %get3A_125] {strides = array<i32>} : memref<128x128xf32, #tpu.memory_space<vmem>>, vector<1x16xf32>,
        %get3A_127 = vector.shape_cast %get3A_126 : vector<1x16xf32> to vector<16xf32>
        %get3A_128 = arith.index_cast %scan3A_39 : i32 to index
        %get3A_129 = arith.constant 64 : index
        %get3A_130 = tpu.vector_load %arg17[%get3A_128, %get3A_129] {strides = array<i32>} : memref<128x128xf32, #tpu.memory_space<vmem>>, vector<1x16xf32>,
        %get3A_131 = vector.shape_cast %get3A_130 : vector<1x16xf32> to vector<16xf32>
        %add3A_132 = arith.addf %get3A_127, %get3A_131 : vector<16xf32>
        %add3A_133 = arith.addf %get3A_123, %add3A_132 : vector<16xf32>
        %swap3A_134 = arith.index_cast %squeeze3A_44 : i32 to index
        %swap3A_135 = arith.constant 64 : index
        %swap3A_136 = tpu.vector_load %arg18[%swap3A_134, %swap3A_135] {strides = array<i32>} : memref<328x128xf32, #tpu.memory_space<vmem>>, vector<1x16xf32>,
        %swap3A_137 = vector.shape_cast %swap3A_136 : vector<1x16xf32> to vector<16xf32>
        %swap3A_138 = vector.shape_cast %add3A_133 : vector<16xf32> to vector<1x16xf32>
        tpu.vector_store %arg18[%swap3A_134, %swap3A_135], %swap3A_138 {strides = array<i32>} : memref<328x128xf32, #tpu.memory_space<vmem>>, vector<1x16xf32>,
        %get3A_139 = arith.index_cast %squeeze3A_44 : i32 to index
        %get3A_140 = arith.constant 80 : index
        %get3A_141 = tpu.vector_load %arg18[%get3A_139, %get3A_140] {strides = array<i32>} : memref<328x128xf32, #tpu.memory_space<vmem>>, vector<1x16xf32>,
        %get3A_142 = vector.shape_cast %get3A_141 : vector<1x16xf32> to vector<16xf32>
        %get3A_143 = arith.index_cast %scan3A_39 : i32 to index
        %get3A_144 = arith.constant 80 : index
        %get3A_145 = tpu.vector_load %arg16[%get3A_143, %get3A_144] {strides = array<i32>} : memref<128x128xf32, #tpu.memory_space<vmem>>, vector<1x16xf32>,
        %get3A_146 = vector.shape_cast %get3A_145 : vector<1x16xf32> to vector<16xf32>
        %get3A_147 = arith.index_cast %scan3A_39 : i32 to index
        %get3A_148 = arith.constant 80 : index
        %get3A_149 = tpu.vector_load %arg17[%get3A_147, %get3A_148] {strides = array<i32>} : memref<128x128xf32, #tpu.memory_space<vmem>>, vector<1x16xf32>,
        %get3A_150 = vector.shape_cast %get3A_149 : vector<1x16xf32> to vector<16xf32>
        %add3A_151 = arith.addf %get3A_146, %get3A_150 : vector<16xf32>
        %add3A_152 = arith.addf %get3A_142, %add3A_151 : vector<16xf32>
        %swap3A_153 = arith.index_cast %squeeze3A_44 : i32 to index
        %swap3A_154 = arith.constant 80 : index
        %swap3A_155 = tpu.vector_load %arg18[%swap3A_153, %swap3A_154] {strides = array<i32>} : memref<328x128xf32, #tpu.memory_space<vmem>>, vector<1x16xf32>,
        %swap3A_156 = vector.shape_cast %swap3A_155 : vector<1x16xf32> to vector<16xf32>
        %swap3A_157 = vector.shape_cast %add3A_152 : vector<16xf32> to vector<1x16xf32>
        tpu.vector_store %arg18[%swap3A_153, %swap3A_154], %swap3A_157 {strides = array<i32>} : memref<328x128xf32, #tpu.memory_space<vmem>>, vector<1x16xf32>,
        %get3A_158 = arith.index_cast %squeeze3A_44 : i32 to index
        %get3A_159 = arith.constant 96 : index
        %get3A_160 = tpu.vector_load %arg18[%get3A_158, %get3A_159] {strides = array<i32>} : memref<328x128xf32, #tpu.memory_space<vmem>>, vector<1x16xf32>,
        %get3A_161 = vector.shape_cast %get3A_160 : vector<1x16xf32> to vector<16xf32>
        %get3A_162 = arith.index_cast %scan3A_39 : i32 to index
        %get3A_163 = arith.constant 96 : index
        %get3A_164 = tpu.vector_load %arg16[%get3A_162, %get3A_163] {strides = array<i32>} : memref<128x128xf32, #tpu.memory_space<vmem>>, vector<1x16xf32>,
        %get3A_165 = vector.shape_cast %get3A_164 : vector<1x16xf32> to vector<16xf32>
        %get3A_166 = arith.index_cast %scan3A_39 : i32 to index
        %get3A_167 = arith.constant 96 : index
        %get3A_168 = tpu.vector_load %arg17[%get3A_166, %get3A_167] {strides = array<i32>} : memref<128x128xf32, #tpu.memory_space<vmem>>, vector<1x16xf32>,
        %get3A_169 = vector.shape_cast %get3A_168 : vector<1x16xf32> to vector<16xf32>
        %add3A_170 = arith.addf %get3A_165, %get3A_169 : vector<16xf32>
        %add3A_171 = arith.addf %get3A_161, %add3A_170 : vector<16xf32>
        %swap3A_172 = arith.index_cast %squeeze3A_44 : i32 to index
        %swap3A_173 = arith.constant 96 : index
        %swap3A_174 = tpu.vector_load %arg18[%swap3A_172, %swap3A_173] {strides = array<i32>} : memref<328x128xf32, #tpu.memory_space<vmem>>, vector<1x16xf32>,
        %swap3A_175 = vector.shape_cast %swap3A_174 : vector<1x16xf32> to vector<16xf32>
        %swap3A_176 = vector.shape_cast %add3A_171 : vector<16xf32> to vector<1x16xf32>
        tpu.vector_store %arg18[%swap3A_172, %swap3A_173], %swap3A_176 {strides = array<i32>} : memref<328x128xf32, #tpu.memory_space<vmem>>, vector<1x16xf32>,
        %get3A_177 = arith.index_cast %squeeze3A_44 : i32 to index
        %get3A_178 = arith.constant 112 : index
        %get3A_179 = tpu.vector_load %arg18[%get3A_177, %get3A_178] {strides = array<i32>} : memref<328x128xf32, #tpu.memory_space<vmem>>, vector<1x16xf32>,
        %get3A_180 = vector.shape_cast %get3A_179 : vector<1x16xf32> to vector<16xf32>
        %get3A_181 = arith.index_cast %scan3A_39 : i32 to index
        %get3A_182 = arith.constant 112 : index
        %get3A_183 = tpu.vector_load %arg16[%get3A_181, %get3A_182] {strides = array<i32>} : memref<128x128xf32, #tpu.memory_space<vmem>>, vector<1x16xf32>,
        %get3A_184 = vector.shape_cast %get3A_183 : vector<1x16xf32> to vector<16xf32>
        %get3A_185 = arith.index_cast %scan3A_39 : i32 to index
        %get3A_186 = arith.constant 112 : index
        %get3A_187 = tpu.vector_load %arg17[%get3A_185, %get3A_186] {strides = array<i32>} : memref<128x128xf32, #tpu.memory_space<vmem>>, vector<1x16xf32>,
        %get3A_188 = vector.shape_cast %get3A_187 : vector<1x16xf32> to vector<16xf32>
        %add3A_189 = arith.addf %get3A_184, %get3A_188 : vector<16xf32>
        %add3A_190 = arith.addf %get3A_180, %add3A_189 : vector<16xf32>
        %swap3A_191 = arith.index_cast %squeeze3A_44 : i32 to index
        %swap3A_192 = arith.constant 112 : index
        %swap3A_193 = tpu.vector_load %arg18[%swap3A_191, %swap3A_192] {strides = array<i32>} : memref<328x128xf32, #tpu.memory_space<vmem>>, vector<1x16xf32>,
        %swap3A_194 = vector.shape_cast %swap3A_193 : vector<1x16xf32> to vector<16xf32>
        %swap3A_195 = vector.shape_cast %add3A_190 : vector<16xf32> to vector<1x16xf32>
        tpu.vector_store %arg18[%swap3A_191, %swap3A_192], %swap3A_195 {strides = array<i32>} : memref<328x128xf32, #tpu.memory_space<vmem>>, vector<1x16xf32>,
      }
      %scan3A_38 = arith.constant 128 : i32
    }
    %while3A_16 = arith.constant 1 : i32
    scf.for %while3A_19 = %while3A_14 to %while3A_10 step %while3A_16  : i32 {
      %mul3A_20 = arith.constant 128 : i32
      %mul3A_21 = arith.muli %while3A_19, %mul3A_20 : i32
      %add3A_22 = arith.addi %squeeze3A, %mul3A_21 : i32
      %multiple_of3A_23 = tpu.assume_multiple %add3A_22, 128 : i32
      "tpu.region"() ({
        %run_scoped3A = tpu.sem_alloc : memref<!tpu.dma_semaphore, #tpu.memory_space<semaphore_mem>>
        %dma_start3A_39 = tpu.memref_slice %arg4[%multiple_of3A_23] : memref<334080xi32, #tpu.memory_space<hbm>> -> memref<128xi32, #tpu.memory_space<hbm>>
        %dma_start3A_40 = tpu.memref_slice %arg4[%multiple_of3A_23] : memref<334080xi32, #tpu.memory_space<hbm>> -> memref<128xi32, #tpu.memory_space<hbm>>
        tpu.enqueue_dma source(%dma_start3A_40 : memref<128xi32, #tpu.memory_space<hbm>>) target(%arg13 : memref<128xi32, #tpu.memory_space<vmem>>) target_semaphore(%run_scoped3A : memref<!tpu.dma_semaphore, #tpu.memory_space<semaphore_mem>>)
        %dma_wait3A_41 = tpu.memref_slice %arg4[%multiple_of3A_23] : memref<334080xi32, #tpu.memory_space<hbm>> -> memref<128xi32, #tpu.memory_space<hbm>>
        %dma_wait3A_42 = tpu.memref_slice %arg4[%multiple_of3A_23] : memref<334080xi32, #tpu.memory_space<hbm>> -> memref<128xi32, #tpu.memory_space<hbm>>
        tpu.wait_dma2 semaphore(%run_scoped3A : memref<!tpu.dma_semaphore, #tpu.memory_space<semaphore_mem>>) src(%dma_wait3A_42 : memref<128xi32, #tpu.memory_space<hbm>>) dst(%arg13 : memref<128xi32, #tpu.memory_space<vmem>>)
        tpu.yield
      }) : () -> ()
      "tpu.region"() ({
        %run_scoped3A = tpu.sem_alloc : memref<!tpu.dma_semaphore, #tpu.memory_space<semaphore_mem>>
        %dma_start3A_39 = arith.constant 0 : i32
        %dma_start3A_40 = tpu.memref_slice %arg14[%dma_start3A_39] : memref<144xi32, #tpu.memory_space<vmem>> -> memref<128xi32, #tpu.memory_space<vmem>>
        %dma_start3A_41 = tpu.memref_slice %arg5[%multiple_of3A_23] : memref<334080xi32, #tpu.memory_space<hbm>> -> memref<128xi32, #tpu.memory_space<hbm>>
        %dma_start3A_42 = arith.constant 0 : i32
        %dma_start3A_43 = tpu.memref_slice %arg14[%dma_start3A_42] : memref<144xi32, #tpu.memory_space<vmem>> -> memref<128xi32, #tpu.memory_space<vmem>>
        %dma_start3A_44 = tpu.memref_slice %arg5[%multiple_of3A_23] : memref<334080xi32, #tpu.memory_space<hbm>> -> memref<128xi32, #tpu.memory_space<hbm>>
        tpu.enqueue_dma source(%dma_start3A_44 : memref<128xi32, #tpu.memory_space<hbm>>) target(%dma_start3A_43 : memref<128xi32, #tpu.memory_space<vmem>>) target_semaphore(%run_scoped3A : memref<!tpu.dma_semaphore, #tpu.memory_space<semaphore_mem>>)
        %dma_wait3A_45 = arith.constant 0 : i32
        %dma_wait3A_46 = tpu.memref_slice %arg14[%dma_wait3A_45] : memref<144xi32, #tpu.memory_space<vmem>> -> memref<128xi32, #tpu.memory_space<vmem>>
        %dma_wait3A_47 = tpu.memref_slice %arg5[%multiple_of3A_23] : memref<334080xi32, #tpu.memory_space<hbm>> -> memref<128xi32, #tpu.memory_space<hbm>>
        %dma_wait3A_48 = arith.constant 0 : i32
        %dma_wait3A_49 = tpu.memref_slice %arg14[%dma_wait3A_48] : memref<144xi32, #tpu.memory_space<vmem>> -> memref<128xi32, #tpu.memory_space<vmem>>
        %dma_wait3A_50 = tpu.memref_slice %arg5[%multiple_of3A_23] : memref<334080xi32, #tpu.memory_space<hbm>> -> memref<128xi32, #tpu.memory_space<hbm>>
        tpu.wait_dma2 semaphore(%run_scoped3A : memref<!tpu.dma_semaphore, #tpu.memory_space<semaphore_mem>>) src(%dma_wait3A_50 : memref<128xi32, #tpu.memory_space<hbm>>) dst(%dma_wait3A_49 : memref<128xi32, #tpu.memory_space<vmem>>)
        tpu.yield
      }) : () -> ()
      "tpu.region"() ({
        %run_scoped3A = tpu.sem_alloc : memref<!tpu.dma_semaphore, #tpu.memory_space<semaphore_mem>>
        %dma_start3A_39 = tpu.memref_slice %arg6[%multiple_of3A_23] : memref<334080xi32, #tpu.memory_space<hbm>> -> memref<128xi32, #tpu.memory_space<hbm>>
        %dma_start3A_40 = tpu.memref_slice %arg6[%multiple_of3A_23] : memref<334080xi32, #tpu.memory_space<hbm>> -> memref<128xi32, #tpu.memory_space<hbm>>
        tpu.enqueue_dma source(%dma_start3A_40 : memref<128xi32, #tpu.memory_space<hbm>>) target(%arg15 : memref<128xi32, #tpu.memory_space<vmem>>) target_semaphore(%run_scoped3A : memref<!tpu.dma_semaphore, #tpu.memory_space<semaphore_mem>>)
        %dma_wait3A_41 = tpu.memref_slice %arg6[%multiple_of3A_23] : memref<334080xi32, #tpu.memory_space<hbm>> -> memref<128xi32, #tpu.memory_space<hbm>>
        %dma_wait3A_42 = tpu.memref_slice %arg6[%multiple_of3A_23] : memref<334080xi32, #tpu.memory_space<hbm>> -> memref<128xi32, #tpu.memory_space<hbm>>
        tpu.wait_dma2 semaphore(%run_scoped3A : memref<!tpu.dma_semaphore, #tpu.memory_space<semaphore_mem>>) src(%dma_wait3A_42 : memref<128xi32, #tpu.memory_space<hbm>>) dst(%arg15 : memref<128xi32, #tpu.memory_space<vmem>>)
        tpu.yield
      }) : () -> ()
      %dma_start3A = arith.constant 0 : i32
      %dma_start3A_24 = arith.constant 0 : i32
      %dma_start3A_25 = tpu.memref_slice %arg2[%dma_start3A, %dma_start3A_24] : memref<10000x128xf32, #tpu.memory_space<hbm>> -> memref<10000x128xf32, #tpu.memory_space<hbm>>
      tpu.enqueue_indirect_dma source(%dma_start3A_25 : memref<10000x128xf32, #tpu.memory_space<hbm>>) target(%arg16 : memref<128x128xf32, #tpu.memory_space<vmem>>) offsets(%arg13 : memref<128xi32, #tpu.memory_space<vmem>>) semaphore(%arg19 : memref<!tpu.dma_semaphore, #tpu.memory_space<semaphore_mem>>)
      %dma_start3A_26 = arith.constant 0 : i32
      %dma_start3A_27 = arith.constant 0 : i32
      %dma_start3A_28 = tpu.memref_slice %arg3[%dma_start3A_26, %dma_start3A_27] : memref<16x128xf32, #tpu.memory_space<hbm>> -> memref<16x128xf32, #tpu.memory_space<hbm>>
      tpu.enqueue_indirect_dma source(%dma_start3A_28 : memref<16x128xf32, #tpu.memory_space<hbm>>) target(%arg17 : memref<128x128xf32, #tpu.memory_space<vmem>>) offsets(%arg15 : memref<128xi32, #tpu.memory_space<vmem>>) semaphore(%arg20 : memref<!tpu.dma_semaphore, #tpu.memory_space<semaphore_mem>>)
      %dma_wait3A = arith.constant 0 : i32
      %dma_wait3A_29 = arith.constant 0 : i32
      %dma_wait3A_30 = tpu.memref_slice %arg2[%dma_wait3A, %dma_wait3A_29] : memref<10000x128xf32, #tpu.memory_space<hbm>> -> memref<10000x128xf32, #tpu.memory_space<hbm>>
      tpu.wait_indirect_dma semaphore(%arg19 : memref<!tpu.dma_semaphore, #tpu.memory_space<semaphore_mem>>) src(%dma_wait3A_30 : memref<10000x128xf32, #tpu.memory_space<hbm>>) dst(%arg16 : memref<128x128xf32, #tpu.memory_space<vmem>>)
      %dma_wait3A_31 = arith.constant 0 : i32
      %dma_wait3A_32 = arith.constant 0 : i32
      %dma_wait3A_33 = tpu.memref_slice %arg3[%dma_wait3A_31, %dma_wait3A_32] : memref<16x128xf32, #tpu.memory_space<hbm>> -> memref<16x128xf32, #tpu.memory_space<hbm>>
      tpu.wait_indirect_dma semaphore(%arg20 : memref<!tpu.dma_semaphore, #tpu.memory_space<semaphore_mem>>) src(%dma_wait3A_33 : memref<16x128xf32, #tpu.memory_space<hbm>>) dst(%arg17 : memref<128x128xf32, #tpu.memory_space<vmem>>)
      %scan3A = arith.constant 0 : i32
      %scan3A_34 = arith.constant 0 : i32
      %scan3A_35 = arith.constant 128 : i32
      %scan3A_36 = arith.addi %scan3A_34, %scan3A_35 : i32
      %scan3A_37 = arith.constant 1 : i32
      scf.for %scan3A_39 = %scan3A_34 to %scan3A_36 step %scan3A_37  : i32 {
        %get3A_40 = arith.index_cast %scan3A_39 : i32 to index
        %get3A_41 = tpu.vector_load %arg14[%get3A_40] {strides = array<i32>} : memref<144xi32, #tpu.memory_space<vmem>>, vector<16xi32>,
        %get3A_42 = vector.shape_cast %get3A_41 : vector<16xi32> to vector<16xi32>
        %slice3A_43 = vector.extract_strided_slice %get3A_42 {offsets = [0], sizes = [1], strides = [1]} : vector<16xi32> to vector<1xi32>
        %squeeze3A_44 = vector.extract %slice3A_43[0] : i32 from vector<1xi32>
        %get3A_45 = arith.index_cast %squeeze3A_44 : i32 to index
        %get3A_46 = arith.constant 0 : index
        %get3A_47 = tpu.vector_load %arg18[%get3A_45, %get3A_46] {strides = array<i32>} : memref<328x128xf32, #tpu.memory_space<vmem>>, vector<1x16xf32>,
        %get3A_48 = vector.shape_cast %get3A_47 : vector<1x16xf32> to vector<16xf32>
        %get3A_49 = arith.index_cast %scan3A_39 : i32 to index
        %get3A_50 = arith.constant 0 : index
        %get3A_51 = tpu.vector_load %arg16[%get3A_49, %get3A_50] {strides = array<i32>} : memref<128x128xf32, #tpu.memory_space<vmem>>, vector<1x16xf32>,
        %get3A_52 = vector.shape_cast %get3A_51 : vector<1x16xf32> to vector<16xf32>
        %get3A_53 = arith.index_cast %scan3A_39 : i32 to index
        %get3A_54 = arith.constant 0 : index
        %get3A_55 = tpu.vector_load %arg17[%get3A_53, %get3A_54] {strides = array<i32>} : memref<128x128xf32, #tpu.memory_space<vmem>>, vector<1x16xf32>,
        %get3A_56 = vector.shape_cast %get3A_55 : vector<1x16xf32> to vector<16xf32>
        %add3A_57 = arith.addf %get3A_52, %get3A_56 : vector<16xf32>
        %add3A_58 = arith.addf %get3A_48, %add3A_57 : vector<16xf32>
        %swap3A = arith.index_cast %squeeze3A_44 : i32 to index
        %swap3A_59 = arith.constant 0 : index
        %swap3A_60 = tpu.vector_load %arg18[%swap3A, %swap3A_59] {strides = array<i32>} : memref<328x128xf32, #tpu.memory_space<vmem>>, vector<1x16xf32>,
        %swap3A_61 = vector.shape_cast %swap3A_60 : vector<1x16xf32> to vector<16xf32>
        %swap3A_62 = vector.shape_cast %add3A_58 : vector<16xf32> to vector<1x16xf32>
        tpu.vector_store %arg18[%swap3A, %swap3A_59], %swap3A_62 {strides = array<i32>} : memref<328x128xf32, #tpu.memory_space<vmem>>, vector<1x16xf32>,
        %get3A_63 = arith.index_cast %squeeze3A_44 : i32 to index
        %get3A_64 = arith.constant 16 : index
        %get3A_65 = tpu.vector_load %arg18[%get3A_63, %get3A_64] {strides = array<i32>} : memref<328x128xf32, #tpu.memory_space<vmem>>, vector<1x16xf32>,
        %get3A_66 = vector.shape_cast %get3A_65 : vector<1x16xf32> to vector<16xf32>
        %get3A_67 = arith.index_cast %scan3A_39 : i32 to index
        %get3A_68 = arith.constant 16 : index
        %get3A_69 = tpu.vector_load %arg16[%get3A_67, %get3A_68] {strides = array<i32>} : memref<128x128xf32, #tpu.memory_space<vmem>>, vector<1x16xf32>,
        %get3A_70 = vector.shape_cast %get3A_69 : vector<1x16xf32> to vector<16xf32>
        %get3A_71 = arith.index_cast %scan3A_39 : i32 to index
        %get3A_72 = arith.constant 16 : index
        %get3A_73 = tpu.vector_load %arg17[%get3A_71, %get3A_72] {strides = array<i32>} : memref<128x128xf32, #tpu.memory_space<vmem>>, vector<1x16xf32>,
        %get3A_74 = vector.shape_cast %get3A_73 : vector<1x16xf32> to vector<16xf32>
        %add3A_75 = arith.addf %get3A_70, %get3A_74 : vector<16xf32>
        %add3A_76 = arith.addf %get3A_66, %add3A_75 : vector<16xf32>
        %swap3A_77 = arith.index_cast %squeeze3A_44 : i32 to index
        %swap3A_78 = arith.constant 16 : index
        %swap3A_79 = tpu.vector_load %arg18[%swap3A_77, %swap3A_78] {strides = array<i32>} : memref<328x128xf32, #tpu.memory_space<vmem>>, vector<1x16xf32>,
        %swap3A_80 = vector.shape_cast %swap3A_79 : vector<1x16xf32> to vector<16xf32>
        %swap3A_81 = vector.shape_cast %add3A_76 : vector<16xf32> to vector<1x16xf32>
        tpu.vector_store %arg18[%swap3A_77, %swap3A_78], %swap3A_81 {strides = array<i32>} : memref<328x128xf32, #tpu.memory_space<vmem>>, vector<1x16xf32>,
        %get3A_82 = arith.index_cast %squeeze3A_44 : i32 to index
        %get3A_83 = arith.constant 32 : index
        %get3A_84 = tpu.vector_load %arg18[%get3A_82, %get3A_83] {strides = array<i32>} : memref<328x128xf32, #tpu.memory_space<vmem>>, vector<1x16xf32>,
        %get3A_85 = vector.shape_cast %get3A_84 : vector<1x16xf32> to vector<16xf32>
        %get3A_86 = arith.index_cast %scan3A_39 : i32 to index
        %get3A_87 = arith.constant 32 : index
        %get3A_88 = tpu.vector_load %arg16[%get3A_86, %get3A_87] {strides = array<i32>} : memref<128x128xf32, #tpu.memory_space<vmem>>, vector<1x16xf32>,
        %get3A_89 = vector.shape_cast %get3A_88 : vector<1x16xf32> to vector<16xf32>
        %get3A_90 = arith.index_cast %scan3A_39 : i32 to index
        %get3A_91 = arith.constant 32 : index
        %get3A_92 = tpu.vector_load %arg17[%get3A_90, %get3A_91] {strides = array<i32>} : memref<128x128xf32, #tpu.memory_space<vmem>>, vector<1x16xf32>,
        %get3A_93 = vector.shape_cast %get3A_92 : vector<1x16xf32> to vector<16xf32>
        %add3A_94 = arith.addf %get3A_89, %get3A_93 : vector<16xf32>
        %add3A_95 = arith.addf %get3A_85, %add3A_94 : vector<16xf32>
        %swap3A_96 = arith.index_cast %squeeze3A_44 : i32 to index
        %swap3A_97 = arith.constant 32 : index
        %swap3A_98 = tpu.vector_load %arg18[%swap3A_96, %swap3A_97] {strides = array<i32>} : memref<328x128xf32, #tpu.memory_space<vmem>>, vector<1x16xf32>,
        %swap3A_99 = vector.shape_cast %swap3A_98 : vector<1x16xf32> to vector<16xf32>
        %swap3A_100 = vector.shape_cast %add3A_95 : vector<16xf32> to vector<1x16xf32>
        tpu.vector_store %arg18[%swap3A_96, %swap3A_97], %swap3A_100 {strides = array<i32>} : memref<328x128xf32, #tpu.memory_space<vmem>>, vector<1x16xf32>,
        %get3A_101 = arith.index_cast %squeeze3A_44 : i32 to index
        %get3A_102 = arith.constant 48 : index
        %get3A_103 = tpu.vector_load %arg18[%get3A_101, %get3A_102] {strides = array<i32>} : memref<328x128xf32, #tpu.memory_space<vmem>>, vector<1x16xf32>,
        %get3A_104 = vector.shape_cast %get3A_103 : vector<1x16xf32> to vector<16xf32>
        %get3A_105 = arith.index_cast %scan3A_39 : i32 to index
        %get3A_106 = arith.constant 48 : index
        %get3A_107 = tpu.vector_load %arg16[%get3A_105, %get3A_106] {strides = array<i32>} : memref<128x128xf32, #tpu.memory_space<vmem>>, vector<1x16xf32>,
        %get3A_108 = vector.shape_cast %get3A_107 : vector<1x16xf32> to vector<16xf32>
        %get3A_109 = arith.index_cast %scan3A_39 : i32 to index
        %get3A_110 = arith.constant 48 : index
        %get3A_111 = tpu.vector_load %arg17[%get3A_109, %get3A_110] {strides = array<i32>} : memref<128x128xf32, #tpu.memory_space<vmem>>, vector<1x16xf32>,
        %get3A_112 = vector.shape_cast %get3A_111 : vector<1x16xf32> to vector<16xf32>
        %add3A_113 = arith.addf %get3A_108, %get3A_112 : vector<16xf32>
        %add3A_114 = arith.addf %get3A_104, %add3A_113 : vector<16xf32>
        %swap3A_115 = arith.index_cast %squeeze3A_44 : i32 to index
        %swap3A_116 = arith.constant 48 : index
        %swap3A_117 = tpu.vector_load %arg18[%swap3A_115, %swap3A_116] {strides = array<i32>} : memref<328x128xf32, #tpu.memory_space<vmem>>, vector<1x16xf32>,
        %swap3A_118 = vector.shape_cast %swap3A_117 : vector<1x16xf32> to vector<16xf32>
        %swap3A_119 = vector.shape_cast %add3A_114 : vector<16xf32> to vector<1x16xf32>
        tpu.vector_store %arg18[%swap3A_115, %swap3A_116], %swap3A_119 {strides = array<i32>} : memref<328x128xf32, #tpu.memory_space<vmem>>, vector<1x16xf32>,
        %get3A_120 = arith.index_cast %squeeze3A_44 : i32 to index
        %get3A_121 = arith.constant 64 : index
        %get3A_122 = tpu.vector_load %arg18[%get3A_120, %get3A_121] {strides = array<i32>} : memref<328x128xf32, #tpu.memory_space<vmem>>, vector<1x16xf32>,
        %get3A_123 = vector.shape_cast %get3A_122 : vector<1x16xf32> to vector<16xf32>
        %get3A_124 = arith.index_cast %scan3A_39 : i32 to index
        %get3A_125 = arith.constant 64 : index
        %get3A_126 = tpu.vector_load %arg16[%get3A_124, %get3A_125] {strides = array<i32>} : memref<128x128xf32, #tpu.memory_space<vmem>>, vector<1x16xf32>,
        %get3A_127 = vector.shape_cast %get3A_126 : vector<1x16xf32> to vector<16xf32>
        %get3A_128 = arith.index_cast %scan3A_39 : i32 to index
        %get3A_129 = arith.constant 64 : index
        %get3A_130 = tpu.vector_load %arg17[%get3A_128, %get3A_129] {strides = array<i32>} : memref<128x128xf32, #tpu.memory_space<vmem>>, vector<1x16xf32>,
        %get3A_131 = vector.shape_cast %get3A_130 : vector<1x16xf32> to vector<16xf32>
        %add3A_132 = arith.addf %get3A_127, %get3A_131 : vector<16xf32>
        %add3A_133 = arith.addf %get3A_123, %add3A_132 : vector<16xf32>
        %swap3A_134 = arith.index_cast %squeeze3A_44 : i32 to index
        %swap3A_135 = arith.constant 64 : index
        %swap3A_136 = tpu.vector_load %arg18[%swap3A_134, %swap3A_135] {strides = array<i32>} : memref<328x128xf32, #tpu.memory_space<vmem>>, vector<1x16xf32>,
        %swap3A_137 = vector.shape_cast %swap3A_136 : vector<1x16xf32> to vector<16xf32>
        %swap3A_138 = vector.shape_cast %add3A_133 : vector<16xf32> to vector<1x16xf32>
        tpu.vector_store %arg18[%swap3A_134, %swap3A_135], %swap3A_138 {strides = array<i32>} : memref<328x128xf32, #tpu.memory_space<vmem>>, vector<1x16xf32>,
        %get3A_139 = arith.index_cast %squeeze3A_44 : i32 to index
        %get3A_140 = arith.constant 80 : index
        %get3A_141 = tpu.vector_load %arg18[%get3A_139, %get3A_140] {strides = array<i32>} : memref<328x128xf32, #tpu.memory_space<vmem>>, vector<1x16xf32>,
        %get3A_142 = vector.shape_cast %get3A_141 : vector<1x16xf32> to vector<16xf32>
        %get3A_143 = arith.index_cast %scan3A_39 : i32 to index
        %get3A_144 = arith.constant 80 : index
        %get3A_145 = tpu.vector_load %arg16[%get3A_143, %get3A_144] {strides = array<i32>} : memref<128x128xf32, #tpu.memory_space<vmem>>, vector<1x16xf32>,
        %get3A_146 = vector.shape_cast %get3A_145 : vector<1x16xf32> to vector<16xf32>
        %get3A_147 = arith.index_cast %scan3A_39 : i32 to index
        %get3A_148 = arith.constant 80 : index
        %get3A_149 = tpu.vector_load %arg17[%get3A_147, %get3A_148] {strides = array<i32>} : memref<128x128xf32, #tpu.memory_space<vmem>>, vector<1x16xf32>,
        %get3A_150 = vector.shape_cast %get3A_149 : vector<1x16xf32> to vector<16xf32>
        %add3A_151 = arith.addf %get3A_146, %get3A_150 : vector<16xf32>
        %add3A_152 = arith.addf %get3A_142, %add3A_151 : vector<16xf32>
        %swap3A_153 = arith.index_cast %squeeze3A_44 : i32 to index
        %swap3A_154 = arith.constant 80 : index
        %swap3A_155 = tpu.vector_load %arg18[%swap3A_153, %swap3A_154] {strides = array<i32>} : memref<328x128xf32, #tpu.memory_space<vmem>>, vector<1x16xf32>,
        %swap3A_156 = vector.shape_cast %swap3A_155 : vector<1x16xf32> to vector<16xf32>
        %swap3A_157 = vector.shape_cast %add3A_152 : vector<16xf32> to vector<1x16xf32>
        tpu.vector_store %arg18[%swap3A_153, %swap3A_154], %swap3A_157 {strides = array<i32>} : memref<328x128xf32, #tpu.memory_space<vmem>>, vector<1x16xf32>,
        %get3A_158 = arith.index_cast %squeeze3A_44 : i32 to index
        %get3A_159 = arith.constant 96 : index
        %get3A_160 = tpu.vector_load %arg18[%get3A_158, %get3A_159] {strides = array<i32>} : memref<328x128xf32, #tpu.memory_space<vmem>>, vector<1x16xf32>,
        %get3A_161 = vector.shape_cast %get3A_160 : vector<1x16xf32> to vector<16xf32>
        %get3A_162 = arith.index_cast %scan3A_39 : i32 to index
        %get3A_163 = arith.constant 96 : index
        %get3A_164 = tpu.vector_load %arg16[%get3A_162, %get3A_163] {strides = array<i32>} : memref<128x128xf32, #tpu.memory_space<vmem>>, vector<1x16xf32>,
        %get3A_165 = vector.shape_cast %get3A_164 : vector<1x16xf32> to vector<16xf32>
        %get3A_166 = arith.index_cast %scan3A_39 : i32 to index
        %get3A_167 = arith.constant 96 : index
        %get3A_168 = tpu.vector_load %arg17[%get3A_166, %get3A_167] {strides = array<i32>} : memref<128x128xf32, #tpu.memory_space<vmem>>, vector<1x16xf32>,
        %get3A_169 = vector.shape_cast %get3A_168 : vector<1x16xf32> to vector<16xf32>
        %add3A_170 = arith.addf %get3A_165, %get3A_169 : vector<16xf32>
        %add3A_171 = arith.addf %get3A_161, %add3A_170 : vector<16xf32>
        %swap3A_172 = arith.index_cast %squeeze3A_44 : i32 to index
        %swap3A_173 = arith.constant 96 : index
        %swap3A_174 = tpu.vector_load %arg18[%swap3A_172, %swap3A_173] {strides = array<i32>} : memref<328x128xf32, #tpu.memory_space<vmem>>, vector<1x16xf32>,
        %swap3A_175 = vector.shape_cast %swap3A_174 : vector<1x16xf32> to vector<16xf32>
        %swap3A_176 = vector.shape_cast %add3A_171 : vector<16xf32> to vector<1x16xf32>
        tpu.vector_store %arg18[%swap3A_172, %swap3A_173], %swap3A_176 {strides = array<i32>} : memref<328x128xf32, #tpu.memory_space<vmem>>, vector<1x16xf32>,
        %get3A_177 = arith.index_cast %squeeze3A_44 : i32 to index
        %get3A_178 = arith.constant 112 : index
        %get3A_179 = tpu.vector_load %arg18[%get3A_177, %get3A_178] {strides = array<i32>} : memref<328x128xf32, #tpu.memory_space<vmem>>, vector<1x16xf32>,
        %get3A_180 = vector.shape_cast %get3A_179 : vector<1x16xf32> to vector<16xf32>
        %get3A_181 = arith.index_cast %scan3A_39 : i32 to index
        %get3A_182 = arith.constant 112 : index
        %get3A_183 = tpu.vector_load %arg16[%get3A_181, %get3A_182] {strides = array<i32>} : memref<128x128xf32, #tpu.memory_space<vmem>>, vector<1x16xf32>,
        %get3A_184 = vector.shape_cast %get3A_183 : vector<1x16xf32> to vector<16xf32>
        %get3A_185 = arith.index_cast %scan3A_39 : i32 to index
        %get3A_186 = arith.constant 112 : index
        %get3A_187 = tpu.vector_load %arg17[%get3A_185, %get3A_186] {strides = array<i32>} : memref<128x128xf32, #tpu.memory_space<vmem>>, vector<1x16xf32>,
        %get3A_188 = vector.shape_cast %get3A_187 : vector<1x16xf32> to vector<16xf32>
        %add3A_189 = arith.addf %get3A_184, %get3A_188 : vector<16xf32>
        %add3A_190 = arith.addf %get3A_180, %add3A_189 : vector<16xf32>
        %swap3A_191 = arith.index_cast %squeeze3A_44 : i32 to index
        %swap3A_192 = arith.constant 112 : index
        %swap3A_193 = tpu.vector_load %arg18[%swap3A_191, %swap3A_192] {strides = array<i32>} : memref<328x128xf32, #tpu.memory_space<vmem>>, vector<1x16xf32>,
        %swap3A_194 = vector.shape_cast %swap3A_193 : vector<1x16xf32> to vector<16xf32>
        %swap3A_195 = vector.shape_cast %add3A_190 : vector<16xf32> to vector<1x16xf32>
        tpu.vector_store %arg18[%swap3A_191, %swap3A_192], %swap3A_195 {strides = array<i32>} : memref<328x128xf32, #tpu.memory_space<vmem>>, vector<1x16xf32>,
      }
      %scan3A_38 = arith.constant 128 : i32
    }
    %mul3A_17 = arith.constant 320 : i32
    %mul3A_18 = arith.muli %add3A, %mul3A_17 : i32
    %multiple_of3A = tpu.assume_multiple %mul3A_18, 8 : i32
    "tpu.region"() ({
      %run_scoped3A = tpu.sem_alloc : memref<!tpu.dma_semaphore, #tpu.memory_space<semaphore_mem>>
      %dma_start3A = arith.constant 0 : i32
      %dma_start3A_19 = arith.constant 0 : i32
      %dma_start3A_20 = tpu.memref_slice %arg18[%dma_start3A, %dma_start3A_19] : memref<328x128xf32, #tpu.memory_space<vmem>> -> memref<320x128xf32, #tpu.memory_space<vmem>>
      %dma_start3A_21 = arith.constant 0 : i32
      %dma_start3A_22 = tpu.memref_slice %arg10[%multiple_of3A, %dma_start3A_21] : memref<10240x128xf32, #tpu.memory_space<hbm>> -> memref<320x128xf32, #tpu.memory_space<hbm>>
      %dma_start3A_23 = arith.constant 0 : i32
      %dma_start3A_24 = tpu.memref_slice %arg10[%multiple_of3A, %dma_start3A_23] : memref<10240x128xf32, #tpu.memory_space<hbm>> -> memref<320x128xf32, #tpu.memory_space<hbm>>
      %dma_start3A_25 = arith.constant 0 : i32
      %dma_start3A_26 = arith.constant 0 : i32
      %dma_start3A_27 = tpu.memref_slice %arg18[%dma_start3A_25, %dma_start3A_26] : memref<328x128xf32, #tpu.memory_space<vmem>> -> memref<320x128xf32, #tpu.memory_space<vmem>>
      tpu.enqueue_dma source(%dma_start3A_27 : memref<320x128xf32, #tpu.memory_space<vmem>>) target(%dma_start3A_24 : memref<320x128xf32, #tpu.memory_space<hbm>>) target_semaphore(%run_scoped3A : memref<!tpu.dma_semaphore, #tpu.memory_space<semaphore_mem>>)
      %dma_wait3A = arith.constant 0 : i32
      %dma_wait3A_28 = arith.constant 0 : i32
      %dma_wait3A_29 = tpu.memref_slice %arg18[%dma_wait3A, %dma_wait3A_28] : memref<328x128xf32, #tpu.memory_space<vmem>> -> memref<320x128xf32, #tpu.memory_space<vmem>>
      %dma_wait3A_30 = arith.constant 0 : i32
      %dma_wait3A_31 = tpu.memref_slice %arg10[%multiple_of3A, %dma_wait3A_30] : memref<10240x128xf32, #tpu.memory_space<hbm>> -> memref<320x128xf32, #tpu.memory_space<hbm>>
      %dma_wait3A_32 = arith.constant 0 : i32
      %dma_wait3A_33 = tpu.memref_slice %arg10[%multiple_of3A, %dma_wait3A_32] : memref<10240x128xf32, #tpu.memory_space<hbm>> -> memref<320x128xf32, #tpu.memory_space<hbm>>
      %dma_wait3A_34 = arith.constant 0 : i32
      %dma_wait3A_35 = arith.constant 0 : i32
      %dma_wait3A_36 = tpu.memref_slice %arg18[%dma_wait3A_34, %dma_wait3A_35] : memref<328x128xf32, #tpu.memory_space<vmem>> -> memref<320x128xf32, #tpu.memory_space<vmem>>
      tpu.wait_dma2 semaphore(%run_scoped3A : memref<!tpu.dma_semaphore, #tpu.memory_space<semaphore_mem>>) src(%dma_wait3A_36 : memref<320x128xf32, #tpu.memory_space<vmem>>) dst(%dma_wait3A_33 : memref<320x128xf32, #tpu.memory_space<hbm>>)
      tpu.yield
    }) : () -> ()
    return
  }
}

#map = affine_map<(d0, d1) -> (0, 0)>
#map1 = affine_map<(d0, d1) -> (0)>
module attributes {stable_mosaic.version = 14 : i64} {
  func.func @_seg_fold(%arg0: i32, %arg1: i32, %arg2: memref<10000x128xf32, #tpu.memory_space<hbm>>, %arg3: memref<16x128xf32, #tpu.memory_space<hbm>>, %arg4: memref<334080xi32, #tpu.memory_space<hbm>>, %arg5: memref<334080xi32, #tpu.memory_space<hbm>>, %arg6: memref<334080xi32, #tpu.memory_space<hbm>>, %arg7: memref<48xi32, #tpu.memory_space<hbm>>, %arg8: memref<48xi32, #tpu.memory_space<hbm>>, %arg9: memref<328x128xf32, #tpu.memory_space<hbm>>, %arg10: memref<10240x128xf32, #tpu.memory_space<hbm>>, %arg11: memref<48xi32, #tpu.memory_space<vmem>>, %arg12: memref<48xi32, #tpu.memory_space<vmem>>, %arg13: memref<128xi32, #tpu.memory_space<vmem>>, %arg14: memref<144xi32, #tpu.memory_space<vmem>>, %arg15: memref<128xi32, #tpu.memory_space<vmem>>, %arg16: memref<128x128xf32, #tpu.memory_space<vmem>>, %arg17: memref<128x128xf32, #tpu.memory_space<vmem>>, %arg18: memref<328x128xf32, #tpu.memory_space<vmem>>, %arg19: memref<!tpu.dma_semaphore, #tpu.memory_space<semaphore_mem>>, %arg20: memref<!tpu.dma_semaphore, #tpu.memory_space<semaphore_mem>>) attributes {dimension_semantics = [#tpu.dimension_semantics<core_parallel>, #tpu.dimension_semantics<subcore_parallel>], iteration_bounds = array<i64: 2, 16>, scalar_prefetch = 0 : i64, scratch_operands = 10 : i64, tpu.core_type = #tpu.core_type<sc_vector_subcore>, window_params = [{transform_indices = #map}, {transform_indices = #map}, {transform_indices = #map1}, {transform_indices = #map1}, {transform_indices = #map1}, {transform_indices = #map1}, {transform_indices = #map1}, {transform_indices = #map}, {transform_indices = #map}]} {
    %mul3A = arith.constant 16 : i32
    %mul3A_0 = arith.muli %arg0, %mul3A : i32
    %add3A = arith.addi %mul3A_0, %arg1 : i32
    "tpu.region"() ({
      %run_scoped3A = tpu.sem_alloc : memref<!tpu.dma_semaphore, #tpu.memory_space<semaphore_mem>>
      tpu.enqueue_dma source(%arg9 : memref<328x128xf32, #tpu.memory_space<hbm>>) target(%arg18 : memref<328x128xf32, #tpu.memory_space<vmem>>) target_semaphore(%run_scoped3A : memref<!tpu.dma_semaphore, #tpu.memory_space<semaphore_mem>>)
      tpu.wait_dma2 semaphore(%run_scoped3A : memref<!tpu.dma_semaphore, #tpu.memory_space<semaphore_mem>>) src(%arg9 : memref<328x128xf32, #tpu.memory_space<hbm>>) dst(%arg18 : memref<328x128xf32, #tpu.memory_space<vmem>>)
      tpu.yield
    }) : () -> ()
    "tpu.region"() ({
      %run_scoped3A = tpu.sem_alloc : memref<!tpu.dma_semaphore, #tpu.memory_space<semaphore_mem>>
      tpu.enqueue_dma source(%arg7 : memref<48xi32, #tpu.memory_space<hbm>>) target(%arg11 : memref<48xi32, #tpu.memory_space<vmem>>) target_semaphore(%run_scoped3A : memref<!tpu.dma_semaphore, #tpu.memory_space<semaphore_mem>>)
      tpu.wait_dma2 semaphore(%run_scoped3A : memref<!tpu.dma_semaphore, #tpu.memory_space<semaphore_mem>>) src(%arg7 : memref<48xi32, #tpu.memory_space<hbm>>) dst(%arg11 : memref<48xi32, #tpu.memory_space<vmem>>)
      tpu.yield
    }) : () -> ()
    "tpu.region"() ({
      %run_scoped3A = tpu.sem_alloc : memref<!tpu.dma_semaphore, #tpu.memory_space<semaphore_mem>>
      tpu.enqueue_dma source(%arg8 : memref<48xi32, #tpu.memory_space<hbm>>) target(%arg12 : memref<48xi32, #tpu.memory_space<vmem>>) target_semaphore(%run_scoped3A : memref<!tpu.dma_semaphore, #tpu.memory_space<semaphore_mem>>)
      tpu.wait_dma2 semaphore(%run_scoped3A : memref<!tpu.dma_semaphore, #tpu.memory_space<semaphore_mem>>) src(%arg8 : memref<48xi32, #tpu.memory_space<hbm>>) dst(%arg12 : memref<48xi32, #tpu.memory_space<vmem>>)
      tpu.yield
    }) : () -> ()
    %get3A = arith.index_cast %add3A : i32 to index
    %get3A_1 = tpu.vector_load %arg11[%get3A] {strides = array<i32>} : memref<48xi32, #tpu.memory_space<vmem>>, vector<16xi32>,
    %get3A_2 = vector.shape_cast %get3A_1 : vector<16xi32> to vector<16xi32>
    %slice3A = vector.extract_strided_slice %get3A_2 {offsets = [0], sizes = [1], strides = [1]} : vector<16xi32> to vector<1xi32>
    %squeeze3A = vector.extract %slice3A[0] : i32 from vector<1xi32>
    %get3A_3 = arith.index_cast %add3A : i32 to index
    %get3A_4 = tpu.vector_load %arg12[%get3A_3] {strides = array<i32>} : memref<48xi32, #tpu.memory_space<vmem>>, vector<16xi32>,
    %get3A_5 = vector.shape_cast %get3A_4 : vector<16xi32> to vector<16xi32>
    %slice3A_6 = vector.extract_strided_slice %get3A_5 {offsets = [0], sizes = [1], strides = [1]} : vector<16xi32> to vector<1xi32>
    %squeeze3A_7 = vector.extract %slice3A_6[0] : i32 from vector<1xi32>
    %while3A = arith.constant 0 : i32
    %while3A_8 = arith.constant 0 : i32
    %while3A_9 = arith.subi %squeeze3A_7, %while3A_8 : i32
    %while3A_10 = arith.addi %while3A_8, %while3A_9 : i32
    %while3A_11 = arith.constant 1 : i32
    %while3A_12 = arith.divsi %while3A_9, %while3A_11 : i32
    %while3A_13 = arith.muli %while3A_12, %while3A_11 : i32
    %while3A_14 = arith.addi %while3A_8, %while3A_13 : i32
    %while3A_15 = arith.constant 1 : i32
    scf.for %while3A_19 = %while3A_8 to %while3A_14 step %while3A_15  : i32 {
      %mul3A_20 = arith.constant 128 : i32
      %mul3A_21 = arith.muli %while3A_19, %mul3A_20 : i32
      %add3A_22 = arith.addi %squeeze3A, %mul3A_21 : i32
      %multiple_of3A_23 = tpu.assume_multiple %add3A_22, 128 : i32
      "tpu.region"() ({
        %run_scoped3A = tpu.sem_alloc : memref<!tpu.dma_semaphore, #tpu.memory_space<semaphore_mem>>
        %dma_start3A_39 = tpu.memref_slice %arg4[%multiple_of3A_23] : memref<334080xi32, #tpu.memory_space<hbm>> -> memref<128xi32, #tpu.memory_space<hbm>>
        %dma_start3A_40 = tpu.memref_slice %arg4[%multiple_of3A_23] : memref<334080xi32, #tpu.memory_space<hbm>> -> memref<128xi32, #tpu.memory_space<hbm>>
        tpu.enqueue_dma source(%dma_start3A_40 : memref<128xi32, #tpu.memory_space<hbm>>) target(%arg13 : memref<128xi32, #tpu.memory_space<vmem>>) target_semaphore(%run_scoped3A : memref<!tpu.dma_semaphore, #tpu.memory_space<semaphore_mem>>)
        %dma_wait3A_41 = tpu.memref_slice %arg4[%multiple_of3A_23] : memref<334080xi32, #tpu.memory_space<hbm>> -> memref<128xi32, #tpu.memory_space<hbm>>
        %dma_wait3A_42 = tpu.memref_slice %arg4[%multiple_of3A_23] : memref<334080xi32, #tpu.memory_space<hbm>> -> memref<128xi32, #tpu.memory_space<hbm>>
        tpu.wait_dma2 semaphore(%run_scoped3A : memref<!tpu.dma_semaphore, #tpu.memory_space<semaphore_mem>>) src(%dma_wait3A_42 : memref<128xi32, #tpu.memory_space<hbm>>) dst(%arg13 : memref<128xi32, #tpu.memory_space<vmem>>)
        tpu.yield
      }) : () -> ()
      "tpu.region"() ({
        %run_scoped3A = tpu.sem_alloc : memref<!tpu.dma_semaphore, #tpu.memory_space<semaphore_mem>>
        %dma_start3A_39 = arith.constant 0 : i32
        %dma_start3A_40 = tpu.memref_slice %arg14[%dma_start3A_39] : memref<144xi32, #tpu.memory_space<vmem>> -> memref<128xi32, #tpu.memory_space<vmem>>
        %dma_start3A_41 = tpu.memref_slice %arg5[%multiple_of3A_23] : memref<334080xi32, #tpu.memory_space<hbm>> -> memref<128xi32, #tpu.memory_space<hbm>>
        %dma_start3A_42 = arith.constant 0 : i32
        %dma_start3A_43 = tpu.memref_slice %arg14[%dma_start3A_42] : memref<144xi32, #tpu.memory_space<vmem>> -> memref<128xi32, #tpu.memory_space<vmem>>
        %dma_start3A_44 = tpu.memref_slice %arg5[%multiple_of3A_23] : memref<334080xi32, #tpu.memory_space<hbm>> -> memref<128xi32, #tpu.memory_space<hbm>>
        tpu.enqueue_dma source(%dma_start3A_44 : memref<128xi32, #tpu.memory_space<hbm>>) target(%dma_start3A_43 : memref<128xi32, #tpu.memory_space<vmem>>) target_semaphore(%run_scoped3A : memref<!tpu.dma_semaphore, #tpu.memory_space<semaphore_mem>>)
        %dma_wait3A_45 = arith.constant 0 : i32
        %dma_wait3A_46 = tpu.memref_slice %arg14[%dma_wait3A_45] : memref<144xi32, #tpu.memory_space<vmem>> -> memref<128xi32, #tpu.memory_space<vmem>>
        %dma_wait3A_47 = tpu.memref_slice %arg5[%multiple_of3A_23] : memref<334080xi32, #tpu.memory_space<hbm>> -> memref<128xi32, #tpu.memory_space<hbm>>
        %dma_wait3A_48 = arith.constant 0 : i32
        %dma_wait3A_49 = tpu.memref_slice %arg14[%dma_wait3A_48] : memref<144xi32, #tpu.memory_space<vmem>> -> memref<128xi32, #tpu.memory_space<vmem>>
        %dma_wait3A_50 = tpu.memref_slice %arg5[%multiple_of3A_23] : memref<334080xi32, #tpu.memory_space<hbm>> -> memref<128xi32, #tpu.memory_space<hbm>>
        tpu.wait_dma2 semaphore(%run_scoped3A : memref<!tpu.dma_semaphore, #tpu.memory_space<semaphore_mem>>) src(%dma_wait3A_50 : memref<128xi32, #tpu.memory_space<hbm>>) dst(%dma_wait3A_49 : memref<128xi32, #tpu.memory_space<vmem>>)
        tpu.yield
      }) : () -> ()
      "tpu.region"() ({
        %run_scoped3A = tpu.sem_alloc : memref<!tpu.dma_semaphore, #tpu.memory_space<semaphore_mem>>
        %dma_start3A_39 = tpu.memref_slice %arg6[%multiple_of3A_23] : memref<334080xi32, #tpu.memory_space<hbm>> -> memref<128xi32, #tpu.memory_space<hbm>>
        %dma_start3A_40 = tpu.memref_slice %arg6[%multiple_of3A_23] : memref<334080xi32, #tpu.memory_space<hbm>> -> memref<128xi32, #tpu.memory_space<hbm>>
        tpu.enqueue_dma source(%dma_start3A_40 : memref<128xi32, #tpu.memory_space<hbm>>) target(%arg15 : memref<128xi32, #tpu.memory_space<vmem>>) target_semaphore(%run_scoped3A : memref<!tpu.dma_semaphore, #tpu.memory_space<semaphore_mem>>)
        %dma_wait3A_41 = tpu.memref_slice %arg6[%multiple_of3A_23] : memref<334080xi32, #tpu.memory_space<hbm>> -> memref<128xi32, #tpu.memory_space<hbm>>
        %dma_wait3A_42 = tpu.memref_slice %arg6[%multiple_of3A_23] : memref<334080xi32, #tpu.memory_space<hbm>> -> memref<128xi32, #tpu.memory_space<hbm>>
        tpu.wait_dma2 semaphore(%run_scoped3A : memref<!tpu.dma_semaphore, #tpu.memory_space<semaphore_mem>>) src(%dma_wait3A_42 : memref<128xi32, #tpu.memory_space<hbm>>) dst(%arg15 : memref<128xi32, #tpu.memory_space<vmem>>)
        tpu.yield
      }) : () -> ()
      %dma_start3A = arith.constant 0 : i32
      %dma_start3A_24 = arith.constant 0 : i32
      %dma_start3A_25 = tpu.memref_slice %arg2[%dma_start3A, %dma_start3A_24] : memref<10000x128xf32, #tpu.memory_space<hbm>> -> memref<10000x128xf32, #tpu.memory_space<hbm>>
      tpu.enqueue_indirect_dma source(%dma_start3A_25 : memref<10000x128xf32, #tpu.memory_space<hbm>>) target(%arg16 : memref<128x128xf32, #tpu.memory_space<vmem>>) offsets(%arg13 : memref<128xi32, #tpu.memory_space<vmem>>) semaphore(%arg19 : memref<!tpu.dma_semaphore, #tpu.memory_space<semaphore_mem>>)
      %dma_start3A_26 = arith.constant 0 : i32
      %dma_start3A_27 = arith.constant 0 : i32
      %dma_start3A_28 = tpu.memref_slice %arg3[%dma_start3A_26, %dma_start3A_27] : memref<16x128xf32, #tpu.memory_space<hbm>> -> memref<16x128xf32, #tpu.memory_space<hbm>>
      tpu.enqueue_indirect_dma source(%dma_start3A_28 : memref<16x128xf32, #tpu.memory_space<hbm>>) target(%arg17 : memref<128x128xf32, #tpu.memory_space<vmem>>) offsets(%arg15 : memref<128xi32, #tpu.memory_space<vmem>>) semaphore(%arg20 : memref<!tpu.dma_semaphore, #tpu.memory_space<semaphore_mem>>)
      %dma_wait3A = arith.constant 0 : i32
      %dma_wait3A_29 = arith.constant 0 : i32
      %dma_wait3A_30 = tpu.memref_slice %arg2[%dma_wait3A, %dma_wait3A_29] : memref<10000x128xf32, #tpu.memory_space<hbm>> -> memref<10000x128xf32, #tpu.memory_space<hbm>>
      tpu.wait_indirect_dma semaphore(%arg19 : memref<!tpu.dma_semaphore, #tpu.memory_space<semaphore_mem>>) src(%dma_wait3A_30 : memref<10000x128xf32, #tpu.memory_space<hbm>>) dst(%arg16 : memref<128x128xf32, #tpu.memory_space<vmem>>)
      %dma_wait3A_31 = arith.constant 0 : i32
      %dma_wait3A_32 = arith.constant 0 : i32
      %dma_wait3A_33 = tpu.memref_slice %arg3[%dma_wait3A_31, %dma_wait3A_32] : memref<16x128xf32, #tpu.memory_space<hbm>> -> memref<16x128xf32, #tpu.memory_space<hbm>>
      tpu.wait_indirect_dma semaphore(%arg20 : memref<!tpu.dma_semaphore, #tpu.memory_space<semaphore_mem>>) src(%dma_wait3A_33 : memref<16x128xf32, #tpu.memory_space<hbm>>) dst(%arg17 : memref<128x128xf32, #tpu.memory_space<vmem>>)
      %scan3A = arith.constant 0 : i32
      %scan3A_34 = arith.constant 0 : i32
      %scan3A_35 = arith.constant 128 : i32
      %scan3A_36 = arith.addi %scan3A_34, %scan3A_35 : i32
      %scan3A_37 = arith.constant 1 : i32
      scf.for %scan3A_39 = %scan3A_34 to %scan3A_36 step %scan3A_37  : i32 {
        %get3A_40 = arith.index_cast %scan3A_39 : i32 to index
        %get3A_41 = tpu.vector_load %arg14[%get3A_40] {strides = array<i32>} : memref<144xi32, #tpu.memory_space<vmem>>, vector<16xi32>,
        %get3A_42 = vector.shape_cast %get3A_41 : vector<16xi32> to vector<16xi32>
        %slice3A_43 = vector.extract_strided_slice %get3A_42 {offsets = [0], sizes = [1], strides = [1]} : vector<16xi32> to vector<1xi32>
        %squeeze3A_44 = vector.extract %slice3A_43[0] : i32 from vector<1xi32>
        %get3A_45 = arith.index_cast %squeeze3A_44 : i32 to index
        %get3A_46 = arith.constant 0 : index
        %get3A_47 = tpu.vector_load %arg18[%get3A_45, %get3A_46] {strides = array<i32>} : memref<328x128xf32, #tpu.memory_space<vmem>>, vector<1x16xf32>,
        %get3A_48 = vector.shape_cast %get3A_47 : vector<1x16xf32> to vector<16xf32>
        %get3A_49 = arith.index_cast %scan3A_39 : i32 to index
        %get3A_50 = arith.constant 0 : index
        %get3A_51 = tpu.vector_load %arg16[%get3A_49, %get3A_50] {strides = array<i32>} : memref<128x128xf32, #tpu.memory_space<vmem>>, vector<1x16xf32>,
        %get3A_52 = vector.shape_cast %get3A_51 : vector<1x16xf32> to vector<16xf32>
        %get3A_53 = arith.index_cast %scan3A_39 : i32 to index
        %get3A_54 = arith.constant 0 : index
        %get3A_55 = tpu.vector_load %arg17[%get3A_53, %get3A_54] {strides = array<i32>} : memref<128x128xf32, #tpu.memory_space<vmem>>, vector<1x16xf32>,
        %get3A_56 = vector.shape_cast %get3A_55 : vector<1x16xf32> to vector<16xf32>
        %add3A_57 = arith.addf %get3A_52, %get3A_56 : vector<16xf32>
        %add3A_58 = arith.addf %get3A_48, %add3A_57 : vector<16xf32>
        %swap3A = arith.index_cast %squeeze3A_44 : i32 to index
        %swap3A_59 = arith.constant 0 : index
        %swap3A_60 = tpu.vector_load %arg18[%swap3A, %swap3A_59] {strides = array<i32>} : memref<328x128xf32, #tpu.memory_space<vmem>>, vector<1x16xf32>,
        %swap3A_61 = vector.shape_cast %swap3A_60 : vector<1x16xf32> to vector<16xf32>
        %swap3A_62 = vector.shape_cast %add3A_58 : vector<16xf32> to vector<1x16xf32>
        tpu.vector_store %arg18[%swap3A, %swap3A_59], %swap3A_62 {strides = array<i32>} : memref<328x128xf32, #tpu.memory_space<vmem>>, vector<1x16xf32>,
        %get3A_63 = arith.index_cast %squeeze3A_44 : i32 to index
        %get3A_64 = arith.constant 16 : index
        %get3A_65 = tpu.vector_load %arg18[%get3A_63, %get3A_64] {strides = array<i32>} : memref<328x128xf32, #tpu.memory_space<vmem>>, vector<1x16xf32>,
        %get3A_66 = vector.shape_cast %get3A_65 : vector<1x16xf32> to vector<16xf32>
        %get3A_67 = arith.index_cast %scan3A_39 : i32 to index
        %get3A_68 = arith.constant 16 : index
        %get3A_69 = tpu.vector_load %arg16[%get3A_67, %get3A_68] {strides = array<i32>} : memref<128x128xf32, #tpu.memory_space<vmem>>, vector<1x16xf32>,
        %get3A_70 = vector.shape_cast %get3A_69 : vector<1x16xf32> to vector<16xf32>
        %get3A_71 = arith.index_cast %scan3A_39 : i32 to index
        %get3A_72 = arith.constant 16 : index
        %get3A_73 = tpu.vector_load %arg17[%get3A_71, %get3A_72] {strides = array<i32>} : memref<128x128xf32, #tpu.memory_space<vmem>>, vector<1x16xf32>,
        %get3A_74 = vector.shape_cast %get3A_73 : vector<1x16xf32> to vector<16xf32>
        %add3A_75 = arith.addf %get3A_70, %get3A_74 : vector<16xf32>
        %add3A_76 = arith.addf %get3A_66, %add3A_75 : vector<16xf32>
        %swap3A_77 = arith.index_cast %squeeze3A_44 : i32 to index
        %swap3A_78 = arith.constant 16 : index
        %swap3A_79 = tpu.vector_load %arg18[%swap3A_77, %swap3A_78] {strides = array<i32>} : memref<328x128xf32, #tpu.memory_space<vmem>>, vector<1x16xf32>,
        %swap3A_80 = vector.shape_cast %swap3A_79 : vector<1x16xf32> to vector<16xf32>
        %swap3A_81 = vector.shape_cast %add3A_76 : vector<16xf32> to vector<1x16xf32>
        tpu.vector_store %arg18[%swap3A_77, %swap3A_78], %swap3A_81 {strides = array<i32>} : memref<328x128xf32, #tpu.memory_space<vmem>>, vector<1x16xf32>,
        %get3A_82 = arith.index_cast %squeeze3A_44 : i32 to index
        %get3A_83 = arith.constant 32 : index
        %get3A_84 = tpu.vector_load %arg18[%get3A_82, %get3A_83] {strides = array<i32>} : memref<328x128xf32, #tpu.memory_space<vmem>>, vector<1x16xf32>,
        %get3A_85 = vector.shape_cast %get3A_84 : vector<1x16xf32> to vector<16xf32>
        %get3A_86 = arith.index_cast %scan3A_39 : i32 to index
        %get3A_87 = arith.constant 32 : index
        %get3A_88 = tpu.vector_load %arg16[%get3A_86, %get3A_87] {strides = array<i32>} : memref<128x128xf32, #tpu.memory_space<vmem>>, vector<1x16xf32>,
        %get3A_89 = vector.shape_cast %get3A_88 : vector<1x16xf32> to vector<16xf32>
        %get3A_90 = arith.index_cast %scan3A_39 : i32 to index
        %get3A_91 = arith.constant 32 : index
        %get3A_92 = tpu.vector_load %arg17[%get3A_90, %get3A_91] {strides = array<i32>} : memref<128x128xf32, #tpu.memory_space<vmem>>, vector<1x16xf32>,
        %get3A_93 = vector.shape_cast %get3A_92 : vector<1x16xf32> to vector<16xf32>
        %add3A_94 = arith.addf %get3A_89, %get3A_93 : vector<16xf32>
        %add3A_95 = arith.addf %get3A_85, %add3A_94 : vector<16xf32>
        %swap3A_96 = arith.index_cast %squeeze3A_44 : i32 to index
        %swap3A_97 = arith.constant 32 : index
        %swap3A_98 = tpu.vector_load %arg18[%swap3A_96, %swap3A_97] {strides = array<i32>} : memref<328x128xf32, #tpu.memory_space<vmem>>, vector<1x16xf32>,
        %swap3A_99 = vector.shape_cast %swap3A_98 : vector<1x16xf32> to vector<16xf32>
        %swap3A_100 = vector.shape_cast %add3A_95 : vector<16xf32> to vector<1x16xf32>
        tpu.vector_store %arg18[%swap3A_96, %swap3A_97], %swap3A_100 {strides = array<i32>} : memref<328x128xf32, #tpu.memory_space<vmem>>, vector<1x16xf32>,
        %get3A_101 = arith.index_cast %squeeze3A_44 : i32 to index
        %get3A_102 = arith.constant 48 : index
        %get3A_103 = tpu.vector_load %arg18[%get3A_101, %get3A_102] {strides = array<i32>} : memref<328x128xf32, #tpu.memory_space<vmem>>, vector<1x16xf32>,
        %get3A_104 = vector.shape_cast %get3A_103 : vector<1x16xf32> to vector<16xf32>
        %get3A_105 = arith.index_cast %scan3A_39 : i32 to index
        %get3A_106 = arith.constant 48 : index
        %get3A_107 = tpu.vector_load %arg16[%get3A_105, %get3A_106] {strides = array<i32>} : memref<128x128xf32, #tpu.memory_space<vmem>>, vector<1x16xf32>,
        %get3A_108 = vector.shape_cast %get3A_107 : vector<1x16xf32> to vector<16xf32>
        %get3A_109 = arith.index_cast %scan3A_39 : i32 to index
        %get3A_110 = arith.constant 48 : index
        %get3A_111 = tpu.vector_load %arg17[%get3A_109, %get3A_110] {strides = array<i32>} : memref<128x128xf32, #tpu.memory_space<vmem>>, vector<1x16xf32>,
        %get3A_112 = vector.shape_cast %get3A_111 : vector<1x16xf32> to vector<16xf32>
        %add3A_113 = arith.addf %get3A_108, %get3A_112 : vector<16xf32>
        %add3A_114 = arith.addf %get3A_104, %add3A_113 : vector<16xf32>
        %swap3A_115 = arith.index_cast %squeeze3A_44 : i32 to index
        %swap3A_116 = arith.constant 48 : index
        %swap3A_117 = tpu.vector_load %arg18[%swap3A_115, %swap3A_116] {strides = array<i32>} : memref<328x128xf32, #tpu.memory_space<vmem>>, vector<1x16xf32>,
        %swap3A_118 = vector.shape_cast %swap3A_117 : vector<1x16xf32> to vector<16xf32>
        %swap3A_119 = vector.shape_cast %add3A_114 : vector<16xf32> to vector<1x16xf32>
        tpu.vector_store %arg18[%swap3A_115, %swap3A_116], %swap3A_119 {strides = array<i32>} : memref<328x128xf32, #tpu.memory_space<vmem>>, vector<1x16xf32>,
        %get3A_120 = arith.index_cast %squeeze3A_44 : i32 to index
        %get3A_121 = arith.constant 64 : index
        %get3A_122 = tpu.vector_load %arg18[%get3A_120, %get3A_121] {strides = array<i32>} : memref<328x128xf32, #tpu.memory_space<vmem>>, vector<1x16xf32>,
        %get3A_123 = vector.shape_cast %get3A_122 : vector<1x16xf32> to vector<16xf32>
        %get3A_124 = arith.index_cast %scan3A_39 : i32 to index
        %get3A_125 = arith.constant 64 : index
        %get3A_126 = tpu.vector_load %arg16[%get3A_124, %get3A_125] {strides = array<i32>} : memref<128x128xf32, #tpu.memory_space<vmem>>, vector<1x16xf32>,
        %get3A_127 = vector.shape_cast %get3A_126 : vector<1x16xf32> to vector<16xf32>
        %get3A_128 = arith.index_cast %scan3A_39 : i32 to index
        %get3A_129 = arith.constant 64 : index
        %get3A_130 = tpu.vector_load %arg17[%get3A_128, %get3A_129] {strides = array<i32>} : memref<128x128xf32, #tpu.memory_space<vmem>>, vector<1x16xf32>,
        %get3A_131 = vector.shape_cast %get3A_130 : vector<1x16xf32> to vector<16xf32>
        %add3A_132 = arith.addf %get3A_127, %get3A_131 : vector<16xf32>
        %add3A_133 = arith.addf %get3A_123, %add3A_132 : vector<16xf32>
        %swap3A_134 = arith.index_cast %squeeze3A_44 : i32 to index
        %swap3A_135 = arith.constant 64 : index
        %swap3A_136 = tpu.vector_load %arg18[%swap3A_134, %swap3A_135] {strides = array<i32>} : memref<328x128xf32, #tpu.memory_space<vmem>>, vector<1x16xf32>,
        %swap3A_137 = vector.shape_cast %swap3A_136 : vector<1x16xf32> to vector<16xf32>
        %swap3A_138 = vector.shape_cast %add3A_133 : vector<16xf32> to vector<1x16xf32>
        tpu.vector_store %arg18[%swap3A_134, %swap3A_135], %swap3A_138 {strides = array<i32>} : memref<328x128xf32, #tpu.memory_space<vmem>>, vector<1x16xf32>,
        %get3A_139 = arith.index_cast %squeeze3A_44 : i32 to index
        %get3A_140 = arith.constant 80 : index
        %get3A_141 = tpu.vector_load %arg18[%get3A_139, %get3A_140] {strides = array<i32>} : memref<328x128xf32, #tpu.memory_space<vmem>>, vector<1x16xf32>,
        %get3A_142 = vector.shape_cast %get3A_141 : vector<1x16xf32> to vector<16xf32>
        %get3A_143 = arith.index_cast %scan3A_39 : i32 to index
        %get3A_144 = arith.constant 80 : index
        %get3A_145 = tpu.vector_load %arg16[%get3A_143, %get3A_144] {strides = array<i32>} : memref<128x128xf32, #tpu.memory_space<vmem>>, vector<1x16xf32>,
        %get3A_146 = vector.shape_cast %get3A_145 : vector<1x16xf32> to vector<16xf32>
        %get3A_147 = arith.index_cast %scan3A_39 : i32 to index
        %get3A_148 = arith.constant 80 : index
        %get3A_149 = tpu.vector_load %arg17[%get3A_147, %get3A_148] {strides = array<i32>} : memref<128x128xf32, #tpu.memory_space<vmem>>, vector<1x16xf32>,
        %get3A_150 = vector.shape_cast %get3A_149 : vector<1x16xf32> to vector<16xf32>
        %add3A_151 = arith.addf %get3A_146, %get3A_150 : vector<16xf32>
        %add3A_152 = arith.addf %get3A_142, %add3A_151 : vector<16xf32>
        %swap3A_153 = arith.index_cast %squeeze3A_44 : i32 to index
        %swap3A_154 = arith.constant 80 : index
        %swap3A_155 = tpu.vector_load %arg18[%swap3A_153, %swap3A_154] {strides = array<i32>} : memref<328x128xf32, #tpu.memory_space<vmem>>, vector<1x16xf32>,
        %swap3A_156 = vector.shape_cast %swap3A_155 : vector<1x16xf32> to vector<16xf32>
        %swap3A_157 = vector.shape_cast %add3A_152 : vector<16xf32> to vector<1x16xf32>
        tpu.vector_store %arg18[%swap3A_153, %swap3A_154], %swap3A_157 {strides = array<i32>} : memref<328x128xf32, #tpu.memory_space<vmem>>, vector<1x16xf32>,
        %get3A_158 = arith.index_cast %squeeze3A_44 : i32 to index
        %get3A_159 = arith.constant 96 : index
        %get3A_160 = tpu.vector_load %arg18[%get3A_158, %get3A_159] {strides = array<i32>} : memref<328x128xf32, #tpu.memory_space<vmem>>, vector<1x16xf32>,
        %get3A_161 = vector.shape_cast %get3A_160 : vector<1x16xf32> to vector<16xf32>
        %get3A_162 = arith.index_cast %scan3A_39 : i32 to index
        %get3A_163 = arith.constant 96 : index
        %get3A_164 = tpu.vector_load %arg16[%get3A_162, %get3A_163] {strides = array<i32>} : memref<128x128xf32, #tpu.memory_space<vmem>>, vector<1x16xf32>,
        %get3A_165 = vector.shape_cast %get3A_164 : vector<1x16xf32> to vector<16xf32>
        %get3A_166 = arith.index_cast %scan3A_39 : i32 to index
        %get3A_167 = arith.constant 96 : index
        %get3A_168 = tpu.vector_load %arg17[%get3A_166, %get3A_167] {strides = array<i32>} : memref<128x128xf32, #tpu.memory_space<vmem>>, vector<1x16xf32>,
        %get3A_169 = vector.shape_cast %get3A_168 : vector<1x16xf32> to vector<16xf32>
        %add3A_170 = arith.addf %get3A_165, %get3A_169 : vector<16xf32>
        %add3A_171 = arith.addf %get3A_161, %add3A_170 : vector<16xf32>
        %swap3A_172 = arith.index_cast %squeeze3A_44 : i32 to index
        %swap3A_173 = arith.constant 96 : index
        %swap3A_174 = tpu.vector_load %arg18[%swap3A_172, %swap3A_173] {strides = array<i32>} : memref<328x128xf32, #tpu.memory_space<vmem>>, vector<1x16xf32>,
        %swap3A_175 = vector.shape_cast %swap3A_174 : vector<1x16xf32> to vector<16xf32>
        %swap3A_176 = vector.shape_cast %add3A_171 : vector<16xf32> to vector<1x16xf32>
        tpu.vector_store %arg18[%swap3A_172, %swap3A_173], %swap3A_176 {strides = array<i32>} : memref<328x128xf32, #tpu.memory_space<vmem>>, vector<1x16xf32>,
        %get3A_177 = arith.index_cast %squeeze3A_44 : i32 to index
        %get3A_178 = arith.constant 112 : index
        %get3A_179 = tpu.vector_load %arg18[%get3A_177, %get3A_178] {strides = array<i32>} : memref<328x128xf32, #tpu.memory_space<vmem>>, vector<1x16xf32>,
        %get3A_180 = vector.shape_cast %get3A_179 : vector<1x16xf32> to vector<16xf32>
        %get3A_181 = arith.index_cast %scan3A_39 : i32 to index
        %get3A_182 = arith.constant 112 : index
        %get3A_183 = tpu.vector_load %arg16[%get3A_181, %get3A_182] {strides = array<i32>} : memref<128x128xf32, #tpu.memory_space<vmem>>, vector<1x16xf32>,
        %get3A_184 = vector.shape_cast %get3A_183 : vector<1x16xf32> to vector<16xf32>
        %get3A_185 = arith.index_cast %scan3A_39 : i32 to index
        %get3A_186 = arith.constant 112 : index
        %get3A_187 = tpu.vector_load %arg17[%get3A_185, %get3A_186] {strides = array<i32>} : memref<128x128xf32, #tpu.memory_space<vmem>>, vector<1x16xf32>,
        %get3A_188 = vector.shape_cast %get3A_187 : vector<1x16xf32> to vector<16xf32>
        %add3A_189 = arith.addf %get3A_184, %get3A_188 : vector<16xf32>
        %add3A_190 = arith.addf %get3A_180, %add3A_189 : vector<16xf32>
        %swap3A_191 = arith.index_cast %squeeze3A_44 : i32 to index
        %swap3A_192 = arith.constant 112 : index
        %swap3A_193 = tpu.vector_load %arg18[%swap3A_191, %swap3A_192] {strides = array<i32>} : memref<328x128xf32, #tpu.memory_space<vmem>>, vector<1x16xf32>,
        %swap3A_194 = vector.shape_cast %swap3A_193 : vector<1x16xf32> to vector<16xf32>
        %swap3A_195 = vector.shape_cast %add3A_190 : vector<16xf32> to vector<1x16xf32>
        tpu.vector_store %arg18[%swap3A_191, %swap3A_192], %swap3A_195 {strides = array<i32>} : memref<328x128xf32, #tpu.memory_space<vmem>>, vector<1x16xf32>,
      }
      %scan3A_38 = arith.constant 128 : i32
    }
    %while3A_16 = arith.constant 1 : i32
    scf.for %while3A_19 = %while3A_14 to %while3A_10 step %while3A_16  : i32 {
      %mul3A_20 = arith.constant 128 : i32
      %mul3A_21 = arith.muli %while3A_19, %mul3A_20 : i32
      %add3A_22 = arith.addi %squeeze3A, %mul3A_21 : i32
      %multiple_of3A_23 = tpu.assume_multiple %add3A_22, 128 : i32
      "tpu.region"() ({
        %run_scoped3A = tpu.sem_alloc : memref<!tpu.dma_semaphore, #tpu.memory_space<semaphore_mem>>
        %dma_start3A_39 = tpu.memref_slice %arg4[%multiple_of3A_23] : memref<334080xi32, #tpu.memory_space<hbm>> -> memref<128xi32, #tpu.memory_space<hbm>>
        %dma_start3A_40 = tpu.memref_slice %arg4[%multiple_of3A_23] : memref<334080xi32, #tpu.memory_space<hbm>> -> memref<128xi32, #tpu.memory_space<hbm>>
        tpu.enqueue_dma source(%dma_start3A_40 : memref<128xi32, #tpu.memory_space<hbm>>) target(%arg13 : memref<128xi32, #tpu.memory_space<vmem>>) target_semaphore(%run_scoped3A : memref<!tpu.dma_semaphore, #tpu.memory_space<semaphore_mem>>)
        %dma_wait3A_41 = tpu.memref_slice %arg4[%multiple_of3A_23] : memref<334080xi32, #tpu.memory_space<hbm>> -> memref<128xi32, #tpu.memory_space<hbm>>
        %dma_wait3A_42 = tpu.memref_slice %arg4[%multiple_of3A_23] : memref<334080xi32, #tpu.memory_space<hbm>> -> memref<128xi32, #tpu.memory_space<hbm>>
        tpu.wait_dma2 semaphore(%run_scoped3A : memref<!tpu.dma_semaphore, #tpu.memory_space<semaphore_mem>>) src(%dma_wait3A_42 : memref<128xi32, #tpu.memory_space<hbm>>) dst(%arg13 : memref<128xi32, #tpu.memory_space<vmem>>)
        tpu.yield
      }) : () -> ()
      "tpu.region"() ({
        %run_scoped3A = tpu.sem_alloc : memref<!tpu.dma_semaphore, #tpu.memory_space<semaphore_mem>>
        %dma_start3A_39 = arith.constant 0 : i32
        %dma_start3A_40 = tpu.memref_slice %arg14[%dma_start3A_39] : memref<144xi32, #tpu.memory_space<vmem>> -> memref<128xi32, #tpu.memory_space<vmem>>
        %dma_start3A_41 = tpu.memref_slice %arg5[%multiple_of3A_23] : memref<334080xi32, #tpu.memory_space<hbm>> -> memref<128xi32, #tpu.memory_space<hbm>>
        %dma_start3A_42 = arith.constant 0 : i32
        %dma_start3A_43 = tpu.memref_slice %arg14[%dma_start3A_42] : memref<144xi32, #tpu.memory_space<vmem>> -> memref<128xi32, #tpu.memory_space<vmem>>
        %dma_start3A_44 = tpu.memref_slice %arg5[%multiple_of3A_23] : memref<334080xi32, #tpu.memory_space<hbm>> -> memref<128xi32, #tpu.memory_space<hbm>>
        tpu.enqueue_dma source(%dma_start3A_44 : memref<128xi32, #tpu.memory_space<hbm>>) target(%dma_start3A_43 : memref<128xi32, #tpu.memory_space<vmem>>) target_semaphore(%run_scoped3A : memref<!tpu.dma_semaphore, #tpu.memory_space<semaphore_mem>>)
        %dma_wait3A_45 = arith.constant 0 : i32
        %dma_wait3A_46 = tpu.memref_slice %arg14[%dma_wait3A_45] : memref<144xi32, #tpu.memory_space<vmem>> -> memref<128xi32, #tpu.memory_space<vmem>>
        %dma_wait3A_47 = tpu.memref_slice %arg5[%multiple_of3A_23] : memref<334080xi32, #tpu.memory_space<hbm>> -> memref<128xi32, #tpu.memory_space<hbm>>
        %dma_wait3A_48 = arith.constant 0 : i32
        %dma_wait3A_49 = tpu.memref_slice %arg14[%dma_wait3A_48] : memref<144xi32, #tpu.memory_space<vmem>> -> memref<128xi32, #tpu.memory_space<vmem>>
        %dma_wait3A_50 = tpu.memref_slice %arg5[%multiple_of3A_23] : memref<334080xi32, #tpu.memory_space<hbm>> -> memref<128xi32, #tpu.memory_space<hbm>>
        tpu.wait_dma2 semaphore(%run_scoped3A : memref<!tpu.dma_semaphore, #tpu.memory_space<semaphore_mem>>) src(%dma_wait3A_50 : memref<128xi32, #tpu.memory_space<hbm>>) dst(%dma_wait3A_49 : memref<128xi32, #tpu.memory_space<vmem>>)
        tpu.yield
      }) : () -> ()
      "tpu.region"() ({
        %run_scoped3A = tpu.sem_alloc : memref<!tpu.dma_semaphore, #tpu.memory_space<semaphore_mem>>
        %dma_start3A_39 = tpu.memref_slice %arg6[%multiple_of3A_23] : memref<334080xi32, #tpu.memory_space<hbm>> -> memref<128xi32, #tpu.memory_space<hbm>>
        %dma_start3A_40 = tpu.memref_slice %arg6[%multiple_of3A_23] : memref<334080xi32, #tpu.memory_space<hbm>> -> memref<128xi32, #tpu.memory_space<hbm>>
        tpu.enqueue_dma source(%dma_start3A_40 : memref<128xi32, #tpu.memory_space<hbm>>) target(%arg15 : memref<128xi32, #tpu.memory_space<vmem>>) target_semaphore(%run_scoped3A : memref<!tpu.dma_semaphore, #tpu.memory_space<semaphore_mem>>)
        %dma_wait3A_41 = tpu.memref_slice %arg6[%multiple_of3A_23] : memref<334080xi32, #tpu.memory_space<hbm>> -> memref<128xi32, #tpu.memory_space<hbm>>
        %dma_wait3A_42 = tpu.memref_slice %arg6[%multiple_of3A_23] : memref<334080xi32, #tpu.memory_space<hbm>> -> memref<128xi32, #tpu.memory_space<hbm>>
        tpu.wait_dma2 semaphore(%run_scoped3A : memref<!tpu.dma_semaphore, #tpu.memory_space<semaphore_mem>>) src(%dma_wait3A_42 : memref<128xi32, #tpu.memory_space<hbm>>) dst(%arg15 : memref<128xi32, #tpu.memory_space<vmem>>)
        tpu.yield
      }) : () -> ()
      %dma_start3A = arith.constant 0 : i32
      %dma_start3A_24 = arith.constant 0 : i32
      %dma_start3A_25 = tpu.memref_slice %arg2[%dma_start3A, %dma_start3A_24] : memref<10000x128xf32, #tpu.memory_space<hbm>> -> memref<10000x128xf32, #tpu.memory_space<hbm>>
      tpu.enqueue_indirect_dma source(%dma_start3A_25 : memref<10000x128xf32, #tpu.memory_space<hbm>>) target(%arg16 : memref<128x128xf32, #tpu.memory_space<vmem>>) offsets(%arg13 : memref<128xi32, #tpu.memory_space<vmem>>) semaphore(%arg19 : memref<!tpu.dma_semaphore, #tpu.memory_space<semaphore_mem>>)
      %dma_start3A_26 = arith.constant 0 : i32
      %dma_start3A_27 = arith.constant 0 : i32
      %dma_start3A_28 = tpu.memref_slice %arg3[%dma_start3A_26, %dma_start3A_27] : memref<16x128xf32, #tpu.memory_space<hbm>> -> memref<16x128xf32, #tpu.memory_space<hbm>>
      tpu.enqueue_indirect_dma source(%dma_start3A_28 : memref<16x128xf32, #tpu.memory_space<hbm>>) target(%arg17 : memref<128x128xf32, #tpu.memory_space<vmem>>) offsets(%arg15 : memref<128xi32, #tpu.memory_space<vmem>>) semaphore(%arg20 : memref<!tpu.dma_semaphore, #tpu.memory_space<semaphore_mem>>)
      %dma_wait3A = arith.constant 0 : i32
      %dma_wait3A_29 = arith.constant 0 : i32
      %dma_wait3A_30 = tpu.memref_slice %arg2[%dma_wait3A, %dma_wait3A_29] : memref<10000x128xf32, #tpu.memory_space<hbm>> -> memref<10000x128xf32, #tpu.memory_space<hbm>>
      tpu.wait_indirect_dma semaphore(%arg19 : memref<!tpu.dma_semaphore, #tpu.memory_space<semaphore_mem>>) src(%dma_wait3A_30 : memref<10000x128xf32, #tpu.memory_space<hbm>>) dst(%arg16 : memref<128x128xf32, #tpu.memory_space<vmem>>)
      %dma_wait3A_31 = arith.constant 0 : i32
      %dma_wait3A_32 = arith.constant 0 : i32
      %dma_wait3A_33 = tpu.memref_slice %arg3[%dma_wait3A_31, %dma_wait3A_32] : memref<16x128xf32, #tpu.memory_space<hbm>> -> memref<16x128xf32, #tpu.memory_space<hbm>>
      tpu.wait_indirect_dma semaphore(%arg20 : memref<!tpu.dma_semaphore, #tpu.memory_space<semaphore_mem>>) src(%dma_wait3A_33 : memref<16x128xf32, #tpu.memory_space<hbm>>) dst(%arg17 : memref<128x128xf32, #tpu.memory_space<vmem>>)
      %scan3A = arith.constant 0 : i32
      %scan3A_34 = arith.constant 0 : i32
      %scan3A_35 = arith.constant 128 : i32
      %scan3A_36 = arith.addi %scan3A_34, %scan3A_35 : i32
      %scan3A_37 = arith.constant 1 : i32
      scf.for %scan3A_39 = %scan3A_34 to %scan3A_36 step %scan3A_37  : i32 {
        %get3A_40 = arith.index_cast %scan3A_39 : i32 to index
        %get3A_41 = tpu.vector_load %arg14[%get3A_40] {strides = array<i32>} : memref<144xi32, #tpu.memory_space<vmem>>, vector<16xi32>,
        %get3A_42 = vector.shape_cast %get3A_41 : vector<16xi32> to vector<16xi32>
        %slice3A_43 = vector.extract_strided_slice %get3A_42 {offsets = [0], sizes = [1], strides = [1]} : vector<16xi32> to vector<1xi32>
        %squeeze3A_44 = vector.extract %slice3A_43[0] : i32 from vector<1xi32>
        %get3A_45 = arith.index_cast %squeeze3A_44 : i32 to index
        %get3A_46 = arith.constant 0 : index
        %get3A_47 = tpu.vector_load %arg18[%get3A_45, %get3A_46] {strides = array<i32>} : memref<328x128xf32, #tpu.memory_space<vmem>>, vector<1x16xf32>,
        %get3A_48 = vector.shape_cast %get3A_47 : vector<1x16xf32> to vector<16xf32>
        %get3A_49 = arith.index_cast %scan3A_39 : i32 to index
        %get3A_50 = arith.constant 0 : index
        %get3A_51 = tpu.vector_load %arg16[%get3A_49, %get3A_50] {strides = array<i32>} : memref<128x128xf32, #tpu.memory_space<vmem>>, vector<1x16xf32>,
        %get3A_52 = vector.shape_cast %get3A_51 : vector<1x16xf32> to vector<16xf32>
        %get3A_53 = arith.index_cast %scan3A_39 : i32 to index
        %get3A_54 = arith.constant 0 : index
        %get3A_55 = tpu.vector_load %arg17[%get3A_53, %get3A_54] {strides = array<i32>} : memref<128x128xf32, #tpu.memory_space<vmem>>, vector<1x16xf32>,
        %get3A_56 = vector.shape_cast %get3A_55 : vector<1x16xf32> to vector<16xf32>
        %add3A_57 = arith.addf %get3A_52, %get3A_56 : vector<16xf32>
        %add3A_58 = arith.addf %get3A_48, %add3A_57 : vector<16xf32>
        %swap3A = arith.index_cast %squeeze3A_44 : i32 to index
        %swap3A_59 = arith.constant 0 : index
        %swap3A_60 = tpu.vector_load %arg18[%swap3A, %swap3A_59] {strides = array<i32>} : memref<328x128xf32, #tpu.memory_space<vmem>>, vector<1x16xf32>,
        %swap3A_61 = vector.shape_cast %swap3A_60 : vector<1x16xf32> to vector<16xf32>
        %swap3A_62 = vector.shape_cast %add3A_58 : vector<16xf32> to vector<1x16xf32>
        tpu.vector_store %arg18[%swap3A, %swap3A_59], %swap3A_62 {strides = array<i32>} : memref<328x128xf32, #tpu.memory_space<vmem>>, vector<1x16xf32>,
        %get3A_63 = arith.index_cast %squeeze3A_44 : i32 to index
        %get3A_64 = arith.constant 16 : index
        %get3A_65 = tpu.vector_load %arg18[%get3A_63, %get3A_64] {strides = array<i32>} : memref<328x128xf32, #tpu.memory_space<vmem>>, vector<1x16xf32>,
        %get3A_66 = vector.shape_cast %get3A_65 : vector<1x16xf32> to vector<16xf32>
        %get3A_67 = arith.index_cast %scan3A_39 : i32 to index
        %get3A_68 = arith.constant 16 : index
        %get3A_69 = tpu.vector_load %arg16[%get3A_67, %get3A_68] {strides = array<i32>} : memref<128x128xf32, #tpu.memory_space<vmem>>, vector<1x16xf32>,
        %get3A_70 = vector.shape_cast %get3A_69 : vector<1x16xf32> to vector<16xf32>
        %get3A_71 = arith.index_cast %scan3A_39 : i32 to index
        %get3A_72 = arith.constant 16 : index
        %get3A_73 = tpu.vector_load %arg17[%get3A_71, %get3A_72] {strides = array<i32>} : memref<128x128xf32, #tpu.memory_space<vmem>>, vector<1x16xf32>,
        %get3A_74 = vector.shape_cast %get3A_73 : vector<1x16xf32> to vector<16xf32>
        %add3A_75 = arith.addf %get3A_70, %get3A_74 : vector<16xf32>
        %add3A_76 = arith.addf %get3A_66, %add3A_75 : vector<16xf32>
        %swap3A_77 = arith.index_cast %squeeze3A_44 : i32 to index
        %swap3A_78 = arith.constant 16 : index
        %swap3A_79 = tpu.vector_load %arg18[%swap3A_77, %swap3A_78] {strides = array<i32>} : memref<328x128xf32, #tpu.memory_space<vmem>>, vector<1x16xf32>,
        %swap3A_80 = vector.shape_cast %swap3A_79 : vector<1x16xf32> to vector<16xf32>
        %swap3A_81 = vector.shape_cast %add3A_76 : vector<16xf32> to vector<1x16xf32>
        tpu.vector_store %arg18[%swap3A_77, %swap3A_78], %swap3A_81 {strides = array<i32>} : memref<328x128xf32, #tpu.memory_space<vmem>>, vector<1x16xf32>,
        %get3A_82 = arith.index_cast %squeeze3A_44 : i32 to index
        %get3A_83 = arith.constant 32 : index
        %get3A_84 = tpu.vector_load %arg18[%get3A_82, %get3A_83] {strides = array<i32>} : memref<328x128xf32, #tpu.memory_space<vmem>>, vector<1x16xf32>,
        %get3A_85 = vector.shape_cast %get3A_84 : vector<1x16xf32> to vector<16xf32>
        %get3A_86 = arith.index_cast %scan3A_39 : i32 to index
        %get3A_87 = arith.constant 32 : index
        %get3A_88 = tpu.vector_load %arg16[%get3A_86, %get3A_87] {strides = array<i32>} : memref<128x128xf32, #tpu.memory_space<vmem>>, vector<1x16xf32>,
        %get3A_89 = vector.shape_cast %get3A_88 : vector<1x16xf32> to vector<16xf32>
        %get3A_90 = arith.index_cast %scan3A_39 : i32 to index
        %get3A_91 = arith.constant 32 : index
        %get3A_92 = tpu.vector_load %arg17[%get3A_90, %get3A_91] {strides = array<i32>} : memref<128x128xf32, #tpu.memory_space<vmem>>, vector<1x16xf32>,
        %get3A_93 = vector.shape_cast %get3A_92 : vector<1x16xf32> to vector<16xf32>
        %add3A_94 = arith.addf %get3A_89, %get3A_93 : vector<16xf32>
        %add3A_95 = arith.addf %get3A_85, %add3A_94 : vector<16xf32>
        %swap3A_96 = arith.index_cast %squeeze3A_44 : i32 to index
        %swap3A_97 = arith.constant 32 : index
        %swap3A_98 = tpu.vector_load %arg18[%swap3A_96, %swap3A_97] {strides = array<i32>} : memref<328x128xf32, #tpu.memory_space<vmem>>, vector<1x16xf32>,
        %swap3A_99 = vector.shape_cast %swap3A_98 : vector<1x16xf32> to vector<16xf32>
        %swap3A_100 = vector.shape_cast %add3A_95 : vector<16xf32> to vector<1x16xf32>
        tpu.vector_store %arg18[%swap3A_96, %swap3A_97], %swap3A_100 {strides = array<i32>} : memref<328x128xf32, #tpu.memory_space<vmem>>, vector<1x16xf32>,
        %get3A_101 = arith.index_cast %squeeze3A_44 : i32 to index
        %get3A_102 = arith.constant 48 : index
        %get3A_103 = tpu.vector_load %arg18[%get3A_101, %get3A_102] {strides = array<i32>} : memref<328x128xf32, #tpu.memory_space<vmem>>, vector<1x16xf32>,
        %get3A_104 = vector.shape_cast %get3A_103 : vector<1x16xf32> to vector<16xf32>
        %get3A_105 = arith.index_cast %scan3A_39 : i32 to index
        %get3A_106 = arith.constant 48 : index
        %get3A_107 = tpu.vector_load %arg16[%get3A_105, %get3A_106] {strides = array<i32>} : memref<128x128xf32, #tpu.memory_space<vmem>>, vector<1x16xf32>,
        %get3A_108 = vector.shape_cast %get3A_107 : vector<1x16xf32> to vector<16xf32>
        %get3A_109 = arith.index_cast %scan3A_39 : i32 to index
        %get3A_110 = arith.constant 48 : index
        %get3A_111 = tpu.vector_load %arg17[%get3A_109, %get3A_110] {strides = array<i32>} : memref<128x128xf32, #tpu.memory_space<vmem>>, vector<1x16xf32>,
        %get3A_112 = vector.shape_cast %get3A_111 : vector<1x16xf32> to vector<16xf32>
        %add3A_113 = arith.addf %get3A_108, %get3A_112 : vector<16xf32>
        %add3A_114 = arith.addf %get3A_104, %add3A_113 : vector<16xf32>
        %swap3A_115 = arith.index_cast %squeeze3A_44 : i32 to index
        %swap3A_116 = arith.constant 48 : index
        %swap3A_117 = tpu.vector_load %arg18[%swap3A_115, %swap3A_116] {strides = array<i32>} : memref<328x128xf32, #tpu.memory_space<vmem>>, vector<1x16xf32>,
        %swap3A_118 = vector.shape_cast %swap3A_117 : vector<1x16xf32> to vector<16xf32>
        %swap3A_119 = vector.shape_cast %add3A_114 : vector<16xf32> to vector<1x16xf32>
        tpu.vector_store %arg18[%swap3A_115, %swap3A_116], %swap3A_119 {strides = array<i32>} : memref<328x128xf32, #tpu.memory_space<vmem>>, vector<1x16xf32>,
        %get3A_120 = arith.index_cast %squeeze3A_44 : i32 to index
        %get3A_121 = arith.constant 64 : index
        %get3A_122 = tpu.vector_load %arg18[%get3A_120, %get3A_121] {strides = array<i32>} : memref<328x128xf32, #tpu.memory_space<vmem>>, vector<1x16xf32>,
        %get3A_123 = vector.shape_cast %get3A_122 : vector<1x16xf32> to vector<16xf32>
        %get3A_124 = arith.index_cast %scan3A_39 : i32 to index
        %get3A_125 = arith.constant 64 : index
        %get3A_126 = tpu.vector_load %arg16[%get3A_124, %get3A_125] {strides = array<i32>} : memref<128x128xf32, #tpu.memory_space<vmem>>, vector<1x16xf32>,
        %get3A_127 = vector.shape_cast %get3A_126 : vector<1x16xf32> to vector<16xf32>
        %get3A_128 = arith.index_cast %scan3A_39 : i32 to index
        %get3A_129 = arith.constant 64 : index
        %get3A_130 = tpu.vector_load %arg17[%get3A_128, %get3A_129] {strides = array<i32>} : memref<128x128xf32, #tpu.memory_space<vmem>>, vector<1x16xf32>,
        %get3A_131 = vector.shape_cast %get3A_130 : vector<1x16xf32> to vector<16xf32>
        %add3A_132 = arith.addf %get3A_127, %get3A_131 : vector<16xf32>
        %add3A_133 = arith.addf %get3A_123, %add3A_132 : vector<16xf32>
        %swap3A_134 = arith.index_cast %squeeze3A_44 : i32 to index
        %swap3A_135 = arith.constant 64 : index
        %swap3A_136 = tpu.vector_load %arg18[%swap3A_134, %swap3A_135] {strides = array<i32>} : memref<328x128xf32, #tpu.memory_space<vmem>>, vector<1x16xf32>,
        %swap3A_137 = vector.shape_cast %swap3A_136 : vector<1x16xf32> to vector<16xf32>
        %swap3A_138 = vector.shape_cast %add3A_133 : vector<16xf32> to vector<1x16xf32>
        tpu.vector_store %arg18[%swap3A_134, %swap3A_135], %swap3A_138 {strides = array<i32>} : memref<328x128xf32, #tpu.memory_space<vmem>>, vector<1x16xf32>,
        %get3A_139 = arith.index_cast %squeeze3A_44 : i32 to index
        %get3A_140 = arith.constant 80 : index
        %get3A_141 = tpu.vector_load %arg18[%get3A_139, %get3A_140] {strides = array<i32>} : memref<328x128xf32, #tpu.memory_space<vmem>>, vector<1x16xf32>,
        %get3A_142 = vector.shape_cast %get3A_141 : vector<1x16xf32> to vector<16xf32>
        %get3A_143 = arith.index_cast %scan3A_39 : i32 to index
        %get3A_144 = arith.constant 80 : index
        %get3A_145 = tpu.vector_load %arg16[%get3A_143, %get3A_144] {strides = array<i32>} : memref<128x128xf32, #tpu.memory_space<vmem>>, vector<1x16xf32>,
        %get3A_146 = vector.shape_cast %get3A_145 : vector<1x16xf32> to vector<16xf32>
        %get3A_147 = arith.index_cast %scan3A_39 : i32 to index
        %get3A_148 = arith.constant 80 : index
        %get3A_149 = tpu.vector_load %arg17[%get3A_147, %get3A_148] {strides = array<i32>} : memref<128x128xf32, #tpu.memory_space<vmem>>, vector<1x16xf32>,
        %get3A_150 = vector.shape_cast %get3A_149 : vector<1x16xf32> to vector<16xf32>
        %add3A_151 = arith.addf %get3A_146, %get3A_150 : vector<16xf32>
        %add3A_152 = arith.addf %get3A_142, %add3A_151 : vector<16xf32>
        %swap3A_153 = arith.index_cast %squeeze3A_44 : i32 to index
        %swap3A_154 = arith.constant 80 : index
        %swap3A_155 = tpu.vector_load %arg18[%swap3A_153, %swap3A_154] {strides = array<i32>} : memref<328x128xf32, #tpu.memory_space<vmem>>, vector<1x16xf32>,
        %swap3A_156 = vector.shape_cast %swap3A_155 : vector<1x16xf32> to vector<16xf32>
        %swap3A_157 = vector.shape_cast %add3A_152 : vector<16xf32> to vector<1x16xf32>
        tpu.vector_store %arg18[%swap3A_153, %swap3A_154], %swap3A_157 {strides = array<i32>} : memref<328x128xf32, #tpu.memory_space<vmem>>, vector<1x16xf32>,
        %get3A_158 = arith.index_cast %squeeze3A_44 : i32 to index
        %get3A_159 = arith.constant 96 : index
        %get3A_160 = tpu.vector_load %arg18[%get3A_158, %get3A_159] {strides = array<i32>} : memref<328x128xf32, #tpu.memory_space<vmem>>, vector<1x16xf32>,
        %get3A_161 = vector.shape_cast %get3A_160 : vector<1x16xf32> to vector<16xf32>
        %get3A_162 = arith.index_cast %scan3A_39 : i32 to index
        %get3A_163 = arith.constant 96 : index
        %get3A_164 = tpu.vector_load %arg16[%get3A_162, %get3A_163] {strides = array<i32>} : memref<128x128xf32, #tpu.memory_space<vmem>>, vector<1x16xf32>,
        %get3A_165 = vector.shape_cast %get3A_164 : vector<1x16xf32> to vector<16xf32>
        %get3A_166 = arith.index_cast %scan3A_39 : i32 to index
        %get3A_167 = arith.constant 96 : index
        %get3A_168 = tpu.vector_load %arg17[%get3A_166, %get3A_167] {strides = array<i32>} : memref<128x128xf32, #tpu.memory_space<vmem>>, vector<1x16xf32>,
        %get3A_169 = vector.shape_cast %get3A_168 : vector<1x16xf32> to vector<16xf32>
        %add3A_170 = arith.addf %get3A_165, %get3A_169 : vector<16xf32>
        %add3A_171 = arith.addf %get3A_161, %add3A_170 : vector<16xf32>
        %swap3A_172 = arith.index_cast %squeeze3A_44 : i32 to index
        %swap3A_173 = arith.constant 96 : index
        %swap3A_174 = tpu.vector_load %arg18[%swap3A_172, %swap3A_173] {strides = array<i32>} : memref<328x128xf32, #tpu.memory_space<vmem>>, vector<1x16xf32>,
        %swap3A_175 = vector.shape_cast %swap3A_174 : vector<1x16xf32> to vector<16xf32>
        %swap3A_176 = vector.shape_cast %add3A_171 : vector<16xf32> to vector<1x16xf32>
        tpu.vector_store %arg18[%swap3A_172, %swap3A_173], %swap3A_176 {strides = array<i32>} : memref<328x128xf32, #tpu.memory_space<vmem>>, vector<1x16xf32>,
        %get3A_177 = arith.index_cast %squeeze3A_44 : i32 to index
        %get3A_178 = arith.constant 112 : index
        %get3A_179 = tpu.vector_load %arg18[%get3A_177, %get3A_178] {strides = array<i32>} : memref<328x128xf32, #tpu.memory_space<vmem>>, vector<1x16xf32>,
        %get3A_180 = vector.shape_cast %get3A_179 : vector<1x16xf32> to vector<16xf32>
        %get3A_181 = arith.index_cast %scan3A_39 : i32 to index
        %get3A_182 = arith.constant 112 : index
        %get3A_183 = tpu.vector_load %arg16[%get3A_181, %get3A_182] {strides = array<i32>} : memref<128x128xf32, #tpu.memory_space<vmem>>, vector<1x16xf32>,
        %get3A_184 = vector.shape_cast %get3A_183 : vector<1x16xf32> to vector<16xf32>
        %get3A_185 = arith.index_cast %scan3A_39 : i32 to index
        %get3A_186 = arith.constant 112 : index
        %get3A_187 = tpu.vector_load %arg17[%get3A_185, %get3A_186] {strides = array<i32>} : memref<128x128xf32, #tpu.memory_space<vmem>>, vector<1x16xf32>,
        %get3A_188 = vector.shape_cast %get3A_187 : vector<1x16xf32> to vector<16xf32>
        %add3A_189 = arith.addf %get3A_184, %get3A_188 : vector<16xf32>
        %add3A_190 = arith.addf %get3A_180, %add3A_189 : vector<16xf32>
        %swap3A_191 = arith.index_cast %squeeze3A_44 : i32 to index
        %swap3A_192 = arith.constant 112 : index
        %swap3A_193 = tpu.vector_load %arg18[%swap3A_191, %swap3A_192] {strides = array<i32>} : memref<328x128xf32, #tpu.memory_space<vmem>>, vector<1x16xf32>,
        %swap3A_194 = vector.shape_cast %swap3A_193 : vector<1x16xf32> to vector<16xf32>
        %swap3A_195 = vector.shape_cast %add3A_190 : vector<16xf32> to vector<1x16xf32>
        tpu.vector_store %arg18[%swap3A_191, %swap3A_192], %swap3A_195 {strides = array<i32>} : memref<328x128xf32, #tpu.memory_space<vmem>>, vector<1x16xf32>,
      }
      %scan3A_38 = arith.constant 128 : i32
    }
    %mul3A_17 = arith.constant 320 : i32
    %mul3A_18 = arith.muli %add3A, %mul3A_17 : i32
    %multiple_of3A = tpu.assume_multiple %mul3A_18, 8 : i32
    "tpu.region"() ({
      %run_scoped3A = tpu.sem_alloc : memref<!tpu.dma_semaphore, #tpu.memory_space<semaphore_mem>>
      %dma_start3A = arith.constant 0 : i32
      %dma_start3A_19 = arith.constant 0 : i32
      %dma_start3A_20 = tpu.memref_slice %arg18[%dma_start3A, %dma_start3A_19] : memref<328x128xf32, #tpu.memory_space<vmem>> -> memref<320x128xf32, #tpu.memory_space<vmem>>
      %dma_start3A_21 = arith.constant 0 : i32
      %dma_start3A_22 = tpu.memref_slice %arg10[%multiple_of3A, %dma_start3A_21] : memref<10240x128xf32, #tpu.memory_space<hbm>> -> memref<320x128xf32, #tpu.memory_space<hbm>>
      %dma_start3A_23 = arith.constant 0 : i32
      %dma_start3A_24 = tpu.memref_slice %arg10[%multiple_of3A, %dma_start3A_23] : memref<10240x128xf32, #tpu.memory_space<hbm>> -> memref<320x128xf32, #tpu.memory_space<hbm>>
      %dma_start3A_25 = arith.constant 0 : i32
      %dma_start3A_26 = arith.constant 0 : i32
      %dma_start3A_27 = tpu.memref_slice %arg18[%dma_start3A_25, %dma_start3A_26] : memref<328x128xf32, #tpu.memory_space<vmem>> -> memref<320x128xf32, #tpu.memory_space<vmem>>
      tpu.enqueue_dma source(%dma_start3A_27 : memref<320x128xf32, #tpu.memory_space<vmem>>) target(%dma_start3A_24 : memref<320x128xf32, #tpu.memory_space<hbm>>) target_semaphore(%run_scoped3A : memref<!tpu.dma_semaphore, #tpu.memory_space<semaphore_mem>>)
      %dma_wait3A = arith.constant 0 : i32
      %dma_wait3A_28 = arith.constant 0 : i32
      %dma_wait3A_29 = tpu.memref_slice %arg18[%dma_wait3A, %dma_wait3A_28] : memref<328x128xf32, #tpu.memory_space<vmem>> -> memref<320x128xf32, #tpu.memory_space<vmem>>
      %dma_wait3A_30 = arith.constant 0 : i32
      %dma_wait3A_31 = tpu.memref_slice %arg10[%multiple_of3A, %dma_wait3A_30] : memref<10240x128xf32, #tpu.memory_space<hbm>> -> memref<320x128xf32, #tpu.memory_space<hbm>>
      %dma_wait3A_32 = arith.constant 0 : i32
      %dma_wait3A_33 = tpu.memref_slice %arg10[%multiple_of3A, %dma_wait3A_32] : memref<10240x128xf32, #tpu.memory_space<hbm>> -> memref<320x128xf32, #tpu.memory_space<hbm>>
      %dma_wait3A_34 = arith.constant 0 : i32
      %dma_wait3A_35 = arith.constant 0 : i32
      %dma_wait3A_36 = tpu.memref_slice %arg18[%dma_wait3A_34, %dma_wait3A_35] : memref<328x128xf32, #tpu.memory_space<vmem>> -> memref<320x128xf32, #tpu.memory_space<vmem>>
      tpu.wait_dma2 semaphore(%run_scoped3A : memref<!tpu.dma_semaphore, #tpu.memory_space<semaphore_mem>>) src(%dma_wait3A_36 : memref<320x128xf32, #tpu.memory_space<vmem>>) dst(%dma_wait3A_33 : memref<320x128xf32, #tpu.memory_space<hbm>>)
      tpu.yield
    }) : () -> ()
    return
  }
}

module attributes {stable_mosaic.version = 14 : i64} {
  func.func @_etab_body(%arg0: memref<5x6x128xf32, #tpu.memory_space<vmem>>, %arg1: memref<5x3x128xf32, #tpu.memory_space<vmem>>, %arg2: memref<80x128xf32, #tpu.memory_space<vmem>>) attributes {dimension_semantics = [], scalar_prefetch = 0 : i64, scratch_operands = 0 : i64, tpu.core_type = #tpu.core_type<tc>} {
    %get3A = arith.constant 0 : index
    %get3A_0 = arith.constant 0 : index
    %get3A_1 = arith.constant 0 : index
    %get3A_2 = vector.load %arg0[%get3A, %get3A_0, %get3A_1] : memref<5x6x128xf32, #tpu.memory_space<vmem>>, vector<5x6x128xf32>
    %get3A_3 = arith.constant 0 : index
    %get3A_4 = arith.constant 0 : index
    %get3A_5 = arith.constant 0 : index
    %get3A_6 = vector.load %arg1[%get3A_3, %get3A_4, %get3A_5] : memref<5x3x128xf32, #tpu.memory_space<vmem>>, vector<5x3x128xf32>
    %slice3A = vector.extract_strided_slice %get3A_2 {offsets = [0, 0, 0], sizes = [1, 1, 128], strides = [1, 1, 1]} : vector<5x6x128xf32> to vector<1x1x128xf32>
    %squeeze3A = vector.shape_cast %slice3A : vector<1x1x128xf32> to vector<1x128xf32>
    %slice3A_7 = vector.extract_strided_slice %get3A_6 {offsets = [0, 0, 0], sizes = [1, 1, 128], strides = [1, 1, 1]} : vector<5x3x128xf32> to vector<1x1x128xf32>
    %squeeze3A_8 = vector.shape_cast %slice3A_7 : vector<1x1x128xf32> to vector<1x128xf32>
    %add3A = arith.addf %squeeze3A, %squeeze3A_8 : vector<1x128xf32>
    %slice3A_9 = vector.extract_strided_slice %get3A_2 {offsets = [0, 0, 0], sizes = [1, 1, 128], strides = [1, 1, 1]} : vector<5x6x128xf32> to vector<1x1x128xf32>
    %squeeze3A_10 = vector.shape_cast %slice3A_9 : vector<1x1x128xf32> to vector<1x128xf32>
    %slice3A_11 = vector.extract_strided_slice %get3A_6 {offsets = [0, 1, 0], sizes = [1, 1, 128], strides = [1, 1, 1]} : vector<5x3x128xf32> to vector<1x1x128xf32>
    %squeeze3A_12 = vector.shape_cast %slice3A_11 : vector<1x1x128xf32> to vector<1x128xf32>
    %add3A_13 = arith.addf %squeeze3A_10, %squeeze3A_12 : vector<1x128xf32>
    %slice3A_14 = vector.extract_strided_slice %get3A_2 {offsets = [0, 0, 0], sizes = [1, 1, 128], strides = [1, 1, 1]} : vector<5x6x128xf32> to vector<1x1x128xf32>
    %squeeze3A_15 = vector.shape_cast %slice3A_14 : vector<1x1x128xf32> to vector<1x128xf32>
    %slice3A_16 = vector.extract_strided_slice %get3A_6 {offsets = [0, 2, 0], sizes = [1, 1, 128], strides = [1, 1, 1]} : vector<5x3x128xf32> to vector<1x1x128xf32>
    %squeeze3A_17 = vector.shape_cast %slice3A_16 : vector<1x1x128xf32> to vector<1x128xf32>
    %add3A_18 = arith.addf %squeeze3A_15, %squeeze3A_17 : vector<1x128xf32>
    %slice3A_19 = vector.extract_strided_slice %get3A_2 {offsets = [0, 1, 0], sizes = [1, 1, 128], strides = [1, 1, 1]} : vector<5x6x128xf32> to vector<1x1x128xf32>
    %squeeze3A_20 = vector.shape_cast %slice3A_19 : vector<1x1x128xf32> to vector<1x128xf32>
    %slice3A_21 = vector.extract_strided_slice %get3A_6 {offsets = [0, 0, 0], sizes = [1, 1, 128], strides = [1, 1, 1]} : vector<5x3x128xf32> to vector<1x1x128xf32>
    %squeeze3A_22 = vector.shape_cast %slice3A_21 : vector<1x1x128xf32> to vector<1x128xf32>
    %add3A_23 = arith.addf %squeeze3A_20, %squeeze3A_22 : vector<1x128xf32>
    %slice3A_24 = vector.extract_strided_slice %get3A_2 {offsets = [0, 1, 0], sizes = [1, 1, 128], strides = [1, 1, 1]} : vector<5x6x128xf32> to vector<1x1x128xf32>
    %squeeze3A_25 = vector.shape_cast %slice3A_24 : vector<1x1x128xf32> to vector<1x128xf32>
    %slice3A_26 = vector.extract_strided_slice %get3A_6 {offsets = [0, 1, 0], sizes = [1, 1, 128], strides = [1, 1, 1]} : vector<5x3x128xf32> to vector<1x1x128xf32>
    %squeeze3A_27 = vector.shape_cast %slice3A_26 : vector<1x1x128xf32> to vector<1x128xf32>
    %add3A_28 = arith.addf %squeeze3A_25, %squeeze3A_27 : vector<1x128xf32>
    %slice3A_29 = vector.extract_strided_slice %get3A_2 {offsets = [0, 1, 0], sizes = [1, 1, 128], strides = [1, 1, 1]} : vector<5x6x128xf32> to vector<1x1x128xf32>
    %squeeze3A_30 = vector.shape_cast %slice3A_29 : vector<1x1x128xf32> to vector<1x128xf32>
    %slice3A_31 = vector.extract_strided_slice %get3A_6 {offsets = [0, 2, 0], sizes = [1, 1, 128], strides = [1, 1, 1]} : vector<5x3x128xf32> to vector<1x1x128xf32>
    %squeeze3A_32 = vector.shape_cast %slice3A_31 : vector<1x1x128xf32> to vector<1x128xf32>
    %add3A_33 = arith.addf %squeeze3A_30, %squeeze3A_32 : vector<1x128xf32>
    %slice3A_34 = vector.extract_strided_slice %get3A_2 {offsets = [0, 2, 0], sizes = [1, 1, 128], strides = [1, 1, 1]} : vector<5x6x128xf32> to vector<1x1x128xf32>
    %squeeze3A_35 = vector.shape_cast %slice3A_34 : vector<1x1x128xf32> to vector<1x128xf32>
    %slice3A_36 = vector.extract_strided_slice %get3A_6 {offsets = [0, 0, 0], sizes = [1, 1, 128], strides = [1, 1, 1]} : vector<5x3x128xf32> to vector<1x1x128xf32>
    %squeeze3A_37 = vector.shape_cast %slice3A_36 : vector<1x1x128xf32> to vector<1x128xf32>
    %add3A_38 = arith.addf %squeeze3A_35, %squeeze3A_37 : vector<1x128xf32>
    %slice3A_39 = vector.extract_strided_slice %get3A_2 {offsets = [0, 2, 0], sizes = [1, 1, 128], strides = [1, 1, 1]} : vector<5x6x128xf32> to vector<1x1x128xf32>
    %squeeze3A_40 = vector.shape_cast %slice3A_39 : vector<1x1x128xf32> to vector<1x128xf32>
    %slice3A_41 = vector.extract_strided_slice %get3A_6 {offsets = [0, 1, 0], sizes = [1, 1, 128], strides = [1, 1, 1]} : vector<5x3x128xf32> to vector<1x1x128xf32>
    %squeeze3A_42 = vector.shape_cast %slice3A_41 : vector<1x1x128xf32> to vector<1x128xf32>
    %add3A_43 = arith.addf %squeeze3A_40, %squeeze3A_42 : vector<1x128xf32>
    %slice3A_44 = vector.extract_strided_slice %get3A_2 {offsets = [0, 2, 0], sizes = [1, 1, 128], strides = [1, 1, 1]} : vector<5x6x128xf32> to vector<1x1x128xf32>
    %squeeze3A_45 = vector.shape_cast %slice3A_44 : vector<1x1x128xf32> to vector<1x128xf32>
    %slice3A_46 = vector.extract_strided_slice %get3A_6 {offsets = [0, 2, 0], sizes = [1, 1, 128], strides = [1, 1, 1]} : vector<5x3x128xf32> to vector<1x1x128xf32>
    %squeeze3A_47 = vector.shape_cast %slice3A_46 : vector<1x1x128xf32> to vector<1x128xf32>
    %add3A_48 = arith.addf %squeeze3A_45, %squeeze3A_47 : vector<1x128xf32>
    %slice3A_49 = vector.extract_strided_slice %get3A_2 {offsets = [0, 4, 0], sizes = [1, 1, 128], strides = [1, 1, 1]} : vector<5x6x128xf32> to vector<1x1x128xf32>
    %squeeze3A_50 = vector.shape_cast %slice3A_49 : vector<1x1x128xf32> to vector<1x128xf32>
    %slice3A_51 = vector.extract_strided_slice %get3A_6 {offsets = [0, 0, 0], sizes = [1, 1, 128], strides = [1, 1, 1]} : vector<5x3x128xf32> to vector<1x1x128xf32>
    %squeeze3A_52 = vector.shape_cast %slice3A_51 : vector<1x1x128xf32> to vector<1x128xf32>
    %add3A_53 = arith.addf %squeeze3A_50, %squeeze3A_52 : vector<1x128xf32>
    %broadcast_in_dim3A = arith.constant 0.000000e+00 : f32
    %broadcast_in_dim3A_54 = vector.broadcast %broadcast_in_dim3A : f32 to vector<6x128xf32>
    %concatenate3A = tpu.concatenate %add3A, %add3A_13, %add3A_18, %add3A_23, %add3A_28, %add3A_33, %add3A_38, %add3A_43, %add3A_48, %add3A_53, %broadcast_in_dim3A_54 in 0 : vector<1x128xf32>, vector<1x128xf32>, vector<1x128xf32>, vector<1x128xf32>, vector<1x128xf32>, vector<1x128xf32>, vector<1x128xf32>, vector<1x128xf32>, vector<1x128xf32>, vector<1x128xf32>, vector<6x128xf32> -> vector<16x128xf32>
    %swap3A = arith.constant 0 : index
    %swap3A_55 = arith.constant 0 : index
    %swap3A_56 = vector.load %arg2[%swap3A, %swap3A_55] : memref<80x128xf32, #tpu.memory_space<vmem>>, vector<16x128xf32>
    tpu.vector_store %arg2[%swap3A, %swap3A_55], %concatenate3A {strides = array<i32>} : memref<80x128xf32, #tpu.memory_space<vmem>>, vector<16x128xf32>,
    %slice3A_57 = vector.extract_strided_slice %get3A_2 {offsets = [1, 0, 0], sizes = [1, 1, 128], strides = [1, 1, 1]} : vector<5x6x128xf32> to vector<1x1x128xf32>
    %squeeze3A_58 = vector.shape_cast %slice3A_57 : vector<1x1x128xf32> to vector<1x128xf32>
    %slice3A_59 = vector.extract_strided_slice %get3A_6 {offsets = [1, 0, 0], sizes = [1, 1, 128], strides = [1, 1, 1]} : vector<5x3x128xf32> to vector<1x1x128xf32>
    %squeeze3A_60 = vector.shape_cast %slice3A_59 : vector<1x1x128xf32> to vector<1x128xf32>
    %add3A_61 = arith.addf %squeeze3A_58, %squeeze3A_60 : vector<1x128xf32>
    %slice3A_62 = vector.extract_strided_slice %get3A_2 {offsets = [1, 0, 0], sizes = [1, 1, 128], strides = [1, 1, 1]} : vector<5x6x128xf32> to vector<1x1x128xf32>
    %squeeze3A_63 = vector.shape_cast %slice3A_62 : vector<1x1x128xf32> to vector<1x128xf32>
    %slice3A_64 = vector.extract_strided_slice %get3A_6 {offsets = [1, 1, 0], sizes = [1, 1, 128], strides = [1, 1, 1]} : vector<5x3x128xf32> to vector<1x1x128xf32>
    %squeeze3A_65 = vector.shape_cast %slice3A_64 : vector<1x1x128xf32> to vector<1x128xf32>
    %add3A_66 = arith.addf %squeeze3A_63, %squeeze3A_65 : vector<1x128xf32>
    %slice3A_67 = vector.extract_strided_slice %get3A_2 {offsets = [1, 0, 0], sizes = [1, 1, 128], strides = [1, 1, 1]} : vector<5x6x128xf32> to vector<1x1x128xf32>
    %squeeze3A_68 = vector.shape_cast %slice3A_67 : vector<1x1x128xf32> to vector<1x128xf32>
    %slice3A_69 = vector.extract_strided_slice %get3A_6 {offsets = [1, 2, 0], sizes = [1, 1, 128], strides = [1, 1, 1]} : vector<5x3x128xf32> to vector<1x1x128xf32>
    %squeeze3A_70 = vector.shape_cast %slice3A_69 : vector<1x1x128xf32> to vector<1x128xf32>
    %add3A_71 = arith.addf %squeeze3A_68, %squeeze3A_70 : vector<1x128xf32>
    %slice3A_72 = vector.extract_strided_slice %get3A_2 {offsets = [1, 1, 0], sizes = [1, 1, 128], strides = [1, 1, 1]} : vector<5x6x128xf32> to vector<1x1x128xf32>
    %squeeze3A_73 = vector.shape_cast %slice3A_72 : vector<1x1x128xf32> to vector<1x128xf32>
    %slice3A_74 = vector.extract_strided_slice %get3A_6 {offsets = [1, 0, 0], sizes = [1, 1, 128], strides = [1, 1, 1]} : vector<5x3x128xf32> to vector<1x1x128xf32>
    %squeeze3A_75 = vector.shape_cast %slice3A_74 : vector<1x1x128xf32> to vector<1x128xf32>
    %add3A_76 = arith.addf %squeeze3A_73, %squeeze3A_75 : vector<1x128xf32>
    %slice3A_77 = vector.extract_strided_slice %get3A_2 {offsets = [1, 1, 0], sizes = [1, 1, 128], strides = [1, 1, 1]} : vector<5x6x128xf32> to vector<1x1x128xf32>
    %squeeze3A_78 = vector.shape_cast %slice3A_77 : vector<1x1x128xf32> to vector<1x128xf32>
    %slice3A_79 = vector.extract_strided_slice %get3A_6 {offsets = [1, 1, 0], sizes = [1, 1, 128], strides = [1, 1, 1]} : vector<5x3x128xf32> to vector<1x1x128xf32>
    %squeeze3A_80 = vector.shape_cast %slice3A_79 : vector<1x1x128xf32> to vector<1x128xf32>
    %add3A_81 = arith.addf %squeeze3A_78, %squeeze3A_80 : vector<1x128xf32>
    %slice3A_82 = vector.extract_strided_slice %get3A_2 {offsets = [1, 1, 0], sizes = [1, 1, 128], strides = [1, 1, 1]} : vector<5x6x128xf32> to vector<1x1x128xf32>
    %squeeze3A_83 = vector.shape_cast %slice3A_82 : vector<1x1x128xf32> to vector<1x128xf32>
    %slice3A_84 = vector.extract_strided_slice %get3A_6 {offsets = [1, 2, 0], sizes = [1, 1, 128], strides = [1, 1, 1]} : vector<5x3x128xf32> to vector<1x1x128xf32>
    %squeeze3A_85 = vector.shape_cast %slice3A_84 : vector<1x1x128xf32> to vector<1x128xf32>
    %add3A_86 = arith.addf %squeeze3A_83, %squeeze3A_85 : vector<1x128xf32>
    %slice3A_87 = vector.extract_strided_slice %get3A_2 {offsets = [1, 2, 0], sizes = [1, 1, 128], strides = [1, 1, 1]} : vector<5x6x128xf32> to vector<1x1x128xf32>
    %squeeze3A_88 = vector.shape_cast %slice3A_87 : vector<1x1x128xf32> to vector<1x128xf32>
    %slice3A_89 = vector.extract_strided_slice %get3A_6 {offsets = [1, 0, 0], sizes = [1, 1, 128], strides = [1, 1, 1]} : vector<5x3x128xf32> to vector<1x1x128xf32>
    %squeeze3A_90 = vector.shape_cast %slice3A_89 : vector<1x1x128xf32> to vector<1x128xf32>
    %add3A_91 = arith.addf %squeeze3A_88, %squeeze3A_90 : vector<1x128xf32>
    %slice3A_92 = vector.extract_strided_slice %get3A_2 {offsets = [1, 2, 0], sizes = [1, 1, 128], strides = [1, 1, 1]} : vector<5x6x128xf32> to vector<1x1x128xf32>
    %squeeze3A_93 = vector.shape_cast %slice3A_92 : vector<1x1x128xf32> to vector<1x128xf32>
    %slice3A_94 = vector.extract_strided_slice %get3A_6 {offsets = [1, 1, 0], sizes = [1, 1, 128], strides = [1, 1, 1]} : vector<5x3x128xf32> to vector<1x1x128xf32>
    %squeeze3A_95 = vector.shape_cast %slice3A_94 : vector<1x1x128xf32> to vector<1x128xf32>
    %add3A_96 = arith.addf %squeeze3A_93, %squeeze3A_95 : vector<1x128xf32>
    %slice3A_97 = vector.extract_strided_slice %get3A_2 {offsets = [1, 2, 0], sizes = [1, 1, 128], strides = [1, 1, 1]} : vector<5x6x128xf32> to vector<1x1x128xf32>
    %squeeze3A_98 = vector.shape_cast %slice3A_97 : vector<1x1x128xf32> to vector<1x128xf32>
    %slice3A_99 = vector.extract_strided_slice %get3A_6 {offsets = [1, 2, 0], sizes = [1, 1, 128], strides = [1, 1, 1]} : vector<5x3x128xf32> to vector<1x1x128xf32>
    %squeeze3A_100 = vector.shape_cast %slice3A_99 : vector<1x1x128xf32> to vector<1x128xf32>
    %add3A_101 = arith.addf %squeeze3A_98, %squeeze3A_100 : vector<1x128xf32>
    %slice3A_102 = vector.extract_strided_slice %get3A_2 {offsets = [1, 4, 0], sizes = [1, 1, 128], strides = [1, 1, 1]} : vector<5x6x128xf32> to vector<1x1x128xf32>
    %squeeze3A_103 = vector.shape_cast %slice3A_102 : vector<1x1x128xf32> to vector<1x128xf32>
    %slice3A_104 = vector.extract_strided_slice %get3A_6 {offsets = [1, 0, 0], sizes = [1, 1, 128], strides = [1, 1, 1]} : vector<5x3x128xf32> to vector<1x1x128xf32>
    %squeeze3A_105 = vector.shape_cast %slice3A_104 : vector<1x1x128xf32> to vector<1x128xf32>
    %add3A_106 = arith.addf %squeeze3A_103, %squeeze3A_105 : vector<1x128xf32>
    %broadcast_in_dim3A_107 = arith.constant 0.000000e+00 : f32
    %broadcast_in_dim3A_108 = vector.broadcast %broadcast_in_dim3A_107 : f32 to vector<6x128xf32>
    %concatenate3A_109 = tpu.concatenate %add3A_61, %add3A_66, %add3A_71, %add3A_76, %add3A_81, %add3A_86, %add3A_91, %add3A_96, %add3A_101, %add3A_106, %broadcast_in_dim3A_108 in 0 : vector<1x128xf32>, vector<1x128xf32>, vector<1x128xf32>, vector<1x128xf32>, vector<1x128xf32>, vector<1x128xf32>, vector<1x128xf32>, vector<1x128xf32>, vector<1x128xf32>, vector<1x128xf32>, vector<6x128xf32> -> vector<16x128xf32>
    %swap3A_110 = arith.constant 16 : index
    %swap3A_111 = arith.constant 0 : index
    %swap3A_112 = vector.load %arg2[%swap3A_110, %swap3A_111] : memref<80x128xf32, #tpu.memory_space<vmem>>, vector<16x128xf32>
    tpu.vector_store %arg2[%swap3A_110, %swap3A_111], %concatenate3A_109 {strides = array<i32>} : memref<80x128xf32, #tpu.memory_space<vmem>>, vector<16x128xf32>,
    %slice3A_113 = vector.extract_strided_slice %get3A_2 {offsets = [2, 0, 0], sizes = [1, 1, 128], strides = [1, 1, 1]} : vector<5x6x128xf32> to vector<1x1x128xf32>
    %squeeze3A_114 = vector.shape_cast %slice3A_113 : vector<1x1x128xf32> to vector<1x128xf32>
    %slice3A_115 = vector.extract_strided_slice %get3A_6 {offsets = [2, 0, 0], sizes = [1, 1, 128], strides = [1, 1, 1]} : vector<5x3x128xf32> to vector<1x1x128xf32>
    %squeeze3A_116 = vector.shape_cast %slice3A_115 : vector<1x1x128xf32> to vector<1x128xf32>
    %add3A_117 = arith.addf %squeeze3A_114, %squeeze3A_116 : vector<1x128xf32>
    %slice3A_118 = vector.extract_strided_slice %get3A_2 {offsets = [2, 0, 0], sizes = [1, 1, 128], strides = [1, 1, 1]} : vector<5x6x128xf32> to vector<1x1x128xf32>
    %squeeze3A_119 = vector.shape_cast %slice3A_118 : vector<1x1x128xf32> to vector<1x128xf32>
    %slice3A_120 = vector.extract_strided_slice %get3A_6 {offsets = [2, 1, 0], sizes = [1, 1, 128], strides = [1, 1, 1]} : vector<5x3x128xf32> to vector<1x1x128xf32>
    %squeeze3A_121 = vector.shape_cast %slice3A_120 : vector<1x1x128xf32> to vector<1x128xf32>
    %add3A_122 = arith.addf %squeeze3A_119, %squeeze3A_121 : vector<1x128xf32>
    %slice3A_123 = vector.extract_strided_slice %get3A_2 {offsets = [2, 0, 0], sizes = [1, 1, 128], strides = [1, 1, 1]} : vector<5x6x128xf32> to vector<1x1x128xf32>
    %squeeze3A_124 = vector.shape_cast %slice3A_123 : vector<1x1x128xf32> to vector<1x128xf32>
    %slice3A_125 = vector.extract_strided_slice %get3A_6 {offsets = [2, 2, 0], sizes = [1, 1, 128], strides = [1, 1, 1]} : vector<5x3x128xf32> to vector<1x1x128xf32>
    %squeeze3A_126 = vector.shape_cast %slice3A_125 : vector<1x1x128xf32> to vector<1x128xf32>
    %add3A_127 = arith.addf %squeeze3A_124, %squeeze3A_126 : vector<1x128xf32>
    %slice3A_128 = vector.extract_strided_slice %get3A_2 {offsets = [2, 1, 0], sizes = [1, 1, 128], strides = [1, 1, 1]} : vector<5x6x128xf32> to vector<1x1x128xf32>
    %squeeze3A_129 = vector.shape_cast %slice3A_128 : vector<1x1x128xf32> to vector<1x128xf32>
    %slice3A_130 = vector.extract_strided_slice %get3A_6 {offsets = [2, 0, 0], sizes = [1, 1, 128], strides = [1, 1, 1]} : vector<5x3x128xf32> to vector<1x1x128xf32>
    %squeeze3A_131 = vector.shape_cast %slice3A_130 : vector<1x1x128xf32> to vector<1x128xf32>
    %add3A_132 = arith.addf %squeeze3A_129, %squeeze3A_131 : vector<1x128xf32>
    %slice3A_133 = vector.extract_strided_slice %get3A_2 {offsets = [2, 1, 0], sizes = [1, 1, 128], strides = [1, 1, 1]} : vector<5x6x128xf32> to vector<1x1x128xf32>
    %squeeze3A_134 = vector.shape_cast %slice3A_133 : vector<1x1x128xf32> to vector<1x128xf32>
    %slice3A_135 = vector.extract_strided_slice %get3A_6 {offsets = [2, 1, 0], sizes = [1, 1, 128], strides = [1, 1, 1]} : vector<5x3x128xf32> to vector<1x1x128xf32>
    %squeeze3A_136 = vector.shape_cast %slice3A_135 : vector<1x1x128xf32> to vector<1x128xf32>
    %add3A_137 = arith.addf %squeeze3A_134, %squeeze3A_136 : vector<1x128xf32>
    %slice3A_138 = vector.extract_strided_slice %get3A_2 {offsets = [2, 1, 0], sizes = [1, 1, 128], strides = [1, 1, 1]} : vector<5x6x128xf32> to vector<1x1x128xf32>
    %squeeze3A_139 = vector.shape_cast %slice3A_138 : vector<1x1x128xf32> to vector<1x128xf32>
    %slice3A_140 = vector.extract_strided_slice %get3A_6 {offsets = [2, 2, 0], sizes = [1, 1, 128], strides = [1, 1, 1]} : vector<5x3x128xf32> to vector<1x1x128xf32>
    %squeeze3A_141 = vector.shape_cast %slice3A_140 : vector<1x1x128xf32> to vector<1x128xf32>
    %add3A_142 = arith.addf %squeeze3A_139, %squeeze3A_141 : vector<1x128xf32>
    %slice3A_143 = vector.extract_strided_slice %get3A_2 {offsets = [2, 2, 0], sizes = [1, 1, 128], strides = [1, 1, 1]} : vector<5x6x128xf32> to vector<1x1x128xf32>
    %squeeze3A_144 = vector.shape_cast %slice3A_143 : vector<1x1x128xf32> to vector<1x128xf32>
    %slice3A_145 = vector.extract_strided_slice %get3A_6 {offsets = [2, 0, 0], sizes = [1, 1, 128], strides = [1, 1, 1]} : vector<5x3x128xf32> to vector<1x1x128xf32>
    %squeeze3A_146 = vector.shape_cast %slice3A_145 : vector<1x1x128xf32> to vector<1x128xf32>
    %add3A_147 = arith.addf %squeeze3A_144, %squeeze3A_146 : vector<1x128xf32>
    %slice3A_148 = vector.extract_strided_slice %get3A_2 {offsets = [2, 2, 0], sizes = [1, 1, 128], strides = [1, 1, 1]} : vector<5x6x128xf32> to vector<1x1x128xf32>
    %squeeze3A_149 = vector.shape_cast %slice3A_148 : vector<1x1x128xf32> to vector<1x128xf32>
    %slice3A_150 = vector.extract_strided_slice %get3A_6 {offsets = [2, 1, 0], sizes = [1, 1, 128], strides = [1, 1, 1]} : vector<5x3x128xf32> to vector<1x1x128xf32>
    %squeeze3A_151 = vector.shape_cast %slice3A_150 : vector<1x1x128xf32> to vector<1x128xf32>
    %add3A_152 = arith.addf %squeeze3A_149, %squeeze3A_151 : vector<1x128xf32>
    %slice3A_153 = vector.extract_strided_slice %get3A_2 {offsets = [2, 2, 0], sizes = [1, 1, 128], strides = [1, 1, 1]} : vector<5x6x128xf32> to vector<1x1x128xf32>
    %squeeze3A_154 = vector.shape_cast %slice3A_153 : vector<1x1x128xf32> to vector<1x128xf32>
    %slice3A_155 = vector.extract_strided_slice %get3A_6 {offsets = [2, 2, 0], sizes = [1, 1, 128], strides = [1, 1, 1]} : vector<5x3x128xf32> to vector<1x1x128xf32>
    %squeeze3A_156 = vector.shape_cast %slice3A_155 : vector<1x1x128xf32> to vector<1x128xf32>
    %add3A_157 = arith.addf %squeeze3A_154, %squeeze3A_156 : vector<1x128xf32>
    %slice3A_158 = vector.extract_strided_slice %get3A_2 {offsets = [2, 4, 0], sizes = [1, 1, 128], strides = [1, 1, 1]} : vector<5x6x128xf32> to vector<1x1x128xf32>
    %squeeze3A_159 = vector.shape_cast %slice3A_158 : vector<1x1x128xf32> to vector<1x128xf32>
    %slice3A_160 = vector.extract_strided_slice %get3A_6 {offsets = [2, 0, 0], sizes = [1, 1, 128], strides = [1, 1, 1]} : vector<5x3x128xf32> to vector<1x1x128xf32>
    %squeeze3A_161 = vector.shape_cast %slice3A_160 : vector<1x1x128xf32> to vector<1x128xf32>
    %add3A_162 = arith.addf %squeeze3A_159, %squeeze3A_161 : vector<1x128xf32>
    %broadcast_in_dim3A_163 = arith.constant 0.000000e+00 : f32
    %broadcast_in_dim3A_164 = vector.broadcast %broadcast_in_dim3A_163 : f32 to vector<6x128xf32>
    %concatenate3A_165 = tpu.concatenate %add3A_117, %add3A_122, %add3A_127, %add3A_132, %add3A_137, %add3A_142, %add3A_147, %add3A_152, %add3A_157, %add3A_162, %broadcast_in_dim3A_164 in 0 : vector<1x128xf32>, vector<1x128xf32>, vector<1x128xf32>, vector<1x128xf32>, vector<1x128xf32>, vector<1x128xf32>, vector<1x128xf32>, vector<1x128xf32>, vector<1x128xf32>, vector<1x128xf32>, vector<6x128xf32> -> vector<16x128xf32>
    %swap3A_166 = arith.constant 32 : index
    %swap3A_167 = arith.constant 0 : index
    %swap3A_168 = vector.load %arg2[%swap3A_166, %swap3A_167] : memref<80x128xf32, #tpu.memory_space<vmem>>, vector<16x128xf32>
    tpu.vector_store %arg2[%swap3A_166, %swap3A_167], %concatenate3A_165 {strides = array<i32>} : memref<80x128xf32, #tpu.memory_space<vmem>>, vector<16x128xf32>,
    %slice3A_169 = vector.extract_strided_slice %get3A_2 {offsets = [3, 0, 0], sizes = [1, 1, 128], strides = [1, 1, 1]} : vector<5x6x128xf32> to vector<1x1x128xf32>
    %squeeze3A_170 = vector.shape_cast %slice3A_169 : vector<1x1x128xf32> to vector<1x128xf32>
    %slice3A_171 = vector.extract_strided_slice %get3A_6 {offsets = [3, 0, 0], sizes = [1, 1, 128], strides = [1, 1, 1]} : vector<5x3x128xf32> to vector<1x1x128xf32>
    %squeeze3A_172 = vector.shape_cast %slice3A_171 : vector<1x1x128xf32> to vector<1x128xf32>
    %add3A_173 = arith.addf %squeeze3A_170, %squeeze3A_172 : vector<1x128xf32>
    %slice3A_174 = vector.extract_strided_slice %get3A_2 {offsets = [3, 0, 0], sizes = [1, 1, 128], strides = [1, 1, 1]} : vector<5x6x128xf32> to vector<1x1x128xf32>
    %squeeze3A_175 = vector.shape_cast %slice3A_174 : vector<1x1x128xf32> to vector<1x128xf32>
    %slice3A_176 = vector.extract_strided_slice %get3A_6 {offsets = [3, 1, 0], sizes = [1, 1, 128], strides = [1, 1, 1]} : vector<5x3x128xf32> to vector<1x1x128xf32>
    %squeeze3A_177 = vector.shape_cast %slice3A_176 : vector<1x1x128xf32> to vector<1x128xf32>
    %add3A_178 = arith.addf %squeeze3A_175, %squeeze3A_177 : vector<1x128xf32>
    %slice3A_179 = vector.extract_strided_slice %get3A_2 {offsets = [3, 0, 0], sizes = [1, 1, 128], strides = [1, 1, 1]} : vector<5x6x128xf32> to vector<1x1x128xf32>
    %squeeze3A_180 = vector.shape_cast %slice3A_179 : vector<1x1x128xf32> to vector<1x128xf32>
    %slice3A_181 = vector.extract_strided_slice %get3A_6 {offsets = [3, 2, 0], sizes = [1, 1, 128], strides = [1, 1, 1]} : vector<5x3x128xf32> to vector<1x1x128xf32>
    %squeeze3A_182 = vector.shape_cast %slice3A_181 : vector<1x1x128xf32> to vector<1x128xf32>
    %add3A_183 = arith.addf %squeeze3A_180, %squeeze3A_182 : vector<1x128xf32>
    %slice3A_184 = vector.extract_strided_slice %get3A_2 {offsets = [3, 1, 0], sizes = [1, 1, 128], strides = [1, 1, 1]} : vector<5x6x128xf32> to vector<1x1x128xf32>
    %squeeze3A_185 = vector.shape_cast %slice3A_184 : vector<1x1x128xf32> to vector<1x128xf32>
    %slice3A_186 = vector.extract_strided_slice %get3A_6 {offsets = [3, 0, 0], sizes = [1, 1, 128], strides = [1, 1, 1]} : vector<5x3x128xf32> to vector<1x1x128xf32>
    %squeeze3A_187 = vector.shape_cast %slice3A_186 : vector<1x1x128xf32> to vector<1x128xf32>
    %add3A_188 = arith.addf %squeeze3A_185, %squeeze3A_187 : vector<1x128xf32>
    %slice3A_189 = vector.extract_strided_slice %get3A_2 {offsets = [3, 1, 0], sizes = [1, 1, 128], strides = [1, 1, 1]} : vector<5x6x128xf32> to vector<1x1x128xf32>
    %squeeze3A_190 = vector.shape_cast %slice3A_189 : vector<1x1x128xf32> to vector<1x128xf32>
    %slice3A_191 = vector.extract_strided_slice %get3A_6 {offsets = [3, 1, 0], sizes = [1, 1, 128], strides = [1, 1, 1]} : vector<5x3x128xf32> to vector<1x1x128xf32>
    %squeeze3A_192 = vector.shape_cast %slice3A_191 : vector<1x1x128xf32> to vector<1x128xf32>
    %add3A_193 = arith.addf %squeeze3A_190, %squeeze3A_192 : vector<1x128xf32>
    %slice3A_194 = vector.extract_strided_slice %get3A_2 {offsets = [3, 1, 0], sizes = [1, 1, 128], strides = [1, 1, 1]} : vector<5x6x128xf32> to vector<1x1x128xf32>
    %squeeze3A_195 = vector.shape_cast %slice3A_194 : vector<1x1x128xf32> to vector<1x128xf32>
    %slice3A_196 = vector.extract_strided_slice %get3A_6 {offsets = [3, 2, 0], sizes = [1, 1, 128], strides = [1, 1, 1]} : vector<5x3x128xf32> to vector<1x1x128xf32>
    %squeeze3A_197 = vector.shape_cast %slice3A_196 : vector<1x1x128xf32> to vector<1x128xf32>
    %add3A_198 = arith.addf %squeeze3A_195, %squeeze3A_197 : vector<1x128xf32>
    %slice3A_199 = vector.extract_strided_slice %get3A_2 {offsets = [3, 2, 0], sizes = [1, 1, 128], strides = [1, 1, 1]} : vector<5x6x128xf32> to vector<1x1x128xf32>
    %squeeze3A_200 = vector.shape_cast %slice3A_199 : vector<1x1x128xf32> to vector<1x128xf32>
    %slice3A_201 = vector.extract_strided_slice %get3A_6 {offsets = [3, 0, 0], sizes = [1, 1, 128], strides = [1, 1, 1]} : vector<5x3x128xf32> to vector<1x1x128xf32>
    %squeeze3A_202 = vector.shape_cast %slice3A_201 : vector<1x1x128xf32> to vector<1x128xf32>
    %add3A_203 = arith.addf %squeeze3A_200, %squeeze3A_202 : vector<1x128xf32>
    %slice3A_204 = vector.extract_strided_slice %get3A_2 {offsets = [3, 2, 0], sizes = [1, 1, 128], strides = [1, 1, 1]} : vector<5x6x128xf32> to vector<1x1x128xf32>
    %squeeze3A_205 = vector.shape_cast %slice3A_204 : vector<1x1x128xf32> to vector<1x128xf32>
    %slice3A_206 = vector.extract_strided_slice %get3A_6 {offsets = [3, 1, 0], sizes = [1, 1, 128], strides = [1, 1, 1]} : vector<5x3x128xf32> to vector<1x1x128xf32>
    %squeeze3A_207 = vector.shape_cast %slice3A_206 : vector<1x1x128xf32> to vector<1x128xf32>
    %add3A_208 = arith.addf %squeeze3A_205, %squeeze3A_207 : vector<1x128xf32>
    %slice3A_209 = vector.extract_strided_slice %get3A_2 {offsets = [3, 2, 0], sizes = [1, 1, 128], strides = [1, 1, 1]} : vector<5x6x128xf32> to vector<1x1x128xf32>
    %squeeze3A_210 = vector.shape_cast %slice3A_209 : vector<1x1x128xf32> to vector<1x128xf32>
    %slice3A_211 = vector.extract_strided_slice %get3A_6 {offsets = [3, 2, 0], sizes = [1, 1, 128], strides = [1, 1, 1]} : vector<5x3x128xf32> to vector<1x1x128xf32>
    %squeeze3A_212 = vector.shape_cast %slice3A_211 : vector<1x1x128xf32> to vector<1x128xf32>
    %add3A_213 = arith.addf %squeeze3A_210, %squeeze3A_212 : vector<1x128xf32>
    %slice3A_214 = vector.extract_strided_slice %get3A_2 {offsets = [3, 4, 0], sizes = [1, 1, 128], strides = [1, 1, 1]} : vector<5x6x128xf32> to vector<1x1x128xf32>
    %squeeze3A_215 = vector.shape_cast %slice3A_214 : vector<1x1x128xf32> to vector<1x128xf32>
    %slice3A_216 = vector.extract_strided_slice %get3A_6 {offsets = [3, 0, 0], sizes = [1, 1, 128], strides = [1, 1, 1]} : vector<5x3x128xf32> to vector<1x1x128xf32>
    %squeeze3A_217 = vector.shape_cast %slice3A_216 : vector<1x1x128xf32> to vector<1x128xf32>
    %add3A_218 = arith.addf %squeeze3A_215, %squeeze3A_217 : vector<1x128xf32>
    %broadcast_in_dim3A_219 = arith.constant 0.000000e+00 : f32
    %broadcast_in_dim3A_220 = vector.broadcast %broadcast_in_dim3A_219 : f32 to vector<6x128xf32>
    %concatenate3A_221 = tpu.concatenate %add3A_173, %add3A_178, %add3A_183, %add3A_188, %add3A_193, %add3A_198, %add3A_203, %add3A_208, %add3A_213, %add3A_218, %broadcast_in_dim3A_220 in 0 : vector<1x128xf32>, vector<1x128xf32>, vector<1x128xf32>, vector<1x128xf32>, vector<1x128xf32>, vector<1x128xf32>, vector<1x128xf32>, vector<1x128xf32>, vector<1x128xf32>, vector<1x128xf32>, vector<6x128xf32> -> vector<16x128xf32>
    %swap3A_222 = arith.constant 48 : index
    %swap3A_223 = arith.constant 0 : index
    %swap3A_224 = vector.load %arg2[%swap3A_222, %swap3A_223] : memref<80x128xf32, #tpu.memory_space<vmem>>, vector<16x128xf32>
    tpu.vector_store %arg2[%swap3A_222, %swap3A_223], %concatenate3A_221 {strides = array<i32>} : memref<80x128xf32, #tpu.memory_space<vmem>>, vector<16x128xf32>,
    %slice3A_225 = vector.extract_strided_slice %get3A_2 {offsets = [4, 0, 0], sizes = [1, 1, 128], strides = [1, 1, 1]} : vector<5x6x128xf32> to vector<1x1x128xf32>
    %squeeze3A_226 = vector.shape_cast %slice3A_225 : vector<1x1x128xf32> to vector<1x128xf32>
    %slice3A_227 = vector.extract_strided_slice %get3A_6 {offsets = [4, 0, 0], sizes = [1, 1, 128], strides = [1, 1, 1]} : vector<5x3x128xf32> to vector<1x1x128xf32>
    %squeeze3A_228 = vector.shape_cast %slice3A_227 : vector<1x1x128xf32> to vector<1x128xf32>
    %add3A_229 = arith.addf %squeeze3A_226, %squeeze3A_228 : vector<1x128xf32>
    %slice3A_230 = vector.extract_strided_slice %get3A_2 {offsets = [4, 0, 0], sizes = [1, 1, 128], strides = [1, 1, 1]} : vector<5x6x128xf32> to vector<1x1x128xf32>
    %squeeze3A_231 = vector.shape_cast %slice3A_230 : vector<1x1x128xf32> to vector<1x128xf32>
    %slice3A_232 = vector.extract_strided_slice %get3A_6 {offsets = [4, 1, 0], sizes = [1, 1, 128], strides = [1, 1, 1]} : vector<5x3x128xf32> to vector<1x1x128xf32>
    %squeeze3A_233 = vector.shape_cast %slice3A_232 : vector<1x1x128xf32> to vector<1x128xf32>
    %add3A_234 = arith.addf %squeeze3A_231, %squeeze3A_233 : vector<1x128xf32>
    %slice3A_235 = vector.extract_strided_slice %get3A_2 {offsets = [4, 0, 0], sizes = [1, 1, 128], strides = [1, 1, 1]} : vector<5x6x128xf32> to vector<1x1x128xf32>
    %squeeze3A_236 = vector.shape_cast %slice3A_235 : vector<1x1x128xf32> to vector<1x128xf32>
    %slice3A_237 = vector.extract_strided_slice %get3A_6 {offsets = [4, 2, 0], sizes = [1, 1, 128], strides = [1, 1, 1]} : vector<5x3x128xf32> to vector<1x1x128xf32>
    %squeeze3A_238 = vector.shape_cast %slice3A_237 : vector<1x1x128xf32> to vector<1x128xf32>
    %add3A_239 = arith.addf %squeeze3A_236, %squeeze3A_238 : vector<1x128xf32>
    %slice3A_240 = vector.extract_strided_slice %get3A_2 {offsets = [4, 1, 0], sizes = [1, 1, 128], strides = [1, 1, 1]} : vector<5x6x128xf32> to vector<1x1x128xf32>
    %squeeze3A_241 = vector.shape_cast %slice3A_240 : vector<1x1x128xf32> to vector<1x128xf32>
    %slice3A_242 = vector.extract_strided_slice %get3A_6 {offsets = [4, 0, 0], sizes = [1, 1, 128], strides = [1, 1, 1]} : vector<5x3x128xf32> to vector<1x1x128xf32>
    %squeeze3A_243 = vector.shape_cast %slice3A_242 : vector<1x1x128xf32> to vector<1x128xf32>
    %add3A_244 = arith.addf %squeeze3A_241, %squeeze3A_243 : vector<1x128xf32>
    %slice3A_245 = vector.extract_strided_slice %get3A_2 {offsets = [4, 1, 0], sizes = [1, 1, 128], strides = [1, 1, 1]} : vector<5x6x128xf32> to vector<1x1x128xf32>
    %squeeze3A_246 = vector.shape_cast %slice3A_245 : vector<1x1x128xf32> to vector<1x128xf32>
    %slice3A_247 = vector.extract_strided_slice %get3A_6 {offsets = [4, 1, 0], sizes = [1, 1, 128], strides = [1, 1, 1]} : vector<5x3x128xf32> to vector<1x1x128xf32>
    %squeeze3A_248 = vector.shape_cast %slice3A_247 : vector<1x1x128xf32> to vector<1x128xf32>
    %add3A_249 = arith.addf %squeeze3A_246, %squeeze3A_248 : vector<1x128xf32>
    %slice3A_250 = vector.extract_strided_slice %get3A_2 {offsets = [4, 1, 0], sizes = [1, 1, 128], strides = [1, 1, 1]} : vector<5x6x128xf32> to vector<1x1x128xf32>
    %squeeze3A_251 = vector.shape_cast %slice3A_250 : vector<1x1x128xf32> to vector<1x128xf32>
    %slice3A_252 = vector.extract_strided_slice %get3A_6 {offsets = [4, 2, 0], sizes = [1, 1, 128], strides = [1, 1, 1]} : vector<5x3x128xf32> to vector<1x1x128xf32>
    %squeeze3A_253 = vector.shape_cast %slice3A_252 : vector<1x1x128xf32> to vector<1x128xf32>
    %add3A_254 = arith.addf %squeeze3A_251, %squeeze3A_253 : vector<1x128xf32>
    %slice3A_255 = vector.extract_strided_slice %get3A_2 {offsets = [4, 2, 0], sizes = [1, 1, 128], strides = [1, 1, 1]} : vector<5x6x128xf32> to vector<1x1x128xf32>
    %squeeze3A_256 = vector.shape_cast %slice3A_255 : vector<1x1x128xf32> to vector<1x128xf32>
    %slice3A_257 = vector.extract_strided_slice %get3A_6 {offsets = [4, 0, 0], sizes = [1, 1, 128], strides = [1, 1, 1]} : vector<5x3x128xf32> to vector<1x1x128xf32>
    %squeeze3A_258 = vector.shape_cast %slice3A_257 : vector<1x1x128xf32> to vector<1x128xf32>
    %add3A_259 = arith.addf %squeeze3A_256, %squeeze3A_258 : vector<1x128xf32>
    %slice3A_260 = vector.extract_strided_slice %get3A_2 {offsets = [4, 2, 0], sizes = [1, 1, 128], strides = [1, 1, 1]} : vector<5x6x128xf32> to vector<1x1x128xf32>
    %squeeze3A_261 = vector.shape_cast %slice3A_260 : vector<1x1x128xf32> to vector<1x128xf32>
    %slice3A_262 = vector.extract_strided_slice %get3A_6 {offsets = [4, 1, 0], sizes = [1, 1, 128], strides = [1, 1, 1]} : vector<5x3x128xf32> to vector<1x1x128xf32>
    %squeeze3A_263 = vector.shape_cast %slice3A_262 : vector<1x1x128xf32> to vector<1x128xf32>
    %add3A_264 = arith.addf %squeeze3A_261, %squeeze3A_263 : vector<1x128xf32>
    %slice3A_265 = vector.extract_strided_slice %get3A_2 {offsets = [4, 2, 0], sizes = [1, 1, 128], strides = [1, 1, 1]} : vector<5x6x128xf32> to vector<1x1x128xf32>
    %squeeze3A_266 = vector.shape_cast %slice3A_265 : vector<1x1x128xf32> to vector<1x128xf32>
    %slice3A_267 = vector.extract_strided_slice %get3A_6 {offsets = [4, 2, 0], sizes = [1, 1, 128], strides = [1, 1, 1]} : vector<5x3x128xf32> to vector<1x1x128xf32>
    %squeeze3A_268 = vector.shape_cast %slice3A_267 : vector<1x1x128xf32> to vector<1x128xf32>
    %add3A_269 = arith.addf %squeeze3A_266, %squeeze3A_268 : vector<1x128xf32>
    %slice3A_270 = vector.extract_strided_slice %get3A_2 {offsets = [4, 4, 0], sizes = [1, 1, 128], strides = [1, 1, 1]} : vector<5x6x128xf32> to vector<1x1x128xf32>
    %squeeze3A_271 = vector.shape_cast %slice3A_270 : vector<1x1x128xf32> to vector<1x128xf32>
    %slice3A_272 = vector.extract_strided_slice %get3A_6 {offsets = [4, 0, 0], sizes = [1, 1, 128], strides = [1, 1, 1]} : vector<5x3x128xf32> to vector<1x1x128xf32>
    %squeeze3A_273 = vector.shape_cast %slice3A_272 : vector<1x1x128xf32> to vector<1x128xf32>
    %add3A_274 = arith.addf %squeeze3A_271, %squeeze3A_273 : vector<1x128xf32>
    %broadcast_in_dim3A_275 = arith.constant 0.000000e+00 : f32
    %broadcast_in_dim3A_276 = vector.broadcast %broadcast_in_dim3A_275 : f32 to vector<6x128xf32>
    %concatenate3A_277 = tpu.concatenate %add3A_229, %add3A_234, %add3A_239, %add3A_244, %add3A_249, %add3A_254, %add3A_259, %add3A_264, %add3A_269, %add3A_274, %broadcast_in_dim3A_276 in 0 : vector<1x128xf32>, vector<1x128xf32>, vector<1x128xf32>, vector<1x128xf32>, vector<1x128xf32>, vector<1x128xf32>, vector<1x128xf32>, vector<1x128xf32>, vector<1x128xf32>, vector<1x128xf32>, vector<6x128xf32> -> vector<16x128xf32>
    %swap3A_278 = arith.constant 64 : index
    %swap3A_279 = arith.constant 0 : index
    %swap3A_280 = vector.load %arg2[%swap3A_278, %swap3A_279] : memref<80x128xf32, #tpu.memory_space<vmem>>, vector<16x128xf32>
    tpu.vector_store %arg2[%swap3A_278, %swap3A_279], %concatenate3A_277 {strides = array<i32>} : memref<80x128xf32, #tpu.memory_space<vmem>>, vector<16x128xf32>,
    return
  }
}

module attributes {stable_mosaic.version = 14 : i64} {
  func.func @_h0_body(%arg0: memref<10000x2xi32, #tpu.memory_space<vmem>>, %arg1: memref<120x128xf32, #tpu.memory_space<vmem>>, %arg2: memref<3x128xf32, #tpu.memory_space<vmem>>, %arg3: memref<10000x128xf32, #tpu.memory_space<vmem>>) attributes {dimension_semantics = [], scalar_prefetch = 0 : i64, scratch_operands = 0 : i64, tpu.core_type = #tpu.core_type<tc>} {
    %get3A = arith.constant 0 : index
    %get3A_0 = arith.constant 0 : index
    %get3A_1 = vector.load %arg0[%get3A, %get3A_0] : memref<10000x2xi32, #tpu.memory_space<vmem>>, vector<10000x2xi32>
    %slice3A = vector.extract_strided_slice %get3A_1 {offsets = [0, 0], sizes = [10000, 1], strides = [1, 1]} : vector<10000x2xi32> to vector<10000x1xi32>
    %slice3A_2 = vector.extract_strided_slice %get3A_1 {offsets = [0, 1], sizes = [10000, 1], strides = [1, 1]} : vector<10000x2xi32> to vector<10000x1xi32>
    %broadcast_in_dim3A = arith.constant 0.000000e+00 : f32
    %broadcast_in_dim3A_3 = vector.broadcast %broadcast_in_dim3A : f32 to vector<10000x128xf32>
    %eq3A = arith.constant 0 : i32
    %eq3A_4 = vector.broadcast %eq3A : i32 to vector<10000x1xi32>
    %eq3A_5 = arith.cmpi eq, %slice3A, %eq3A_4 : vector<10000x1xi32>
    %convert_element_type3A = arith.extui %eq3A_5 : vector<10000x1xi1> to vector<10000x1xi32>
    %convert_element_type3A_6 = arith.sitofp %convert_element_type3A : vector<10000x1xi32> to vector<10000x1xf32>
    %get3A_7 = arith.constant 0 : index
    %get3A_8 = arith.constant 0 : index
    %get3A_9 = vector.load %arg1[%get3A_7, %get3A_8] : memref<120x128xf32, #tpu.memory_space<vmem>>, vector<1x128xf32>
    %mul3A = vector.broadcast %convert_element_type3A_6 : vector<10000x1xf32> to vector<10000x128xf32>
    %mul3A_10 = vector.broadcast %get3A_9 : vector<1x128xf32> to vector<10000x128xf32>
    %mul3A_11 = arith.mulf %mul3A, %mul3A_10 : vector<10000x128xf32>
    %add3A = arith.addf %broadcast_in_dim3A_3, %mul3A_11 : vector<10000x128xf32>
    %eq3A_12 = arith.constant 0 : i32
    %eq3A_13 = vector.broadcast %eq3A_12 : i32 to vector<10000x1xi32>
    %eq3A_14 = arith.cmpi eq, %slice3A_2, %eq3A_13 : vector<10000x1xi32>
    %convert_element_type3A_15 = arith.extui %eq3A_14 : vector<10000x1xi1> to vector<10000x1xi32>
    %convert_element_type3A_16 = arith.sitofp %convert_element_type3A_15 : vector<10000x1xi32> to vector<10000x1xf32>
    %get3A_17 = arith.constant 0 : index
    %get3A_18 = arith.constant 0 : index
    %get3A_19 = vector.load %arg2[%get3A_17, %get3A_18] : memref<3x128xf32, #tpu.memory_space<vmem>>, vector<1x128xf32>
    %mul3A_20 = vector.broadcast %convert_element_type3A_16 : vector<10000x1xf32> to vector<10000x128xf32>
    %mul3A_21 = vector.broadcast %get3A_19 : vector<1x128xf32> to vector<10000x128xf32>
    %mul3A_22 = arith.mulf %mul3A_20, %mul3A_21 : vector<10000x128xf32>
    %add3A_23 = arith.addf %add3A, %mul3A_22 : vector<10000x128xf32>
    %eq3A_24 = arith.constant 1 : i32
    %eq3A_25 = vector.broadcast %eq3A_24 : i32 to vector<10000x1xi32>
    %eq3A_26 = arith.cmpi eq, %slice3A, %eq3A_25 : vector<10000x1xi32>
    %convert_element_type3A_27 = arith.extui %eq3A_26 : vector<10000x1xi1> to vector<10000x1xi32>
    %convert_element_type3A_28 = arith.sitofp %convert_element_type3A_27 : vector<10000x1xi32> to vector<10000x1xf32>
    %get3A_29 = arith.constant 1 : index
    %get3A_30 = arith.constant 0 : index
    %get3A_31 = vector.load %arg1[%get3A_29, %get3A_30] : memref<120x128xf32, #tpu.memory_space<vmem>>, vector<1x128xf32>
    %mul3A_32 = vector.broadcast %convert_element_type3A_28 : vector<10000x1xf32> to vector<10000x128xf32>
    %mul3A_33 = vector.broadcast %get3A_31 : vector<1x128xf32> to vector<10000x128xf32>
    %mul3A_34 = arith.mulf %mul3A_32, %mul3A_33 : vector<10000x128xf32>
    %add3A_35 = arith.addf %add3A_23, %mul3A_34 : vector<10000x128xf32>
    %eq3A_36 = arith.constant 1 : i32
    %eq3A_37 = vector.broadcast %eq3A_36 : i32 to vector<10000x1xi32>
    %eq3A_38 = arith.cmpi eq, %slice3A_2, %eq3A_37 : vector<10000x1xi32>
    %convert_element_type3A_39 = arith.extui %eq3A_38 : vector<10000x1xi1> to vector<10000x1xi32>
    %convert_element_type3A_40 = arith.sitofp %convert_element_type3A_39 : vector<10000x1xi32> to vector<10000x1xf32>
    %get3A_41 = arith.constant 1 : index
    %get3A_42 = arith.constant 0 : index
    %get3A_43 = vector.load %arg2[%get3A_41, %get3A_42] : memref<3x128xf32, #tpu.memory_space<vmem>>, vector<1x128xf32>
    %mul3A_44 = vector.broadcast %convert_element_type3A_40 : vector<10000x1xf32> to vector<10000x128xf32>
    %mul3A_45 = vector.broadcast %get3A_43 : vector<1x128xf32> to vector<10000x128xf32>
    %mul3A_46 = arith.mulf %mul3A_44, %mul3A_45 : vector<10000x128xf32>
    %add3A_47 = arith.addf %add3A_35, %mul3A_46 : vector<10000x128xf32>
    %eq3A_48 = arith.constant 2 : i32
    %eq3A_49 = vector.broadcast %eq3A_48 : i32 to vector<10000x1xi32>
    %eq3A_50 = arith.cmpi eq, %slice3A, %eq3A_49 : vector<10000x1xi32>
    %convert_element_type3A_51 = arith.extui %eq3A_50 : vector<10000x1xi1> to vector<10000x1xi32>
    %convert_element_type3A_52 = arith.sitofp %convert_element_type3A_51 : vector<10000x1xi32> to vector<10000x1xf32>
    %get3A_53 = arith.constant 2 : index
    %get3A_54 = arith.constant 0 : index
    %get3A_55 = vector.load %arg1[%get3A_53, %get3A_54] : memref<120x128xf32, #tpu.memory_space<vmem>>, vector<1x128xf32>
    %mul3A_56 = vector.broadcast %convert_element_type3A_52 : vector<10000x1xf32> to vector<10000x128xf32>
    %mul3A_57 = vector.broadcast %get3A_55 : vector<1x128xf32> to vector<10000x128xf32>
    %mul3A_58 = arith.mulf %mul3A_56, %mul3A_57 : vector<10000x128xf32>
    %add3A_59 = arith.addf %add3A_47, %mul3A_58 : vector<10000x128xf32>
    %eq3A_60 = arith.constant 2 : i32
    %eq3A_61 = vector.broadcast %eq3A_60 : i32 to vector<10000x1xi32>
    %eq3A_62 = arith.cmpi eq, %slice3A_2, %eq3A_61 : vector<10000x1xi32>
    %convert_element_type3A_63 = arith.extui %eq3A_62 : vector<10000x1xi1> to vector<10000x1xi32>
    %convert_element_type3A_64 = arith.sitofp %convert_element_type3A_63 : vector<10000x1xi32> to vector<10000x1xf32>
    %get3A_65 = arith.constant 2 : index
    %get3A_66 = arith.constant 0 : index
    %get3A_67 = vector.load %arg2[%get3A_65, %get3A_66] : memref<3x128xf32, #tpu.memory_space<vmem>>, vector<1x128xf32>
    %mul3A_68 = vector.broadcast %convert_element_type3A_64 : vector<10000x1xf32> to vector<10000x128xf32>
    %mul3A_69 = vector.broadcast %get3A_67 : vector<1x128xf32> to vector<10000x128xf32>
    %mul3A_70 = arith.mulf %mul3A_68, %mul3A_69 : vector<10000x128xf32>
    %add3A_71 = arith.addf %add3A_59, %mul3A_70 : vector<10000x128xf32>
    %swap3A = arith.constant 0 : index
    %swap3A_72 = arith.constant 0 : index
    %swap3A_73 = vector.load %arg3[%swap3A, %swap3A_72] : memref<10000x128xf32, #tpu.memory_space<vmem>>, vector<10000x128xf32>
    tpu.vector_store %arg3[%swap3A, %swap3A_72], %add3A_71 {strides = array<i32>} : memref<10000x128xf32, #tpu.memory_space<vmem>>, vector<10000x128xf32>,
    return
  }
}

module attributes {stable_mosaic.version = 14 : i64} {
  func.func @_layer_body(%arg0: memref<10240x128xf32, #tpu.memory_space<vmem>>, %arg1: memref<128x256xf32, #tpu.memory_space<vmem>>, %arg2: memref<1x256xf32, #tpu.memory_space<vmem>>, %arg3: memref<256x128xf32, #tpu.memory_space<vmem>>, %arg4: memref<1x128xf32, #tpu.memory_space<vmem>>, %arg5: memref<1x128xf32, #tpu.memory_space<vmem>>, %arg6: memref<1x128xf32, #tpu.memory_space<vmem>>, %arg7: memref<10000x128xf32, #tpu.memory_space<vmem>>) attributes {dimension_semantics = [], scalar_prefetch = 0 : i64, scratch_operands = 0 : i64, tpu.core_type = #tpu.core_type<tc>} {
    %get3A = arith.constant 0 : index
    %get3A_0 = arith.constant 0 : index
    %get3A_1 = vector.load %arg0[%get3A, %get3A_0] : memref<10240x128xf32, #tpu.memory_space<vmem>>, vector<10000x128xf32>
    %get3A_2 = arith.constant 0 : index
    %get3A_3 = arith.constant 0 : index
    %get3A_4 = vector.load %arg1[%get3A_2, %get3A_3] : memref<128x256xf32, #tpu.memory_space<vmem>>, vector<128x256xf32>
    %dot_general3A = arith.constant dense<0.000000e+00> : vector<10000x256xf32>
    %dot_general3A_5 = tpu.matmul %get3A_1, %get3A_4, %dot_general3A {dimension_numbers = #tpu.dot_dimension_numbers<[1], [0], [0], [1], [0, 0, 1, 1], [], []>, transpose_lhs_hint = false} : vector<10000x128xf32>, vector<128x256xf32>, vector<10000x256xf32> -> vector<10000x256xf32>
    %get3A_6 = arith.constant 0 : index
    %get3A_7 = arith.constant 0 : index
    %get3A_8 = vector.load %arg2[%get3A_6, %get3A_7] : memref<1x256xf32, #tpu.memory_space<vmem>>, vector<1x256xf32>
    %add3A = vector.broadcast %get3A_8 : vector<1x256xf32> to vector<10000x256xf32>
    %add3A_9 = arith.addf %dot_general3A_5, %add3A : vector<10000x256xf32>
    %max3A = arith.constant 0.000000e+00 : f32
    %max3A_10 = vector.broadcast %max3A : f32 to vector<10000x256xf32>
    %max3A_11 = arith.maximumf %add3A_9, %max3A_10 : vector<10000x256xf32>
    %get3A_12 = arith.constant 0 : index
    %get3A_13 = arith.constant 0 : index
    %get3A_14 = vector.load %arg3[%get3A_12, %get3A_13] : memref<256x128xf32, #tpu.memory_space<vmem>>, vector<256x128xf32>
    %dot_general3A_15 = arith.constant dense<0.000000e+00> : vector<10000x128xf32>
    %dot_general3A_16 = tpu.matmul %max3A_11, %get3A_14, %dot_general3A_15 {dimension_numbers = #tpu.dot_dimension_numbers<[1], [0], [0], [1], [0, 0, 1, 1], [], []>, transpose_lhs_hint = false} : vector<10000x256xf32>, vector<256x128xf32>, vector<10000x128xf32> -> vector<10000x128xf32>
    %get3A_17 = arith.constant 0 : index
    %get3A_18 = arith.constant 0 : index
    %get3A_19 = vector.load %arg4[%get3A_17, %get3A_18] : memref<1x128xf32, #tpu.memory_space<vmem>>, vector<1x128xf32>
    %add3A_20 = vector.broadcast %get3A_19 : vector<1x128xf32> to vector<10000x128xf32>
    %add3A_21 = arith.addf %dot_general3A_16, %add3A_20 : vector<10000x128xf32>
    %reduce_sum3A = arith.constant dense<0.000000e+00> : vector<128xf32>
    %reduce_sum3A_22 = vector.multi_reduction <add>, %add3A_21, %reduce_sum3A [0] : vector<10000x128xf32> to vector<128xf32>
    %broadcast_in_dim3A = vector.shape_cast %reduce_sum3A_22 : vector<128xf32> to vector<1x128xf32>
    %div3A = arith.constant 1.000000e+04 : f32
    %div3A_23 = vector.broadcast %div3A : f32 to vector<1x128xf32>
    %div3A_24 = arith.divf %broadcast_in_dim3A, %div3A_23 : vector<1x128xf32>
    %sub3A = vector.broadcast %div3A_24 : vector<1x128xf32> to vector<10000x128xf32>
    %sub3A_25 = arith.subf %add3A_21, %sub3A : vector<10000x128xf32>
    %integer_pow3A = arith.mulf %sub3A_25, %sub3A_25 : vector<10000x128xf32>
    %reduce_sum3A_26 = arith.constant dense<0.000000e+00> : vector<128xf32>
    %reduce_sum3A_27 = vector.multi_reduction <add>, %integer_pow3A, %reduce_sum3A_26 [0] : vector<10000x128xf32> to vector<128xf32>
    %broadcast_in_dim3A_28 = vector.shape_cast %reduce_sum3A_27 : vector<128xf32> to vector<1x128xf32>
    %div3A_29 = arith.constant 1.000000e+04 : f32
    %div3A_30 = vector.broadcast %div3A_29 : f32 to vector<1x128xf32>
    %div3A_31 = arith.divf %broadcast_in_dim3A_28, %div3A_30 : vector<1x128xf32>
    %sub3A_32 = vector.broadcast %div3A_24 : vector<1x128xf32> to vector<10000x128xf32>
    %sub3A_33 = arith.subf %add3A_21, %sub3A_32 : vector<10000x128xf32>
    %add3A_34 = arith.constant 9.99999974E-6 : f32
    %add3A_35 = vector.broadcast %add3A_34 : f32 to vector<1x128xf32>
    %add3A_36 = arith.addf %div3A_31, %add3A_35 : vector<1x128xf32>
    %rsqrt3A = math.rsqrt %add3A_36 : vector<1x128xf32>
    %mul3A = vector.broadcast %rsqrt3A : vector<1x128xf32> to vector<10000x128xf32>
    %mul3A_37 = arith.mulf %sub3A_33, %mul3A : vector<10000x128xf32>
    %get3A_38 = arith.constant 0 : index
    %get3A_39 = arith.constant 0 : index
    %get3A_40 = vector.load %arg5[%get3A_38, %get3A_39] : memref<1x128xf32, #tpu.memory_space<vmem>>, vector<1x128xf32>
    %mul3A_41 = vector.broadcast %get3A_40 : vector<1x128xf32> to vector<10000x128xf32>
    %mul3A_42 = arith.mulf %mul3A_37, %mul3A_41 : vector<10000x128xf32>
    %get3A_43 = arith.constant 0 : index
    %get3A_44 = arith.constant 0 : index
    %get3A_45 = vector.load %arg6[%get3A_43, %get3A_44] : memref<1x128xf32, #tpu.memory_space<vmem>>, vector<1x128xf32>
    %add3A_46 = vector.broadcast %get3A_45 : vector<1x128xf32> to vector<10000x128xf32>
    %add3A_47 = arith.addf %mul3A_42, %add3A_46 : vector<10000x128xf32>
    %max3A_48 = arith.constant 0.000000e+00 : f32
    %max3A_49 = vector.broadcast %max3A_48 : f32 to vector<10000x128xf32>
    %max3A_50 = arith.maximumf %add3A_47, %max3A_49 : vector<10000x128xf32>
    %swap3A = arith.constant 0 : index
    %swap3A_51 = arith.constant 0 : index
    %swap3A_52 = vector.load %arg7[%swap3A, %swap3A_51] : memref<10000x128xf32, #tpu.memory_space<vmem>>, vector<10000x128xf32>
    tpu.vector_store %arg7[%swap3A, %swap3A_51], %max3A_50 {strides = array<i32>} : memref<10000x128xf32, #tpu.memory_space<vmem>>, vector<10000x128xf32>,
    return
  }
}

module attributes {stable_mosaic.version = 14 : i64} {
  func.func @_layer_body(%arg0: memref<10240x128xf32, #tpu.memory_space<vmem>>, %arg1: memref<128x256xf32, #tpu.memory_space<vmem>>, %arg2: memref<1x256xf32, #tpu.memory_space<vmem>>, %arg3: memref<256x128xf32, #tpu.memory_space<vmem>>, %arg4: memref<1x128xf32, #tpu.memory_space<vmem>>, %arg5: memref<1x128xf32, #tpu.memory_space<vmem>>, %arg6: memref<1x128xf32, #tpu.memory_space<vmem>>, %arg7: memref<10000x128xf32, #tpu.memory_space<vmem>>) attributes {dimension_semantics = [], scalar_prefetch = 0 : i64, scratch_operands = 0 : i64, tpu.core_type = #tpu.core_type<tc>} {
    %get3A = arith.constant 0 : index
    %get3A_0 = arith.constant 0 : index
    %get3A_1 = vector.load %arg0[%get3A, %get3A_0] : memref<10240x128xf32, #tpu.memory_space<vmem>>, vector<10000x128xf32>
    %get3A_2 = arith.constant 0 : index
    %get3A_3 = arith.constant 0 : index
    %get3A_4 = vector.load %arg1[%get3A_2, %get3A_3] : memref<128x256xf32, #tpu.memory_space<vmem>>, vector<128x256xf32>
    %dot_general3A = arith.constant dense<0.000000e+00> : vector<10000x256xf32>
    %dot_general3A_5 = tpu.matmul %get3A_1, %get3A_4, %dot_general3A {dimension_numbers = #tpu.dot_dimension_numbers<[1], [0], [0], [1], [0, 0, 1, 1], [], []>, transpose_lhs_hint = false} : vector<10000x128xf32>, vector<128x256xf32>, vector<10000x256xf32> -> vector<10000x256xf32>
    %get3A_6 = arith.constant 0 : index
    %get3A_7 = arith.constant 0 : index
    %get3A_8 = vector.load %arg2[%get3A_6, %get3A_7] : memref<1x256xf32, #tpu.memory_space<vmem>>, vector<1x256xf32>
    %add3A = vector.broadcast %get3A_8 : vector<1x256xf32> to vector<10000x256xf32>
    %add3A_9 = arith.addf %dot_general3A_5, %add3A : vector<10000x256xf32>
    %max3A = arith.constant 0.000000e+00 : f32
    %max3A_10 = vector.broadcast %max3A : f32 to vector<10000x256xf32>
    %max3A_11 = arith.maximumf %add3A_9, %max3A_10 : vector<10000x256xf32>
    %get3A_12 = arith.constant 0 : index
    %get3A_13 = arith.constant 0 : index
    %get3A_14 = vector.load %arg3[%get3A_12, %get3A_13] : memref<256x128xf32, #tpu.memory_space<vmem>>, vector<256x128xf32>
    %dot_general3A_15 = arith.constant dense<0.000000e+00> : vector<10000x128xf32>
    %dot_general3A_16 = tpu.matmul %max3A_11, %get3A_14, %dot_general3A_15 {dimension_numbers = #tpu.dot_dimension_numbers<[1], [0], [0], [1], [0, 0, 1, 1], [], []>, transpose_lhs_hint = false} : vector<10000x256xf32>, vector<256x128xf32>, vector<10000x128xf32> -> vector<10000x128xf32>
    %get3A_17 = arith.constant 0 : index
    %get3A_18 = arith.constant 0 : index
    %get3A_19 = vector.load %arg4[%get3A_17, %get3A_18] : memref<1x128xf32, #tpu.memory_space<vmem>>, vector<1x128xf32>
    %add3A_20 = vector.broadcast %get3A_19 : vector<1x128xf32> to vector<10000x128xf32>
    %add3A_21 = arith.addf %dot_general3A_16, %add3A_20 : vector<10000x128xf32>
    %reduce_sum3A = arith.constant dense<0.000000e+00> : vector<128xf32>
    %reduce_sum3A_22 = vector.multi_reduction <add>, %add3A_21, %reduce_sum3A [0] : vector<10000x128xf32> to vector<128xf32>
    %broadcast_in_dim3A = vector.shape_cast %reduce_sum3A_22 : vector<128xf32> to vector<1x128xf32>
    %div3A = arith.constant 1.000000e+04 : f32
    %div3A_23 = vector.broadcast %div3A : f32 to vector<1x128xf32>
    %div3A_24 = arith.divf %broadcast_in_dim3A, %div3A_23 : vector<1x128xf32>
    %sub3A = vector.broadcast %div3A_24 : vector<1x128xf32> to vector<10000x128xf32>
    %sub3A_25 = arith.subf %add3A_21, %sub3A : vector<10000x128xf32>
    %integer_pow3A = arith.mulf %sub3A_25, %sub3A_25 : vector<10000x128xf32>
    %reduce_sum3A_26 = arith.constant dense<0.000000e+00> : vector<128xf32>
    %reduce_sum3A_27 = vector.multi_reduction <add>, %integer_pow3A, %reduce_sum3A_26 [0] : vector<10000x128xf32> to vector<128xf32>
    %broadcast_in_dim3A_28 = vector.shape_cast %reduce_sum3A_27 : vector<128xf32> to vector<1x128xf32>
    %div3A_29 = arith.constant 1.000000e+04 : f32
    %div3A_30 = vector.broadcast %div3A_29 : f32 to vector<1x128xf32>
    %div3A_31 = arith.divf %broadcast_in_dim3A_28, %div3A_30 : vector<1x128xf32>
    %sub3A_32 = vector.broadcast %div3A_24 : vector<1x128xf32> to vector<10000x128xf32>
    %sub3A_33 = arith.subf %add3A_21, %sub3A_32 : vector<10000x128xf32>
    %add3A_34 = arith.constant 9.99999974E-6 : f32
    %add3A_35 = vector.broadcast %add3A_34 : f32 to vector<1x128xf32>
    %add3A_36 = arith.addf %div3A_31, %add3A_35 : vector<1x128xf32>
    %rsqrt3A = math.rsqrt %add3A_36 : vector<1x128xf32>
    %mul3A = vector.broadcast %rsqrt3A : vector<1x128xf32> to vector<10000x128xf32>
    %mul3A_37 = arith.mulf %sub3A_33, %mul3A : vector<10000x128xf32>
    %get3A_38 = arith.constant 0 : index
    %get3A_39 = arith.constant 0 : index
    %get3A_40 = vector.load %arg5[%get3A_38, %get3A_39] : memref<1x128xf32, #tpu.memory_space<vmem>>, vector<1x128xf32>
    %mul3A_41 = vector.broadcast %get3A_40 : vector<1x128xf32> to vector<10000x128xf32>
    %mul3A_42 = arith.mulf %mul3A_37, %mul3A_41 : vector<10000x128xf32>
    %get3A_43 = arith.constant 0 : index
    %get3A_44 = arith.constant 0 : index
    %get3A_45 = vector.load %arg6[%get3A_43, %get3A_44] : memref<1x128xf32, #tpu.memory_space<vmem>>, vector<1x128xf32>
    %add3A_46 = vector.broadcast %get3A_45 : vector<1x128xf32> to vector<10000x128xf32>
    %add3A_47 = arith.addf %mul3A_42, %add3A_46 : vector<10000x128xf32>
    %swap3A = arith.constant 0 : index
    %swap3A_48 = arith.constant 0 : index
    %swap3A_49 = vector.load %arg7[%swap3A, %swap3A_48] : memref<10000x128xf32, #tpu.memory_space<vmem>>, vector<10000x128xf32>
    tpu.vector_store %arg7[%swap3A, %swap3A_48], %add3A_47 {strides = array<i32>} : memref<10000x128xf32, #tpu.memory_space<vmem>>, vector<10000x128xf32>,
    return
  }
}

</mosaic_0001>

<sc_bundles>
// kernel: gather_offload_async_start.1
scs
__scs_entry_jumppad:
0x0: {  	(pc) =	sbr.rel $0x88, $3  }
0x1: {  	(tag) =	ssettag $0x0;
	lr =	simm.s32 $0x1  }
0x2: {  	[smem:$0x3F94] =	sst lr;
	_ =	strace $0xD0000000  }
0x3: {  	_ = 	snop  }
0x4: {  	_ = 	snop  }
0x5: {  	_ = 	snop  }
0x6: {  	_ = 	snop  }
0x7: {  	_ = 	snop  }
__scs_overlays_trampoline_lowered:
0x8: {  	[smem:$0x3FA3] =	sst s0  }
0x9: {  	[smem:$0x3FA4] =	sst s1  }
0xa: {  	[smem:$0x3FA5] =	sst s2  }
0xb: {  	[smem:$0x3FA6] =	sst s3  }
0xc: {  	[smem:$0x3FA7] =	sst s4  }
0xd: {  	[smem:$0x3FA8] =	sst s5  }
0xe: {  	[smem:$0x3FA9] =	sst s6  }
0xf: {  	[smem:$0x3FAA] =	sst s7  }
0x10: {  	[smem:$0x3FAB] =	sst s8  }
0x11: {  	[smem:$0x3FAC] =	sst s9;
	s0 =	simm.s32 @!p0 $0x0  }
0x12: {  	s1 =	sld [smem:$0x3F92];
	s0 =	simm.s32 @p0 $0x1  }
0x13: {  	[smem:$0x3FAD] =	sst s0;
	s0 =	simm.s32 @!p1 $0x0  }
0x14: {  	s2 =	sld [smem:$0x3F91];
	s0 =	simm.s32 @p1 $0x1  }
0x15: {  	[smem:$0x3FAE] =	sst s0;
	s0 =	simm.s32 @!p2 $0x0  }
0x16: {  	s3 =	sld [smem:$0x3FDB];
	s0 =	simm.s32 @p2 $0x1  }
0x17: {  	s4 =	simm.s32 $0x1BF5;
	[smem:$0x3FB0] =	sst s0  }
0x18: {  	s0 =	sld [smem:$0x3F93];
	_ =	swait.ge [sflag:s4], $0x0  }
0x19: {  	s7 =	sld [smem:$0x3F94]  }
0x1a: {  	s8 =	sadd.s32 $0xFFFFE003, lr  }
0x1b: {  	s9 =	sadd.s32 $0xFFFFFEF7, lr;
	s5 =	simm.s32 $0xFFFFFFFF;
	p2 =	slt.u32 s8, $0xFFFFF086  }
0x1c: {  	p1 =	slt.u32 s9, $0xF7A;
	s5 =	simm.s32 @!p2 $0x0  }
0x1d: {  	s5 =	simm.s32 @p1 $0x1;
	p0 =	seq.s32 s7, s2  }
0x1e: {  	s7 =	smul.u32 @!p0 $0xF7A, s2;
	p2 =	seq.s32 @!p0 s5, $0x0  }
0x1f: {  	s9 =	smul.u32 $0xF7A, s1;
	s8 =	simm.s32 @!p0 $0x1BF5;
	p2 =	por !p2, p0  }
0x20: {  	[sflag:s8] =	ssyncset.s32 @!p0 $0xFFFFF086;
	s6 =	sadd.s32 @!p0 s3, s7;
	s7 =	simm.s32 @!p0 $0x108  }
0x21: {  	s3 =	sadd.s32 s3, s9;
	s6 =	sadd.s32 @!p0 $0x88, s6;
	s7 =	simm.s32 @p2 $0x1082  }
0x22: {  	[simem:s7], [sflag:s8] =	dma.local @!p0 [hbm:s6], $0xF7A  }
0x23: {  	s9 =	sor.u32 $0xD0000000, s2;
	s6 =	simm.s32 $0x108;
	_ =	swait.ge @!p0 [sflag:s8], $0x0  }
0x24: {  	s3 =	sadd.s32 $0x88, s3;
	s6 =	simm.s32 @!p1 $0x1082;
	[sflag:s4] =	ssyncset.s32 $0xFFFFF086  }
0x25: {  	[simem:s6], [sflag:s4] =	dma.local [hbm:s3], $0xF7A  }
0x26: {  	[smem:$0x3F94] =	sst s1;
	(tag) =	ssettag s2;
	_ =	strace s9  }
0x27: {  	s1 =	sld [smem:$0x3FA4]  }
0x28: {  	s2 =	sld [smem:$0x3FA5]  }
0x29: {  	s4 =	sld [smem:$0x3FA7]  }
0x2a: {  	p0 =	seq.s32 s5, $0x0;
	s5 =	sld [smem:$0x3FA8]  }
0x2b: {  	s6 =	sld [smem:$0x3FA9]  }
0x2c: {  	s7 =	sld [smem:$0x3FAA]  }
0x2d: {  	s3 =	simm.s32 $0x108;
	s8 =	sld [smem:$0x3FAB]  }
0x2e: {  	s3 =	simm.s32 @!p0 $0x1082;
	s9 =	sld [smem:$0x3FAC]  }
0x2f: {  	lr =	sadd.s32 s0, s3;
	s0 =	sld [smem:$0x3FA3]  }
0x30: {  	s3 =	sld [smem:$0x3FA6]  }
0x31: {  	[smem:$0x3FAF] =	sst s10  }
0x32: {  	s10 =	sld [smem:$0x3FAD];
	_ =	sdelay $0x3  }
0x33: {  	p0 =	seq.s32 s10, $0x1;
	s10 =	sld [smem:$0x3FAF];
	_ =	sdelay $0x3  }
0x34: {  	[smem:$0x3FAF] =	sst s10  }
0x35: {  	s10 =	sld [smem:$0x3FAE];
	_ =	sdelay $0x3  }
0x36: {  	p1 =	seq.s32 s10, $0x1;
	s10 =	sld [smem:$0x3FAF];
	_ =	sdelay $0x3  }
0x37: {  	[smem:$0x3FAF] =	sst s10  }
0x38: {  	s10 =	sld [smem:$0x3FB0]  }
0x39: {  	_ = 	snop;
	(pc) =	sbr.ind lr, $3  }
0x3a: {  	_ = 	snop  }
0x3b: {  	_ = 	snop  }
0x3c: {  	p2 =	seq.s32 s10, $0x1;
	s10 =	sld [smem:$0x3FAF]  }
0x3d: {  	_ =	shalt  }
0x3e: {  	_ =	shalt  }
0x3f: {  	_ =	shalt  }
0x40: {  	_ =	shalt  }
0x41: {  	_ =	shalt  }
0x42: {  	_ =	shalt  }
0x43: {  	_ =	shalt  }
0x44: {  	_ =	shalt  }
0x45: {  	_ =	shalt  }
0x46: {  	_ =	shalt  }
0x47: {  	_ =	shalt  }
0x48: {  	_ =	shalt  }
0x49: {  	_ =	shalt  }
0x4a: {  	_ =	shalt  }
0x4b: {  	_ =	shalt  }
0x4c: {  	_ =	shalt  }
0x4d: {  	_ =	shalt  }
0x4e: {  	_ =	shalt  }
0x4f: {  	_ =	shalt  }
0x50: {  	_ =	shalt  }
0x51: {  	_ =	shalt  }
0x52: {  	_ =	shalt  }
0x53: {  	_ =	shalt  }
0x54: {  	_ =	shalt  }
0x55: {  	_ =	shalt  }
0x56: {  	_ =	shalt  }
0x57: {  	_ =	shalt  }
0x58: {  	_ =	shalt  }
0x59: {  	_ =	shalt  }
0x5a: {  	_ =	shalt  }
0x5b: {  	_ =	shalt  }
0x5c: {  	_ =	shalt  }
0x5d: {  	_ =	shalt  }
0x5e: {  	_ =	shalt  }
0x5f: {  	_ =	shalt  }
0x60: {  	_ =	shalt  }
0x61: {  	_ =	shalt  }
0x62: {  	_ =	shalt  }
0x63: {  	_ =	shalt  }
0x64: {  	_ =	shalt  }
0x65: {  	_ =	shalt  }
0x66: {  	_ =	shalt  }
0x67: {  	_ =	shalt  }
0x68: {  	_ =	shalt  }
0x69: {  	_ =	shalt  }
0x6a: {  	_ =	shalt  }
0x6b: {  	_ =	shalt  }
0x6c: {  	_ =	shalt  }
0x6d: {  	_ =	shalt  }
0x6e: {  	_ =	shalt  }
0x6f: {  	_ =	shalt  }
0x70: {  	_ =	shalt  }
0x71: {  	_ =	shalt  }
0x72: {  	_ =	shalt  }
0x73: {  	_ =	shalt  }
0x74: {  	_ =	shalt  }
0x75: {  	_ =	shalt  }
0x76: {  	_ =	shalt  }
0x77: {  	_ =	shalt  }
0x78: {  	_ =	shalt  }
0x79: {  	_ =	shalt  }
0x7a: {  	_ =	shalt  }
0x7b: {  	_ =	shalt  }
0x7c: {  	_ =	shalt  }
0x7d: {  	_ =	shalt  }
0x7e: {  	_ =	shalt  }
0x7f: {  	_ =	shalt  }
0x80: {  	_ =	shalt  }
0x81: {  	_ =	shalt  }
0x82: {  	_ =	shalt  }
0x83: {  	_ =	shalt  }
0x84: {  	_ =	shalt  }
0x85: {  	_ =	shalt  }
0x86: {  	_ =	shalt  }
0x87: {  	_ =	shalt  }
.Lfunc_end0:
.L_simem_size_0:
called_computation.1_lowered:
.L_overlay_start_0:
0x88: {  	s0 =	sld [smem:$0x3FD9]  }
0x89: {  	s1 =	sld [smem:$0x3FFE];
	_ =	sdelay $0x3  }
0x8a: {  	s0 =	sadd.s32 s1, s0  }
0x8b: {  	[smem:$0x3FBB] =	sst s0  }
0x8c: {  	_ = 	snop  }
0x8d: {  	(tm) =	ssettm $0x1  }
0x8e: {  	s15 =	sld [smem:$0x3FFB];
	_ =	sdelay $0x3  }
0x8f: {  	_ =	strace s15  }
0x90: {  	s0 =	sld [smem:$0x3FFC];
	_ =	sdelay $0x3  }
0x91: {  	_ =	strace s0  }
0x92: {  	s0 =	sld [smem:$0x3FFD];
	_ =	sdelay $0x3  }
0x93: {  	_ =	strace s0  }
0x94: {  	_ =	strace $0x8FFFFFFF  }
0x95: {  	s16 =	sld [smem:$0x3FDB];
	_ =	sdelay $0x1  }
0x96: {  	s17 =	simm.s32 $_scs_section_size  }
0x97: {  	s2 =	simm.s32 $_size__tile_overlayer_lowered;
	s3 =	simm.s32 $_tile_overlayer_lowered  }
0x98: {  	s20 =	simm.s32 $0x1BFF;
	s19 =	sshll.u32 s3, $0x1;
	s0 =	sadd.s32 s17, s16  }
0x99: {  	s4 =	simm.s32 $0x0;
	s18 =	sshll.u32 s2, $0x1;
	s2 =	sadd.s32 s19, s0  }
0x9a: {  	[timem:s4], [sflag:s20] =	dma.local [hbm:s2], s18  }
0x9b: {  	_ =	swait.ge [sflag:s20], s18  }
0x9c: {  	s1 =	ssub.s32 $0x0, s18;
	[sflag:s20] =	ssyncset.done $0x0  }
0x9d: {  	[sflag:s20] =	ssyncadd.s32 s1;
	_ =	sdelay $0x1  }
0x9e: {  	s21 =	simm.s32 $0x1B8B  }
0x9f: {  	_ =	swait.ge [sflag:s21], $0x1  }
0xa0: {  	[sflag:s21] =	ssyncset.done $0x0  }
0xa1: {  	s23 =	simm.s32 $0x1B8E;
	s22 =	sld [smem:$0x3FFE];
	[sflag:s21] =	ssyncadd.s32 $0xFFFFFFFF  }
0xa2: {  	s24 =	simm.s32 $execute0_lowered;
	[smem:$0x3FD2] =	sst s23  }
0xa3: {  	s2 =	sshll.u32 s24, $0x1;
	_ =	strace $0x8000004C;
	[dreg:$0x1] =	wrdreg $0xFFFFFFFF  }
0xa4: {  	s25 =	simm.s32 $_size_execute0_lowered;
	s0 =	sadd.s32 s0, s2;
	[dreg:$0x0] =	wrdreg $0x0  }
0xa5: {  	s2 =	sshll.u32 s25, $0x1;
	[dreg:$0x2] =	wrdreg s0  }
0xa6: {  	[dreg:$0x3] =	wrdreg s2  }
0xa7: {  	[dreg:$0x4] =	wrdreg $0xC0  }
0xa8: {  	_ =	task [dreg:s4], $0x5FFFF  }
0xa9: {  	[dreg:$0x1] =	wrdreg $0xFFFFFFFF  }
0xaa: {  	[dreg:$0x0] =	wrdreg $0x60  }
0xab: {  	[dreg:$0x2] =	wrdreg s22  }
0xac: {  	[dreg:$0x3] =	wrdreg $0x9  }
0xad: {  	_ =	task.clear_ibuf [dreg:s4], $0x4FFFF;
	_ =	strace $0x9000004C  }
0xae: {  	s26 =	simm.s32 $0x9;
	_ =	strace $0x8000004E  }
0xaf: {  	_ =	swait.ge [sflag:s26], $0x1  }
0xb0: {  	[sflag:s26] =	ssyncadd.s32 $0xFFFFFFFF  }
0xb1: {  	_ =	strace $0x9000004E  }
0xb2: {  	_ =	sfence  }
0xb3: {  	s28 =	sld [smem:$0x0];
	_ =	sdelay $0x1  }
0xb4: {  	s29 =	srdreg.scid  }
0xb5: {  	s30 =	sshll.u32 s29, $0xD;
	s31 =	sshrl.u32 s29, $0x2  }
0xb6: {  	s1 =	sand.u32 $0x1, s29;
	s2 =	sand.u32 $0x4000, s30;
	s0 =	sadd.s32 s31, s28  }
0xb7: {  	s1 =	sor.u32 s2, s1;
	s0 =	sshll.u32 s0, $0x11  }
0xb8: {  	s0 =	sor.u32 s0, s1  }
0xb9: {  	s0 =	sadd.s32 $0x8F2B, s0  }
0xba: {  	[sflag:s0] =	ssyncadd.remote.s32 $0x1  }
0xbb: {  	_ =	sfence.sel $0xFFFF  }
0xbc: {  	[dreg:$0x0] =	wrdreg $0xFFFFFFFF;
	(pc) =	sbr.abs _section_cstart, $3  }
0xbd: {  	[dreg:$0x1] =	wrdreg $0xFFFFFFFF  }
0xbe: {  	_ =	task.clear_ibuf [dreg:s4], $0x2FFFF;
	_ =	strace $0x9FFFFFFF  }
0xbf: {  	(tm) =	ssettm $0x7FFFFFFF  }
tec
execute0_lowered:
.L_overlay_start_1:
0x0: {  	(tag) =	ssettag $0x1  }
0x1: {  	s2 =	rddreg [dreg:$0x0]  }
0x2: {  	s0 =	rddreg [dreg:$0x1]  }
0x3: {  	_ =	strace $0x8000004D;
	s4 =	simm.s32 $0x1;
	s1 =	stileid.u32  }
0x4: {  	s7 =	simm.s32 $0x1;
	s8 =	simm.s32 $0x1;
	s6 =	simm.s32 $0x2  }
0x5: {  	s9 =	simm.s32 $0x3;
	s10 =	simm.s32 $0x0;
	s13 =	simm.s32 $0x0  }
.Ltmp0:
0x6: {  	s12 =	simm.s32 $0x0;
	p0 =	slt.u32 s1, $0xA;
	(pc) =	sbr.rel .LBB2_1-.Ltmp0, $4  }
0x7: {  	[sflag:s4] =	ssyncpa.u1 $0x0;
	s7 =	simm.s32 @!p0 $0x0;
	p0 =	sne.s32 s1, $0x9  }
0x8: {  	s5 =	smul.u32 $0x3390, s1;
	[sflag:s6] =	ssyncpa.u1 $0x0;
	s8 =	simm.s32 @!p0 $0x0  }
0x9: {  	s3 =	sadd.s32 $0xA600, s2;
	[sflag:s9] =	ssyncpa.u1 $0x0;
	s7 =	sadd.s32 s8, s7  }
0xa: {  	vm0 =	vmmov $0xffff;
	s11 =	smov.u32 s5;
	s8 =	sadd.s32 $0x1EA00, s2;
	s9 =	sadd.s32 $0x1, s7  }
.LBB2_4:
0xb: {  	v2 =	vnsel vm1, $0x0, v2  }
0xc: {  	vm1 =	vgt.s32 v0, $0x0;
	v2 =	vmin.u32 v2, $0x5090F  }
0xd: {  	v0 =	vnsel vm1, $0x0, v0  }
0xe: {  	v0 =	vmin.u32 v0, $0x5090F  }
0xf: {  	[tilespmem:s18], [sflag:$0x1] =	stream.indirect_vreg.gather [hbm4b:s3+s10], $0x1, v1, vm0, $0x4038;
	[tilespmem:$0xCE40] =	vst v63  }
0x10: {  	(ifvalue) =	ssetifvalue $0x7FFFFFFF  }
0x11: {  	[tilespmem:s15], [sflag:$0x1] =	stream.indirect_vreg.gather [hbm4b:s3+s10], $0x1, v2, vm0, $0x4038;
	[tilespmem:$0xCE40] =	vst v63  }
0x12: {  	s29 =	sadd.s32 $0x10, s15;
	(ifvalue) =	ssetifvalue $0x7FFFFFFF  }
0x13: {  	[tilespmem:s29], [sflag:$0x1] =	stream.indirect_vreg.gather [hbm4b:s3+s10], $0x1, v0, vm0, $0x4038;
	[tilespmem:$0xCE40] =	vst v63  }
0x14: {  	_ =	swait.ge [sflag:s4], $0x3390  }
0x15: {  	s30 =	sshrl.u32 s13, $0x3;
	[sflag:s4] =	ssyncset.done $0x0  }
0x16: {  	s31 =	sand.u32 $0x7, s13;
	s15 =	sadd.s32 s2, s30;
	[sflag:s4] =	ssyncadd.s32 $0xFFFFCC70  }
0x17: {  	[hbm4b:s15+s31] =	stream.linear.scatter [tilespmem:s14], [sflag:$0x3], $0x3390, $0x38;
	[tilespmem:$0xCE40] =	vst v63  }
.LBB2_5:
0x18: {  	s15 =	sadd.s32 $0x33900, s11  }
0x19: {  	p1 =	sgt.s32 s15, $0x5090F  }
0x1a: {  	s15 =	smov.u32 @p1 s5;
	p1 =	sne.s32 s12, s9  }
.Ltmp1:
0x1b: {  	p0 =	slt.u32 s12, $0x2;
	(pc) =	sbr.rel @!p1 .LBB2_6-.Ltmp1, $4  }
0x1c: {  	s14 =	simm.s32 @!p0 $0x3  }
0x1d: {  	_ =	swait.ge @!p0 [sflag:s14], $0x3390  }
0x1e: {  	s16 =	sadd.s32 $0x1, s12;
	s13 =	smov.u32 s11;
	[sflag:s14] =	ssyncset.done @!p0 $0x0  }
0x1f: {  	s12 =	smov.u32 s16;
	s11 =	smov.u32 s15;
	[sflag:s14] =	ssyncadd.s32 @!p0 $0xFFFFCC70  }
.LBB2_1:
0x20: {  	p0 =	sge.u32 s12, s7  }
0x21: {  	s14 =	sxor.u32 @!p0 $0x1, s12  }
0x22: {  	s14 =	smul.u32 @!p0 $0xCE40, s14  }
0x23: {  	s31 =	sadd.s32 $0xFFFFFFFF, s12;
	s15 =	sshrl.u32 @!p0 s11, $0x3  }
0x24: {  	s16 =	sand.u32 @!p0 $0x7, s11;
	s15 =	sadd.s32 @!p0 s8, s15;
	s14 =	sshra.s32 @!p0 s14, $0x2  }
0x25: {  	[tilespmem:s14], [sflag:$0x2] =	stream.linear.gather @!p0 [hbm4b:s15+s16], $0x3390, $0x38;
	[tilespmem:$0xCE40] =	vst v63  }
0x26: {  	p0 =	sge.u32 s31, s7  }
.Ltmp2:
0x27: {  	_ = 	snop;
	(pc) =	sbr.rel @p0 .LBB2_5-.Ltmp2, $1  }
0x28: {  	_ =	sdelay $0x3  }
0x29: {  	s14 =	sand.u32 $0x1, s12  }
0x2a: {  	_ =	swait.ge [sflag:s6], $0x3390;
	p0 =	seq.s32 s14, $0x1;
	s14 =	simm.s32 $0x3390  }
0x2b: {  	[sflag:s6] =	ssyncset.done $0x0;
	s14 =	simm.s32 @!p0 $0x0  }
0x2c: {  	[sflag:s6] =	ssyncadd.s32 $0xFFFFCC70;
	(ifvalue) =	ssetifvalue $0x7FFFFFFF;
	v0 =	vld.msk [tilespmem:s14+$0x0 ss:$0x1], $0xffff;
	_ =	sdelay $0x4  }
0x2d: {  	s15 =	sadd.s32 $0x10, s14;
	vm1 =	vgt.s32 v0, $0x0  }
0x2e: {  	v2 =	vld.msk [tilespmem:s15+$0x0 ss:$0x1], $0xffff;
	v1 =	vnsel vm1, $0x0, v0  }
0x2f: {  	v1 =	vmin.u32 v1, $0x5090F;
	_ =	sdelay $0x2  }
0x30: {  	s17 =	simm.s32 $0x20;
	s14 =	sadd.s32 $0x6720, s14;
	s16 =	sadd.s32 $0x10, s15  }
0x31: {  	s15 =	sadd.s32 $0x10, s14;
	s18 =	smov.u32 s14;
	v0 =	vld.msk [tilespmem:s16+$0x0 ss:$0x1], $0xffff;
	vm1 =	vgt.s32 v2, $0x0;
	(ifvalue) =	ssetifvalue $0x7FFFFFFF  }
.LBB2_3:
0x32: {  	[tilespmem:s18], [sflag:$0x1] =	stream.indirect_vreg.gather [hbm4b:s3+s10], $0x1, v1, vm0, $0x4038;
	[tilespmem:$0xCE40] =	vst v63  }
0x33: {  	s17 =	sadd.s32 $0x10, s17  }
0x34: {  	v2 =	vnsel vm1, $0x0, v2;
	p0 =	slt.u32 s17, $0x3380  }
.Ltmp3:
0x35: {  	s18 =	smov.u32 s15;
	v1 =	vmin.u32 v2, $0x5090F;
	(pc) =	sbr.rel @p0 .LBB2_3-.Ltmp3, $3  }
0x36: {  	_ =	sdelay $0x1  }
0x37: {  	s16 =	sadd.s32 $0x10, s16  }
0x38: {  	vm1 =	vgt.s32 v0, $0x0;
	s15 =	sadd.s32 $0x10, s15;
	v2 =	vmov v0;
	(ifvalue) =	ssetifvalue $0x7FFFFFFF;
	v0 =	vld.msk [tilespmem:s16+$0x0 ss:$0x1], $0xffff  }
.Ltmp4:
0x39: {  	_ = 	snop;
	(pc) =	sbr.rel .LBB2_4-.Ltmp4, $1  }
0x3a: {  	_ =	sdelay $0x3  }
.LBB2_6:
0x3b: {  	_ =	sfence.sel $0x180000  }
0x3c: {  	s2 =	simm.s32 $0x2;
	[bflag:$0x0] =	sbarrier.arrive $0xFFFF  }
0x3d: {  	s30 =	simm.s32 $0x3;
	[sflag:s2] =	ssyncpa.u1 $0x1  }
0x3e: {  	s31 =	simm.s32 $0x1;
	[sflag:s30] =	ssyncpa.u1 $0x1  }
0x3f: {  	[sflag:s31] =	ssyncpa.u1 $0x1  }
0x40: {  	p0 =	sne.s32 s1, $0x0;
	_ =	strace $0x9000004D  }
0x41: {  	s0 =	sadd.s32 @!p0 $0x100000, s0;
	[bflag:$0x2] =	sbarrier.arrive $0xFFFF  }
0x42: {  	[sflag:s0] =	ssyncadd.tile.s32 @!p0 $0x1;
	_ =	shalt  }
.Lfunc_end2:
_tile_overlayer_lowered:
.L_overlay_start_2:
0x43: {  	(tag) =	ssettag $0x2  }
0x44: {  	s0 =	rddreg [dreg:$0x0];
	s2 =	stileid.u32  }
0x45: {  	s1 =	rddreg [dreg:$0x1];
	p0 =	sne.s32 s2, $0x0  }
0x46: {  	s3 =	rddreg [dreg:$0x2];
	[bflag:$0x3] =	sbarrier.arrive $0xFFFF;
	s2 =	simm.s32 @!p0 $0x1C01  }
0x47: {  	[timem:s3], [sflag:s2] =	dma.local @!p0 [hbm:s0], s1  }
0x48: {  	s0 =	simm.s32 @!p0 $0x1  }
0x49: {  	_ =	swait.ge @!p0 [sflag:s0], s1  }
0x4a: {  	s1 =	ssub.s32 @!p0 $0x0, s1;
	[sflag:s0] =	ssyncset.done @!p0 $0x0  }
0x4b: {  	[sflag:s0] =	ssyncadd.s32 @!p0 s1  }
0x4c: {  	[bflag:$0x3] =	sbarrier.arrive $0xFFFF  }
0x4d: {  	_ =	shalt  }

// kernel: gather_offload_async_start.2
scs
__scs_entry_jumppad:
0x0: {  	(pc) =	sbr.rel $0x88, $3  }
0x1: {  	(tag) =	ssettag $0x0;
	lr =	simm.s32 $0x1  }
0x2: {  	[smem:$0x3F94] =	sst lr;
	_ =	strace $0xD0000000  }
0x3: {  	_ = 	snop  }
0x4: {  	_ = 	snop  }
0x5: {  	_ = 	snop  }
0x6: {  	_ = 	snop  }
0x7: {  	_ = 	snop  }
__scs_overlays_trampoline_lowered:
0x8: {  	[smem:$0x3FA3] =	sst s0  }
0x9: {  	[smem:$0x3FA4] =	sst s1  }
0xa: {  	[smem:$0x3FA5] =	sst s2  }
0xb: {  	[smem:$0x3FA6] =	sst s3  }
0xc: {  	[smem:$0x3FA7] =	sst s4  }
0xd: {  	[smem:$0x3FA8] =	sst s5  }
0xe: {  	[smem:$0x3FA9] =	sst s6  }
0xf: {  	[smem:$0x3FAA] =	sst s7  }
0x10: {  	[smem:$0x3FAB] =	sst s8  }
0x11: {  	[smem:$0x3FAC] =	sst s9;
	s0 =	simm.s32 @!p0 $0x0  }
0x12: {  	s1 =	sld [smem:$0x3F92];
	s0 =	simm.s32 @p0 $0x1  }
0x13: {  	[smem:$0x3FAD] =	sst s0;
	s0 =	simm.s32 @!p1 $0x0  }
0x14: {  	s2 =	sld [smem:$0x3F91];
	s0 =	simm.s32 @p1 $0x1  }
0x15: {  	[smem:$0x3FAE] =	sst s0;
	s0 =	simm.s32 @!p2 $0x0  }
0x16: {  	s3 =	sld [smem:$0x3FDB];
	s0 =	simm.s32 @p2 $0x1  }
0x17: {  	s4 =	simm.s32 $0x1BF5;
	[smem:$0x3FB0] =	sst s0  }
0x18: {  	s0 =	sld [smem:$0x3F93];
	_ =	swait.ge [sflag:s4], $0x0  }
0x19: {  	s7 =	sld [smem:$0x3F94]  }
0x1a: {  	s8 =	sadd.s32 $0xFFFFE003, lr  }
0x1b: {  	s9 =	sadd.s32 $0xFFFFFEF7, lr;
	s5 =	simm.s32 $0xFFFFFFFF;
	p2 =	slt.u32 s8, $0xFFFFF086  }
0x1c: {  	p1 =	slt.u32 s9, $0xF7A;
	s5 =	simm.s32 @!p2 $0x0  }
0x1d: {  	s5 =	simm.s32 @p1 $0x1;
	p0 =	seq.s32 s7, s2  }
0x1e: {  	s7 =	smul.u32 @!p0 $0xF7A, s2;
	p2 =	seq.s32 @!p0 s5, $0x0  }
0x1f: {  	s9 =	smul.u32 $0xF7A, s1;
	s8 =	simm.s32 @!p0 $0x1BF5;
	p2 =	por !p2, p0  }
0x20: {  	[sflag:s8] =	ssyncset.s32 @!p0 $0xFFFFF086;
	s6 =	sadd.s32 @!p0 s3, s7;
	s7 =	simm.s32 @!p0 $0x108  }
0x21: {  	s3 =	sadd.s32 s3, s9;
	s6 =	sadd.s32 @!p0 $0x88, s6;
	s7 =	simm.s32 @p2 $0x1082  }
0x22: {  	[simem:s7], [sflag:s8] =	dma.local @!p0 [hbm:s6], $0xF7A  }
0x23: {  	s9 =	sor.u32 $0xD0000000, s2;
	s6 =	simm.s32 $0x108;
	_ =	swait.ge @!p0 [sflag:s8], $0x0  }
0x24: {  	s3 =	sadd.s32 $0x88, s3;
	s6 =	simm.s32 @!p1 $0x1082;
	[sflag:s4] =	ssyncset.s32 $0xFFFFF086  }
0x25: {  	[simem:s6], [sflag:s4] =	dma.local [hbm:s3], $0xF7A  }
0x26: {  	[smem:$0x3F94] =	sst s1;
	(tag) =	ssettag s2;
	_ =	strace s9  }
0x27: {  	s1 =	sld [smem:$0x3FA4]  }
0x28: {  	s2 =	sld [smem:$0x3FA5]  }
0x29: {  	s4 =	sld [smem:$0x3FA7]  }
0x2a: {  	p0 =	seq.s32 s5, $0x0;
	s5 =	sld [smem:$0x3FA8]  }
0x2b: {  	s6 =	sld [smem:$0x3FA9]  }
0x2c: {  	s7 =	sld [smem:$0x3FAA]  }
0x2d: {  	s3 =	simm.s32 $0x108;
	s8 =	sld [smem:$0x3FAB]  }
0x2e: {  	s3 =	simm.s32 @!p0 $0x1082;
	s9 =	sld [smem:$0x3FAC]  }
0x2f: {  	lr =	sadd.s32 s0, s3;
	s0 =	sld [smem:$0x3FA3]  }
0x30: {  	s3 =	sld [smem:$0x3FA6]  }
0x31: {  	[smem:$0x3FAF] =	sst s10  }
0x32: {  	s10 =	sld [smem:$0x3FAD];
	_ =	sdelay $0x3  }
0x33: {  	p0 =	seq.s32 s10, $0x1;
	s10 =	sld [smem:$0x3FAF];
	_ =	sdelay $0x3  }
0x34: {  	[smem:$0x3FAF] =	sst s10  }
0x35: {  	s10 =	sld [smem:$0x3FAE];
	_ =	sdelay $0x3  }
0x36: {  	p1 =	seq.s32 s10, $0x1;
	s10 =	sld [smem:$0x3FAF];
	_ =	sdelay $0x3  }
0x37: {  	[smem:$0x3FAF] =	sst s10  }
0x38: {  	s10 =	sld [smem:$0x3FB0]  }
0x39: {  	_ = 	snop;
	(pc) =	sbr.ind lr, $3  }
0x3a: {  	_ = 	snop  }
0x3b: {  	_ = 	snop  }
0x3c: {  	p2 =	seq.s32 s10, $0x1;
	s10 =	sld [smem:$0x3FAF]  }
0x3d: {  	_ =	shalt  }
0x3e: {  	_ =	shalt  }
0x3f: {  	_ =	shalt  }
0x40: {  	_ =	shalt  }
0x41: {  	_ =	shalt  }
0x42: {  	_ =	shalt  }
0x43: {  	_ =	shalt  }
0x44: {  	_ =	shalt  }
0x45: {  	_ =	shalt  }
0x46: {  	_ =	shalt  }
0x47: {  	_ =	shalt  }
0x48: {  	_ =	shalt  }
0x49: {  	_ =	shalt  }
0x4a: {  	_ =	shalt  }
0x4b: {  	_ =	shalt  }
0x4c: {  	_ =	shalt  }
0x4d: {  	_ =	shalt  }
0x4e: {  	_ =	shalt  }
0x4f: {  	_ =	shalt  }
0x50: {  	_ =	shalt  }
0x51: {  	_ =	shalt  }
0x52: {  	_ =	shalt  }
0x53: {  	_ =	shalt  }
0x54: {  	_ =	shalt  }
0x55: {  	_ =	shalt  }
0x56: {  	_ =	shalt  }
0x57: {  	_ =	shalt  }
0x58: {  	_ =	shalt  }
0x59: {  	_ =	shalt  }
0x5a: {  	_ =	shalt  }
0x5b: {  	_ =	shalt  }
0x5c: {  	_ =	shalt  }
0x5d: {  	_ =	shalt  }
0x5e: {  	_ =	shalt  }
0x5f: {  	_ =	shalt  }
0x60: {  	_ =	shalt  }
0x61: {  	_ =	shalt  }
0x62: {  	_ =	shalt  }
0x63: {  	_ =	shalt  }
0x64: {  	_ =	shalt  }
0x65: {  	_ =	shalt  }
0x66: {  	_ =	shalt  }
0x67: {  	_ =	shalt  }
0x68: {  	_ =	shalt  }
0x69: {  	_ =	shalt  }
0x6a: {  	_ =	shalt  }
0x6b: {  	_ =	shalt  }
0x6c: {  	_ =	shalt  }
0x6d: {  	_ =	shalt  }
0x6e: {  	_ =	shalt  }
0x6f: {  	_ =	shalt  }
0x70: {  	_ =	shalt  }
0x71: {  	_ =	shalt  }
0x72: {  	_ =	shalt  }
0x73: {  	_ =	shalt  }
0x74: {  	_ =	shalt  }
0x75: {  	_ =	shalt  }
0x76: {  	_ =	shalt  }
0x77: {  	_ =	shalt  }
0x78: {  	_ =	shalt  }
0x79: {  	_ =	shalt  }
0x7a: {  	_ =	shalt  }
0x7b: {  	_ =	shalt  }
0x7c: {  	_ =	shalt  }
0x7d: {  	_ =	shalt  }
0x7e: {  	_ =	shalt  }
0x7f: {  	_ =	shalt  }
0x80: {  	_ =	shalt  }
0x81: {  	_ =	shalt  }
0x82: {  	_ =	shalt  }
0x83: {  	_ =	shalt  }
0x84: {  	_ =	shalt  }
0x85: {  	_ =	shalt  }
0x86: {  	_ =	shalt  }
0x87: {  	_ =	shalt  }
.Lfunc_end0:
.L_simem_size_0:
called_computation.2_lowered:
.L_overlay_start_0:
0x88: {  	s0 =	sld [smem:$0x3FD9]  }
0x89: {  	s1 =	sld [smem:$0x3FFE];
	_ =	sdelay $0x3  }
0x8a: {  	s0 =	sadd.s32 s1, s0  }
0x8b: {  	[smem:$0x3FBB] =	sst s0  }
0x8c: {  	_ = 	snop  }
0x8d: {  	(tm) =	ssettm $0x1  }
0x8e: {  	s15 =	sld [smem:$0x3FFB];
	_ =	sdelay $0x3  }
0x8f: {  	_ =	strace s15  }
0x90: {  	s0 =	sld [smem:$0x3FFC];
	_ =	sdelay $0x3  }
0x91: {  	_ =	strace s0  }
0x92: {  	s0 =	sld [smem:$0x3FFD];
	_ =	sdelay $0x3  }
0x93: {  	_ =	strace s0  }
0x94: {  	_ =	strace $0x8FFFFFFF  }
0x95: {  	s16 =	sld [smem:$0x3FDB];
	_ =	sdelay $0x1  }
0x96: {  	s17 =	simm.s32 $_scs_section_size  }
0x97: {  	s2 =	simm.s32 $_size__tile_overlayer_lowered;
	s3 =	simm.s32 $_tile_overlayer_lowered  }
0x98: {  	s20 =	simm.s32 $0x1BFF;
	s19 =	sshll.u32 s3, $0x1;
	s0 =	sadd.s32 s17, s16  }
0x99: {  	s4 =	simm.s32 $0x0;
	s18 =	sshll.u32 s2, $0x1;
	s2 =	sadd.s32 s19, s0  }
0x9a: {  	[timem:s4], [sflag:s20] =	dma.local [hbm:s2], s18  }
0x9b: {  	_ =	swait.ge [sflag:s20], s18  }
0x9c: {  	s1 =	ssub.s32 $0x0, s18;
	[sflag:s20] =	ssyncset.done $0x0  }
0x9d: {  	[sflag:s20] =	ssyncadd.s32 s1;
	_ =	sdelay $0x1  }
0x9e: {  	s21 =	simm.s32 $0x1B8B  }
0x9f: {  	_ =	swait.ge [sflag:s21], $0x1  }
0xa0: {  	[sflag:s21] =	ssyncset.done $0x0  }
0xa1: {  	s23 =	simm.s32 $0x1B8E;
	s22 =	sld [smem:$0x3FFE];
	[sflag:s21] =	ssyncadd.s32 $0xFFFFFFFF  }
0xa2: {  	s24 =	simm.s32 $execute0_lowered;
	[smem:$0x3FD2] =	sst s23  }
0xa3: {  	s2 =	sshll.u32 s24, $0x1;
	_ =	strace $0x80000049;
	[dreg:$0x1] =	wrdreg $0xFFFFFFFF  }
0xa4: {  	s25 =	simm.s32 $_size_execute0_lowered;
	s0 =	sadd.s32 s0, s2;
	[dreg:$0x0] =	wrdreg $0x0  }
0xa5: {  	s2 =	sshll.u32 s25, $0x1;
	[dreg:$0x2] =	wrdreg s0  }
0xa6: {  	[dreg:$0x3] =	wrdreg s2  }
0xa7: {  	[dreg:$0x4] =	wrdreg $0xC0  }
0xa8: {  	_ =	task [dreg:s4], $0x5FFFF  }
0xa9: {  	[dreg:$0x1] =	wrdreg $0xFFFFFFFF  }
0xaa: {  	[dreg:$0x0] =	wrdreg $0x60  }
0xab: {  	[dreg:$0x2] =	wrdreg s22  }
0xac: {  	[dreg:$0x3] =	wrdreg $0x9  }
0xad: {  	_ =	task.clear_ibuf [dreg:s4], $0x4FFFF;
	_ =	strace $0x90000049  }
0xae: {  	s26 =	simm.s32 $0x9;
	_ =	strace $0x8000004B  }
0xaf: {  	_ =	swait.ge [sflag:s26], $0x1  }
0xb0: {  	[sflag:s26] =	ssyncadd.s32 $0xFFFFFFFF  }
0xb1: {  	_ =	strace $0x9000004B  }
0xb2: {  	_ =	sfence  }
0xb3: {  	s28 =	sld [smem:$0x0];
	_ =	sdelay $0x1  }
0xb4: {  	s29 =	srdreg.scid  }
0xb5: {  	s30 =	sshll.u32 s29, $0xD;
	s31 =	sshrl.u32 s29, $0x2  }
0xb6: {  	s1 =	sand.u32 $0x1, s29;
	s2 =	sand.u32 $0x4000, s30;
	s0 =	sadd.s32 s31, s28  }
0xb7: {  	s1 =	sor.u32 s2, s1;
	s0 =	sshll.u32 s0, $0x11  }
0xb8: {  	s0 =	sor.u32 s0, s1  }
0xb9: {  	s0 =	sadd.s32 $0x8F2B, s0  }
0xba: {  	[sflag:s0] =	ssyncadd.remote.s32 $0x1  }
0xbb: {  	_ =	sfence.sel $0xFFFF  }
0xbc: {  	[dreg:$0x0] =	wrdreg $0xFFFFFFFF;
	(pc) =	sbr.abs _section_cstart, $3  }
0xbd: {  	[dreg:$0x1] =	wrdreg $0xFFFFFFFF  }
0xbe: {  	_ =	task.clear_ibuf [dreg:s4], $0x2FFFF;
	_ =	strace $0x9FFFFFFF  }
0xbf: {  	(tm) =	ssettm $0x7FFFFFFF  }
tec
execute0_lowered:
.L_overlay_start_1:
0x0: {  	(tag) =	ssettag $0x1  }
0x1: {  	s8 =	rddreg [dreg:$0x0]  }
0x2: {  	s0 =	rddreg [dreg:$0x1];
	_ =	strace $0x8000004A  }
0x3: {  	s4 =	simm.s32 $0x1;
	s1 =	stileid.u32;
	s7 =	simm.s32 $0x1  }
0x4: {  	s9 =	simm.s32 $0x1;
	s6 =	simm.s32 $0x2;
	s10 =	simm.s32 $0x3  }
0x5: {  	s13 =	simm.s32 $0x0;
	s12 =	simm.s32 $0x0;
	s2 =	sadd.s32 $0x400, s8  }
.Ltmp0:
0x6: {  	s3 =	sadd.s32 $0x1EA00, s8;
	p0 =	slt.u32 s1, $0xA;
	(pc) =	sbr.rel .LBB2_1-.Ltmp0, $4  }
0x7: {  	[sflag:s4] =	ssyncpa.u1 $0x0;
	s7 =	simm.s32 @!p0 $0x0;
	p0 =	sne.s32 s1, $0x9  }
0x8: {  	s5 =	smul.u32 $0x3390, s1;
	[sflag:s6] =	ssyncpa.u1 $0x0;
	s9 =	simm.s32 @!p0 $0x0  }
0x9: {  	s8 =	sadd.s32 $0x52000, s8;
	[sflag:s10] =	ssyncpa.u1 $0x0;
	s7 =	sadd.s32 s9, s7  }
0xa: {  	vm0 =	vmmov $0xffff;
	s10 =	simm.s32 $0x0;
	s11 =	smov.u32 s5;
	s9 =	sadd.s32 $0x1, s7  }
.LBB2_4:
0xb: {  	v2 =	vnsel vm1, $0x0, v2  }
0xc: {  	vm1 =	vgt.s32 v0, $0x0;
	v2 =	vmin.u32 v2, $0x5090F  }
0xd: {  	v0 =	vnsel vm1, $0x0, v0  }
0xe: {  	v0 =	vmin.u32 v0, $0x5090F  }
0xf: {  	[tilespmem:s18], [sflag:$0x1] =	stream.indirect_vreg.gather [hbm4b:s2+s10], $0x1, v1, vm0, $0x4038;
	[tilespmem:$0xCE40] =	vst v63  }
0x10: {  	(ifvalue) =	ssetifvalue $0x7FFFFFFF  }
0x11: {  	[tilespmem:s15], [sflag:$0x1] =	stream.indirect_vreg.gather [hbm4b:s2+s10], $0x1, v2, vm0, $0x4038;
	[tilespmem:$0xCE40] =	vst v63  }
0x12: {  	s29 =	sadd.s32 $0x10, s15;
	(ifvalue) =	ssetifvalue $0x7FFFFFFF  }
0x13: {  	[tilespmem:s29], [sflag:$0x1] =	stream.indirect_vreg.gather [hbm4b:s2+s10], $0x1, v0, vm0, $0x4038;
	[tilespmem:$0xCE40] =	vst v63  }
0x14: {  	_ =	swait.ge [sflag:s4], $0x3390  }
0x15: {  	s30 =	sshrl.u32 s13, $0x3;
	[sflag:s4] =	ssyncset.done $0x0  }
0x16: {  	s31 =	sand.u32 $0x7, s13;
	s15 =	sadd.s32 s8, s30;
	[sflag:s4] =	ssyncadd.s32 $0xFFFFCC70  }
0x17: {  	[hbm4b:s15+s31] =	stream.linear.scatter [tilespmem:s14], [sflag:$0x3], $0x3390, $0x38;
	[tilespmem:$0xCE40] =	vst v63  }
.LBB2_5:
0x18: {  	s15 =	sadd.s32 $0x33900, s11  }
0x19: {  	p1 =	sgt.s32 s15, $0x5090F  }
0x1a: {  	s15 =	smov.u32 @p1 s5;
	p1 =	sne.s32 s12, s9  }
.Ltmp1:
0x1b: {  	p0 =	slt.u32 s12, $0x2;
	(pc) =	sbr.rel @!p1 .LBB2_6-.Ltmp1, $4  }
0x1c: {  	s14 =	simm.s32 @!p0 $0x3  }
0x1d: {  	_ =	swait.ge @!p0 [sflag:s14], $0x3390  }
0x1e: {  	s16 =	sadd.s32 $0x1, s12;
	s13 =	smov.u32 s11;
	[sflag:s14] =	ssyncset.done @!p0 $0x0  }
0x1f: {  	s12 =	smov.u32 s16;
	s11 =	smov.u32 s15;
	[sflag:s14] =	ssyncadd.s32 @!p0 $0xFFFFCC70  }
.LBB2_1:
0x20: {  	p0 =	sge.u32 s12, s7  }
0x21: {  	s14 =	sxor.u32 @!p0 $0x1, s12  }
0x22: {  	s14 =	smul.u32 @!p0 $0xCE40, s14  }
0x23: {  	s31 =	sadd.s32 $0xFFFFFFFF, s12;
	s15 =	sshrl.u32 @!p0 s11, $0x3  }
0x24: {  	s16 =	sand.u32 @!p0 $0x7, s11;
	s15 =	sadd.s32 @!p0 s3, s15;
	s14 =	sshra.s32 @!p0 s14, $0x2  }
0x25: {  	[tilespmem:s14], [sflag:$0x2] =	stream.linear.gather @!p0 [hbm4b:s15+s16], $0x3390, $0x38;
	[tilespmem:$0xCE40] =	vst v63  }
0x26: {  	p0 =	sge.u32 s31, s7  }
.Ltmp2:
0x27: {  	_ = 	snop;
	(pc) =	sbr.rel @p0 .LBB2_5-.Ltmp2, $1  }
0x28: {  	_ =	sdelay $0x3  }
0x29: {  	s14 =	sand.u32 $0x1, s12  }
0x2a: {  	_ =	swait.ge [sflag:s6], $0x3390;
	p0 =	seq.s32 s14, $0x1;
	s14 =	simm.s32 $0x3390  }
0x2b: {  	[sflag:s6] =	ssyncset.done $0x0;
	s14 =	simm.s32 @!p0 $0x0  }
0x2c: {  	[sflag:s6] =	ssyncadd.s32 $0xFFFFCC70;
	(ifvalue) =	ssetifvalue $0x7FFFFFFF;
	v0 =	vld.msk [tilespmem:s14+$0x0 ss:$0x1], $0xffff;
	_ =	sdelay $0x4  }
0x2d: {  	s15 =	sadd.s32 $0x10, s14;
	vm1 =	vgt.s32 v0, $0x0  }
0x2e: {  	v2 =	vld.msk [tilespmem:s15+$0x0 ss:$0x1], $0xffff;
	v1 =	vnsel vm1, $0x0, v0  }
0x2f: {  	v1 =	vmin.u32 v1, $0x5090F;
	_ =	sdelay $0x2  }
0x30: {  	s17 =	simm.s32 $0x20;
	s14 =	sadd.s32 $0x6720, s14;
	s16 =	sadd.s32 $0x10, s15  }
0x31: {  	s15 =	sadd.s32 $0x10, s14;
	s18 =	smov.u32 s14;
	v0 =	vld.msk [tilespmem:s16+$0x0 ss:$0x1], $0xffff;
	vm1 =	vgt.s32 v2, $0x0;
	(ifvalue) =	ssetifvalue $0x7FFFFFFF  }
.LBB2_3:
0x32: {  	[tilespmem:s18], [sflag:$0x1] =	stream.indirect_vreg.gather [hbm4b:s2+s10], $0x1, v1, vm0, $0x4038;
	[tilespmem:$0xCE40] =	vst v63  }
0x33: {  	s17 =	sadd.s32 $0x10, s17  }
0x34: {  	v2 =	vnsel vm1, $0x0, v2;
	p0 =	slt.u32 s17, $0x3380  }
.Ltmp3:
0x35: {  	s18 =	smov.u32 s15;
	v1 =	vmin.u32 v2, $0x5090F;
	(pc) =	sbr.rel @p0 .LBB2_3-.Ltmp3, $3  }
0x36: {  	_ =	sdelay $0x1  }
0x37: {  	s16 =	sadd.s32 $0x10, s16  }
0x38: {  	vm1 =	vgt.s32 v0, $0x0;
	s15 =	sadd.s32 $0x10, s15;
	v2 =	vmov v0;
	(ifvalue) =	ssetifvalue $0x7FFFFFFF;
	v0 =	vld.msk [tilespmem:s16+$0x0 ss:$0x1], $0xffff  }
.Ltmp4:
0x39: {  	_ = 	snop;
	(pc) =	sbr.rel .LBB2_4-.Ltmp4, $1  }
0x3a: {  	_ =	sdelay $0x3  }
.LBB2_6:
0x3b: {  	_ =	sfence.sel $0x180000  }
0x3c: {  	s2 =	simm.s32 $0x2;
	[bflag:$0x0] =	sbarrier.arrive $0xFFFF  }
0x3d: {  	s30 =	simm.s32 $0x3;
	[sflag:s2] =	ssyncpa.u1 $0x1  }
0x3e: {  	s31 =	simm.s32 $0x1;
	[sflag:s30] =	ssyncpa.u1 $0x1  }
0x3f: {  	[sflag:s31] =	ssyncpa.u1 $0x1  }
0x40: {  	p0 =	sne.s32 s1, $0x0;
	_ =	strace $0x9000004A  }
0x41: {  	s0 =	sadd.s32 @!p0 $0x100000, s0;
	[bflag:$0x2] =	sbarrier.arrive $0xFFFF  }
0x42: {  	[sflag:s0] =	ssyncadd.tile.s32 @!p0 $0x1;
	_ =	shalt  }
.Lfunc_end2:
_tile_overlayer_lowered:
.L_overlay_start_2:
0x43: {  	(tag) =	ssettag $0x2  }
0x44: {  	s0 =	rddreg [dreg:$0x0];
	s2 =	stileid.u32  }
0x45: {  	s1 =	rddreg [dreg:$0x1];
	p0 =	sne.s32 s2, $0x0  }
0x46: {  	s3 =	rddreg [dreg:$0x2];
	[bflag:$0x3] =	sbarrier.arrive $0xFFFF;
	s2 =	simm.s32 @!p0 $0x1C01  }
0x47: {  	[timem:s3], [sflag:s2] =	dma.local @!p0 [hbm:s0], s1  }
0x48: {  	s0 =	simm.s32 @!p0 $0x1  }
0x49: {  	_ =	swait.ge @!p0 [sflag:s0], s1  }
0x4a: {  	s1 =	ssub.s32 @!p0 $0x0, s1;
	[sflag:s0] =	ssyncset.done @!p0 $0x0  }
0x4b: {  	[sflag:s0] =	ssyncadd.s32 @!p0 s1  }
0x4c: {  	[bflag:$0x3] =	sbarrier.arrive $0xFFFF  }
0x4d: {  	_ =	shalt  }

// kernel: gather_offload_async_start.3
scs
__scs_entry_jumppad:
0x0: {  	(pc) =	sbr.rel $0x88, $3  }
0x1: {  	(tag) =	ssettag $0x0;
	lr =	simm.s32 $0x1  }
0x2: {  	[smem:$0x3F94] =	sst lr;
	_ =	strace $0xD0000000  }
0x3: {  	_ = 	snop  }
0x4: {  	_ = 	snop  }
0x5: {  	_ = 	snop  }
0x6: {  	_ = 	snop  }
0x7: {  	_ = 	snop  }
__scs_overlays_trampoline_lowered:
0x8: {  	[smem:$0x3FA3] =	sst s0  }
0x9: {  	[smem:$0x3FA4] =	sst s1  }
0xa: {  	[smem:$0x3FA5] =	sst s2  }
0xb: {  	[smem:$0x3FA6] =	sst s3  }
0xc: {  	[smem:$0x3FA7] =	sst s4  }
0xd: {  	[smem:$0x3FA8] =	sst s5  }
0xe: {  	[smem:$0x3FA9] =	sst s6  }
0xf: {  	[smem:$0x3FAA] =	sst s7  }
0x10: {  	[smem:$0x3FAB] =	sst s8  }
0x11: {  	[smem:$0x3FAC] =	sst s9;
	s0 =	simm.s32 @!p0 $0x0  }
0x12: {  	s1 =	sld [smem:$0x3F92];
	s0 =	simm.s32 @p0 $0x1  }
0x13: {  	[smem:$0x3FAD] =	sst s0;
	s0 =	simm.s32 @!p1 $0x0  }
0x14: {  	s2 =	sld [smem:$0x3F91];
	s0 =	simm.s32 @p1 $0x1  }
0x15: {  	[smem:$0x3FAE] =	sst s0;
	s0 =	simm.s32 @!p2 $0x0  }
0x16: {  	s3 =	sld [smem:$0x3FDB];
	s0 =	simm.s32 @p2 $0x1  }
0x17: {  	s4 =	simm.s32 $0x1BF5;
	[smem:$0x3FB0] =	sst s0  }
0x18: {  	s0 =	sld [smem:$0x3F93];
	_ =	swait.ge [sflag:s4], $0x0  }
0x19: {  	s7 =	sld [smem:$0x3F94]  }
0x1a: {  	s8 =	sadd.s32 $0xFFFFE003, lr  }
0x1b: {  	s9 =	sadd.s32 $0xFFFFFEF7, lr;
	s5 =	simm.s32 $0xFFFFFFFF;
	p2 =	slt.u32 s8, $0xFFFFF086  }
0x1c: {  	p1 =	slt.u32 s9, $0xF7A;
	s5 =	simm.s32 @!p2 $0x0  }
0x1d: {  	s5 =	simm.s32 @p1 $0x1;
	p0 =	seq.s32 s7, s2  }
0x1e: {  	s7 =	smul.u32 @!p0 $0xF7A, s2;
	p2 =	seq.s32 @!p0 s5, $0x0  }
0x1f: {  	s9 =	smul.u32 $0xF7A, s1;
	s8 =	simm.s32 @!p0 $0x1BF5;
	p2 =	por !p2, p0  }
0x20: {  	[sflag:s8] =	ssyncset.s32 @!p0 $0xFFFFF086;
	s6 =	sadd.s32 @!p0 s3, s7;
	s7 =	simm.s32 @!p0 $0x108  }
0x21: {  	s3 =	sadd.s32 s3, s9;
	s6 =	sadd.s32 @!p0 $0x88, s6;
	s7 =	simm.s32 @p2 $0x1082  }
0x22: {  	[simem:s7], [sflag:s8] =	dma.local @!p0 [hbm:s6], $0xF7A  }
0x23: {  	s9 =	sor.u32 $0xD0000000, s2;
	s6 =	simm.s32 $0x108;
	_ =	swait.ge @!p0 [sflag:s8], $0x0  }
0x24: {  	s3 =	sadd.s32 $0x88, s3;
	s6 =	simm.s32 @!p1 $0x1082;
	[sflag:s4] =	ssyncset.s32 $0xFFFFF086  }
0x25: {  	[simem:s6], [sflag:s4] =	dma.local [hbm:s3], $0xF7A  }
0x26: {  	[smem:$0x3F94] =	sst s1;
	(tag) =	ssettag s2;
	_ =	strace s9  }
0x27: {  	s1 =	sld [smem:$0x3FA4]  }
0x28: {  	s2 =	sld [smem:$0x3FA5]  }
0x29: {  	s4 =	sld [smem:$0x3FA7]  }
0x2a: {  	p0 =	seq.s32 s5, $0x0;
	s5 =	sld [smem:$0x3FA8]  }
0x2b: {  	s6 =	sld [smem:$0x3FA9]  }
0x2c: {  	s7 =	sld [smem:$0x3FAA]  }
0x2d: {  	s3 =	simm.s32 $0x108;
	s8 =	sld [smem:$0x3FAB]  }
0x2e: {  	s3 =	simm.s32 @!p0 $0x1082;
	s9 =	sld [smem:$0x3FAC]  }
0x2f: {  	lr =	sadd.s32 s0, s3;
	s0 =	sld [smem:$0x3FA3]  }
0x30: {  	s3 =	sld [smem:$0x3FA6]  }
0x31: {  	[smem:$0x3FAF] =	sst s10  }
0x32: {  	s10 =	sld [smem:$0x3FAD];
	_ =	sdelay $0x3  }
0x33: {  	p0 =	seq.s32 s10, $0x1;
	s10 =	sld [smem:$0x3FAF];
	_ =	sdelay $0x3  }
0x34: {  	[smem:$0x3FAF] =	sst s10  }
0x35: {  	s10 =	sld [smem:$0x3FAE];
	_ =	sdelay $0x3  }
0x36: {  	p1 =	seq.s32 s10, $0x1;
	s10 =	sld [smem:$0x3FAF];
	_ =	sdelay $0x3  }
0x37: {  	[smem:$0x3FAF] =	sst s10  }
0x38: {  	s10 =	sld [smem:$0x3FB0]  }
0x39: {  	_ = 	snop;
	(pc) =	sbr.ind lr, $3  }
0x3a: {  	_ = 	snop  }
0x3b: {  	_ = 	snop  }
0x3c: {  	p2 =	seq.s32 s10, $0x1;
	s10 =	sld [smem:$0x3FAF]  }
0x3d: {  	_ =	shalt  }
0x3e: {  	_ =	shalt  }
0x3f: {  	_ =	shalt  }
0x40: {  	_ =	shalt  }
0x41: {  	_ =	shalt  }
0x42: {  	_ =	shalt  }
0x43: {  	_ =	shalt  }
0x44: {  	_ =	shalt  }
0x45: {  	_ =	shalt  }
0x46: {  	_ =	shalt  }
0x47: {  	_ =	shalt  }
0x48: {  	_ =	shalt  }
0x49: {  	_ =	shalt  }
0x4a: {  	_ =	shalt  }
0x4b: {  	_ =	shalt  }
0x4c: {  	_ =	shalt  }
0x4d: {  	_ =	shalt  }
0x4e: {  	_ =	shalt  }
0x4f: {  	_ =	shalt  }
0x50: {  	_ =	shalt  }
0x51: {  	_ =	shalt  }
0x52: {  	_ =	shalt  }
0x53: {  	_ =	shalt  }
0x54: {  	_ =	shalt  }
0x55: {  	_ =	shalt  }
0x56: {  	_ =	shalt  }
0x57: {  	_ =	shalt  }
0x58: {  	_ =	shalt  }
0x59: {  	_ =	shalt  }
0x5a: {  	_ =	shalt  }
0x5b: {  	_ =	shalt  }
0x5c: {  	_ =	shalt  }
0x5d: {  	_ =	shalt  }
0x5e: {  	_ =	shalt  }
0x5f: {  	_ =	shalt  }
0x60: {  	_ =	shalt  }
0x61: {  	_ =	shalt  }
0x62: {  	_ =	shalt  }
0x63: {  	_ =	shalt  }
0x64: {  	_ =	shalt  }
0x65: {  	_ =	shalt  }
0x66: {  	_ =	shalt  }
0x67: {  	_ =	shalt  }
0x68: {  	_ =	shalt  }
0x69: {  	_ =	shalt  }
0x6a: {  	_ =	shalt  }
0x6b: {  	_ =	shalt  }
0x6c: {  	_ =	shalt  }
0x6d: {  	_ =	shalt  }
0x6e: {  	_ =	shalt  }
0x6f: {  	_ =	shalt  }
0x70: {  	_ =	shalt  }
0x71: {  	_ =	shalt  }
0x72: {  	_ =	shalt  }
0x73: {  	_ =	shalt  }
0x74: {  	_ =	shalt  }
0x75: {  	_ =	shalt  }
0x76: {  	_ =	shalt  }
0x77: {  	_ =	shalt  }
0x78: {  	_ =	shalt  }
0x79: {  	_ =	shalt  }
0x7a: {  	_ =	shalt  }
0x7b: {  	_ =	shalt  }
0x7c: {  	_ =	shalt  }
0x7d: {  	_ =	shalt  }
0x7e: {  	_ =	shalt  }
0x7f: {  	_ =	shalt  }
0x80: {  	_ =	shalt  }
0x81: {  	_ =	shalt  }
0x82: {  	_ =	shalt  }
0x83: {  	_ =	shalt  }
0x84: {  	_ =	shalt  }
0x85: {  	_ =	shalt  }
0x86: {  	_ =	shalt  }
0x87: {  	_ =	shalt  }
.Lfunc_end0:
.L_simem_size_0:
called_computation.3_lowered:
.L_overlay_start_0:
0x88: {  	s0 =	sld [smem:$0x3FD9]  }
0x89: {  	s1 =	sld [smem:$0x3FFE];
	_ =	sdelay $0x3  }
0x8a: {  	s0 =	sadd.s32 s1, s0  }
0x8b: {  	[smem:$0x3FBB] =	sst s0  }
0x8c: {  	_ = 	snop  }
0x8d: {  	(tm) =	ssettm $0x1  }
0x8e: {  	s15 =	sld [smem:$0x3FFB];
	_ =	sdelay $0x3  }
0x8f: {  	_ =	strace s15  }
0x90: {  	s0 =	sld [smem:$0x3FFC];
	_ =	sdelay $0x3  }
0x91: {  	_ =	strace s0  }
0x92: {  	s0 =	sld [smem:$0x3FFD];
	_ =	sdelay $0x3  }
0x93: {  	_ =	strace s0  }
0x94: {  	_ =	strace $0x8FFFFFFF  }
0x95: {  	s16 =	sld [smem:$0x3FDB];
	_ =	sdelay $0x1  }
0x96: {  	s17 =	simm.s32 $_scs_section_size  }
0x97: {  	s2 =	simm.s32 $_size__tile_overlayer_lowered;
	s3 =	simm.s32 $_tile_overlayer_lowered  }
0x98: {  	s20 =	simm.s32 $0x1BFF;
	s19 =	sshll.u32 s3, $0x1;
	s0 =	sadd.s32 s17, s16  }
0x99: {  	s4 =	simm.s32 $0x0;
	s18 =	sshll.u32 s2, $0x1;
	s2 =	sadd.s32 s19, s0  }
0x9a: {  	[timem:s4], [sflag:s20] =	dma.local [hbm:s2], s18  }
0x9b: {  	_ =	swait.ge [sflag:s20], s18  }
0x9c: {  	s1 =	ssub.s32 $0x0, s18;
	[sflag:s20] =	ssyncset.done $0x0  }
0x9d: {  	[sflag:s20] =	ssyncadd.s32 s1;
	_ =	sdelay $0x1  }
0x9e: {  	s21 =	simm.s32 $0x1B8B  }
0x9f: {  	_ =	swait.ge [sflag:s21], $0x1  }
0xa0: {  	[sflag:s21] =	ssyncset.done $0x0  }
0xa1: {  	s23 =	simm.s32 $0x1B8E;
	s22 =	sld [smem:$0x3FFE];
	[sflag:s21] =	ssyncadd.s32 $0xFFFFFFFF  }
0xa2: {  	s24 =	simm.s32 $execute0_lowered;
	[smem:$0x3FD2] =	sst s23  }
0xa3: {  	s2 =	sshll.u32 s24, $0x1;
	_ =	strace $0x8000004F;
	[dreg:$0x1] =	wrdreg $0xFFFFFFFF  }
0xa4: {  	s25 =	simm.s32 $_size_execute0_lowered;
	s0 =	sadd.s32 s0, s2;
	[dreg:$0x0] =	wrdreg $0x0  }
0xa5: {  	s2 =	sshll.u32 s25, $0x1;
	[dreg:$0x2] =	wrdreg s0  }
0xa6: {  	[dreg:$0x3] =	wrdreg s2  }
0xa7: {  	[dreg:$0x4] =	wrdreg $0xC0  }
0xa8: {  	_ =	task [dreg:s4], $0x5FFFF  }
0xa9: {  	[dreg:$0x1] =	wrdreg $0xFFFFFFFF  }
0xaa: {  	[dreg:$0x0] =	wrdreg $0x60  }
0xab: {  	[dreg:$0x2] =	wrdreg s22  }
0xac: {  	[dreg:$0x3] =	wrdreg $0xA  }
0xad: {  	_ =	task.clear_ibuf [dreg:s4], $0x4FFFF;
	_ =	strace $0x9000004F  }
0xae: {  	s26 =	simm.s32 $0xA;
	_ =	strace $0x80000051  }
0xaf: {  	_ =	swait.ge [sflag:s26], $0x1  }
0xb0: {  	[sflag:s26] =	ssyncadd.s32 $0xFFFFFFFF  }
0xb1: {  	_ =	strace $0x90000051  }
0xb2: {  	_ =	sfence  }
0xb3: {  	s28 =	sld [smem:$0x0];
	_ =	sdelay $0x1  }
0xb4: {  	s29 =	srdreg.scid  }
0xb5: {  	s30 =	sshll.u32 s29, $0xD;
	s31 =	sshrl.u32 s29, $0x2  }
0xb6: {  	s1 =	sand.u32 $0x1, s29;
	s2 =	sand.u32 $0x4000, s30;
	s0 =	sadd.s32 s31, s28  }
0xb7: {  	s1 =	sor.u32 s2, s1;
	s0 =	sshll.u32 s0, $0x11  }
0xb8: {  	s0 =	sor.u32 s0, s1  }
0xb9: {  	s0 =	sadd.s32 $0x8F2B, s0  }
0xba: {  	[sflag:s0] =	ssyncadd.remote.s32 $0x1  }
0xbb: {  	_ =	sfence.sel $0xFFFF  }
0xbc: {  	[dreg:$0x0] =	wrdreg $0xFFFFFFFF;
	(pc) =	sbr.abs _section_cstart, $3  }
0xbd: {  	[dreg:$0x1] =	wrdreg $0xFFFFFFFF  }
0xbe: {  	_ =	task.clear_ibuf [dreg:s4], $0x2FFFF;
	_ =	strace $0x9FFFFFFF  }
0xbf: {  	(tm) =	ssettm $0x7FFFFFFF  }
tec
execute0_lowered:
.L_overlay_start_1:
0x0: {  	(tag) =	ssettag $0x1  }
0x1: {  	s8 =	rddreg [dreg:$0x0]  }
0x2: {  	s0 =	rddreg [dreg:$0x1];
	_ =	strace $0x80000050  }
0x3: {  	s4 =	simm.s32 $0x1;
	s1 =	stileid.u32;
	s7 =	simm.s32 $0x1  }
0x4: {  	s9 =	simm.s32 $0x1;
	s6 =	simm.s32 $0x2;
	s10 =	simm.s32 $0x3  }
0x5: {  	s13 =	simm.s32 $0x0;
	s12 =	simm.s32 $0x0;
	s2 =	sadd.s32 $0x29800, s8  }
.Ltmp0:
0x6: {  	s3 =	sadd.s32 $0x1EA00, s8;
	p0 =	slt.u32 s1, $0xA;
	(pc) =	sbr.rel .LBB2_1-.Ltmp0, $4  }
0x7: {  	[sflag:s4] =	ssyncpa.u1 $0x0;
	s7 =	simm.s32 @!p0 $0x0;
	p0 =	sne.s32 s1, $0x9  }
0x8: {  	s5 =	smul.u32 $0x3390, s1;
	[sflag:s6] =	ssyncpa.u1 $0x0;
	s9 =	simm.s32 @!p0 $0x0  }
0x9: {  	s8 =	sadd.s32 $0x33A00, s8;
	[sflag:s10] =	ssyncpa.u1 $0x0;
	s7 =	sadd.s32 s9, s7  }
0xa: {  	vm0 =	vmmov $0xffff;
	s10 =	simm.s32 $0x0;
	s11 =	smov.u32 s5;
	s9 =	sadd.s32 $0x1, s7  }
.LBB2_4:
0xb: {  	v2 =	vnsel vm1, $0x0, v2  }
0xc: {  	vm1 =	vgt.s32 v0, $0x0;
	v2 =	vmin.u32 v2, $0x5090F  }
0xd: {  	v0 =	vnsel vm1, $0x0, v0  }
0xe: {  	v0 =	vmin.u32 v0, $0x5090F  }
0xf: {  	[tilespmem:s18], [sflag:$0x1] =	stream.indirect_vreg.gather [hbm4b:s2+s10], $0x1, v1, vm0, $0x4038;
	[tilespmem:$0xCE40] =	vst v63  }
0x10: {  	(ifvalue) =	ssetifvalue $0x7FFFFFFF  }
0x11: {  	[tilespmem:s15], [sflag:$0x1] =	stream.indirect_vreg.gather [hbm4b:s2+s10], $0x1, v2, vm0, $0x4038;
	[tilespmem:$0xCE40] =	vst v63  }
0x12: {  	s29 =	sadd.s32 $0x10, s15;
	(ifvalue) =	ssetifvalue $0x7FFFFFFF  }
0x13: {  	[tilespmem:s29], [sflag:$0x1] =	stream.indirect_vreg.gather [hbm4b:s2+s10], $0x1, v0, vm0, $0x4038;
	[tilespmem:$0xCE40] =	vst v63  }
0x14: {  	_ =	swait.ge [sflag:s4], $0x3390  }
0x15: {  	s30 =	sshrl.u32 s13, $0x3;
	[sflag:s4] =	ssyncset.done $0x0  }
0x16: {  	s31 =	sand.u32 $0x7, s13;
	s15 =	sadd.s32 s8, s30;
	[sflag:s4] =	ssyncadd.s32 $0xFFFFCC70  }
0x17: {  	[hbm4b:s15+s31] =	stream.linear.scatter [tilespmem:s14], [sflag:$0x3], $0x3390, $0x38;
	[tilespmem:$0xCE40] =	vst v63  }
.LBB2_5:
0x18: {  	s15 =	sadd.s32 $0x33900, s11  }
0x19: {  	p1 =	sgt.s32 s15, $0x5090F  }
0x1a: {  	s15 =	smov.u32 @p1 s5;
	p1 =	sne.s32 s12, s9  }
.Ltmp1:
0x1b: {  	p0 =	slt.u32 s12, $0x2;
	(pc) =	sbr.rel @!p1 .LBB2_6-.Ltmp1, $4  }
0x1c: {  	s14 =	simm.s32 @!p0 $0x3  }
0x1d: {  	_ =	swait.ge @!p0 [sflag:s14], $0x3390  }
0x1e: {  	s16 =	sadd.s32 $0x1, s12;
	s13 =	smov.u32 s11;
	[sflag:s14] =	ssyncset.done @!p0 $0x0  }
0x1f: {  	s12 =	smov.u32 s16;
	s11 =	smov.u32 s15;
	[sflag:s14] =	ssyncadd.s32 @!p0 $0xFFFFCC70  }
.LBB2_1:
0x20: {  	p0 =	sge.u32 s12, s7  }
0x21: {  	s14 =	sxor.u32 @!p0 $0x1, s12  }
0x22: {  	s14 =	smul.u32 @!p0 $0xCE40, s14  }
0x23: {  	s31 =	sadd.s32 $0xFFFFFFFF, s12;
	s15 =	sshrl.u32 @!p0 s11, $0x3  }
0x24: {  	s16 =	sand.u32 @!p0 $0x7, s11;
	s15 =	sadd.s32 @!p0 s3, s15;
	s14 =	sshra.s32 @!p0 s14, $0x2  }
0x25: {  	[tilespmem:s14], [sflag:$0x2] =	stream.linear.gather @!p0 [hbm4b:s15+s16], $0x3390, $0x38;
	[tilespmem:$0xCE40] =	vst v63  }
0x26: {  	p0 =	sge.u32 s31, s7  }
.Ltmp2:
0x27: {  	_ = 	snop;
	(pc) =	sbr.rel @p0 .LBB2_5-.Ltmp2, $1  }
0x28: {  	_ =	sdelay $0x3  }
0x29: {  	s14 =	sand.u32 $0x1, s12  }
0x2a: {  	_ =	swait.ge [sflag:s6], $0x3390;
	p0 =	seq.s32 s14, $0x1;
	s14 =	simm.s32 $0x3390  }
0x2b: {  	[sflag:s6] =	ssyncset.done $0x0;
	s14 =	simm.s32 @!p0 $0x0  }
0x2c: {  	[sflag:s6] =	ssyncadd.s32 $0xFFFFCC70;
	(ifvalue) =	ssetifvalue $0x7FFFFFFF;
	v0 =	vld.msk [tilespmem:s14+$0x0 ss:$0x1], $0xffff;
	_ =	sdelay $0x4  }
0x2d: {  	s15 =	sadd.s32 $0x10, s14;
	vm1 =	vgt.s32 v0, $0x0  }
0x2e: {  	v2 =	vld.msk [tilespmem:s15+$0x0 ss:$0x1], $0xffff;
	v1 =	vnsel vm1, $0x0, v0  }
0x2f: {  	v1 =	vmin.u32 v1, $0x5090F;
	_ =	sdelay $0x2  }
0x30: {  	s17 =	simm.s32 $0x20;
	s14 =	sadd.s32 $0x6720, s14;
	s16 =	sadd.s32 $0x10, s15  }
0x31: {  	s15 =	sadd.s32 $0x10, s14;
	s18 =	smov.u32 s14;
	v0 =	vld.msk [tilespmem:s16+$0x0 ss:$0x1], $0xffff;
	vm1 =	vgt.s32 v2, $0x0;
	(ifvalue) =	ssetifvalue $0x7FFFFFFF  }
.LBB2_3:
0x32: {  	[tilespmem:s18], [sflag:$0x1] =	stream.indirect_vreg.gather [hbm4b:s2+s10], $0x1, v1, vm0, $0x4038;
	[tilespmem:$0xCE40] =	vst v63  }
0x33: {  	s17 =	sadd.s32 $0x10, s17  }
0x34: {  	v2 =	vnsel vm1, $0x0, v2;
	p0 =	slt.u32 s17, $0x3380  }
.Ltmp3:
0x35: {  	s18 =	smov.u32 s15;
	v1 =	vmin.u32 v2, $0x5090F;
	(pc) =	sbr.rel @p0 .LBB2_3-.Ltmp3, $3  }
0x36: {  	_ =	sdelay $0x1  }
0x37: {  	s16 =	sadd.s32 $0x10, s16  }
0x38: {  	vm1 =	vgt.s32 v0, $0x0;
	s15 =	sadd.s32 $0x10, s15;
	v2 =	vmov v0;
	(ifvalue) =	ssetifvalue $0x7FFFFFFF;
	v0 =	vld.msk [tilespmem:s16+$0x0 ss:$0x1], $0xffff  }
.Ltmp4:
0x39: {  	_ = 	snop;
	(pc) =	sbr.rel .LBB2_4-.Ltmp4, $1  }
0x3a: {  	_ =	sdelay $0x3  }
.LBB2_6:
0x3b: {  	_ =	sfence.sel $0x180000  }
0x3c: {  	s2 =	simm.s32 $0x2;
	[bflag:$0x0] =	sbarrier.arrive $0xFFFF  }
0x3d: {  	s30 =	simm.s32 $0x3;
	[sflag:s2] =	ssyncpa.u1 $0x1  }
0x3e: {  	s31 =	simm.s32 $0x1;
	[sflag:s30] =	ssyncpa.u1 $0x1  }
0x3f: {  	[sflag:s31] =	ssyncpa.u1 $0x1  }
0x40: {  	p0 =	sne.s32 s1, $0x0;
	_ =	strace $0x90000050  }
0x41: {  	s0 =	sadd.s32 @!p0 $0x100000, s0;
	[bflag:$0x2] =	sbarrier.arrive $0xFFFF  }
0x42: {  	[sflag:s0] =	ssyncadd.tile.s32 @!p0 $0x1;
	_ =	shalt  }
.Lfunc_end2:
_tile_overlayer_lowered:
.L_overlay_start_2:
0x43: {  	(tag) =	ssettag $0x2  }
0x44: {  	s0 =	rddreg [dreg:$0x0];
	s2 =	stileid.u32  }
0x45: {  	s1 =	rddreg [dreg:$0x1];
	p0 =	sne.s32 s2, $0x0  }
0x46: {  	s3 =	rddreg [dreg:$0x2];
	[bflag:$0x3] =	sbarrier.arrive $0xFFFF;
	s2 =	simm.s32 @!p0 $0x1C01  }
0x47: {  	[timem:s3], [sflag:s2] =	dma.local @!p0 [hbm:s0], s1  }
0x48: {  	s0 =	simm.s32 @!p0 $0x1  }
0x49: {  	_ =	swait.ge @!p0 [sflag:s0], s1  }
0x4a: {  	s1 =	ssub.s32 @!p0 $0x0, s1;
	[sflag:s0] =	ssyncset.done @!p0 $0x0  }
0x4b: {  	[sflag:s0] =	ssyncadd.s32 @!p0 s1  }
0x4c: {  	[bflag:$0x3] =	sbarrier.arrive $0xFFFF  }
0x4d: {  	_ =	shalt  }

// kernel: gather_offload_async_start
scs
__scs_entry_jumppad:
0x0: {  	(pc) =	sbr.rel $0x88, $3  }
0x1: {  	(tag) =	ssettag $0x0;
	lr =	simm.s32 $0x1  }
0x2: {  	[smem:$0x3F94] =	sst lr;
	_ =	strace $0xD0000000  }
0x3: {  	_ = 	snop  }
0x4: {  	_ = 	snop  }
0x5: {  	_ = 	snop  }
0x6: {  	_ = 	snop  }
0x7: {  	_ = 	snop  }
__scs_overlays_trampoline_lowered:
0x8: {  	[smem:$0x3FA3] =	sst s0  }
0x9: {  	[smem:$0x3FA4] =	sst s1  }
0xa: {  	[smem:$0x3FA5] =	sst s2  }
0xb: {  	[smem:$0x3FA6] =	sst s3  }
0xc: {  	[smem:$0x3FA7] =	sst s4  }
0xd: {  	[smem:$0x3FA8] =	sst s5  }
0xe: {  	[smem:$0x3FA9] =	sst s6  }
0xf: {  	[smem:$0x3FAA] =	sst s7  }
0x10: {  	[smem:$0x3FAB] =	sst s8  }
0x11: {  	[smem:$0x3FAC] =	sst s9;
	s0 =	simm.s32 @!p0 $0x0  }
0x12: {  	s1 =	sld [smem:$0x3F92];
	s0 =	simm.s32 @p0 $0x1  }
0x13: {  	[smem:$0x3FAD] =	sst s0;
	s0 =	simm.s32 @!p1 $0x0  }
0x14: {  	s2 =	sld [smem:$0x3F91];
	s0 =	simm.s32 @p1 $0x1  }
0x15: {  	[smem:$0x3FAE] =	sst s0;
	s0 =	simm.s32 @!p2 $0x0  }
0x16: {  	s3 =	sld [smem:$0x3FDB];
	s0 =	simm.s32 @p2 $0x1  }
0x17: {  	s4 =	simm.s32 $0x1BF5;
	[smem:$0x3FB0] =	sst s0  }
0x18: {  	s0 =	sld [smem:$0x3F93];
	_ =	swait.ge [sflag:s4], $0x0  }
0x19: {  	s7 =	sld [smem:$0x3F94]  }
0x1a: {  	s8 =	sadd.s32 $0xFFFFE003, lr  }
0x1b: {  	s9 =	sadd.s32 $0xFFFFFEF7, lr;
	s5 =	simm.s32 $0xFFFFFFFF;
	p2 =	slt.u32 s8, $0xFFFFF086  }
0x1c: {  	p1 =	slt.u32 s9, $0xF7A;
	s5 =	simm.s32 @!p2 $0x0  }
0x1d: {  	s5 =	simm.s32 @p1 $0x1;
	p0 =	seq.s32 s7, s2  }
0x1e: {  	s7 =	smul.u32 @!p0 $0xF7A, s2;
	p2 =	seq.s32 @!p0 s5, $0x0  }
0x1f: {  	s9 =	smul.u32 $0xF7A, s1;
	s8 =	simm.s32 @!p0 $0x1BF5;
	p2 =	por !p2, p0  }
0x20: {  	[sflag:s8] =	ssyncset.s32 @!p0 $0xFFFFF086;
	s6 =	sadd.s32 @!p0 s3, s7;
	s7 =	simm.s32 @!p0 $0x108  }
0x21: {  	s3 =	sadd.s32 s3, s9;
	s6 =	sadd.s32 @!p0 $0x88, s6;
	s7 =	simm.s32 @p2 $0x1082  }
0x22: {  	[simem:s7], [sflag:s8] =	dma.local @!p0 [hbm:s6], $0xF7A  }
0x23: {  	s9 =	sor.u32 $0xD0000000, s2;
	s6 =	simm.s32 $0x108;
	_ =	swait.ge @!p0 [sflag:s8], $0x0  }
0x24: {  	s3 =	sadd.s32 $0x88, s3;
	s6 =	simm.s32 @!p1 $0x1082;
	[sflag:s4] =	ssyncset.s32 $0xFFFFF086  }
0x25: {  	[simem:s6], [sflag:s4] =	dma.local [hbm:s3], $0xF7A  }
0x26: {  	[smem:$0x3F94] =	sst s1;
	(tag) =	ssettag s2;
	_ =	strace s9  }
0x27: {  	s1 =	sld [smem:$0x3FA4]  }
0x28: {  	s2 =	sld [smem:$0x3FA5]  }
0x29: {  	s4 =	sld [smem:$0x3FA7]  }
0x2a: {  	p0 =	seq.s32 s5, $0x0;
	s5 =	sld [smem:$0x3FA8]  }
0x2b: {  	s6 =	sld [smem:$0x3FA9]  }
0x2c: {  	s7 =	sld [smem:$0x3FAA]  }
0x2d: {  	s3 =	simm.s32 $0x108;
	s8 =	sld [smem:$0x3FAB]  }
0x2e: {  	s3 =	simm.s32 @!p0 $0x1082;
	s9 =	sld [smem:$0x3FAC]  }
0x2f: {  	lr =	sadd.s32 s0, s3;
	s0 =	sld [smem:$0x3FA3]  }
0x30: {  	s3 =	sld [smem:$0x3FA6]  }
0x31: {  	[smem:$0x3FAF] =	sst s10  }
0x32: {  	s10 =	sld [smem:$0x3FAD];
	_ =	sdelay $0x3  }
0x33: {  	p0 =	seq.s32 s10, $0x1;
	s10 =	sld [smem:$0x3FAF];
	_ =	sdelay $0x3  }
0x34: {  	[smem:$0x3FAF] =	sst s10  }
0x35: {  	s10 =	sld [smem:$0x3FAE];
	_ =	sdelay $0x3  }
0x36: {  	p1 =	seq.s32 s10, $0x1;
	s10 =	sld [smem:$0x3FAF];
	_ =	sdelay $0x3  }
0x37: {  	[smem:$0x3FAF] =	sst s10  }
0x38: {  	s10 =	sld [smem:$0x3FB0]  }
0x39: {  	_ = 	snop;
	(pc) =	sbr.ind lr, $3  }
0x3a: {  	_ = 	snop  }
0x3b: {  	_ = 	snop  }
0x3c: {  	p2 =	seq.s32 s10, $0x1;
	s10 =	sld [smem:$0x3FAF]  }
0x3d: {  	_ =	shalt  }
0x3e: {  	_ =	shalt  }
0x3f: {  	_ =	shalt  }
0x40: {  	_ =	shalt  }
0x41: {  	_ =	shalt  }
0x42: {  	_ =	shalt  }
0x43: {  	_ =	shalt  }
0x44: {  	_ =	shalt  }
0x45: {  	_ =	shalt  }
0x46: {  	_ =	shalt  }
0x47: {  	_ =	shalt  }
0x48: {  	_ =	shalt  }
0x49: {  	_ =	shalt  }
0x4a: {  	_ =	shalt  }
0x4b: {  	_ =	shalt  }
0x4c: {  	_ =	shalt  }
0x4d: {  	_ =	shalt  }
0x4e: {  	_ =	shalt  }
0x4f: {  	_ =	shalt  }
0x50: {  	_ =	shalt  }
0x51: {  	_ =	shalt  }
0x52: {  	_ =	shalt  }
0x53: {  	_ =	shalt  }
0x54: {  	_ =	shalt  }
0x55: {  	_ =	shalt  }
0x56: {  	_ =	shalt  }
0x57: {  	_ =	shalt  }
0x58: {  	_ =	shalt  }
0x59: {  	_ =	shalt  }
0x5a: {  	_ =	shalt  }
0x5b: {  	_ =	shalt  }
0x5c: {  	_ =	shalt  }
0x5d: {  	_ =	shalt  }
0x5e: {  	_ =	shalt  }
0x5f: {  	_ =	shalt  }
0x60: {  	_ =	shalt  }
0x61: {  	_ =	shalt  }
0x62: {  	_ =	shalt  }
0x63: {  	_ =	shalt  }
0x64: {  	_ =	shalt  }
0x65: {  	_ =	shalt  }
0x66: {  	_ =	shalt  }
0x67: {  	_ =	shalt  }
0x68: {  	_ =	shalt  }
0x69: {  	_ =	shalt  }
0x6a: {  	_ =	shalt  }
0x6b: {  	_ =	shalt  }
0x6c: {  	_ =	shalt  }
0x6d: {  	_ =	shalt  }
0x6e: {  	_ =	shalt  }
0x6f: {  	_ =	shalt  }
0x70: {  	_ =	shalt  }
0x71: {  	_ =	shalt  }
0x72: {  	_ =	shalt  }
0x73: {  	_ =	shalt  }
0x74: {  	_ =	shalt  }
0x75: {  	_ =	shalt  }
0x76: {  	_ =	shalt  }
0x77: {  	_ =	shalt  }
0x78: {  	_ =	shalt  }
0x79: {  	_ =	shalt  }
0x7a: {  	_ =	shalt  }
0x7b: {  	_ =	shalt  }
0x7c: {  	_ =	shalt  }
0x7d: {  	_ =	shalt  }
0x7e: {  	_ =	shalt  }
0x7f: {  	_ =	shalt  }
0x80: {  	_ =	shalt  }
0x81: {  	_ =	shalt  }
0x82: {  	_ =	shalt  }
0x83: {  	_ =	shalt  }
0x84: {  	_ =	shalt  }
0x85: {  	_ =	shalt  }
0x86: {  	_ =	shalt  }
0x87: {  	_ =	shalt  }
.Lfunc_end0:
.L_simem_size_0:
called_computation_lowered:
.L_overlay_start_0:
0x88: {  	s0 =	sld [smem:$0x3FD9]  }
0x89: {  	s1 =	sld [smem:$0x3FFE];
	_ =	sdelay $0x3  }
0x8a: {  	s0 =	sadd.s32 s1, s0  }
0x8b: {  	[smem:$0x3FBB] =	sst s0  }
0x8c: {  	_ = 	snop  }
0x8d: {  	(tm) =	ssettm $0x1  }
0x8e: {  	s15 =	sld [smem:$0x3FFB];
	_ =	sdelay $0x3  }
0x8f: {  	_ =	strace s15  }
0x90: {  	s0 =	sld [smem:$0x3FFC];
	_ =	sdelay $0x3  }
0x91: {  	_ =	strace s0  }
0x92: {  	s0 =	sld [smem:$0x3FFD];
	_ =	sdelay $0x3  }
0x93: {  	_ =	strace s0  }
0x94: {  	_ =	strace $0x8FFFFFFF  }
0x95: {  	s16 =	sld [smem:$0x3FDB];
	_ =	sdelay $0x1  }
0x96: {  	s17 =	simm.s32 $_scs_section_size  }
0x97: {  	s2 =	simm.s32 $_size__tile_overlayer_lowered;
	s3 =	simm.s32 $_tile_overlayer_lowered  }
0x98: {  	s20 =	simm.s32 $0x1BFF;
	s19 =	sshll.u32 s3, $0x1;
	s0 =	sadd.s32 s17, s16  }
0x99: {  	s4 =	simm.s32 $0x0;
	s18 =	sshll.u32 s2, $0x1;
	s2 =	sadd.s32 s19, s0  }
0x9a: {  	[timem:s4], [sflag:s20] =	dma.local [hbm:s2], s18  }
0x9b: {  	_ =	swait.ge [sflag:s20], s18  }
0x9c: {  	s1 =	ssub.s32 $0x0, s18;
	[sflag:s20] =	ssyncset.done $0x0  }
0x9d: {  	[sflag:s20] =	ssyncadd.s32 s1;
	_ =	sdelay $0x1  }
0x9e: {  	s21 =	simm.s32 $0x1B8B  }
0x9f: {  	_ =	swait.ge [sflag:s21], $0x1  }
0xa0: {  	[sflag:s21] =	ssyncset.done $0x0  }
0xa1: {  	s23 =	simm.s32 $0x1B8E;
	s22 =	sld [smem:$0x3FFE];
	[sflag:s21] =	ssyncadd.s32 $0xFFFFFFFF  }
0xa2: {  	s24 =	simm.s32 $execute0_lowered;
	[smem:$0x3FD2] =	sst s23  }
0xa3: {  	s2 =	sshll.u32 s24, $0x1;
	_ =	strace $0x80000046;
	[dreg:$0x1] =	wrdreg $0xFFFFFFFF  }
0xa4: {  	s25 =	simm.s32 $_size_execute0_lowered;
	s0 =	sadd.s32 s0, s2;
	[dreg:$0x0] =	wrdreg $0x0  }
0xa5: {  	s2 =	sshll.u32 s25, $0x1;
	[dreg:$0x2] =	wrdreg s0  }
0xa6: {  	[dreg:$0x3] =	wrdreg s2  }
0xa7: {  	[dreg:$0x4] =	wrdreg $0xC0  }
0xa8: {  	_ =	task [dreg:s4], $0x5FFFF  }
0xa9: {  	[dreg:$0x1] =	wrdreg $0xFFFFFFFF  }
0xaa: {  	[dreg:$0x0] =	wrdreg $0x60  }
0xab: {  	[dreg:$0x2] =	wrdreg s22  }
0xac: {  	[dreg:$0x3] =	wrdreg $0x9  }
0xad: {  	_ =	task.clear_ibuf [dreg:s4], $0x4FFFF;
	_ =	strace $0x90000046  }
0xae: {  	s26 =	simm.s32 $0x9;
	_ =	strace $0x80000048  }
0xaf: {  	_ =	swait.ge [sflag:s26], $0x1  }
0xb0: {  	[sflag:s26] =	ssyncadd.s32 $0xFFFFFFFF  }
0xb1: {  	_ =	strace $0x90000048  }
0xb2: {  	_ =	sfence  }
0xb3: {  	s28 =	sld [smem:$0x0];
	_ =	sdelay $0x1  }
0xb4: {  	s29 =	srdreg.scid  }
0xb5: {  	s30 =	sshll.u32 s29, $0xD;
	s31 =	sshrl.u32 s29, $0x2  }
0xb6: {  	s1 =	sand.u32 $0x1, s29;
	s2 =	sand.u32 $0x4000, s30;
	s0 =	sadd.s32 s31, s28  }
0xb7: {  	s1 =	sor.u32 s2, s1;
	s0 =	sshll.u32 s0, $0x11  }
0xb8: {  	s0 =	sor.u32 s0, s1  }
0xb9: {  	s0 =	sadd.s32 $0x8F2B, s0  }
0xba: {  	[sflag:s0] =	ssyncadd.remote.s32 $0x1  }
0xbb: {  	_ =	sfence.sel $0xFFFF  }
0xbc: {  	[dreg:$0x0] =	wrdreg $0xFFFFFFFF;
	(pc) =	sbr.abs _section_cstart, $3  }
0xbd: {  	[dreg:$0x1] =	wrdreg $0xFFFFFFFF  }
0xbe: {  	_ =	task.clear_ibuf [dreg:s4], $0x2FFFF;
	_ =	strace $0x9FFFFFFF  }
0xbf: {  	(tm) =	ssettm $0x7FFFFFFF  }
tec
execute0_lowered:
.L_overlay_start_1:
0x0: {  	(tag) =	ssettag $0x1  }
0x1: {  	s8 =	rddreg [dreg:$0x0]  }
0x2: {  	s0 =	rddreg [dreg:$0x1];
	_ =	strace $0x80000047  }
0x3: {  	s4 =	simm.s32 $0x1;
	s1 =	stileid.u32;
	s7 =	simm.s32 $0x1  }
0x4: {  	s9 =	simm.s32 $0x1;
	s6 =	simm.s32 $0x2;
	s10 =	simm.s32 $0x3  }
0x5: {  	s13 =	simm.s32 $0x0;
	s12 =	simm.s32 $0x0;
	s2 =	sadd.s32 $0x14800, s8  }
.Ltmp0:
0x6: {  	s3 =	sadd.s32 $0x1EA00, s8;
	p0 =	slt.u32 s1, $0xA;
	(pc) =	sbr.rel .LBB2_1-.Ltmp0, $4  }
0x7: {  	[sflag:s4] =	ssyncpa.u1 $0x0;
	s7 =	simm.s32 @!p0 $0x0;
	p0 =	sne.s32 s1, $0x9  }
0x8: {  	s5 =	smul.u32 $0x3390, s1;
	[sflag:s6] =	ssyncpa.u1 $0x0;
	s9 =	simm.s32 @!p0 $0x0  }
0x9: {  	s8 =	sadd.s32 $0x33A00, s8;
	[sflag:s10] =	ssyncpa.u1 $0x0;
	s7 =	sadd.s32 s9, s7  }
0xa: {  	vm0 =	vmmov $0xffff;
	s10 =	simm.s32 $0x0;
	s11 =	smov.u32 s5;
	s9 =	sadd.s32 $0x1, s7  }
.LBB2_4:
0xb: {  	v2 =	vnsel vm1, $0x0, v2  }
0xc: {  	vm1 =	vgt.s32 v0, $0x0;
	v2 =	vmin.u32 v2, $0x5090F  }
0xd: {  	v0 =	vnsel vm1, $0x0, v0  }
0xe: {  	v0 =	vmin.u32 v0, $0x5090F  }
0xf: {  	[tilespmem:s18], [sflag:$0x1] =	stream.indirect_vreg.gather [hbm4b:s2+s10], $0x1, v1, vm0, $0x4038;
	[tilespmem:$0xCE40] =	vst v63  }
0x10: {  	(ifvalue) =	ssetifvalue $0x7FFFFFFF  }
0x11: {  	[tilespmem:s15], [sflag:$0x1] =	stream.indirect_vreg.gather [hbm4b:s2+s10], $0x1, v2, vm0, $0x4038;
	[tilespmem:$0xCE40] =	vst v63  }
0x12: {  	s29 =	sadd.s32 $0x10, s15;
	(ifvalue) =	ssetifvalue $0x7FFFFFFF  }
0x13: {  	[tilespmem:s29], [sflag:$0x1] =	stream.indirect_vreg.gather [hbm4b:s2+s10], $0x1, v0, vm0, $0x4038;
	[tilespmem:$0xCE40] =	vst v63  }
0x14: {  	_ =	swait.ge [sflag:s4], $0x3390  }
0x15: {  	s30 =	sshrl.u32 s13, $0x3;
	[sflag:s4] =	ssyncset.done $0x0  }
0x16: {  	s31 =	sand.u32 $0x7, s13;
	s15 =	sadd.s32 s8, s30;
	[sflag:s4] =	ssyncadd.s32 $0xFFFFCC70  }
0x17: {  	[hbm4b:s15+s31] =	stream.linear.scatter [tilespmem:s14], [sflag:$0x3], $0x3390, $0x38;
	[tilespmem:$0xCE40] =	vst v63  }
.LBB2_5:
0x18: {  	s15 =	sadd.s32 $0x33900, s11  }
0x19: {  	p1 =	sgt.s32 s15, $0x5090F  }
0x1a: {  	s15 =	smov.u32 @p1 s5;
	p1 =	sne.s32 s12, s9  }
.Ltmp1:
0x1b: {  	p0 =	slt.u32 s12, $0x2;
	(pc) =	sbr.rel @!p1 .LBB2_6-.Ltmp1, $4  }
0x1c: {  	s14 =	simm.s32 @!p0 $0x3  }
0x1d: {  	_ =	swait.ge @!p0 [sflag:s14], $0x3390  }
0x1e: {  	s16 =	sadd.s32 $0x1, s12;
	s13 =	smov.u32 s11;
	[sflag:s14] =	ssyncset.done @!p0 $0x0  }
0x1f: {  	s12 =	smov.u32 s16;
	s11 =	smov.u32 s15;
	[sflag:s14] =	ssyncadd.s32 @!p0 $0xFFFFCC70  }
.LBB2_1:
0x20: {  	p0 =	sge.u32 s12, s7  }
0x21: {  	s14 =	sxor.u32 @!p0 $0x1, s12  }
0x22: {  	s14 =	smul.u32 @!p0 $0xCE40, s14  }
0x23: {  	s31 =	sadd.s32 $0xFFFFFFFF, s12;
	s15 =	sshrl.u32 @!p0 s11, $0x3  }
0x24: {  	s16 =	sand.u32 @!p0 $0x7, s11;
	s15 =	sadd.s32 @!p0 s3, s15;
	s14 =	sshra.s32 @!p0 s14, $0x2  }
0x25: {  	[tilespmem:s14], [sflag:$0x2] =	stream.linear.gather @!p0 [hbm4b:s15+s16], $0x3390, $0x38;
	[tilespmem:$0xCE40] =	vst v63  }
0x26: {  	p0 =	sge.u32 s31, s7  }
.Ltmp2:
0x27: {  	_ = 	snop;
	(pc) =	sbr.rel @p0 .LBB2_5-.Ltmp2, $1  }
0x28: {  	_ =	sdelay $0x3  }
0x29: {  	s14 =	sand.u32 $0x1, s12  }
0x2a: {  	_ =	swait.ge [sflag:s6], $0x3390;
	p0 =	seq.s32 s14, $0x1;
	s14 =	simm.s32 $0x3390  }
0x2b: {  	[sflag:s6] =	ssyncset.done $0x0;
	s14 =	simm.s32 @!p0 $0x0  }
0x2c: {  	[sflag:s6] =	ssyncadd.s32 $0xFFFFCC70;
	(ifvalue) =	ssetifvalue $0x7FFFFFFF;
	v0 =	vld.msk [tilespmem:s14+$0x0 ss:$0x1], $0xffff;
	_ =	sdelay $0x4  }
0x2d: {  	s15 =	sadd.s32 $0x10, s14;
	vm1 =	vgt.s32 v0, $0x0  }
0x2e: {  	v2 =	vld.msk [tilespmem:s15+$0x0 ss:$0x1], $0xffff;
	v1 =	vnsel vm1, $0x0, v0  }
0x2f: {  	v1 =	vmin.u32 v1, $0x5090F;
	_ =	sdelay $0x2  }
0x30: {  	s17 =	simm.s32 $0x20;
	s14 =	sadd.s32 $0x6720, s14;
	s16 =	sadd.s32 $0x10, s15  }
0x31: {  	s15 =	sadd.s32 $0x10, s14;
	s18 =	smov.u32 s14;
	v0 =	vld.msk [tilespmem:s16+$0x0 ss:$0x1], $0xffff;
	vm1 =	vgt.s32 v2, $0x0;
	(ifvalue) =	ssetifvalue $0x7FFFFFFF  }
.LBB2_3:
0x32: {  	[tilespmem:s18], [sflag:$0x1] =	stream.indirect_vreg.gather [hbm4b:s2+s10], $0x1, v1, vm0, $0x4038;
	[tilespmem:$0xCE40] =	vst v63  }
0x33: {  	s17 =	sadd.s32 $0x10, s17  }
0x34: {  	v2 =	vnsel vm1, $0x0, v2;
	p0 =	slt.u32 s17, $0x3380  }
.Ltmp3:
0x35: {  	s18 =	smov.u32 s15;
	v1 =	vmin.u32 v2, $0x5090F;
	(pc) =	sbr.rel @p0 .LBB2_3-.Ltmp3, $3  }
0x36: {  	_ =	sdelay $0x1  }
0x37: {  	s16 =	sadd.s32 $0x10, s16  }
0x38: {  	vm1 =	vgt.s32 v0, $0x0;
	s15 =	sadd.s32 $0x10, s15;
	v2 =	vmov v0;
	(ifvalue) =	ssetifvalue $0x7FFFFFFF;
	v0 =	vld.msk [tilespmem:s16+$0x0 ss:$0x1], $0xffff  }
.Ltmp4:
0x39: {  	_ = 	snop;
	(pc) =	sbr.rel .LBB2_4-.Ltmp4, $1  }
0x3a: {  	_ =	sdelay $0x3  }
.LBB2_6:
0x3b: {  	_ =	sfence.sel $0x180000  }
0x3c: {  	s2 =	simm.s32 $0x2;
	[bflag:$0x0] =	sbarrier.arrive $0xFFFF  }
0x3d: {  	s30 =	simm.s32 $0x3;
	[sflag:s2] =	ssyncpa.u1 $0x1  }
0x3e: {  	s31 =	simm.s32 $0x1;
	[sflag:s30] =	ssyncpa.u1 $0x1  }
0x3f: {  	[sflag:s31] =	ssyncpa.u1 $0x1  }
0x40: {  	p0 =	sne.s32 s1, $0x0;
	_ =	strace $0x90000047  }
0x41: {  	s0 =	sadd.s32 @!p0 $0x100000, s0;
	[bflag:$0x2] =	sbarrier.arrive $0xFFFF  }
0x42: {  	[sflag:s0] =	ssyncadd.tile.s32 @!p0 $0x1;
	_ =	shalt  }
.Lfunc_end2:
_tile_overlayer_lowered:
.L_overlay_start_2:
0x43: {  	(tag) =	ssettag $0x2  }
0x44: {  	s0 =	rddreg [dreg:$0x0];
	s2 =	stileid.u32  }
0x45: {  	s1 =	rddreg [dreg:$0x1];
	p0 =	sne.s32 s2, $0x0  }
0x46: {  	s3 =	rddreg [dreg:$0x2];
	[bflag:$0x3] =	sbarrier.arrive $0xFFFF;
	s2 =	simm.s32 @!p0 $0x1C01  }
0x47: {  	[timem:s3], [sflag:s2] =	dma.local @!p0 [hbm:s0], s1  }
0x48: {  	s0 =	simm.s32 @!p0 $0x1  }
0x49: {  	_ =	swait.ge @!p0 [sflag:s0], s1  }
0x4a: {  	s1 =	ssub.s32 @!p0 $0x0, s1;
	[sflag:s0] =	ssyncset.done @!p0 $0x0  }
0x4b: {  	[sflag:s0] =	ssyncadd.s32 @!p0 s1  }
0x4c: {  	[bflag:$0x3] =	sbarrier.arrive $0xFFFF  }
0x4d: {  	_ =	shalt  }

// kernel: kernel.14.cloned.1.call-start
scs
__scs_entry_jumppad:
0x0: {  	(pc) =	sbr.rel $0x88, $3  }
0x1: {  	(tag) =	ssettag $0x0;
	lr =	simm.s32 $0x1  }
0x2: {  	[smem:$0x3F94] =	sst lr;
	_ =	strace $0xD0000000  }
0x3: {  	_ = 	snop  }
0x4: {  	_ = 	snop  }
0x5: {  	_ = 	snop  }
0x6: {  	_ = 	snop  }
0x7: {  	_ = 	snop  }
__scs_overlays_trampoline_lowered:
0x8: {  	[smem:$0x3FA3] =	sst s0  }
0x9: {  	[smem:$0x3FA4] =	sst s1  }
0xa: {  	[smem:$0x3FA5] =	sst s2  }
0xb: {  	[smem:$0x3FA6] =	sst s3  }
0xc: {  	[smem:$0x3FA7] =	sst s4  }
0xd: {  	[smem:$0x3FA8] =	sst s5  }
0xe: {  	[smem:$0x3FA9] =	sst s6  }
0xf: {  	[smem:$0x3FAA] =	sst s7  }
0x10: {  	[smem:$0x3FAB] =	sst s8  }
0x11: {  	[smem:$0x3FAC] =	sst s9;
	s0 =	simm.s32 @!p0 $0x0  }
0x12: {  	s1 =	sld [smem:$0x3F92];
	s0 =	simm.s32 @p0 $0x1  }
0x13: {  	[smem:$0x3FAD] =	sst s0;
	s0 =	simm.s32 @!p1 $0x0  }
0x14: {  	s2 =	sld [smem:$0x3F91];
	s0 =	simm.s32 @p1 $0x1  }
0x15: {  	[smem:$0x3FAE] =	sst s0;
	s0 =	simm.s32 @!p2 $0x0  }
0x16: {  	s3 =	sld [smem:$0x3FDB];
	s0 =	simm.s32 @p2 $0x1  }
0x17: {  	s4 =	simm.s32 $0x1BF5;
	[smem:$0x3FB0] =	sst s0  }
0x18: {  	s0 =	sld [smem:$0x3F93];
	_ =	swait.ge [sflag:s4], $0x0  }
0x19: {  	s7 =	sld [smem:$0x3F94]  }
0x1a: {  	s8 =	sadd.s32 $0xFFFFE003, lr  }
0x1b: {  	s9 =	sadd.s32 $0xFFFFFEF7, lr;
	s5 =	simm.s32 $0xFFFFFFFF;
	p2 =	slt.u32 s8, $0xFFFFF086  }
0x1c: {  	p1 =	slt.u32 s9, $0xF7A;
	s5 =	simm.s32 @!p2 $0x0  }
0x1d: {  	s5 =	simm.s32 @p1 $0x1;
	p0 =	seq.s32 s7, s2  }
0x1e: {  	s7 =	smul.u32 @!p0 $0xF7A, s2;
	p2 =	seq.s32 @!p0 s5, $0x0  }
0x1f: {  	s9 =	smul.u32 $0xF7A, s1;
	s8 =	simm.s32 @!p0 $0x1BF5;
	p2 =	por !p2, p0  }
0x20: {  	[sflag:s8] =	ssyncset.s32 @!p0 $0xFFFFF086;
	s6 =	sadd.s32 @!p0 s3, s7;
	s7 =	simm.s32 @!p0 $0x108  }
0x21: {  	s3 =	sadd.s32 s3, s9;
	s6 =	sadd.s32 @!p0 $0x88, s6;
	s7 =	simm.s32 @p2 $0x1082  }
0x22: {  	[simem:s7], [sflag:s8] =	dma.local @!p0 [hbm:s6], $0xF7A  }
0x23: {  	s9 =	sor.u32 $0xD0000000, s2;
	s6 =	simm.s32 $0x108;
	_ =	swait.ge @!p0 [sflag:s8], $0x0  }
0x24: {  	s3 =	sadd.s32 $0x88, s3;
	s6 =	simm.s32 @!p1 $0x1082;
	[sflag:s4] =	ssyncset.s32 $0xFFFFF086  }
0x25: {  	[simem:s6], [sflag:s4] =	dma.local [hbm:s3], $0xF7A  }
0x26: {  	[smem:$0x3F94] =	sst s1;
	(tag) =	ssettag s2;
	_ =	strace s9  }
0x27: {  	s1 =	sld [smem:$0x3FA4]  }
0x28: {  	s2 =	sld [smem:$0x3FA5]  }
0x29: {  	s4 =	sld [smem:$0x3FA7]  }
0x2a: {  	p0 =	seq.s32 s5, $0x0;
	s5 =	sld [smem:$0x3FA8]  }
0x2b: {  	s6 =	sld [smem:$0x3FA9]  }
0x2c: {  	s7 =	sld [smem:$0x3FAA]  }
0x2d: {  	s3 =	simm.s32 $0x108;
	s8 =	sld [smem:$0x3FAB]  }
0x2e: {  	s3 =	simm.s32 @!p0 $0x1082;
	s9 =	sld [smem:$0x3FAC]  }
0x2f: {  	lr =	sadd.s32 s0, s3;
	s0 =	sld [smem:$0x3FA3]  }
0x30: {  	s3 =	sld [smem:$0x3FA6]  }
0x31: {  	[smem:$0x3FAF] =	sst s10  }
0x32: {  	s10 =	sld [smem:$0x3FAD];
	_ =	sdelay $0x3  }
0x33: {  	p0 =	seq.s32 s10, $0x1;
	s10 =	sld [smem:$0x3FAF];
	_ =	sdelay $0x3  }
0x34: {  	[smem:$0x3FAF] =	sst s10  }
0x35: {  	s10 =	sld [smem:$0x3FAE];
	_ =	sdelay $0x3  }
0x36: {  	p1 =	seq.s32 s10, $0x1;
	s10 =	sld [smem:$0x3FAF];
	_ =	sdelay $0x3  }
0x37: {  	[smem:$0x3FAF] =	sst s10  }
0x38: {  	s10 =	sld [smem:$0x3FB0]  }
0x39: {  	_ = 	snop;
	(pc) =	sbr.ind lr, $3  }
0x3a: {  	_ = 	snop  }
0x3b: {  	_ = 	snop  }
0x3c: {  	p2 =	seq.s32 s10, $0x1;
	s10 =	sld [smem:$0x3FAF]  }
0x3d: {  	_ =	shalt  }
0x3e: {  	_ =	shalt  }
0x3f: {  	_ =	shalt  }
0x40: {  	_ =	shalt  }
0x41: {  	_ =	shalt  }
0x42: {  	_ =	shalt  }
0x43: {  	_ =	shalt  }
0x44: {  	_ =	shalt  }
0x45: {  	_ =	shalt  }
0x46: {  	_ =	shalt  }
0x47: {  	_ =	shalt  }
0x48: {  	_ =	shalt  }
0x49: {  	_ =	shalt  }
0x4a: {  	_ =	shalt  }
0x4b: {  	_ =	shalt  }
0x4c: {  	_ =	shalt  }
0x4d: {  	_ =	shalt  }
0x4e: {  	_ =	shalt  }
0x4f: {  	_ =	shalt  }
0x50: {  	_ =	shalt  }
0x51: {  	_ =	shalt  }
0x52: {  	_ =	shalt  }
0x53: {  	_ =	shalt  }
0x54: {  	_ =	shalt  }
0x55: {  	_ =	shalt  }
0x56: {  	_ =	shalt  }
0x57: {  	_ =	shalt  }
0x58: {  	_ =	shalt  }
0x59: {  	_ =	shalt  }
0x5a: {  	_ =	shalt  }
0x5b: {  	_ =	shalt  }
0x5c: {  	_ =	shalt  }
0x5d: {  	_ =	shalt  }
0x5e: {  	_ =	shalt  }
0x5f: {  	_ =	shalt  }
0x60: {  	_ =	shalt  }
0x61: {  	_ =	shalt  }
0x62: {  	_ =	shalt  }
0x63: {  	_ =	shalt  }
0x64: {  	_ =	shalt  }
0x65: {  	_ =	shalt  }
0x66: {  	_ =	shalt  }
0x67: {  	_ =	shalt  }
0x68: {  	_ =	shalt  }
0x69: {  	_ =	shalt  }
0x6a: {  	_ =	shalt  }
0x6b: {  	_ =	shalt  }
0x6c: {  	_ =	shalt  }
0x6d: {  	_ =	shalt  }
0x6e: {  	_ =	shalt  }
0x6f: {  	_ =	shalt  }
0x70: {  	_ =	shalt  }
0x71: {  	_ =	shalt  }
0x72: {  	_ =	shalt  }
0x73: {  	_ =	shalt  }
0x74: {  	_ =	shalt  }
0x75: {  	_ =	shalt  }
0x76: {  	_ =	shalt  }
0x77: {  	_ =	shalt  }
0x78: {  	_ =	shalt  }
0x79: {  	_ =	shalt  }
0x7a: {  	_ =	shalt  }
0x7b: {  	_ =	shalt  }
0x7c: {  	_ =	shalt  }
0x7d: {  	_ =	shalt  }
0x7e: {  	_ =	shalt  }
0x7f: {  	_ =	shalt  }
0x80: {  	_ =	shalt  }
0x81: {  	_ =	shalt  }
0x82: {  	_ =	shalt  }
0x83: {  	_ =	shalt  }
0x84: {  	_ =	shalt  }
0x85: {  	_ =	shalt  }
0x86: {  	_ =	shalt  }
0x87: {  	_ =	shalt  }
.Lfunc_end0:
.L_simem_size_0:
called_computation.4_lowered:
.L_overlay_start_0:
0x88: {  	s2 =	sld [smem:$0x3FD9]  }
0x89: {  	s3 =	sld [smem:$0x3FFE];
	_ =	sdelay $0x1  }
0x8a: {  	s1 =	srdreg.scid  }
0x8b: {  	s0 =	sand.u32 $0x1, s1  }
0x8c: {  	s17 =	sshll.u32 s0, $0xA;
	s2 =	sadd.s32 s3, s2  }
0x8d: {  	s2 =	sadd.s32 s2, s17  }
0x8e: {  	[smem:$0x3FBB] =	sst s2  }
0x8f: {  	_ = 	snop  }
0x90: {  	s2 =	sld [smem:$0x3FD0];
	(tm) =	ssettm $0x1  }
0x91: {  	s18 =	sld [smem:$0x3FFB];
	_ =	sdelay $0x3  }
0x92: {  	_ =	strace s18  }
0x93: {  	s3 =	sld [smem:$0x3FFC];
	_ =	sdelay $0x3  }
0x94: {  	_ =	strace s3  }
0x95: {  	s3 =	sld [smem:$0x3FFD];
	_ =	sdelay $0x3  }
0x96: {  	_ =	strace s3  }
0x97: {  	_ =	strace $0x8FFFFFFF  }
0x98: {  	s19 =	sld [smem:$0x3FDB];
	_ =	sdelay $0x1  }
0x99: {  	s4 =	simm.s32 $_scs_section_size  }
0x9a: {  	s5 =	simm.s32 $_size__tile_overlayer_lowered;
	s6 =	simm.s32 $_tile_overlayer_lowered  }
0x9b: {  	s22 =	simm.s32 $0x1BFF;
	s21 =	sshll.u32 s6, $0x1;
	s3 =	sadd.s32 s4, s19  }
0x9c: {  	s7 =	simm.s32 $0x0;
	s20 =	sshll.u32 s5, $0x1;
	s5 =	sadd.s32 s21, s3  }
0x9d: {  	[timem:s7], [sflag:s22] =	dma.local [hbm:s5], s20  }
0x9e: {  	_ =	swait.ge [sflag:s22], s20  }
0x9f: {  	s4 =	ssub.s32 $0x0, s20;
	[sflag:s22] =	ssyncset.done $0x0  }
0xa0: {  	[sflag:s22] =	ssyncadd.s32 s4;
	_ =	sdelay $0x1  }
0xa1: {  	s23 =	simm.s32 $0x1B8B  }
0xa2: {  	_ =	swait.ge [sflag:s23], $0x1  }
0xa3: {  	[sflag:s23] =	ssyncset.done $0x0  }
0xa4: {  	s25 =	simm.s32 $0x1B8E;
	s24 =	sld [smem:$0x3FFE];
	[sflag:s23] =	ssyncadd.s32 $0xFFFFFFFF  }
0xa5: {  	s26 =	simm.s32 $execute0_lowered;
	[smem:$0x3FD2] =	sst s25  }
0xa6: {  	s5 =	sshll.u32 s26, $0x1;
	_ =	strace $0x80000052;
	[dreg:$0x1] =	wrdreg $0xFFFFFFFF  }
0xa7: {  	s28 =	simm.s32 $_size_execute0_lowered;
	s3 =	sadd.s32 s3, s5;
	[dreg:$0x0] =	wrdreg $0x0  }
0xa8: {  	s5 =	sshll.u32 s28, $0x1;
	[dreg:$0x2] =	wrdreg s3  }
0xa9: {  	[dreg:$0x3] =	wrdreg s5  }
0xaa: {  	[dreg:$0x4] =	wrdreg $0xC0  }
0xab: {  	_ =	task [dreg:s7], $0x5FFFF  }
0xac: {  	[dreg:$0x1] =	wrdreg $0xFFFFFFFF  }
0xad: {  	[dreg:$0x0] =	wrdreg $0x60  }
0xae: {  	[dreg:$0x2] =	wrdreg s2  }
0xaf: {  	[dreg:$0x3] =	wrdreg s24  }
0xb0: {  	[dreg:$0x4] =	wrdreg $0x9  }
0xb1: {  	_ =	task.clear_ibuf [dreg:s7], $0x5FFFF;
	_ =	strace $0x90000052  }
0xb2: {  	s29 =	simm.s32 $0x9;
	_ =	strace $0x80000054  }
0xb3: {  	_ =	swait.ge [sflag:s29], $0x1  }
0xb4: {  	[sflag:s29] =	ssyncadd.s32 $0xFFFFFFFF  }
0xb5: {  	_ =	strace $0x90000054  }
0xb6: {  	_ =	sfence  }
0xb7: {  	s30 =	sld [smem:$0x0];
	_ =	sdelay $0x2  }
0xb8: {  	s31 =	sshll.u32 s1, $0xD;
	s1 =	sshrl.u32 s1, $0x2  }
0xb9: {  	s3 =	sand.u32 $0x4000, s31;
	s1 =	sadd.s32 s1, s30  }
0xba: {  	s0 =	sor.u32 s3, s0;
	s1 =	sshll.u32 s1, $0x11  }
0xbb: {  	s0 =	sor.u32 s1, s0  }
0xbc: {  	s0 =	sadd.s32 $0x8F2B, s0  }
0xbd: {  	[sflag:s0] =	ssyncadd.remote.s32 $0x1  }
0xbe: {  	_ =	sfence.sel $0xFFFF  }
0xbf: {  	[dreg:$0x0] =	wrdreg $0xFFFFFFFF;
	(pc) =	sbr.abs _section_cstart, $3  }
0xc0: {  	[dreg:$0x1] =	wrdreg $0xFFFFFFFF  }
0xc1: {  	_ =	task.clear_ibuf [dreg:s7], $0x2FFFF;
	_ =	strace $0x9FFFFFFF  }
0xc2: {  	(tm) =	ssettm $0x7FFFFFFF  }
0xc3: {  	_ =	shalt  }
tec
execute0_lowered:
.L_overlay_start_1:
0x0: {  	(tag) =	ssettag $0x1  }
0x1: {  	s1 =	rddreg [dreg:$0x0]  }
0x2: {  	s12 =	rddreg [dreg:$0x1]  }
0x3: {  	s0 =	rddreg [dreg:$0x2]  }
0x4: {  	s2 =	simm.s32 $0x0;
	s3 =	srdreg.scid;
	s16 =	simm.s32 $0x80  }
0x5: {  	s17 =	simm.s32 $0x100;
	s18 =	simm.s32 $0x280;
	s19 =	simm.s32 $0x300  }
0x6: {  	s20 =	simm.s32 $0x4300;
	s21 =	simm.s32 $0x1;
	s22 =	simm.s32 $0x2  }
0x7: {  	s23 =	simm.s32 $0x0;
	[smem:$0x7FF] =	sst s2;
	s9 =	sand.u32 $0x1, s3  }
0x8: {  	s4 =	sadd.s32 $0x28E00, s12;
	s3 =	stileid.u32;
	s5 =	sadd.s32 $0xA200, s12  }
0x9: {  	s6 =	sadd.s32 $0x47E00, s12;
	s8 =	sadd.s32 $0x1AE00, s12;
	s7 =	sshll.u32 s9, $0x4  }
.Ltmp0:
0xa: {  	s10 =	sadd.s32 $0x1AC00, s12;
	s7 =	sor.u32 s3, s7;
	(pc) =	sbr.rel .LBB2_1-.Ltmp0, $4  }
0xb: {  	s11 =	sadd.s32 $0x25200, s12;
	s14 =	ssub.s32 $0x2, s9;
	s13 =	smul.u32 $0x1400, s7  }
0xc: {  	_ =	strace $0x80000053;
	s9 =	sadd.s32 $0x1AA00, s12;
	s15 =	sshrl.u32 s14, $0x1  }
0xd: {  	s31 =	ssub.s32 s14, s15;
	s14 =	simm.s32 $0x8300;
	s12 =	sadd.s32 s13, s12  }
0xe: {  	s15 =	simm.s32 $0x3;
	s13 =	smax.u32 s31, $0x1;
	s12 =	sadd.s32 $0x52200, s12  }
.LBB2_5:
0xf: {  	s23 =	sadd.s32 $0x1, s23  }
0x10: {  	p0 =	sne.s32 s23, s13  }
.Ltmp1:
0x11: {  	_ = 	snop;
	(pc) =	sbr.rel @!p0 .LBB2_6-.Ltmp1, $4  }
0x12: {  	[hbm4b:s12+s2] =	stream.linear.scatter [tilespmem:s14], [sflag:$0x3], $0xA000, $0x38;
	[tilespmem:$0x12700] =	vst v63  }
0x13: {  	_ =	swait.ge [sflag:s15], $0xA000  }
0x14: {  	[sflag:s15] =	ssyncset.done $0x0  }
0x15: {  	[sflag:s15] =	ssyncadd.s32 $0xFFFF6000  }
.LBB2_1:
0x16: {  	[tilespmem:s14], [sflag:$0x3] =	stream.linear.gather [hbm4b:s11+s2], $0xA400, $0x38;
	[tilespmem:$0x12700] =	vst v63  }
0x17: {  	_ =	swait.ge [sflag:s15], $0xA400  }
0x18: {  	[sflag:s15] =	ssyncset.done $0x0  }
0x19: {  	[sflag:s15] =	ssyncadd.s32 $0xFFFF5C00  }
0x1a: {  	[tilespmem:s2], [sflag:$0x3] =	stream.linear.gather [hbm4b:s9+s2], $0x80, $0x38;
	[tilespmem:$0x12700] =	vst v63  }
0x1b: {  	_ =	swait.ge [sflag:s15], $0x80  }
0x1c: {  	[sflag:s15] =	ssyncset.done $0x0  }
0x1d: {  	[sflag:s15] =	ssyncadd.s32 $0xFFFFFF80  }
0x1e: {  	[tilespmem:s16], [sflag:$0x3] =	stream.linear.gather [hbm4b:s10+s2], $0x80, $0x38;
	[tilespmem:$0x12700] =	vst v63  }
0x1f: {  	_ =	swait.ge [sflag:s15], $0x80  }
0x20: {  	[sflag:s15] =	ssyncset.done $0x0  }
0x21: {  	[sflag:s15] =	ssyncadd.s32 $0xFFFFFF80  }
0x22: {  	v0 =	vld [tilespmem:s7+$0x0]  }
0x23: {  	v1 =	vld [tilespmem:s7+$0x80];
	_ =	sdelay $0x3  }
0x24: {  	(v2sf) =	vpush v0, $0x0  }
0x25: {  	(v2sf) =	vpush v1, $0x0;
	_ =	sdelay $0xd  }
0x26: {  	s24 =	spop (v2sf)  }
0x27: {  	s25 =	spop (v2sf)  }
0x28: {  	p0 =	slt.s32 s25, $0x1  }
.Ltmp2:
0x29: {  	_ = 	snop;
	(pc) =	sbr.rel @p0 .LBB2_5-.Ltmp2, $2  }
0x2a: {  	_ =	sdelay $0x2  }
0x2b: {  	s26 =	simm.s32 $0x0  }
.LBB2_2:
0x2c: {  	s28 =	sshll.u32 s26, $0x7  }
0x2d: {  	s28 =	sadd.s32 s24, s28  }
0x2e: {  	s28 =	sshrl.u32 s28, $0x3  }
0x2f: {  	s29 =	sand.u32 $0x1FFFFFF0, s28  }
0x30: {  	s30 =	simm.s32 $0x0;
	s28 =	sadd.s32 s5, s29  }
0x31: {  	[tilespmem:s17], [sflag:$0x3] =	stream.linear.gather [hbm4b:s28+s30], $0x80, $0x38;
	[tilespmem:$0x12700] =	vst v63  }
0x32: {  	_ =	swait.ge [sflag:s15], $0x80  }
0x33: {  	[sflag:s15] =	ssyncset.done $0x0  }
0x34: {  	s31 =	sadd.s32 s6, s29;
	s28 =	simm.s32 $0x180;
	[sflag:s15] =	ssyncadd.s32 $0xFFFFFF80  }
0x35: {  	[tilespmem:s28], [sflag:$0x3] =	stream.linear.gather [hbm4b:s31+s30], $0x80, $0x38;
	[tilespmem:$0x12700] =	vst v63  }
0x36: {  	_ =	swait.ge [sflag:s15], $0x80  }
0x37: {  	[sflag:s15] =	ssyncset.done $0x0  }
0x38: {  	s29 =	sadd.s32 s8, s29;
	[sflag:s15] =	ssyncadd.s32 $0xFFFFFF80  }
0x39: {  	[tilespmem:s18], [sflag:$0x3] =	stream.linear.gather [hbm4b:s29+s30], $0x80, $0x38;
	[tilespmem:$0x12700] =	vst v63  }
0x3a: {  	_ =	swait.ge [sflag:s15], $0x80  }
0x3b: {  	[sflag:s15] =	ssyncset.done $0x0  }
0x3c: {  	[sflag:s15] =	ssyncadd.s32 $0xFFFFFF80  }
0x3d: {  	[tilespmem:s19], [sflag:$0x1] =	stream.indirect.gather [hbm4b:s1+s16], $0x80, s17, s16, $0xb8;
	[tilespmem:$0x12700] =	vst v63  }
0x3e: {  	_ = 	snop  }
0x3f: {  	[tilespmem:s20], [sflag:$0x2] =	stream.indirect.gather [hbm4b:s4+s16], $0x80, s18, s16, $0xb8;
	[tilespmem:$0x12700] =	vst v63  }
0x40: {  	_ =	swait.ge [sflag:s21], $0x4000  }
0x41: {  	[sflag:s21] =	ssyncset.done $0x0  }
0x42: {  	[sflag:s21] =	ssyncadd.s32 $0xFFFFC000  }
0x43: {  	_ =	swait.ge [sflag:s22], $0x4000  }
0x44: {  	[sflag:s22] =	ssyncset.done $0x0  }
0x45: {  	[sflag:s22] =	ssyncadd.s32 $0xFFFFC000  }
0x46: {  	v0 =	vld [tilespmem:s28+$0x0];
	_ =	sdelay $0x4  }
0x47: {  	(v2sf) =	vpush v0, $0x0;
	_ =	sdelay $0xd  }
0x48: {  	s31 =	simm.s32 $0x0  }
0x49: {  	v1 =	vld [tilespmem:s31+$0x300];
	s29 =	spop (v2sf)  }
0x4a: {  	v0 =	vld [tilespmem:s31+$0x4300];
	s29 =	sshll.u32 s29, $0x9  }
0x4b: {  	s29 =	sshra.s32 s29, $0x2  }
0x4c: {  	v2 =	vld [tilespmem:s29+$0x8300];
	_ =	sdelay $0x2  }
0x4d: {  	v0 =	vadd.f32 v0, v1;
	_ =	sdelay $0x1  }
0x4e: {  	v0 =	vadd.f32 v0, v2;
	_ =	sdelay $0x1  }
0x4f: {  	[tilespmem:s29+$0x8300] =	vst v0  }
0x50: {  	v0 =	vld [tilespmem:s31+$0x310]  }
0x51: {  	v1 =	vld [tilespmem:s31+$0x4310];
	_ =	sdelay $0x1  }
0x52: {  	v2 =	vld [tilespmem:s29+$0x8310];
	_ =	sdelay $0x2  }
0x53: {  	v0 =	vadd.f32 v1, v0;
	_ =	sdelay $0x1  }
0x54: {  	v0 =	vadd.f32 v0, v2;
	_ =	sdelay $0x1  }
0x55: {  	[tilespmem:s29+$0x8310] =	vst v0  }
0x56: {  	v0 =	vld [tilespmem:s31+$0x320]  }
0x57: {  	v1 =	vld [tilespmem:s31+$0x4320];
	_ =	sdelay $0x1  }
0x58: {  	v2 =	vld [tilespmem:s29+$0x8320];
	_ =	sdelay $0x2  }
0x59: {  	v0 =	vadd.f32 v1, v0;
	_ =	sdelay $0x1  }
0x5a: {  	v0 =	vadd.f32 v0, v2;
	_ =	sdelay $0x1  }
0x5b: {  	[tilespmem:s29+$0x8320] =	vst v0  }
0x5c: {  	v0 =	vld [tilespmem:s31+$0x330]  }
0x5d: {  	v1 =	vld [tilespmem:s31+$0x4330];
	_ =	sdelay $0x1  }
0x5e: {  	v2 =	vld [tilespmem:s29+$0x8330];
	_ =	sdelay $0x2  }
0x5f: {  	v0 =	vadd.f32 v1, v0;
	_ =	sdelay $0x1  }
0x60: {  	v0 =	vadd.f32 v0, v2;
	_ =	sdelay $0x1  }
0x61: {  	[tilespmem:s29+$0x8330] =	vst v0  }
0x62: {  	v0 =	vld [tilespmem:s31+$0x340]  }
0x63: {  	v1 =	vld [tilespmem:s31+$0x4340];
	_ =	sdelay $0x1  }
0x64: {  	v2 =	vld [tilespmem:s29+$0x8340];
	_ =	sdelay $0x2  }
0x65: {  	v0 =	vadd.f32 v1, v0;
	_ =	sdelay $0x1  }
0x66: {  	v0 =	vadd.f32 v0, v2;
	_ =	sdelay $0x1  }
0x67: {  	[tilespmem:s29+$0x8340] =	vst v0  }
0x68: {  	v0 =	vld [tilespmem:s31+$0x350]  }
0x69: {  	v2 =	vld [tilespmem:s31+$0x4350];
	_ =	sdelay $0x1  }
0x6a: {  	v1 =	vld [tilespmem:s29+$0x8350];
	_ =	sdelay $0x2  }
0x6b: {  	v0 =	vadd.f32 v2, v0;
	_ =	sdelay $0x1  }
0x6c: {  	v0 =	vadd.f32 v0, v1;
	_ =	sdelay $0x1  }
0x6d: {  	[tilespmem:s29+$0x8350] =	vst v0  }
0x6e: {  	v0 =	vld [tilespmem:s31+$0x360]  }
0x6f: {  	v2 =	vld [tilespmem:s31+$0x4360];
	_ =	sdelay $0x1  }
0x70: {  	v1 =	vld [tilespmem:s29+$0x8360];
	_ =	sdelay $0x2  }
0x71: {  	v0 =	vadd.f32 v2, v0;
	_ =	sdelay $0x1  }
0x72: {  	v1 =	vadd.f32 v0, v1;
	_ =	sdelay $0x1  }
0x73: {  	v0 =	vld [tilespmem:s29+$0x8370];
	[tilespmem:s29+$0x8360] =	vst v1  }
0x74: {  	v1 =	vld [tilespmem:s31+$0x370]  }
0x75: {  	s30 =	simm.s32 $0x200;
	v2 =	vld [tilespmem:s31+$0x4370]  }
.LBB2_3:
0x76: {  	p0 =	sne.s32 s30, $0xFE00  }
0x77: {  	s28 =	sadd.s32 $0x1, s28;
	s31 =	smov.u32 s30;
	s30 =	sadd.s32 $0x200, s30  }
0x78: {  	_ =	sdelay $0x1  }
0x79: {  	v1 =	vadd.f32 v2, v1;
	_ =	sdelay $0x1  }
0x7a: {  	v0 =	vadd.f32 v1, v0;
	_ =	sdelay $0x1  }
0x7b: {  	[tilespmem:s29+$0x8370] =	vst v0  }
0x7c: {  	v0 =	vld [tilespmem:s28+$0x0];
	_ =	sdelay $0x4  }
0x7d: {  	(v2sf) =	vpush v0, $0x0;
	_ =	sdelay $0xd  }
0x7e: {  	s31 =	sshra.s32 s31, $0x2  }
0x7f: {  	v0 =	vld [tilespmem:s31+$0x4300];
	s29 =	spop (v2sf)  }
0x80: {  	s29 =	sshll.u32 s29, $0x9;
	v1 =	vld [tilespmem:s31+$0x300]  }
0x81: {  	s29 =	sshra.s32 s29, $0x2  }
0x82: {  	v2 =	vld [tilespmem:s29+$0x8300];
	_ =	sdelay $0x2  }
0x83: {  	v0 =	vadd.f32 v0, v1;
	_ =	sdelay $0x1  }
0x84: {  	v0 =	vadd.f32 v0, v2;
	_ =	sdelay $0x1  }
0x85: {  	[tilespmem:s29+$0x8300] =	vst v0  }
0x86: {  	v0 =	vld [tilespmem:s31+$0x310]  }
0x87: {  	v1 =	vld [tilespmem:s31+$0x4310]  }
0x88: {  	v2 =	vld [tilespmem:s29+$0x8310];
	_ =	sdelay $0x3  }
0x89: {  	v0 =	vadd.f32 v1, v0;
	_ =	sdelay $0x1  }
0x8a: {  	v0 =	vadd.f32 v0, v2;
	_ =	sdelay $0x1  }
0x8b: {  	[tilespmem:s29+$0x8310] =	vst v0;
	v0 =	vld [tilespmem:s29+$0x8320]  }
0x8c: {  	v1 =	vld [tilespmem:s31+$0x320]  }
0x8d: {  	v2 =	vld [tilespmem:s31+$0x4320];
	_ =	sdelay $0x4  }
0x8e: {  	v1 =	vadd.f32 v2, v1;
	_ =	sdelay $0x1  }
0x8f: {  	v0 =	vadd.f32 v1, v0;
	_ =	sdelay $0x1  }
0x90: {  	[tilespmem:s29+$0x8320] =	vst v0;
	v0 =	vld [tilespmem:s29+$0x8330]  }
0x91: {  	v1 =	vld [tilespmem:s31+$0x330]  }
0x92: {  	v2 =	vld [tilespmem:s31+$0x4330];
	_ =	sdelay $0x4  }
0x93: {  	v1 =	vadd.f32 v2, v1;
	_ =	sdelay $0x1  }
0x94: {  	v0 =	vadd.f32 v1, v0;
	_ =	sdelay $0x1  }
0x95: {  	[tilespmem:s29+$0x8330] =	vst v0;
	v0 =	vld [tilespmem:s29+$0x8340]  }
0x96: {  	v1 =	vld [tilespmem:s31+$0x340]  }
0x97: {  	v2 =	vld [tilespmem:s31+$0x4340];
	_ =	sdelay $0x4  }
0x98: {  	v1 =	vadd.f32 v2, v1;
	_ =	sdelay $0x1  }
0x99: {  	v0 =	vadd.f32 v1, v0  }
0x9a: {  	v1 =	vld [tilespmem:s29+$0x8350]  }
0x9b: {  	[tilespmem:s29+$0x8340] =	vst v0  }
0x9c: {  	v0 =	vld [tilespmem:s31+$0x350]  }
0x9d: {  	v2 =	vld [tilespmem:s31+$0x4350];
	_ =	sdelay $0x4  }
0x9e: {  	v0 =	vadd.f32 v2, v0;
	_ =	sdelay $0x1  }
0x9f: {  	v0 =	vadd.f32 v0, v1;
	v1 =	vld [tilespmem:s29+$0x8360];
	_ =	sdelay $0x1  }
0xa0: {  	[tilespmem:s29+$0x8350] =	vst v0  }
0xa1: {  	v0 =	vld [tilespmem:s31+$0x360]  }
0xa2: {  	v2 =	vld [tilespmem:s31+$0x4360];
	_ =	sdelay $0x4  }
0xa3: {  	v2 =	vadd.f32 v2, v0  }
0xa4: {  	v0 =	vld [tilespmem:s29+$0x8370]  }
.Ltmp3:
0xa5: {  	v1 =	vadd.f32 v2, v1;
	(pc) =	sbr.rel @p0 .LBB2_3-.Ltmp3, $4  }
0xa6: {  	_ = 	snop  }
0xa7: {  	[tilespmem:s29+$0x8360] =	vst v1  }
0xa8: {  	v1 =	vld [tilespmem:s31+$0x370]  }
0xa9: {  	v2 =	vld [tilespmem:s31+$0x4370]  }
0xaa: {  	_ =	sdelay $0x1  }
0xab: {  	s26 =	sadd.s32 $0x1, s26  }
0xac: {  	p0 =	sne.s32 s26, s25  }
.Ltmp4:
0xad: {  	v1 =	vadd.f32 v2, v1;
	(pc) =	sbr.rel @p0 .LBB2_2-.Ltmp4, $4  }
.Ltmp5:
0xae: {  	_ = 	snop;
	(pc) =	sbr.rel @!p0 .LBB2_5-.Ltmp5, $4  }
0xaf: {  	v0 =	vadd.f32 v1, v0  }
0xb0: {  	_ = 	snop  }
0xb1: {  	[tilespmem:s29+$0x8370] =	vst v0  }
0xb2: {  	_ = 	snop  }
.LBB2_6:
0xb3: {  	_ =	sfence.sel $0x180000  }
0xb4: {  	[bflag:$0x0] =	sbarrier.arrive $0xFFFF  }
0xb5: {  	p0 =	sne.s32 s3, $0x0;
	_ =	strace $0x90000053  }
0xb6: {  	s0 =	sadd.s32 @!p0 $0x100000, s0;
	[bflag:$0x2] =	sbarrier.arrive $0xFFFF  }
0xb7: {  	[sflag:s0] =	ssyncadd.tile.s32 @!p0 $0x1;
	_ =	shalt  }
.Lfunc_end2:
_tile_overlayer_lowered:
.L_overlay_start_2:
0xb8: {  	(tag) =	ssettag $0x2  }
0xb9: {  	s0 =	rddreg [dreg:$0x0];
	s2 =	stileid.u32  }
0xba: {  	s1 =	rddreg [dreg:$0x1];
	p0 =	sne.s32 s2, $0x0  }
0xbb: {  	s3 =	rddreg [dreg:$0x2];
	[bflag:$0x3] =	sbarrier.arrive $0xFFFF;
	s2 =	simm.s32 @!p0 $0x1C03  }
0xbc: {  	[timem:s3], [sflag:s2] =	dma.local @!p0 [hbm:s0], s1  }
0xbd: {  	s0 =	simm.s32 @!p0 $0x3  }
0xbe: {  	_ =	swait.ge @!p0 [sflag:s0], s1  }
0xbf: {  	s1 =	ssub.s32 @!p0 $0x0, s1;
	[sflag:s0] =	ssyncset.done @!p0 $0x0  }
0xc0: {  	[sflag:s0] =	ssyncadd.s32 @!p0 s1  }
0xc1: {  	[bflag:$0x3] =	sbarrier.arrive $0xFFFF  }
0xc2: {  	_ =	shalt  }

// kernel: kernel.17.cloned.1.call-start
scs
__scs_entry_jumppad:
0x0: {  	(pc) =	sbr.rel $0x88, $3  }
0x1: {  	(tag) =	ssettag $0x0;
	lr =	simm.s32 $0x1  }
0x2: {  	[smem:$0x3F94] =	sst lr;
	_ =	strace $0xD0000000  }
0x3: {  	_ = 	snop  }
0x4: {  	_ = 	snop  }
0x5: {  	_ = 	snop  }
0x6: {  	_ = 	snop  }
0x7: {  	_ = 	snop  }
__scs_overlays_trampoline_lowered:
0x8: {  	[smem:$0x3FA3] =	sst s0  }
0x9: {  	[smem:$0x3FA4] =	sst s1  }
0xa: {  	[smem:$0x3FA5] =	sst s2  }
0xb: {  	[smem:$0x3FA6] =	sst s3  }
0xc: {  	[smem:$0x3FA7] =	sst s4  }
0xd: {  	[smem:$0x3FA8] =	sst s5  }
0xe: {  	[smem:$0x3FA9] =	sst s6  }
0xf: {  	[smem:$0x3FAA] =	sst s7  }
0x10: {  	[smem:$0x3FAB] =	sst s8  }
0x11: {  	[smem:$0x3FAC] =	sst s9;
	s0 =	simm.s32 @!p0 $0x0  }
0x12: {  	s1 =	sld [smem:$0x3F92];
	s0 =	simm.s32 @p0 $0x1  }
0x13: {  	[smem:$0x3FAD] =	sst s0;
	s0 =	simm.s32 @!p1 $0x0  }
0x14: {  	s2 =	sld [smem:$0x3F91];
	s0 =	simm.s32 @p1 $0x1  }
0x15: {  	[smem:$0x3FAE] =	sst s0;
	s0 =	simm.s32 @!p2 $0x0  }
0x16: {  	s3 =	sld [smem:$0x3FDB];
	s0 =	simm.s32 @p2 $0x1  }
0x17: {  	s4 =	simm.s32 $0x1BF5;
	[smem:$0x3FB0] =	sst s0  }
0x18: {  	s0 =	sld [smem:$0x3F93];
	_ =	swait.ge [sflag:s4], $0x0  }
0x19: {  	s7 =	sld [smem:$0x3F94]  }
0x1a: {  	s8 =	sadd.s32 $0xFFFFE003, lr  }
0x1b: {  	s9 =	sadd.s32 $0xFFFFFEF7, lr;
	s5 =	simm.s32 $0xFFFFFFFF;
	p2 =	slt.u32 s8, $0xFFFFF086  }
0x1c: {  	p1 =	slt.u32 s9, $0xF7A;
	s5 =	simm.s32 @!p2 $0x0  }
0x1d: {  	s5 =	simm.s32 @p1 $0x1;
	p0 =	seq.s32 s7, s2  }
0x1e: {  	s7 =	smul.u32 @!p0 $0xF7A, s2;
	p2 =	seq.s32 @!p0 s5, $0x0  }
0x1f: {  	s9 =	smul.u32 $0xF7A, s1;
	s8 =	simm.s32 @!p0 $0x1BF5;
	p2 =	por !p2, p0  }
0x20: {  	[sflag:s8] =	ssyncset.s32 @!p0 $0xFFFFF086;
	s6 =	sadd.s32 @!p0 s3, s7;
	s7 =	simm.s32 @!p0 $0x108  }
0x21: {  	s3 =	sadd.s32 s3, s9;
	s6 =	sadd.s32 @!p0 $0x88, s6;
	s7 =	simm.s32 @p2 $0x1082  }
0x22: {  	[simem:s7], [sflag:s8] =	dma.local @!p0 [hbm:s6], $0xF7A  }
0x23: {  	s9 =	sor.u32 $0xD0000000, s2;
	s6 =	simm.s32 $0x108;
	_ =	swait.ge @!p0 [sflag:s8], $0x0  }
0x24: {  	s3 =	sadd.s32 $0x88, s3;
	s6 =	simm.s32 @!p1 $0x1082;
	[sflag:s4] =	ssyncset.s32 $0xFFFFF086  }
0x25: {  	[simem:s6], [sflag:s4] =	dma.local [hbm:s3], $0xF7A  }
0x26: {  	[smem:$0x3F94] =	sst s1;
	(tag) =	ssettag s2;
	_ =	strace s9  }
0x27: {  	s1 =	sld [smem:$0x3FA4]  }
0x28: {  	s2 =	sld [smem:$0x3FA5]  }
0x29: {  	s4 =	sld [smem:$0x3FA7]  }
0x2a: {  	p0 =	seq.s32 s5, $0x0;
	s5 =	sld [smem:$0x3FA8]  }
0x2b: {  	s6 =	sld [smem:$0x3FA9]  }
0x2c: {  	s7 =	sld [smem:$0x3FAA]  }
0x2d: {  	s3 =	simm.s32 $0x108;
	s8 =	sld [smem:$0x3FAB]  }
0x2e: {  	s3 =	simm.s32 @!p0 $0x1082;
	s9 =	sld [smem:$0x3FAC]  }
0x2f: {  	lr =	sadd.s32 s0, s3;
	s0 =	sld [smem:$0x3FA3]  }
0x30: {  	s3 =	sld [smem:$0x3FA6]  }
0x31: {  	[smem:$0x3FAF] =	sst s10  }
0x32: {  	s10 =	sld [smem:$0x3FAD];
	_ =	sdelay $0x3  }
0x33: {  	p0 =	seq.s32 s10, $0x1;
	s10 =	sld [smem:$0x3FAF];
	_ =	sdelay $0x3  }
0x34: {  	[smem:$0x3FAF] =	sst s10  }
0x35: {  	s10 =	sld [smem:$0x3FAE];
	_ =	sdelay $0x3  }
0x36: {  	p1 =	seq.s32 s10, $0x1;
	s10 =	sld [smem:$0x3FAF];
	_ =	sdelay $0x3  }
0x37: {  	[smem:$0x3FAF] =	sst s10  }
0x38: {  	s10 =	sld [smem:$0x3FB0]  }
0x39: {  	_ = 	snop;
	(pc) =	sbr.ind lr, $3  }
0x3a: {  	_ = 	snop  }
0x3b: {  	_ = 	snop  }
0x3c: {  	p2 =	seq.s32 s10, $0x1;
	s10 =	sld [smem:$0x3FAF]  }
0x3d: {  	_ =	shalt  }
0x3e: {  	_ =	shalt  }
0x3f: {  	_ =	shalt  }
0x40: {  	_ =	shalt  }
0x41: {  	_ =	shalt  }
0x42: {  	_ =	shalt  }
0x43: {  	_ =	shalt  }
0x44: {  	_ =	shalt  }
0x45: {  	_ =	shalt  }
0x46: {  	_ =	shalt  }
0x47: {  	_ =	shalt  }
0x48: {  	_ =	shalt  }
0x49: {  	_ =	shalt  }
0x4a: {  	_ =	shalt  }
0x4b: {  	_ =	shalt  }
0x4c: {  	_ =	shalt  }
0x4d: {  	_ =	shalt  }
0x4e: {  	_ =	shalt  }
0x4f: {  	_ =	shalt  }
0x50: {  	_ =	shalt  }
0x51: {  	_ =	shalt  }
0x52: {  	_ =	shalt  }
0x53: {  	_ =	shalt  }
0x54: {  	_ =	shalt  }
0x55: {  	_ =	shalt  }
0x56: {  	_ =	shalt  }
0x57: {  	_ =	shalt  }
0x58: {  	_ =	shalt  }
0x59: {  	_ =	shalt  }
0x5a: {  	_ =	shalt  }
0x5b: {  	_ =	shalt  }
0x5c: {  	_ =	shalt  }
0x5d: {  	_ =	shalt  }
0x5e: {  	_ =	shalt  }
0x5f: {  	_ =	shalt  }
0x60: {  	_ =	shalt  }
0x61: {  	_ =	shalt  }
0x62: {  	_ =	shalt  }
0x63: {  	_ =	shalt  }
0x64: {  	_ =	shalt  }
0x65: {  	_ =	shalt  }
0x66: {  	_ =	shalt  }
0x67: {  	_ =	shalt  }
0x68: {  	_ =	shalt  }
0x69: {  	_ =	shalt  }
0x6a: {  	_ =	shalt  }
0x6b: {  	_ =	shalt  }
0x6c: {  	_ =	shalt  }
0x6d: {  	_ =	shalt  }
0x6e: {  	_ =	shalt  }
0x6f: {  	_ =	shalt  }
0x70: {  	_ =	shalt  }
0x71: {  	_ =	shalt  }
0x72: {  	_ =	shalt  }
0x73: {  	_ =	shalt  }
0x74: {  	_ =	shalt  }
0x75: {  	_ =	shalt  }
0x76: {  	_ =	shalt  }
0x77: {  	_ =	shalt  }
0x78: {  	_ =	shalt  }
0x79: {  	_ =	shalt  }
0x7a: {  	_ =	shalt  }
0x7b: {  	_ =	shalt  }
0x7c: {  	_ =	shalt  }
0x7d: {  	_ =	shalt  }
0x7e: {  	_ =	shalt  }
0x7f: {  	_ =	shalt  }
0x80: {  	_ =	shalt  }
0x81: {  	_ =	shalt  }
0x82: {  	_ =	shalt  }
0x83: {  	_ =	shalt  }
0x84: {  	_ =	shalt  }
0x85: {  	_ =	shalt  }
0x86: {  	_ =	shalt  }
0x87: {  	_ =	shalt  }
.Lfunc_end0:
.L_simem_size_0:
called_computation.5_lowered:
.L_overlay_start_0:
0x88: {  	s2 =	sld [smem:$0x3FD9]  }
0x89: {  	s3 =	sld [smem:$0x3FFE];
	_ =	sdelay $0x1  }
0x8a: {  	s1 =	srdreg.scid  }
0x8b: {  	s0 =	sand.u32 $0x1, s1  }
0x8c: {  	s17 =	sshll.u32 s0, $0xA;
	s2 =	sadd.s32 s3, s2  }
0x8d: {  	s2 =	sadd.s32 s2, s17  }
0x8e: {  	[smem:$0x3FBB] =	sst s2  }
0x8f: {  	_ = 	snop  }
0x90: {  	s2 =	sld [smem:$0x3FD0];
	(tm) =	ssettm $0x1  }
0x91: {  	s18 =	sld [smem:$0x3FFB];
	_ =	sdelay $0x3  }
0x92: {  	_ =	strace s18  }
0x93: {  	s3 =	sld [smem:$0x3FFC];
	_ =	sdelay $0x3  }
0x94: {  	_ =	strace s3  }
0x95: {  	s3 =	sld [smem:$0x3FFD];
	_ =	sdelay $0x3  }
0x96: {  	_ =	strace s3  }
0x97: {  	_ =	strace $0x8FFFFFFF  }
0x98: {  	s19 =	sld [smem:$0x3FDB];
	_ =	sdelay $0x1  }
0x99: {  	s4 =	simm.s32 $_scs_section_size  }
0x9a: {  	s5 =	simm.s32 $_size__tile_overlayer_lowered;
	s6 =	simm.s32 $_tile_overlayer_lowered  }
0x9b: {  	s22 =	simm.s32 $0x1BFF;
	s21 =	sshll.u32 s6, $0x1;
	s3 =	sadd.s32 s4, s19  }
0x9c: {  	s7 =	simm.s32 $0x0;
	s20 =	sshll.u32 s5, $0x1;
	s5 =	sadd.s32 s21, s3  }
0x9d: {  	[timem:s7], [sflag:s22] =	dma.local [hbm:s5], s20  }
0x9e: {  	_ =	swait.ge [sflag:s22], s20  }
0x9f: {  	s4 =	ssub.s32 $0x0, s20;
	[sflag:s22] =	ssyncset.done $0x0  }
0xa0: {  	[sflag:s22] =	ssyncadd.s32 s4;
	_ =	sdelay $0x1  }
0xa1: {  	s23 =	simm.s32 $0x1B8B  }
0xa2: {  	_ =	swait.ge [sflag:s23], $0x1  }
0xa3: {  	[sflag:s23] =	ssyncset.done $0x0  }
0xa4: {  	s25 =	simm.s32 $0x1B8E;
	s24 =	sld [smem:$0x3FFE];
	[sflag:s23] =	ssyncadd.s32 $0xFFFFFFFF  }
0xa5: {  	s26 =	simm.s32 $execute0_lowered;
	[smem:$0x3FD2] =	sst s25  }
0xa6: {  	s5 =	sshll.u32 s26, $0x1;
	_ =	strace $0x80000055;
	[dreg:$0x1] =	wrdreg $0xFFFFFFFF  }
0xa7: {  	s28 =	simm.s32 $_size_execute0_lowered;
	s3 =	sadd.s32 s3, s5;
	[dreg:$0x0] =	wrdreg $0x0  }
0xa8: {  	s5 =	sshll.u32 s28, $0x1;
	[dreg:$0x2] =	wrdreg s3  }
0xa9: {  	[dreg:$0x3] =	wrdreg s5  }
0xaa: {  	[dreg:$0x4] =	wrdreg $0xC0  }
0xab: {  	_ =	task [dreg:s7], $0x5FFFF  }
0xac: {  	[dreg:$0x1] =	wrdreg $0xFFFFFFFF  }
0xad: {  	[dreg:$0x0] =	wrdreg $0x60  }
0xae: {  	[dreg:$0x2] =	wrdreg s2  }
0xaf: {  	[dreg:$0x3] =	wrdreg s24  }
0xb0: {  	[dreg:$0x4] =	wrdreg $0x9  }
0xb1: {  	_ =	task.clear_ibuf [dreg:s7], $0x5FFFF;
	_ =	strace $0x90000055  }
0xb2: {  	s29 =	simm.s32 $0x9;
	_ =	strace $0x80000057  }
0xb3: {  	_ =	swait.ge [sflag:s29], $0x1  }
0xb4: {  	[sflag:s29] =	ssyncadd.s32 $0xFFFFFFFF  }
0xb5: {  	_ =	strace $0x90000057  }
0xb6: {  	_ =	sfence  }
0xb7: {  	s30 =	sld [smem:$0x0];
	_ =	sdelay $0x2  }
0xb8: {  	s31 =	sshll.u32 s1, $0xD;
	s1 =	sshrl.u32 s1, $0x2  }
0xb9: {  	s3 =	sand.u32 $0x4000, s31;
	s1 =	sadd.s32 s1, s30  }
0xba: {  	s0 =	sor.u32 s3, s0;
	s1 =	sshll.u32 s1, $0x11  }
0xbb: {  	s0 =	sor.u32 s1, s0  }
0xbc: {  	s0 =	sadd.s32 $0x8F2B, s0  }
0xbd: {  	[sflag:s0] =	ssyncadd.remote.s32 $0x1  }
0xbe: {  	_ =	sfence.sel $0xFFFF  }
0xbf: {  	[dreg:$0x0] =	wrdreg $0xFFFFFFFF;
	(pc) =	sbr.abs _section_cstart, $3  }
0xc0: {  	[dreg:$0x1] =	wrdreg $0xFFFFFFFF  }
0xc1: {  	_ =	task.clear_ibuf [dreg:s7], $0x2FFFF;
	_ =	strace $0x9FFFFFFF  }
0xc2: {  	(tm) =	ssettm $0x7FFFFFFF  }
0xc3: {  	_ =	shalt  }
tec
execute0_lowered:
.L_overlay_start_1:
0x0: {  	(tag) =	ssettag $0x1  }
0x1: {  	s1 =	rddreg [dreg:$0x0]  }
0x2: {  	s12 =	rddreg [dreg:$0x1]  }
0x3: {  	s0 =	rddreg [dreg:$0x2]  }
0x4: {  	s2 =	simm.s32 $0x0;
	s3 =	srdreg.scid;
	s16 =	simm.s32 $0x80  }
0x5: {  	s17 =	simm.s32 $0x100;
	s18 =	simm.s32 $0x280;
	s19 =	simm.s32 $0x300  }
0x6: {  	s20 =	simm.s32 $0x4300;
	s21 =	simm.s32 $0x1;
	s22 =	simm.s32 $0x2  }
0x7: {  	s23 =	simm.s32 $0x0;
	[smem:$0x7FF] =	sst s2;
	s9 =	sand.u32 $0x1, s3  }
0x8: {  	s4 =	sadd.s32 $0x29000, s12;
	s3 =	stileid.u32;
	s5 =	sadd.s32 $0xA200, s12  }
0x9: {  	s6 =	sadd.s32 $0x47E00, s12;
	s8 =	sadd.s32 $0x1AE00, s12;
	s7 =	sshll.u32 s9, $0x4  }
.Ltmp0:
0xa: {  	s10 =	sadd.s32 $0x1AC00, s12;
	s7 =	sor.u32 s3, s7;
	(pc) =	sbr.rel .LBB2_1-.Ltmp0, $4  }
0xb: {  	s11 =	sadd.s32 $0x25200, s12;
	s14 =	ssub.s32 $0x2, s9;
	s13 =	smul.u32 $0x1400, s7  }
0xc: {  	_ =	strace $0x80000056;
	s9 =	sadd.s32 $0x1AA00, s12;
	s15 =	sshrl.u32 s14, $0x1  }
0xd: {  	s31 =	ssub.s32 s14, s15;
	s14 =	simm.s32 $0x8300;
	s12 =	sadd.s32 s13, s12  }
0xe: {  	s15 =	simm.s32 $0x3;
	s13 =	smax.u32 s31, $0x1;
	s12 =	sadd.s32 $0x52200, s12  }
.LBB2_5:
0xf: {  	s23 =	sadd.s32 $0x1, s23  }
0x10: {  	p0 =	sne.s32 s23, s13  }
.Ltmp1:
0x11: {  	_ = 	snop;
	(pc) =	sbr.rel @!p0 .LBB2_6-.Ltmp1, $4  }
0x12: {  	[hbm4b:s12+s2] =	stream.linear.scatter [tilespmem:s14], [sflag:$0x3], $0xA000, $0x38;
	[tilespmem:$0x12700] =	vst v63  }
0x13: {  	_ =	swait.ge [sflag:s15], $0xA000  }
0x14: {  	[sflag:s15] =	ssyncset.done $0x0  }
0x15: {  	[sflag:s15] =	ssyncadd.s32 $0xFFFF6000  }
.LBB2_1:
0x16: {  	[tilespmem:s14], [sflag:$0x3] =	stream.linear.gather [hbm4b:s11+s2], $0xA400, $0x38;
	[tilespmem:$0x12700] =	vst v63  }
0x17: {  	_ =	swait.ge [sflag:s15], $0xA400  }
0x18: {  	[sflag:s15] =	ssyncset.done $0x0  }
0x19: {  	[sflag:s15] =	ssyncadd.s32 $0xFFFF5C00  }
0x1a: {  	[tilespmem:s2], [sflag:$0x3] =	stream.linear.gather [hbm4b:s9+s2], $0x80, $0x38;
	[tilespmem:$0x12700] =	vst v63  }
0x1b: {  	_ =	swait.ge [sflag:s15], $0x80  }
0x1c: {  	[sflag:s15] =	ssyncset.done $0x0  }
0x1d: {  	[sflag:s15] =	ssyncadd.s32 $0xFFFFFF80  }
0x1e: {  	[tilespmem:s16], [sflag:$0x3] =	stream.linear.gather [hbm4b:s10+s2], $0x80, $0x38;
	[tilespmem:$0x12700] =	vst v63  }
0x1f: {  	_ =	swait.ge [sflag:s15], $0x80  }
0x20: {  	[sflag:s15] =	ssyncset.done $0x0  }
0x21: {  	[sflag:s15] =	ssyncadd.s32 $0xFFFFFF80  }
0x22: {  	v0 =	vld [tilespmem:s7+$0x0]  }
0x23: {  	v1 =	vld [tilespmem:s7+$0x80];
	_ =	sdelay $0x3  }
0x24: {  	(v2sf) =	vpush v0, $0x0  }
0x25: {  	(v2sf) =	vpush v1, $0x0;
	_ =	sdelay $0xd  }
0x26: {  	s24 =	spop (v2sf)  }
0x27: {  	s25 =	spop (v2sf)  }
0x28: {  	p0 =	slt.s32 s25, $0x1  }
.Ltmp2:
0x29: {  	_ = 	snop;
	(pc) =	sbr.rel @p0 .LBB2_5-.Ltmp2, $2  }
0x2a: {  	_ =	sdelay $0x2  }
0x2b: {  	s26 =	simm.s32 $0x0  }
.LBB2_2:
0x2c: {  	s28 =	sshll.u32 s26, $0x7  }
0x2d: {  	s28 =	sadd.s32 s24, s28  }
0x2e: {  	s28 =	sshrl.u32 s28, $0x3  }
0x2f: {  	s29 =	sand.u32 $0x1FFFFFF0, s28  }
0x30: {  	s30 =	simm.s32 $0x0;
	s28 =	sadd.s32 s5, s29  }
0x31: {  	[tilespmem:s17], [sflag:$0x3] =	stream.linear.gather [hbm4b:s28+s30], $0x80, $0x38;
	[tilespmem:$0x12700] =	vst v63  }
0x32: {  	_ =	swait.ge [sflag:s15], $0x80  }
0x33: {  	[sflag:s15] =	ssyncset.done $0x0  }
0x34: {  	s31 =	sadd.s32 s6, s29;
	s28 =	simm.s32 $0x180;
	[sflag:s15] =	ssyncadd.s32 $0xFFFFFF80  }
0x35: {  	[tilespmem:s28], [sflag:$0x3] =	stream.linear.gather [hbm4b:s31+s30], $0x80, $0x38;
	[tilespmem:$0x12700] =	vst v63  }
0x36: {  	_ =	swait.ge [sflag:s15], $0x80  }
0x37: {  	[sflag:s15] =	ssyncset.done $0x0  }
0x38: {  	s29 =	sadd.s32 s8, s29;
	[sflag:s15] =	ssyncadd.s32 $0xFFFFFF80  }
0x39: {  	[tilespmem:s18], [sflag:$0x3] =	stream.linear.gather [hbm4b:s29+s30], $0x80, $0x38;
	[tilespmem:$0x12700] =	vst v63  }
0x3a: {  	_ =	swait.ge [sflag:s15], $0x80  }
0x3b: {  	[sflag:s15] =	ssyncset.done $0x0  }
0x3c: {  	[sflag:s15] =	ssyncadd.s32 $0xFFFFFF80  }
0x3d: {  	[tilespmem:s19], [sflag:$0x1] =	stream.indirect.gather [hbm4b:s1+s16], $0x80, s17, s16, $0xb8;
	[tilespmem:$0x12700] =	vst v63  }
0x3e: {  	_ = 	snop  }
0x3f: {  	[tilespmem:s20], [sflag:$0x2] =	stream.indirect.gather [hbm4b:s4+s16], $0x80, s18, s16, $0xb8;
	[tilespmem:$0x12700] =	vst v63  }
0x40: {  	_ =	swait.ge [sflag:s21], $0x4000  }
0x41: {  	[sflag:s21] =	ssyncset.done $0x0  }
0x42: {  	[sflag:s21] =	ssyncadd.s32 $0xFFFFC000  }
0x43: {  	_ =	swait.ge [sflag:s22], $0x4000  }
0x44: {  	[sflag:s22] =	ssyncset.done $0x0  }
0x45: {  	[sflag:s22] =	ssyncadd.s32 $0xFFFFC000  }
0x46: {  	v0 =	vld [tilespmem:s28+$0x0];
	_ =	sdelay $0x4  }
0x47: {  	(v2sf) =	vpush v0, $0x0;
	_ =	sdelay $0xd  }
0x48: {  	s31 =	simm.s32 $0x0  }
0x49: {  	v1 =	vld [tilespmem:s31+$0x300];
	s29 =	spop (v2sf)  }
0x4a: {  	v0 =	vld [tilespmem:s31+$0x4300];
	s29 =	sshll.u32 s29, $0x9  }
0x4b: {  	s29 =	sshra.s32 s29, $0x2  }
0x4c: {  	v2 =	vld [tilespmem:s29+$0x8300];
	_ =	sdelay $0x2  }
0x4d: {  	v0 =	vadd.f32 v0, v1;
	_ =	sdelay $0x1  }
0x4e: {  	v0 =	vadd.f32 v0, v2;
	_ =	sdelay $0x1  }
0x4f: {  	[tilespmem:s29+$0x8300] =	vst v0  }
0x50: {  	v0 =	vld [tilespmem:s31+$0x310]  }
0x51: {  	v1 =	vld [tilespmem:s31+$0x4310];
	_ =	sdelay $0x1  }
0x52: {  	v2 =	vld [tilespmem:s29+$0x8310];
	_ =	sdelay $0x2  }
0x53: {  	v0 =	vadd.f32 v1, v0;
	_ =	sdelay $0x1  }
0x54: {  	v0 =	vadd.f32 v0, v2;
	_ =	sdelay $0x1  }
0x55: {  	[tilespmem:s29+$0x8310] =	vst v0  }
0x56: {  	v0 =	vld [tilespmem:s31+$0x320]  }
0x57: {  	v1 =	vld [tilespmem:s31+$0x4320];
	_ =	sdelay $0x1  }
0x58: {  	v2 =	vld [tilespmem:s29+$0x8320];
	_ =	sdelay $0x2  }
0x59: {  	v0 =	vadd.f32 v1, v0;
	_ =	sdelay $0x1  }
0x5a: {  	v0 =	vadd.f32 v0, v2;
	_ =	sdelay $0x1  }
0x5b: {  	[tilespmem:s29+$0x8320] =	vst v0  }
0x5c: {  	v0 =	vld [tilespmem:s31+$0x330]  }
0x5d: {  	v1 =	vld [tilespmem:s31+$0x4330];
	_ =	sdelay $0x1  }
0x5e: {  	v2 =	vld [tilespmem:s29+$0x8330];
	_ =	sdelay $0x2  }
0x5f: {  	v0 =	vadd.f32 v1, v0;
	_ =	sdelay $0x1  }
0x60: {  	v0 =	vadd.f32 v0, v2;
	_ =	sdelay $0x1  }
0x61: {  	[tilespmem:s29+$0x8330] =	vst v0  }
0x62: {  	v0 =	vld [tilespmem:s31+$0x340]  }
0x63: {  	v1 =	vld [tilespmem:s31+$0x4340];
	_ =	sdelay $0x1  }
0x64: {  	v2 =	vld [tilespmem:s29+$0x8340];
	_ =	sdelay $0x2  }
0x65: {  	v0 =	vadd.f32 v1, v0;
	_ =	sdelay $0x1  }
0x66: {  	v0 =	vadd.f32 v0, v2;
	_ =	sdelay $0x1  }
0x67: {  	[tilespmem:s29+$0x8340] =	vst v0  }
0x68: {  	v0 =	vld [tilespmem:s31+$0x350]  }
0x69: {  	v2 =	vld [tilespmem:s31+$0x4350];
	_ =	sdelay $0x1  }
0x6a: {  	v1 =	vld [tilespmem:s29+$0x8350];
	_ =	sdelay $0x2  }
0x6b: {  	v0 =	vadd.f32 v2, v0;
	_ =	sdelay $0x1  }
0x6c: {  	v0 =	vadd.f32 v0, v1;
	_ =	sdelay $0x1  }
0x6d: {  	[tilespmem:s29+$0x8350] =	vst v0  }
0x6e: {  	v0 =	vld [tilespmem:s31+$0x360]  }
0x6f: {  	v2 =	vld [tilespmem:s31+$0x4360];
	_ =	sdelay $0x1  }
0x70: {  	v1 =	vld [tilespmem:s29+$0x8360];
	_ =	sdelay $0x2  }
0x71: {  	v0 =	vadd.f32 v2, v0;
	_ =	sdelay $0x1  }
0x72: {  	v1 =	vadd.f32 v0, v1;
	_ =	sdelay $0x1  }
0x73: {  	v0 =	vld [tilespmem:s29+$0x8370];
	[tilespmem:s29+$0x8360] =	vst v1  }
0x74: {  	v1 =	vld [tilespmem:s31+$0x370]  }
0x75: {  	s30 =	simm.s32 $0x200;
	v2 =	vld [tilespmem:s31+$0x4370]  }
.LBB2_3:
0x76: {  	p0 =	sne.s32 s30, $0xFE00  }
0x77: {  	s28 =	sadd.s32 $0x1, s28;
	s31 =	smov.u32 s30;
	s30 =	sadd.s32 $0x200, s30  }
0x78: {  	_ =	sdelay $0x1  }
0x79: {  	v1 =	vadd.f32 v2, v1;
	_ =	sdelay $0x1  }
0x7a: {  	v0 =	vadd.f32 v1, v0;
	_ =	sdelay $0x1  }
0x7b: {  	[tilespmem:s29+$0x8370] =	vst v0  }
0x7c: {  	v0 =	vld [tilespmem:s28+$0x0];
	_ =	sdelay $0x4  }
0x7d: {  	(v2sf) =	vpush v0, $0x0;
	_ =	sdelay $0xd  }
0x7e: {  	s31 =	sshra.s32 s31, $0x2  }
0x7f: {  	v0 =	vld [tilespmem:s31+$0x4300];
	s29 =	spop (v2sf)  }
0x80: {  	s29 =	sshll.u32 s29, $0x9;
	v1 =	vld [tilespmem:s31+$0x300]  }
0x81: {  	s29 =	sshra.s32 s29, $0x2  }
0x82: {  	v2 =	vld [tilespmem:s29+$0x8300];
	_ =	sdelay $0x2  }
0x83: {  	v0 =	vadd.f32 v0, v1;
	_ =	sdelay $0x1  }
0x84: {  	v0 =	vadd.f32 v0, v2;
	_ =	sdelay $0x1  }
0x85: {  	[tilespmem:s29+$0x8300] =	vst v0  }
0x86: {  	v0 =	vld [tilespmem:s31+$0x310]  }
0x87: {  	v1 =	vld [tilespmem:s31+$0x4310]  }
0x88: {  	v2 =	vld [tilespmem:s29+$0x8310];
	_ =	sdelay $0x3  }
0x89: {  	v0 =	vadd.f32 v1, v0;
	_ =	sdelay $0x1  }
0x8a: {  	v0 =	vadd.f32 v0, v2;
	_ =	sdelay $0x1  }
0x8b: {  	[tilespmem:s29+$0x8310] =	vst v0;
	v0 =	vld [tilespmem:s29+$0x8320]  }
0x8c: {  	v1 =	vld [tilespmem:s31+$0x320]  }
0x8d: {  	v2 =	vld [tilespmem:s31+$0x4320];
	_ =	sdelay $0x4  }
0x8e: {  	v1 =	vadd.f32 v2, v1;
	_ =	sdelay $0x1  }
0x8f: {  	v0 =	vadd.f32 v1, v0;
	_ =	sdelay $0x1  }
0x90: {  	[tilespmem:s29+$0x8320] =	vst v0;
	v0 =	vld [tilespmem:s29+$0x8330]  }
0x91: {  	v1 =	vld [tilespmem:s31+$0x330]  }
0x92: {  	v2 =	vld [tilespmem:s31+$0x4330];
	_ =	sdelay $0x4  }
0x93: {  	v1 =	vadd.f32 v2, v1;
	_ =	sdelay $0x1  }
0x94: {  	v0 =	vadd.f32 v1, v0;
	_ =	sdelay $0x1  }
0x95: {  	[tilespmem:s29+$0x8330] =	vst v0;
	v0 =	vld [tilespmem:s29+$0x8340]  }
0x96: {  	v1 =	vld [tilespmem:s31+$0x340]  }
0x97: {  	v2 =	vld [tilespmem:s31+$0x4340];
	_ =	sdelay $0x4  }
0x98: {  	v1 =	vadd.f32 v2, v1;
	_ =	sdelay $0x1  }
0x99: {  	v0 =	vadd.f32 v1, v0  }
0x9a: {  	v1 =	vld [tilespmem:s29+$0x8350]  }
0x9b: {  	[tilespmem:s29+$0x8340] =	vst v0  }
0x9c: {  	v0 =	vld [tilespmem:s31+$0x350]  }
0x9d: {  	v2 =	vld [tilespmem:s31+$0x4350];
	_ =	sdelay $0x4  }
0x9e: {  	v0 =	vadd.f32 v2, v0;
	_ =	sdelay $0x1  }
0x9f: {  	v0 =	vadd.f32 v0, v1;
	v1 =	vld [tilespmem:s29+$0x8360];
	_ =	sdelay $0x1  }
0xa0: {  	[tilespmem:s29+$0x8350] =	vst v0  }
0xa1: {  	v0 =	vld [tilespmem:s31+$0x360]  }
0xa2: {  	v2 =	vld [tilespmem:s31+$0x4360];
	_ =	sdelay $0x4  }
0xa3: {  	v2 =	vadd.f32 v2, v0  }
0xa4: {  	v0 =	vld [tilespmem:s29+$0x8370]  }
.Ltmp3:
0xa5: {  	v1 =	vadd.f32 v2, v1;
	(pc) =	sbr.rel @p0 .LBB2_3-.Ltmp3, $4  }
0xa6: {  	_ = 	snop  }
0xa7: {  	[tilespmem:s29+$0x8360] =	vst v1  }
0xa8: {  	v1 =	vld [tilespmem:s31+$0x370]  }
0xa9: {  	v2 =	vld [tilespmem:s31+$0x4370]  }
0xaa: {  	_ =	sdelay $0x1  }
0xab: {  	s26 =	sadd.s32 $0x1, s26  }
0xac: {  	p0 =	sne.s32 s26, s25  }
.Ltmp4:
0xad: {  	v1 =	vadd.f32 v2, v1;
	(pc) =	sbr.rel @p0 .LBB2_2-.Ltmp4, $4  }
.Ltmp5:
0xae: {  	_ = 	snop;
	(pc) =	sbr.rel @!p0 .LBB2_5-.Ltmp5, $4  }
0xaf: {  	v0 =	vadd.f32 v1, v0  }
0xb0: {  	_ = 	snop  }
0xb1: {  	[tilespmem:s29+$0x8370] =	vst v0  }
0xb2: {  	_ = 	snop  }
.LBB2_6:
0xb3: {  	_ =	sfence.sel $0x180000  }
0xb4: {  	[bflag:$0x0] =	sbarrier.arrive $0xFFFF  }
0xb5: {  	p0 =	sne.s32 s3, $0x0;
	_ =	strace $0x90000056  }
0xb6: {  	s0 =	sadd.s32 @!p0 $0x100000, s0;
	[bflag:$0x2] =	sbarrier.arrive $0xFFFF  }
0xb7: {  	[sflag:s0] =	ssyncadd.tile.s32 @!p0 $0x1;
	_ =	shalt  }
.Lfunc_end2:
_tile_overlayer_lowered:
.L_overlay_start_2:
0xb8: {  	(tag) =	ssettag $0x2  }
0xb9: {  	s0 =	rddreg [dreg:$0x0];
	s2 =	stileid.u32  }
0xba: {  	s1 =	rddreg [dreg:$0x1];
	p0 =	sne.s32 s2, $0x0  }
0xbb: {  	s3 =	rddreg [dreg:$0x2];
	[bflag:$0x3] =	sbarrier.arrive $0xFFFF;
	s2 =	simm.s32 @!p0 $0x1C03  }
0xbc: {  	[timem:s3], [sflag:s2] =	dma.local @!p0 [hbm:s0], s1  }
0xbd: {  	s0 =	simm.s32 @!p0 $0x3  }
0xbe: {  	_ =	swait.ge @!p0 [sflag:s0], s1  }
0xbf: {  	s1 =	ssub.s32 @!p0 $0x0, s1;
	[sflag:s0] =	ssyncset.done @!p0 $0x0  }
0xc0: {  	[sflag:s0] =	ssyncadd.s32 @!p0 s1  }
0xc1: {  	[bflag:$0x3] =	sbarrier.arrive $0xFFFF  }
0xc2: {  	_ =	shalt  }

// kernel: kernel.20.cloned.1.call-start
scs
__scs_entry_jumppad:
0x0: {  	(pc) =	sbr.rel $0x88, $3  }
0x1: {  	(tag) =	ssettag $0x0;
	lr =	simm.s32 $0x1  }
0x2: {  	[smem:$0x3F94] =	sst lr;
	_ =	strace $0xD0000000  }
0x3: {  	_ = 	snop  }
0x4: {  	_ = 	snop  }
0x5: {  	_ = 	snop  }
0x6: {  	_ = 	snop  }
0x7: {  	_ = 	snop  }
__scs_overlays_trampoline_lowered:
0x8: {  	[smem:$0x3FA3] =	sst s0  }
0x9: {  	[smem:$0x3FA4] =	sst s1  }
0xa: {  	[smem:$0x3FA5] =	sst s2  }
0xb: {  	[smem:$0x3FA6] =	sst s3  }
0xc: {  	[smem:$0x3FA7] =	sst s4  }
0xd: {  	[smem:$0x3FA8] =	sst s5  }
0xe: {  	[smem:$0x3FA9] =	sst s6  }
0xf: {  	[smem:$0x3FAA] =	sst s7  }
0x10: {  	[smem:$0x3FAB] =	sst s8  }
0x11: {  	[smem:$0x3FAC] =	sst s9;
	s0 =	simm.s32 @!p0 $0x0  }
0x12: {  	s1 =	sld [smem:$0x3F92];
	s0 =	simm.s32 @p0 $0x1  }
0x13: {  	[smem:$0x3FAD] =	sst s0;
	s0 =	simm.s32 @!p1 $0x0  }
0x14: {  	s2 =	sld [smem:$0x3F91];
	s0 =	simm.s32 @p1 $0x1  }
0x15: {  	[smem:$0x3FAE] =	sst s0;
	s0 =	simm.s32 @!p2 $0x0  }
0x16: {  	s3 =	sld [smem:$0x3FDB];
	s0 =	simm.s32 @p2 $0x1  }
0x17: {  	s4 =	simm.s32 $0x1BF5;
	[smem:$0x3FB0] =	sst s0  }
0x18: {  	s0 =	sld [smem:$0x3F93];
	_ =	swait.ge [sflag:s4], $0x0  }
0x19: {  	s7 =	sld [smem:$0x3F94]  }
0x1a: {  	s8 =	sadd.s32 $0xFFFFE003, lr  }
0x1b: {  	s9 =	sadd.s32 $0xFFFFFEF7, lr;
	s5 =	simm.s32 $0xFFFFFFFF;
	p2 =	slt.u32 s8, $0xFFFFF086  }
0x1c: {  	p1 =	slt.u32 s9, $0xF7A;
	s5 =	simm.s32 @!p2 $0x0  }
0x1d: {  	s5 =	simm.s32 @p1 $0x1;
	p0 =	seq.s32 s7, s2  }
0x1e: {  	s7 =	smul.u32 @!p0 $0xF7A, s2;
	p2 =	seq.s32 @!p0 s5, $0x0  }
0x1f: {  	s9 =	smul.u32 $0xF7A, s1;
	s8 =	simm.s32 @!p0 $0x1BF5;
	p2 =	por !p2, p0  }
0x20: {  	[sflag:s8] =	ssyncset.s32 @!p0 $0xFFFFF086;
	s6 =	sadd.s32 @!p0 s3, s7;
	s7 =	simm.s32 @!p0 $0x108  }
0x21: {  	s3 =	sadd.s32 s3, s9;
	s6 =	sadd.s32 @!p0 $0x88, s6;
	s7 =	simm.s32 @p2 $0x1082  }
0x22: {  	[simem:s7], [sflag:s8] =	dma.local @!p0 [hbm:s6], $0xF7A  }
0x23: {  	s9 =	sor.u32 $0xD0000000, s2;
	s6 =	simm.s32 $0x108;
	_ =	swait.ge @!p0 [sflag:s8], $0x0  }
0x24: {  	s3 =	sadd.s32 $0x88, s3;
	s6 =	simm.s32 @!p1 $0x1082;
	[sflag:s4] =	ssyncset.s32 $0xFFFFF086  }
0x25: {  	[simem:s6], [sflag:s4] =	dma.local [hbm:s3], $0xF7A  }
0x26: {  	[smem:$0x3F94] =	sst s1;
	(tag) =	ssettag s2;
	_ =	strace s9  }
0x27: {  	s1 =	sld [smem:$0x3FA4]  }
0x28: {  	s2 =	sld [smem:$0x3FA5]  }
0x29: {  	s4 =	sld [smem:$0x3FA7]  }
0x2a: {  	p0 =	seq.s32 s5, $0x0;
	s5 =	sld [smem:$0x3FA8]  }
0x2b: {  	s6 =	sld [smem:$0x3FA9]  }
0x2c: {  	s7 =	sld [smem:$0x3FAA]  }
0x2d: {  	s3 =	simm.s32 $0x108;
	s8 =	sld [smem:$0x3FAB]  }
0x2e: {  	s3 =	simm.s32 @!p0 $0x1082;
	s9 =	sld [smem:$0x3FAC]  }
0x2f: {  	lr =	sadd.s32 s0, s3;
	s0 =	sld [smem:$0x3FA3]  }
0x30: {  	s3 =	sld [smem:$0x3FA6]  }
0x31: {  	[smem:$0x3FAF] =	sst s10  }
0x32: {  	s10 =	sld [smem:$0x3FAD];
	_ =	sdelay $0x3  }
0x33: {  	p0 =	seq.s32 s10, $0x1;
	s10 =	sld [smem:$0x3FAF];
	_ =	sdelay $0x3  }
0x34: {  	[smem:$0x3FAF] =	sst s10  }
0x35: {  	s10 =	sld [smem:$0x3FAE];
	_ =	sdelay $0x3  }
0x36: {  	p1 =	seq.s32 s10, $0x1;
	s10 =	sld [smem:$0x3FAF];
	_ =	sdelay $0x3  }
0x37: {  	[smem:$0x3FAF] =	sst s10  }
0x38: {  	s10 =	sld [smem:$0x3FB0]  }
0x39: {  	_ = 	snop;
	(pc) =	sbr.ind lr, $3  }
0x3a: {  	_ = 	snop  }
0x3b: {  	_ = 	snop  }
0x3c: {  	p2 =	seq.s32 s10, $0x1;
	s10 =	sld [smem:$0x3FAF]  }
0x3d: {  	_ =	shalt  }
0x3e: {  	_ =	shalt  }
0x3f: {  	_ =	shalt  }
0x40: {  	_ =	shalt  }
0x41: {  	_ =	shalt  }
0x42: {  	_ =	shalt  }
0x43: {  	_ =	shalt  }
0x44: {  	_ =	shalt  }
0x45: {  	_ =	shalt  }
0x46: {  	_ =	shalt  }
0x47: {  	_ =	shalt  }
0x48: {  	_ =	shalt  }
0x49: {  	_ =	shalt  }
0x4a: {  	_ =	shalt  }
0x4b: {  	_ =	shalt  }
0x4c: {  	_ =	shalt  }
0x4d: {  	_ =	shalt  }
0x4e: {  	_ =	shalt  }
0x4f: {  	_ =	shalt  }
0x50: {  	_ =	shalt  }
0x51: {  	_ =	shalt  }
0x52: {  	_ =	shalt  }
0x53: {  	_ =	shalt  }
0x54: {  	_ =	shalt  }
0x55: {  	_ =	shalt  }
0x56: {  	_ =	shalt  }
0x57: {  	_ =	shalt  }
0x58: {  	_ =	shalt  }
0x59: {  	_ =	shalt  }
0x5a: {  	_ =	shalt  }
0x5b: {  	_ =	shalt  }
0x5c: {  	_ =	shalt  }
0x5d: {  	_ =	shalt  }
0x5e: {  	_ =	shalt  }
0x5f: {  	_ =	shalt  }
0x60: {  	_ =	shalt  }
0x61: {  	_ =	shalt  }
0x62: {  	_ =	shalt  }
0x63: {  	_ =	shalt  }
0x64: {  	_ =	shalt  }
0x65: {  	_ =	shalt  }
0x66: {  	_ =	shalt  }
0x67: {  	_ =	shalt  }
0x68: {  	_ =	shalt  }
0x69: {  	_ =	shalt  }
0x6a: {  	_ =	shalt  }
0x6b: {  	_ =	shalt  }
0x6c: {  	_ =	shalt  }
0x6d: {  	_ =	shalt  }
0x6e: {  	_ =	shalt  }
0x6f: {  	_ =	shalt  }
0x70: {  	_ =	shalt  }
0x71: {  	_ =	shalt  }
0x72: {  	_ =	shalt  }
0x73: {  	_ =	shalt  }
0x74: {  	_ =	shalt  }
0x75: {  	_ =	shalt  }
0x76: {  	_ =	shalt  }
0x77: {  	_ =	shalt  }
0x78: {  	_ =	shalt  }
0x79: {  	_ =	shalt  }
0x7a: {  	_ =	shalt  }
0x7b: {  	_ =	shalt  }
0x7c: {  	_ =	shalt  }
0x7d: {  	_ =	shalt  }
0x7e: {  	_ =	shalt  }
0x7f: {  	_ =	shalt  }
0x80: {  	_ =	shalt  }
0x81: {  	_ =	shalt  }
0x82: {  	_ =	shalt  }
0x83: {  	_ =	shalt  }
0x84: {  	_ =	shalt  }
0x85: {  	_ =	shalt  }
0x86: {  	_ =	shalt  }
0x87: {  	_ =	shalt  }
.Lfunc_end0:
.L_simem_size_0:
called_computation.6_lowered:
.L_overlay_start_0:
0x88: {  	s2 =	sld [smem:$0x3FD9]  }
0x89: {  	s3 =	sld [smem:$0x3FFE];
	_ =	sdelay $0x1  }
0x8a: {  	s1 =	srdreg.scid  }
0x8b: {  	s0 =	sand.u32 $0x1, s1  }
0x8c: {  	s17 =	sshll.u32 s0, $0xA;
	s2 =	sadd.s32 s3, s2  }
0x8d: {  	s2 =	sadd.s32 s2, s17  }
0x8e: {  	[smem:$0x3FBB] =	sst s2  }
0x8f: {  	_ = 	snop  }
0x90: {  	s2 =	sld [smem:$0x3FD0];
	(tm) =	ssettm $0x1  }
0x91: {  	s18 =	sld [smem:$0x3FFB];
	_ =	sdelay $0x3  }
0x92: {  	_ =	strace s18  }
0x93: {  	s3 =	sld [smem:$0x3FFC];
	_ =	sdelay $0x3  }
0x94: {  	_ =	strace s3  }
0x95: {  	s3 =	sld [smem:$0x3FFD];
	_ =	sdelay $0x3  }
0x96: {  	_ =	strace s3  }
0x97: {  	_ =	strace $0x8FFFFFFF  }
0x98: {  	s19 =	sld [smem:$0x3FDB];
	_ =	sdelay $0x1  }
0x99: {  	s4 =	simm.s32 $_scs_section_size  }
0x9a: {  	s5 =	simm.s32 $_size__tile_overlayer_lowered;
	s6 =	simm.s32 $_tile_overlayer_lowered  }
0x9b: {  	s22 =	simm.s32 $0x1BFF;
	s21 =	sshll.u32 s6, $0x1;
	s3 =	sadd.s32 s4, s19  }
0x9c: {  	s7 =	simm.s32 $0x0;
	s20 =	sshll.u32 s5, $0x1;
	s5 =	sadd.s32 s21, s3  }
0x9d: {  	[timem:s7], [sflag:s22] =	dma.local [hbm:s5], s20  }
0x9e: {  	_ =	swait.ge [sflag:s22], s20  }
0x9f: {  	s4 =	ssub.s32 $0x0, s20;
	[sflag:s22] =	ssyncset.done $0x0  }
0xa0: {  	[sflag:s22] =	ssyncadd.s32 s4;
	_ =	sdelay $0x1  }
0xa1: {  	s23 =	simm.s32 $0x1B8B  }
0xa2: {  	_ =	swait.ge [sflag:s23], $0x1  }
0xa3: {  	[sflag:s23] =	ssyncset.done $0x0  }
0xa4: {  	s25 =	simm.s32 $0x1B8E;
	s24 =	sld [smem:$0x3FFE];
	[sflag:s23] =	ssyncadd.s32 $0xFFFFFFFF  }
0xa5: {  	s26 =	simm.s32 $execute0_lowered;
	[smem:$0x3FD2] =	sst s25  }
0xa6: {  	s5 =	sshll.u32 s26, $0x1;
	_ =	strace $0x80000058;
	[dreg:$0x1] =	wrdreg $0xFFFFFFFF  }
0xa7: {  	s28 =	simm.s32 $_size_execute0_lowered;
	s3 =	sadd.s32 s3, s5;
	[dreg:$0x0] =	wrdreg $0x0  }
0xa8: {  	s5 =	sshll.u32 s28, $0x1;
	[dreg:$0x2] =	wrdreg s3  }
0xa9: {  	[dreg:$0x3] =	wrdreg s5  }
0xaa: {  	[dreg:$0x4] =	wrdreg $0xC0  }
0xab: {  	_ =	task [dreg:s7], $0x5FFFF  }
0xac: {  	[dreg:$0x1] =	wrdreg $0xFFFFFFFF  }
0xad: {  	[dreg:$0x0] =	wrdreg $0x60  }
0xae: {  	[dreg:$0x2] =	wrdreg s2  }
0xaf: {  	[dreg:$0x3] =	wrdreg s24  }
0xb0: {  	[dreg:$0x4] =	wrdreg $0x9  }
0xb1: {  	_ =	task.clear_ibuf [dreg:s7], $0x5FFFF;
	_ =	strace $0x90000058  }
0xb2: {  	s29 =	simm.s32 $0x9;
	_ =	strace $0x8000005A  }
0xb3: {  	_ =	swait.ge [sflag:s29], $0x1  }
0xb4: {  	[sflag:s29] =	ssyncadd.s32 $0xFFFFFFFF  }
0xb5: {  	_ =	strace $0x9000005A  }
0xb6: {  	_ =	sfence  }
0xb7: {  	s30 =	sld [smem:$0x0];
	_ =	sdelay $0x2  }
0xb8: {  	s31 =	sshll.u32 s1, $0xD;
	s1 =	sshrl.u32 s1, $0x2  }
0xb9: {  	s3 =	sand.u32 $0x4000, s31;
	s1 =	sadd.s32 s1, s30  }
0xba: {  	s0 =	sor.u32 s3, s0;
	s1 =	sshll.u32 s1, $0x11  }
0xbb: {  	s0 =	sor.u32 s1, s0  }
0xbc: {  	s0 =	sadd.s32 $0x8F2B, s0  }
0xbd: {  	[sflag:s0] =	ssyncadd.remote.s32 $0x1  }
0xbe: {  	_ =	sfence.sel $0xFFFF  }
0xbf: {  	[dreg:$0x0] =	wrdreg $0xFFFFFFFF;
	(pc) =	sbr.abs _section_cstart, $3  }
0xc0: {  	[dreg:$0x1] =	wrdreg $0xFFFFFFFF  }
0xc1: {  	_ =	task.clear_ibuf [dreg:s7], $0x2FFFF;
	_ =	strace $0x9FFFFFFF  }
0xc2: {  	(tm) =	ssettm $0x7FFFFFFF  }
0xc3: {  	_ =	shalt  }
tec
execute0_lowered:
.L_overlay_start_1:
0x0: {  	(tag) =	ssettag $0x1  }
0x1: {  	s1 =	rddreg [dreg:$0x0]  }
0x2: {  	s12 =	rddreg [dreg:$0x1]  }
0x3: {  	s0 =	rddreg [dreg:$0x2]  }
0x4: {  	s2 =	simm.s32 $0x0;
	s3 =	srdreg.scid;
	s16 =	simm.s32 $0x80  }
0x5: {  	s17 =	simm.s32 $0x100;
	s18 =	simm.s32 $0x280;
	s19 =	simm.s32 $0x300  }
0x6: {  	s20 =	simm.s32 $0x4300;
	s21 =	simm.s32 $0x1;
	s22 =	simm.s32 $0x2  }
0x7: {  	s23 =	simm.s32 $0x0;
	[smem:$0x7FF] =	sst s2;
	s9 =	sand.u32 $0x1, s3  }
0x8: {  	s4 =	sadd.s32 $0x29200, s12;
	s3 =	stileid.u32;
	s5 =	sadd.s32 $0xA200, s12  }
0x9: {  	s6 =	sadd.s32 $0x47E00, s12;
	s8 =	sadd.s32 $0x1AE00, s12;
	s7 =	sshll.u32 s9, $0x4  }
.Ltmp0:
0xa: {  	s10 =	sadd.s32 $0x1AC00, s12;
	s7 =	sor.u32 s3, s7;
	(pc) =	sbr.rel .LBB2_1-.Ltmp0, $4  }
0xb: {  	s11 =	sadd.s32 $0x25200, s12;
	s14 =	ssub.s32 $0x2, s9;
	s13 =	smul.u32 $0x1400, s7  }
0xc: {  	_ =	strace $0x80000059;
	s9 =	sadd.s32 $0x1AA00, s12;
	s15 =	sshrl.u32 s14, $0x1  }
0xd: {  	s31 =	ssub.s32 s14, s15;
	s14 =	simm.s32 $0x8300;
	s12 =	sadd.s32 s13, s12  }
0xe: {  	s15 =	simm.s32 $0x3;
	s13 =	smax.u32 s31, $0x1;
	s12 =	sadd.s32 $0x52200, s12  }
.LBB2_5:
0xf: {  	s23 =	sadd.s32 $0x1, s23  }
0x10: {  	p0 =	sne.s32 s23, s13  }
.Ltmp1:
0x11: {  	_ = 	snop;
	(pc) =	sbr.rel @!p0 .LBB2_6-.Ltmp1, $4  }
0x12: {  	[hbm4b:s12+s2] =	stream.linear.scatter [tilespmem:s14], [sflag:$0x3], $0xA000, $0x38;
	[tilespmem:$0x12700] =	vst v63  }
0x13: {  	_ =	swait.ge [sflag:s15], $0xA000  }
0x14: {  	[sflag:s15] =	ssyncset.done $0x0  }
0x15: {  	[sflag:s15] =	ssyncadd.s32 $0xFFFF6000  }
.LBB2_1:
0x16: {  	[tilespmem:s14], [sflag:$0x3] =	stream.linear.gather [hbm4b:s11+s2], $0xA400, $0x38;
	[tilespmem:$0x12700] =	vst v63  }
0x17: {  	_ =	swait.ge [sflag:s15], $0xA400  }
0x18: {  	[sflag:s15] =	ssyncset.done $0x0  }
0x19: {  	[sflag:s15] =	ssyncadd.s32 $0xFFFF5C00  }
0x1a: {  	[tilespmem:s2], [sflag:$0x3] =	stream.linear.gather [hbm4b:s9+s2], $0x80, $0x38;
	[tilespmem:$0x12700] =	vst v63  }
0x1b: {  	_ =	swait.ge [sflag:s15], $0x80  }
0x1c: {  	[sflag:s15] =	ssyncset.done $0x0  }
0x1d: {  	[sflag:s15] =	ssyncadd.s32 $0xFFFFFF80  }
0x1e: {  	[tilespmem:s16], [sflag:$0x3] =	stream.linear.gather [hbm4b:s10+s2], $0x80, $0x38;
	[tilespmem:$0x12700] =	vst v63  }
0x1f: {  	_ =	swait.ge [sflag:s15], $0x80  }
0x20: {  	[sflag:s15] =	ssyncset.done $0x0  }
0x21: {  	[sflag:s15] =	ssyncadd.s32 $0xFFFFFF80  }
0x22: {  	v0 =	vld [tilespmem:s7+$0x0]  }
0x23: {  	v1 =	vld [tilespmem:s7+$0x80];
	_ =	sdelay $0x3  }
0x24: {  	(v2sf) =	vpush v0, $0x0  }
0x25: {  	(v2sf) =	vpush v1, $0x0;
	_ =	sdelay $0xd  }
0x26: {  	s24 =	spop (v2sf)  }
0x27: {  	s25 =	spop (v2sf)  }
0x28: {  	p0 =	slt.s32 s25, $0x1  }
.Ltmp2:
0x29: {  	_ = 	snop;
	(pc) =	sbr.rel @p0 .LBB2_5-.Ltmp2, $2  }
0x2a: {  	_ =	sdelay $0x2  }
0x2b: {  	s26 =	simm.s32 $0x0  }
.LBB2_2:
0x2c: {  	s28 =	sshll.u32 s26, $0x7  }
0x2d: {  	s28 =	sadd.s32 s24, s28  }
0x2e: {  	s28 =	sshrl.u32 s28, $0x3  }
0x2f: {  	s29 =	sand.u32 $0x1FFFFFF0, s28  }
0x30: {  	s30 =	simm.s32 $0x0;
	s28 =	sadd.s32 s5, s29  }
0x31: {  	[tilespmem:s17], [sflag:$0x3] =	stream.linear.gather [hbm4b:s28+s30], $0x80, $0x38;
	[tilespmem:$0x12700] =	vst v63  }
0x32: {  	_ =	swait.ge [sflag:s15], $0x80  }
0x33: {  	[sflag:s15] =	ssyncset.done $0x0  }
0x34: {  	s31 =	sadd.s32 s6, s29;
	s28 =	simm.s32 $0x180;
	[sflag:s15] =	ssyncadd.s32 $0xFFFFFF80  }
0x35: {  	[tilespmem:s28], [sflag:$0x3] =	stream.linear.gather [hbm4b:s31+s30], $0x80, $0x38;
	[tilespmem:$0x12700] =	vst v63  }
0x36: {  	_ =	swait.ge [sflag:s15], $0x80  }
0x37: {  	[sflag:s15] =	ssyncset.done $0x0  }
0x38: {  	s29 =	sadd.s32 s8, s29;
	[sflag:s15] =	ssyncadd.s32 $0xFFFFFF80  }
0x39: {  	[tilespmem:s18], [sflag:$0x3] =	stream.linear.gather [hbm4b:s29+s30], $0x80, $0x38;
	[tilespmem:$0x12700] =	vst v63  }
0x3a: {  	_ =	swait.ge [sflag:s15], $0x80  }
0x3b: {  	[sflag:s15] =	ssyncset.done $0x0  }
0x3c: {  	[sflag:s15] =	ssyncadd.s32 $0xFFFFFF80  }
0x3d: {  	[tilespmem:s19], [sflag:$0x1] =	stream.indirect.gather [hbm4b:s1+s16], $0x80, s17, s16, $0xb8;
	[tilespmem:$0x12700] =	vst v63  }
0x3e: {  	_ = 	snop  }
0x3f: {  	[tilespmem:s20], [sflag:$0x2] =	stream.indirect.gather [hbm4b:s4+s16], $0x80, s18, s16, $0xb8;
	[tilespmem:$0x12700] =	vst v63  }
0x40: {  	_ =	swait.ge [sflag:s21], $0x4000  }
0x41: {  	[sflag:s21] =	ssyncset.done $0x0  }
0x42: {  	[sflag:s21] =	ssyncadd.s32 $0xFFFFC000  }
0x43: {  	_ =	swait.ge [sflag:s22], $0x4000  }
0x44: {  	[sflag:s22] =	ssyncset.done $0x0  }
0x45: {  	[sflag:s22] =	ssyncadd.s32 $0xFFFFC000  }
0x46: {  	v0 =	vld [tilespmem:s28+$0x0];
	_ =	sdelay $0x4  }
0x47: {  	(v2sf) =	vpush v0, $0x0;
	_ =	sdelay $0xd  }
0x48: {  	s31 =	simm.s32 $0x0  }
0x49: {  	v1 =	vld [tilespmem:s31+$0x300];
	s29 =	spop (v2sf)  }
0x4a: {  	v0 =	vld [tilespmem:s31+$0x4300];
	s29 =	sshll.u32 s29, $0x9  }
0x4b: {  	s29 =	sshra.s32 s29, $0x2  }
0x4c: {  	v2 =	vld [tilespmem:s29+$0x8300];
	_ =	sdelay $0x2  }
0x4d: {  	v0 =	vadd.f32 v0, v1;
	_ =	sdelay $0x1  }
0x4e: {  	v0 =	vadd.f32 v0, v2;
	_ =	sdelay $0x1  }
0x4f: {  	[tilespmem:s29+$0x8300] =	vst v0  }
0x50: {  	v0 =	vld [tilespmem:s31+$0x310]  }
0x51: {  	v1 =	vld [tilespmem:s31+$0x4310];
	_ =	sdelay $0x1  }
0x52: {  	v2 =	vld [tilespmem:s29+$0x8310];
	_ =	sdelay $0x2  }
0x53: {  	v0 =	vadd.f32 v1, v0;
	_ =	sdelay $0x1  }
0x54: {  	v0 =	vadd.f32 v0, v2;
	_ =	sdelay $0x1  }
0x55: {  	[tilespmem:s29+$0x8310] =	vst v0  }
0x56: {  	v0 =	vld [tilespmem:s31+$0x320]  }
0x57: {  	v1 =	vld [tilespmem:s31+$0x4320];
	_ =	sdelay $0x1  }
0x58: {  	v2 =	vld [tilespmem:s29+$0x8320];
	_ =	sdelay $0x2  }
0x59: {  	v0 =	vadd.f32 v1, v0;
	_ =	sdelay $0x1  }
0x5a: {  	v0 =	vadd.f32 v0, v2;
	_ =	sdelay $0x1  }
0x5b: {  	[tilespmem:s29+$0x8320] =	vst v0  }
0x5c: {  	v0 =	vld [tilespmem:s31+$0x330]  }
0x5d: {  	v1 =	vld [tilespmem:s31+$0x4330];
	_ =	sdelay $0x1  }
0x5e: {  	v2 =	vld [tilespmem:s29+$0x8330];
	_ =	sdelay $0x2  }
0x5f: {  	v0 =	vadd.f32 v1, v0;
	_ =	sdelay $0x1  }
0x60: {  	v0 =	vadd.f32 v0, v2;
	_ =	sdelay $0x1  }
0x61: {  	[tilespmem:s29+$0x8330] =	vst v0  }
0x62: {  	v0 =	vld [tilespmem:s31+$0x340]  }
0x63: {  	v1 =	vld [tilespmem:s31+$0x4340];
	_ =	sdelay $0x1  }
0x64: {  	v2 =	vld [tilespmem:s29+$0x8340];
	_ =	sdelay $0x2  }
0x65: {  	v0 =	vadd.f32 v1, v0;
	_ =	sdelay $0x1  }
0x66: {  	v0 =	vadd.f32 v0, v2;
	_ =	sdelay $0x1  }
0x67: {  	[tilespmem:s29+$0x8340] =	vst v0  }
0x68: {  	v0 =	vld [tilespmem:s31+$0x350]  }
0x69: {  	v2 =	vld [tilespmem:s31+$0x4350];
	_ =	sdelay $0x1  }
0x6a: {  	v1 =	vld [tilespmem:s29+$0x8350];
	_ =	sdelay $0x2  }
0x6b: {  	v0 =	vadd.f32 v2, v0;
	_ =	sdelay $0x1  }
0x6c: {  	v0 =	vadd.f32 v0, v1;
	_ =	sdelay $0x1  }
0x6d: {  	[tilespmem:s29+$0x8350] =	vst v0  }
0x6e: {  	v0 =	vld [tilespmem:s31+$0x360]  }
0x6f: {  	v2 =	vld [tilespmem:s31+$0x4360];
	_ =	sdelay $0x1  }
0x70: {  	v1 =	vld [tilespmem:s29+$0x8360];
	_ =	sdelay $0x2  }
0x71: {  	v0 =	vadd.f32 v2, v0;
	_ =	sdelay $0x1  }
0x72: {  	v1 =	vadd.f32 v0, v1;
	_ =	sdelay $0x1  }
0x73: {  	v0 =	vld [tilespmem:s29+$0x8370];
	[tilespmem:s29+$0x8360] =	vst v1  }
0x74: {  	v1 =	vld [tilespmem:s31+$0x370]  }
0x75: {  	s30 =	simm.s32 $0x200;
	v2 =	vld [tilespmem:s31+$0x4370]  }
.LBB2_3:
0x76: {  	p0 =	sne.s32 s30, $0xFE00  }
0x77: {  	s28 =	sadd.s32 $0x1, s28;
	s31 =	smov.u32 s30;
	s30 =	sadd.s32 $0x200, s30  }
0x78: {  	_ =	sdelay $0x1  }
0x79: {  	v1 =	vadd.f32 v2, v1;
	_ =	sdelay $0x1  }
0x7a: {  	v0 =	vadd.f32 v1, v0;
	_ =	sdelay $0x1  }
0x7b: {  	[tilespmem:s29+$0x8370] =	vst v0  }
0x7c: {  	v0 =	vld [tilespmem:s28+$0x0];
	_ =	sdelay $0x4  }
0x7d: {  	(v2sf) =	vpush v0, $0x0;
	_ =	sdelay $0xd  }
0x7e: {  	s31 =	sshra.s32 s31, $0x2  }
0x7f: {  	v0 =	vld [tilespmem:s31+$0x4300];
	s29 =	spop (v2sf)  }
0x80: {  	s29 =	sshll.u32 s29, $0x9;
	v1 =	vld [tilespmem:s31+$0x300]  }
0x81: {  	s29 =	sshra.s32 s29, $0x2  }
0x82: {  	v2 =	vld [tilespmem:s29+$0x8300];
	_ =	sdelay $0x2  }
0x83: {  	v0 =	vadd.f32 v0, v1;
	_ =	sdelay $0x1  }
0x84: {  	v0 =	vadd.f32 v0, v2;
	_ =	sdelay $0x1  }
0x85: {  	[tilespmem:s29+$0x8300] =	vst v0  }
0x86: {  	v0 =	vld [tilespmem:s31+$0x310]  }
0x87: {  	v1 =	vld [tilespmem:s31+$0x4310]  }
0x88: {  	v2 =	vld [tilespmem:s29+$0x8310];
	_ =	sdelay $0x3  }
0x89: {  	v0 =	vadd.f32 v1, v0;
	_ =	sdelay $0x1  }
0x8a: {  	v0 =	vadd.f32 v0, v2;
	_ =	sdelay $0x1  }
0x8b: {  	[tilespmem:s29+$0x8310] =	vst v0;
	v0 =	vld [tilespmem:s29+$0x8320]  }
0x8c: {  	v1 =	vld [tilespmem:s31+$0x320]  }
0x8d: {  	v2 =	vld [tilespmem:s31+$0x4320];
	_ =	sdelay $0x4  }
0x8e: {  	v1 =	vadd.f32 v2, v1;
	_ =	sdelay $0x1  }
0x8f: {  	v0 =	vadd.f32 v1, v0;
	_ =	sdelay $0x1  }
0x90: {  	[tilespmem:s29+$0x8320] =	vst v0;
	v0 =	vld [tilespmem:s29+$0x8330]  }
0x91: {  	v1 =	vld [tilespmem:s31+$0x330]  }
0x92: {  	v2 =	vld [tilespmem:s31+$0x4330];
	_ =	sdelay $0x4  }
0x93: {  	v1 =	vadd.f32 v2, v1;
	_ =	sdelay $0x1  }
0x94: {  	v0 =	vadd.f32 v1, v0;
	_ =	sdelay $0x1  }
0x95: {  	[tilespmem:s29+$0x8330] =	vst v0;
	v0 =	vld [tilespmem:s29+$0x8340]  }
0x96: {  	v1 =	vld [tilespmem:s31+$0x340]  }
0x97: {  	v2 =	vld [tilespmem:s31+$0x4340];
	_ =	sdelay $0x4  }
0x98: {  	v1 =	vadd.f32 v2, v1;
	_ =	sdelay $0x1  }
0x99: {  	v0 =	vadd.f32 v1, v0  }
0x9a: {  	v1 =	vld [tilespmem:s29+$0x8350]  }
0x9b: {  	[tilespmem:s29+$0x8340] =	vst v0  }
0x9c: {  	v0 =	vld [tilespmem:s31+$0x350]  }
0x9d: {  	v2 =	vld [tilespmem:s31+$0x4350];
	_ =	sdelay $0x4  }
0x9e: {  	v0 =	vadd.f32 v2, v0;
	_ =	sdelay $0x1  }
0x9f: {  	v0 =	vadd.f32 v0, v1;
	v1 =	vld [tilespmem:s29+$0x8360];
	_ =	sdelay $0x1  }
0xa0: {  	[tilespmem:s29+$0x8350] =	vst v0  }
0xa1: {  	v0 =	vld [tilespmem:s31+$0x360]  }
0xa2: {  	v2 =	vld [tilespmem:s31+$0x4360];
	_ =	sdelay $0x4  }
0xa3: {  	v2 =	vadd.f32 v2, v0  }
0xa4: {  	v0 =	vld [tilespmem:s29+$0x8370]  }
.Ltmp3:
0xa5: {  	v1 =	vadd.f32 v2, v1;
	(pc) =	sbr.rel @p0 .LBB2_3-.Ltmp3, $4  }
0xa6: {  	_ = 	snop  }
0xa7: {  	[tilespmem:s29+$0x8360] =	vst v1  }
0xa8: {  	v1 =	vld [tilespmem:s31+$0x370]  }
0xa9: {  	v2 =	vld [tilespmem:s31+$0x4370]  }
0xaa: {  	_ =	sdelay $0x1  }
0xab: {  	s26 =	sadd.s32 $0x1, s26  }
0xac: {  	p0 =	sne.s32 s26, s25  }
.Ltmp4:
0xad: {  	v1 =	vadd.f32 v2, v1;
	(pc) =	sbr.rel @p0 .LBB2_2-.Ltmp4, $4  }
.Ltmp5:
0xae: {  	_ = 	snop;
	(pc) =	sbr.rel @!p0 .LBB2_5-.Ltmp5, $4  }
0xaf: {  	v0 =	vadd.f32 v1, v0  }
0xb0: {  	_ = 	snop  }
0xb1: {  	[tilespmem:s29+$0x8370] =	vst v0  }
0xb2: {  	_ = 	snop  }
.LBB2_6:
0xb3: {  	_ =	sfence.sel $0x180000  }
0xb4: {  	[bflag:$0x0] =	sbarrier.arrive $0xFFFF  }
0xb5: {  	p0 =	sne.s32 s3, $0x0;
	_ =	strace $0x90000059  }
0xb6: {  	s0 =	sadd.s32 @!p0 $0x100000, s0;
	[bflag:$0x2] =	sbarrier.arrive $0xFFFF  }
0xb7: {  	[sflag:s0] =	ssyncadd.tile.s32 @!p0 $0x1;
	_ =	shalt  }
.Lfunc_end2:
_tile_overlayer_lowered:
.L_overlay_start_2:
0xb8: {  	(tag) =	ssettag $0x2  }
0xb9: {  	s0 =	rddreg [dreg:$0x0];
	s2 =	stileid.u32  }
0xba: {  	s1 =	rddreg [dreg:$0x1];
	p0 =	sne.s32 s2, $0x0  }
0xbb: {  	s3 =	rddreg [dreg:$0x2];
	[bflag:$0x3] =	sbarrier.arrive $0xFFFF;
	s2 =	simm.s32 @!p0 $0x1C03  }
0xbc: {  	[timem:s3], [sflag:s2] =	dma.local @!p0 [hbm:s0], s1  }
0xbd: {  	s0 =	simm.s32 @!p0 $0x3  }
0xbe: {  	_ =	swait.ge @!p0 [sflag:s0], s1  }
0xbf: {  	s1 =	ssub.s32 @!p0 $0x0, s1;
	[sflag:s0] =	ssyncset.done @!p0 $0x0  }
0xc0: {  	[sflag:s0] =	ssyncadd.s32 @!p0 s1  }
0xc1: {  	[bflag:$0x3] =	sbarrier.arrive $0xFFFF  }
0xc2: {  	_ =	shalt  }

// kernel: kernel.23.cloned.1.call-start
scs
__scs_entry_jumppad:
0x0: {  	(pc) =	sbr.rel $0x88, $3  }
0x1: {  	(tag) =	ssettag $0x0;
	lr =	simm.s32 $0x1  }
0x2: {  	[smem:$0x3F94] =	sst lr;
	_ =	strace $0xD0000000  }
0x3: {  	_ = 	snop  }
0x4: {  	_ = 	snop  }
0x5: {  	_ = 	snop  }
0x6: {  	_ = 	snop  }
0x7: {  	_ = 	snop  }
__scs_overlays_trampoline_lowered:
0x8: {  	[smem:$0x3FA3] =	sst s0  }
0x9: {  	[smem:$0x3FA4] =	sst s1  }
0xa: {  	[smem:$0x3FA5] =	sst s2  }
0xb: {  	[smem:$0x3FA6] =	sst s3  }
0xc: {  	[smem:$0x3FA7] =	sst s4  }
0xd: {  	[smem:$0x3FA8] =	sst s5  }
0xe: {  	[smem:$0x3FA9] =	sst s6  }
0xf: {  	[smem:$0x3FAA] =	sst s7  }
0x10: {  	[smem:$0x3FAB] =	sst s8  }
0x11: {  	[smem:$0x3FAC] =	sst s9;
	s0 =	simm.s32 @!p0 $0x0  }
0x12: {  	s1 =	sld [smem:$0x3F92];
	s0 =	simm.s32 @p0 $0x1  }
0x13: {  	[smem:$0x3FAD] =	sst s0;
	s0 =	simm.s32 @!p1 $0x0  }
0x14: {  	s2 =	sld [smem:$0x3F91];
	s0 =	simm.s32 @p1 $0x1  }
0x15: {  	[smem:$0x3FAE] =	sst s0;
	s0 =	simm.s32 @!p2 $0x0  }
0x16: {  	s3 =	sld [smem:$0x3FDB];
	s0 =	simm.s32 @p2 $0x1  }
0x17: {  	s4 =	simm.s32 $0x1BF5;
	[smem:$0x3FB0] =	sst s0  }
0x18: {  	s0 =	sld [smem:$0x3F93];
	_ =	swait.ge [sflag:s4], $0x0  }
0x19: {  	s7 =	sld [smem:$0x3F94]  }
0x1a: {  	s8 =	sadd.s32 $0xFFFFE003, lr  }
0x1b: {  	s9 =	sadd.s32 $0xFFFFFEF7, lr;
	s5 =	simm.s32 $0xFFFFFFFF;
	p2 =	slt.u32 s8, $0xFFFFF086  }
0x1c: {  	p1 =	slt.u32 s9, $0xF7A;
	s5 =	simm.s32 @!p2 $0x0  }
0x1d: {  	s5 =	simm.s32 @p1 $0x1;
	p0 =	seq.s32 s7, s2  }
0x1e: {  	s7 =	smul.u32 @!p0 $0xF7A, s2;
	p2 =	seq.s32 @!p0 s5, $0x0  }
0x1f: {  	s9 =	smul.u32 $0xF7A, s1;
	s8 =	simm.s32 @!p0 $0x1BF5;
	p2 =	por !p2, p0  }
0x20: {  	[sflag:s8] =	ssyncset.s32 @!p0 $0xFFFFF086;
	s6 =	sadd.s32 @!p0 s3, s7;
	s7 =	simm.s32 @!p0 $0x108  }
0x21: {  	s3 =	sadd.s32 s3, s9;
	s6 =	sadd.s32 @!p0 $0x88, s6;
	s7 =	simm.s32 @p2 $0x1082  }
0x22: {  	[simem:s7], [sflag:s8] =	dma.local @!p0 [hbm:s6], $0xF7A  }
0x23: {  	s9 =	sor.u32 $0xD0000000, s2;
	s6 =	simm.s32 $0x108;
	_ =	swait.ge @!p0 [sflag:s8], $0x0  }
0x24: {  	s3 =	sadd.s32 $0x88, s3;
	s6 =	simm.s32 @!p1 $0x1082;
	[sflag:s4] =	ssyncset.s32 $0xFFFFF086  }
0x25: {  	[simem:s6], [sflag:s4] =	dma.local [hbm:s3], $0xF7A  }
0x26: {  	[smem:$0x3F94] =	sst s1;
	(tag) =	ssettag s2;
	_ =	strace s9  }
0x27: {  	s1 =	sld [smem:$0x3FA4]  }
0x28: {  	s2 =	sld [smem:$0x3FA5]  }
0x29: {  	s4 =	sld [smem:$0x3FA7]  }
0x2a: {  	p0 =	seq.s32 s5, $0x0;
	s5 =	sld [smem:$0x3FA8]  }
0x2b: {  	s6 =	sld [smem:$0x3FA9]  }
0x2c: {  	s7 =	sld [smem:$0x3FAA]  }
0x2d: {  	s3 =	simm.s32 $0x108;
	s8 =	sld [smem:$0x3FAB]  }
0x2e: {  	s3 =	simm.s32 @!p0 $0x1082;
	s9 =	sld [smem:$0x3FAC]  }
0x2f: {  	lr =	sadd.s32 s0, s3;
	s0 =	sld [smem:$0x3FA3]  }
0x30: {  	s3 =	sld [smem:$0x3FA6]  }
0x31: {  	[smem:$0x3FAF] =	sst s10  }
0x32: {  	s10 =	sld [smem:$0x3FAD];
	_ =	sdelay $0x3  }
0x33: {  	p0 =	seq.s32 s10, $0x1;
	s10 =	sld [smem:$0x3FAF];
	_ =	sdelay $0x3  }
0x34: {  	[smem:$0x3FAF] =	sst s10  }
0x35: {  	s10 =	sld [smem:$0x3FAE];
	_ =	sdelay $0x3  }
0x36: {  	p1 =	seq.s32 s10, $0x1;
	s10 =	sld [smem:$0x3FAF];
	_ =	sdelay $0x3  }
0x37: {  	[smem:$0x3FAF] =	sst s10  }
0x38: {  	s10 =	sld [smem:$0x3FB0]  }
0x39: {  	_ = 	snop;
	(pc) =	sbr.ind lr, $3  }
0x3a: {  	_ = 	snop  }
0x3b: {  	_ = 	snop  }
0x3c: {  	p2 =	seq.s32 s10, $0x1;
	s10 =	sld [smem:$0x3FAF]  }
0x3d: {  	_ =	shalt  }
0x3e: {  	_ =	shalt  }
0x3f: {  	_ =	shalt  }
0x40: {  	_ =	shalt  }
0x41: {  	_ =	shalt  }
0x42: {  	_ =	shalt  }
0x43: {  	_ =	shalt  }
0x44: {  	_ =	shalt  }
0x45: {  	_ =	shalt  }
0x46: {  	_ =	shalt  }
0x47: {  	_ =	shalt  }
0x48: {  	_ =	shalt  }
0x49: {  	_ =	shalt  }
0x4a: {  	_ =	shalt  }
0x4b: {  	_ =	shalt  }
0x4c: {  	_ =	shalt  }
0x4d: {  	_ =	shalt  }
0x4e: {  	_ =	shalt  }
0x4f: {  	_ =	shalt  }
0x50: {  	_ =	shalt  }
0x51: {  	_ =	shalt  }
0x52: {  	_ =	shalt  }
0x53: {  	_ =	shalt  }
0x54: {  	_ =	shalt  }
0x55: {  	_ =	shalt  }
0x56: {  	_ =	shalt  }
0x57: {  	_ =	shalt  }
0x58: {  	_ =	shalt  }
0x59: {  	_ =	shalt  }
0x5a: {  	_ =	shalt  }
0x5b: {  	_ =	shalt  }
0x5c: {  	_ =	shalt  }
0x5d: {  	_ =	shalt  }
0x5e: {  	_ =	shalt  }
0x5f: {  	_ =	shalt  }
0x60: {  	_ =	shalt  }
0x61: {  	_ =	shalt  }
0x62: {  	_ =	shalt  }
0x63: {  	_ =	shalt  }
0x64: {  	_ =	shalt  }
0x65: {  	_ =	shalt  }
0x66: {  	_ =	shalt  }
0x67: {  	_ =	shalt  }
0x68: {  	_ =	shalt  }
0x69: {  	_ =	shalt  }
0x6a: {  	_ =	shalt  }
0x6b: {  	_ =	shalt  }
0x6c: {  	_ =	shalt  }
0x6d: {  	_ =	shalt  }
0x6e: {  	_ =	shalt  }
0x6f: {  	_ =	shalt  }
0x70: {  	_ =	shalt  }
0x71: {  	_ =	shalt  }
0x72: {  	_ =	shalt  }
0x73: {  	_ =	shalt  }
0x74: {  	_ =	shalt  }
0x75: {  	_ =	shalt  }
0x76: {  	_ =	shalt  }
0x77: {  	_ =	shalt  }
0x78: {  	_ =	shalt  }
0x79: {  	_ =	shalt  }
0x7a: {  	_ =	shalt  }
0x7b: {  	_ =	shalt  }
0x7c: {  	_ =	shalt  }
0x7d: {  	_ =	shalt  }
0x7e: {  	_ =	shalt  }
0x7f: {  	_ =	shalt  }
0x80: {  	_ =	shalt  }
0x81: {  	_ =	shalt  }
0x82: {  	_ =	shalt  }
0x83: {  	_ =	shalt  }
0x84: {  	_ =	shalt  }
0x85: {  	_ =	shalt  }
0x86: {  	_ =	shalt  }
0x87: {  	_ =	shalt  }
.Lfunc_end0:
.L_simem_size_0:
called_computation.7_lowered:
.L_overlay_start_0:
0x88: {  	s2 =	sld [smem:$0x3FD9]  }
0x89: {  	s3 =	sld [smem:$0x3FFE];
	_ =	sdelay $0x1  }
0x8a: {  	s1 =	srdreg.scid  }
0x8b: {  	s0 =	sand.u32 $0x1, s1  }
0x8c: {  	s17 =	sshll.u32 s0, $0xA;
	s2 =	sadd.s32 s3, s2  }
0x8d: {  	s2 =	sadd.s32 s2, s17  }
0x8e: {  	[smem:$0x3FBB] =	sst s2  }
0x8f: {  	_ = 	snop  }
0x90: {  	s2 =	sld [smem:$0x3FD0];
	(tm) =	ssettm $0x1  }
0x91: {  	s18 =	sld [smem:$0x3FFB];
	_ =	sdelay $0x3  }
0x92: {  	_ =	strace s18  }
0x93: {  	s3 =	sld [smem:$0x3FFC];
	_ =	sdelay $0x3  }
0x94: {  	_ =	strace s3  }
0x95: {  	s3 =	sld [smem:$0x3FFD];
	_ =	sdelay $0x3  }
0x96: {  	_ =	strace s3  }
0x97: {  	_ =	strace $0x8FFFFFFF  }
0x98: {  	s19 =	sld [smem:$0x3FDB];
	_ =	sdelay $0x1  }
0x99: {  	s4 =	simm.s32 $_scs_section_size  }
0x9a: {  	s5 =	simm.s32 $_size__tile_overlayer_lowered;
	s6 =	simm.s32 $_tile_overlayer_lowered  }
0x9b: {  	s22 =	simm.s32 $0x1BFF;
	s21 =	sshll.u32 s6, $0x1;
	s3 =	sadd.s32 s4, s19  }
0x9c: {  	s7 =	simm.s32 $0x0;
	s20 =	sshll.u32 s5, $0x1;
	s5 =	sadd.s32 s21, s3  }
0x9d: {  	[timem:s7], [sflag:s22] =	dma.local [hbm:s5], s20  }
0x9e: {  	_ =	swait.ge [sflag:s22], s20  }
0x9f: {  	s4 =	ssub.s32 $0x0, s20;
	[sflag:s22] =	ssyncset.done $0x0  }
0xa0: {  	[sflag:s22] =	ssyncadd.s32 s4;
	_ =	sdelay $0x1  }
0xa1: {  	s23 =	simm.s32 $0x1B8B  }
0xa2: {  	_ =	swait.ge [sflag:s23], $0x1  }
0xa3: {  	[sflag:s23] =	ssyncset.done $0x0  }
0xa4: {  	s25 =	simm.s32 $0x1B8E;
	s24 =	sld [smem:$0x3FFE];
	[sflag:s23] =	ssyncadd.s32 $0xFFFFFFFF  }
0xa5: {  	s26 =	simm.s32 $execute0_lowered;
	[smem:$0x3FD2] =	sst s25  }
0xa6: {  	s5 =	sshll.u32 s26, $0x1;
	_ =	strace $0x8000005B;
	[dreg:$0x1] =	wrdreg $0xFFFFFFFF  }
0xa7: {  	s28 =	simm.s32 $_size_execute0_lowered;
	s3 =	sadd.s32 s3, s5;
	[dreg:$0x0] =	wrdreg $0x0  }
0xa8: {  	s5 =	sshll.u32 s28, $0x1;
	[dreg:$0x2] =	wrdreg s3  }
0xa9: {  	[dreg:$0x3] =	wrdreg s5  }
0xaa: {  	[dreg:$0x4] =	wrdreg $0xC0  }
0xab: {  	_ =	task [dreg:s7], $0x5FFFF  }
0xac: {  	[dreg:$0x1] =	wrdreg $0xFFFFFFFF  }
0xad: {  	[dreg:$0x0] =	wrdreg $0x60  }
0xae: {  	[dreg:$0x2] =	wrdreg s2  }
0xaf: {  	[dreg:$0x3] =	wrdreg s24  }
0xb0: {  	[dreg:$0x4] =	wrdreg $0x9  }
0xb1: {  	_ =	task.clear_ibuf [dreg:s7], $0x5FFFF;
	_ =	strace $0x9000005B  }
0xb2: {  	s29 =	simm.s32 $0x9;
	_ =	strace $0x8000005D  }
0xb3: {  	_ =	swait.ge [sflag:s29], $0x1  }
0xb4: {  	[sflag:s29] =	ssyncadd.s32 $0xFFFFFFFF  }
0xb5: {  	_ =	strace $0x9000005D  }
0xb6: {  	_ =	sfence  }
0xb7: {  	s30 =	sld [smem:$0x0];
	_ =	sdelay $0x2  }
0xb8: {  	s31 =	sshll.u32 s1, $0xD;
	s1 =	sshrl.u32 s1, $0x2  }
0xb9: {  	s3 =	sand.u32 $0x4000, s31;
	s1 =	sadd.s32 s1, s30  }
0xba: {  	s0 =	sor.u32 s3, s0;
	s1 =	sshll.u32 s1, $0x11  }
0xbb: {  	s0 =	sor.u32 s1, s0  }
0xbc: {  	s0 =	sadd.s32 $0x8F2B, s0  }
0xbd: {  	[sflag:s0] =	ssyncadd.remote.s32 $0x1  }
0xbe: {  	_ =	sfence.sel $0xFFFF  }
0xbf: {  	[dreg:$0x0] =	wrdreg $0xFFFFFFFF;
	(pc) =	sbr.abs _section_cstart, $3  }
0xc0: {  	[dreg:$0x1] =	wrdreg $0xFFFFFFFF  }
0xc1: {  	_ =	task.clear_ibuf [dreg:s7], $0x2FFFF;
	_ =	strace $0x9FFFFFFF  }
0xc2: {  	(tm) =	ssettm $0x7FFFFFFF  }
0xc3: {  	_ =	shalt  }
tec
execute0_lowered:
.L_overlay_start_1:
0x0: {  	(tag) =	ssettag $0x1  }
0x1: {  	s1 =	rddreg [dreg:$0x0]  }
0x2: {  	s12 =	rddreg [dreg:$0x1]  }
0x3: {  	s0 =	rddreg [dreg:$0x2]  }
0x4: {  	s2 =	simm.s32 $0x0;
	s3 =	srdreg.scid;
	s16 =	simm.s32 $0x80  }
0x5: {  	s17 =	simm.s32 $0x100;
	s18 =	simm.s32 $0x280;
	s19 =	simm.s32 $0x300  }
0x6: {  	s20 =	simm.s32 $0x4300;
	s21 =	simm.s32 $0x1;
	s22 =	simm.s32 $0x2  }
0x7: {  	s23 =	simm.s32 $0x0;
	[smem:$0x7FF] =	sst s2;
	s9 =	sand.u32 $0x1, s3  }
0x8: {  	s4 =	sadd.s32 $0x29400, s12;
	s3 =	stileid.u32;
	s5 =	sadd.s32 $0xA200, s12  }
0x9: {  	s6 =	sadd.s32 $0x47E00, s12;
	s8 =	sadd.s32 $0x1AE00, s12;
	s7 =	sshll.u32 s9, $0x4  }
.Ltmp0:
0xa: {  	s10 =	sadd.s32 $0x1AC00, s12;
	s7 =	sor.u32 s3, s7;
	(pc) =	sbr.rel .LBB2_1-.Ltmp0, $4  }
0xb: {  	s11 =	sadd.s32 $0x25200, s12;
	s14 =	ssub.s32 $0x2, s9;
	s13 =	smul.u32 $0x1400, s7  }
0xc: {  	_ =	strace $0x8000005C;
	s9 =	sadd.s32 $0x1AA00, s12;
	s15 =	sshrl.u32 s14, $0x1  }
0xd: {  	s31 =	ssub.s32 s14, s15;
	s14 =	simm.s32 $0x8300;
	s12 =	sadd.s32 s13, s12  }
0xe: {  	s15 =	simm.s32 $0x3;
	s13 =	smax.u32 s31, $0x1;
	s12 =	sadd.s32 $0x52200, s12  }
.LBB2_5:
0xf: {  	s23 =	sadd.s32 $0x1, s23  }
0x10: {  	p0 =	sne.s32 s23, s13  }
.Ltmp1:
0x11: {  	_ = 	snop;
	(pc) =	sbr.rel @!p0 .LBB2_6-.Ltmp1, $4  }
0x12: {  	[hbm4b:s12+s2] =	stream.linear.scatter [tilespmem:s14], [sflag:$0x3], $0xA000, $0x38;
	[tilespmem:$0x12700] =	vst v63  }
0x13: {  	_ =	swait.ge [sflag:s15], $0xA000  }
0x14: {  	[sflag:s15] =	ssyncset.done $0x0  }
0x15: {  	[sflag:s15] =	ssyncadd.s32 $0xFFFF6000  }
.LBB2_1:
0x16: {  	[tilespmem:s14], [sflag:$0x3] =	stream.linear.gather [hbm4b:s11+s2], $0xA400, $0x38;
	[tilespmem:$0x12700] =	vst v63  }
0x17: {  	_ =	swait.ge [sflag:s15], $0xA400  }
0x18: {  	[sflag:s15] =	ssyncset.done $0x0  }
0x19: {  	[sflag:s15] =	ssyncadd.s32 $0xFFFF5C00  }
0x1a: {  	[tilespmem:s2], [sflag:$0x3] =	stream.linear.gather [hbm4b:s9+s2], $0x80, $0x38;
	[tilespmem:$0x12700] =	vst v63  }
0x1b: {  	_ =	swait.ge [sflag:s15], $0x80  }
0x1c: {  	[sflag:s15] =	ssyncset.done $0x0  }
0x1d: {  	[sflag:s15] =	ssyncadd.s32 $0xFFFFFF80  }
0x1e: {  	[tilespmem:s16], [sflag:$0x3] =	stream.linear.gather [hbm4b:s10+s2], $0x80, $0x38;
	[tilespmem:$0x12700] =	vst v63  }
0x1f: {  	_ =	swait.ge [sflag:s15], $0x80  }
0x20: {  	[sflag:s15] =	ssyncset.done $0x0  }
0x21: {  	[sflag:s15] =	ssyncadd.s32 $0xFFFFFF80  }
0x22: {  	v0 =	vld [tilespmem:s7+$0x0]  }
0x23: {  	v1 =	vld [tilespmem:s7+$0x80];
	_ =	sdelay $0x3  }
0x24: {  	(v2sf) =	vpush v0, $0x0  }
0x25: {  	(v2sf) =	vpush v1, $0x0;
	_ =	sdelay $0xd  }
0x26: {  	s24 =	spop (v2sf)  }
0x27: {  	s25 =	spop (v2sf)  }
0x28: {  	p0 =	slt.s32 s25, $0x1  }
.Ltmp2:
0x29: {  	_ = 	snop;
	(pc) =	sbr.rel @p0 .LBB2_5-.Ltmp2, $2  }
0x2a: {  	_ =	sdelay $0x2  }
0x2b: {  	s26 =	simm.s32 $0x0  }
.LBB2_2:
0x2c: {  	s28 =	sshll.u32 s26, $0x7  }
0x2d: {  	s28 =	sadd.s32 s24, s28  }
0x2e: {  	s28 =	sshrl.u32 s28, $0x3  }
0x2f: {  	s29 =	sand.u32 $0x1FFFFFF0, s28  }
0x30: {  	s30 =	simm.s32 $0x0;
	s28 =	sadd.s32 s5, s29  }
0x31: {  	[tilespmem:s17], [sflag:$0x3] =	stream.linear.gather [hbm4b:s28+s30], $0x80, $0x38;
	[tilespmem:$0x12700] =	vst v63  }
0x32: {  	_ =	swait.ge [sflag:s15], $0x80  }
0x33: {  	[sflag:s15] =	ssyncset.done $0x0  }
0x34: {  	s31 =	sadd.s32 s6, s29;
	s28 =	simm.s32 $0x180;
	[sflag:s15] =	ssyncadd.s32 $0xFFFFFF80  }
0x35: {  	[tilespmem:s28], [sflag:$0x3] =	stream.linear.gather [hbm4b:s31+s30], $0x80, $0x38;
	[tilespmem:$0x12700] =	vst v63  }
0x36: {  	_ =	swait.ge [sflag:s15], $0x80  }
0x37: {  	[sflag:s15] =	ssyncset.done $0x0  }
0x38: {  	s29 =	sadd.s32 s8, s29;
	[sflag:s15] =	ssyncadd.s32 $0xFFFFFF80  }
0x39: {  	[tilespmem:s18], [sflag:$0x3] =	stream.linear.gather [hbm4b:s29+s30], $0x80, $0x38;
	[tilespmem:$0x12700] =	vst v63  }
0x3a: {  	_ =	swait.ge [sflag:s15], $0x80  }
0x3b: {  	[sflag:s15] =	ssyncset.done $0x0  }
0x3c: {  	[sflag:s15] =	ssyncadd.s32 $0xFFFFFF80  }
0x3d: {  	[tilespmem:s19], [sflag:$0x1] =	stream.indirect.gather [hbm4b:s1+s16], $0x80, s17, s16, $0xb8;
	[tilespmem:$0x12700] =	vst v63  }
0x3e: {  	_ = 	snop  }
0x3f: {  	[tilespmem:s20], [sflag:$0x2] =	stream.indirect.gather [hbm4b:s4+s16], $0x80, s18, s16, $0xb8;
	[tilespmem:$0x12700] =	vst v63  }
0x40: {  	_ =	swait.ge [sflag:s21], $0x4000  }
0x41: {  	[sflag:s21] =	ssyncset.done $0x0  }
0x42: {  	[sflag:s21] =	ssyncadd.s32 $0xFFFFC000  }
0x43: {  	_ =	swait.ge [sflag:s22], $0x4000  }
0x44: {  	[sflag:s22] =	ssyncset.done $0x0  }
0x45: {  	[sflag:s22] =	ssyncadd.s32 $0xFFFFC000  }
0x46: {  	v0 =	vld [tilespmem:s28+$0x0];
	_ =	sdelay $0x4  }
0x47: {  	(v2sf) =	vpush v0, $0x0;
	_ =	sdelay $0xd  }
0x48: {  	s31 =	simm.s32 $0x0  }
0x49: {  	v1 =	vld [tilespmem:s31+$0x300];
	s29 =	spop (v2sf)  }
0x4a: {  	v0 =	vld [tilespmem:s31+$0x4300];
	s29 =	sshll.u32 s29, $0x9  }
0x4b: {  	s29 =	sshra.s32 s29, $0x2  }
0x4c: {  	v2 =	vld [tilespmem:s29+$0x8300];
	_ =	sdelay $0x2  }
0x4d: {  	v0 =	vadd.f32 v0, v1;
	_ =	sdelay $0x1  }
0x4e: {  	v0 =	vadd.f32 v0, v2;
	_ =	sdelay $0x1  }
0x4f: {  	[tilespmem:s29+$0x8300] =	vst v0  }
0x50: {  	v0 =	vld [tilespmem:s31+$0x310]  }
0x51: {  	v1 =	vld [tilespmem:s31+$0x4310];
	_ =	sdelay $0x1  }
0x52: {  	v2 =	vld [tilespmem:s29+$0x8310];
	_ =	sdelay $0x2  }
0x53: {  	v0 =	vadd.f32 v1, v0;
	_ =	sdelay $0x1  }
0x54: {  	v0 =	vadd.f32 v0, v2;
	_ =	sdelay $0x1  }
0x55: {  	[tilespmem:s29+$0x8310] =	vst v0  }
0x56: {  	v0 =	vld [tilespmem:s31+$0x320]  }
0x57: {  	v1 =	vld [tilespmem:s31+$0x4320];
	_ =	sdelay $0x1  }
0x58: {  	v2 =	vld [tilespmem:s29+$0x8320];
	_ =	sdelay $0x2  }
0x59: {  	v0 =	vadd.f32 v1, v0;
	_ =	sdelay $0x1  }
0x5a: {  	v0 =	vadd.f32 v0, v2;
	_ =	sdelay $0x1  }
0x5b: {  	[tilespmem:s29+$0x8320] =	vst v0  }
0x5c: {  	v0 =	vld [tilespmem:s31+$0x330]  }
0x5d: {  	v1 =	vld [tilespmem:s31+$0x4330];
	_ =	sdelay $0x1  }
0x5e: {  	v2 =	vld [tilespmem:s29+$0x8330];
	_ =	sdelay $0x2  }
0x5f: {  	v0 =	vadd.f32 v1, v0;
	_ =	sdelay $0x1  }
0x60: {  	v0 =	vadd.f32 v0, v2;
	_ =	sdelay $0x1  }
0x61: {  	[tilespmem:s29+$0x8330] =	vst v0  }
0x62: {  	v0 =	vld [tilespmem:s31+$0x340]  }
0x63: {  	v1 =	vld [tilespmem:s31+$0x4340];
	_ =	sdelay $0x1  }
0x64: {  	v2 =	vld [tilespmem:s29+$0x8340];
	_ =	sdelay $0x2  }
0x65: {  	v0 =	vadd.f32 v1, v0;
	_ =	sdelay $0x1  }
0x66: {  	v0 =	vadd.f32 v0, v2;
	_ =	sdelay $0x1  }
0x67: {  	[tilespmem:s29+$0x8340] =	vst v0  }
0x68: {  	v0 =	vld [tilespmem:s31+$0x350]  }
0x69: {  	v2 =	vld [tilespmem:s31+$0x4350];
	_ =	sdelay $0x1  }
0x6a: {  	v1 =	vld [tilespmem:s29+$0x8350];
	_ =	sdelay $0x2  }
0x6b: {  	v0 =	vadd.f32 v2, v0;
	_ =	sdelay $0x1  }
0x6c: {  	v0 =	vadd.f32 v0, v1;
	_ =	sdelay $0x1  }
0x6d: {  	[tilespmem:s29+$0x8350] =	vst v0  }
0x6e: {  	v0 =	vld [tilespmem:s31+$0x360]  }
0x6f: {  	v2 =	vld [tilespmem:s31+$0x4360];
	_ =	sdelay $0x1  }
0x70: {  	v1 =	vld [tilespmem:s29+$0x8360];
	_ =	sdelay $0x2  }
0x71: {  	v0 =	vadd.f32 v2, v0;
	_ =	sdelay $0x1  }
0x72: {  	v1 =	vadd.f32 v0, v1;
	_ =	sdelay $0x1  }
0x73: {  	v0 =	vld [tilespmem:s29+$0x8370];
	[tilespmem:s29+$0x8360] =	vst v1  }
0x74: {  	v1 =	vld [tilespmem:s31+$0x370]  }
0x75: {  	s30 =	simm.s32 $0x200;
	v2 =	vld [tilespmem:s31+$0x4370]  }
.LBB2_3:
0x76: {  	p0 =	sne.s32 s30, $0xFE00  }
0x77: {  	s28 =	sadd.s32 $0x1, s28;
	s31 =	smov.u32 s30;
	s30 =	sadd.s32 $0x200, s30  }
0x78: {  	_ =	sdelay $0x1  }
0x79: {  	v1 =	vadd.f32 v2, v1;
	_ =	sdelay $0x1  }
0x7a: {  	v0 =	vadd.f32 v1, v0;
	_ =	sdelay $0x1  }
0x7b: {  	[tilespmem:s29+$0x8370] =	vst v0  }
0x7c: {  	v0 =	vld [tilespmem:s28+$0x0];
	_ =	sdelay $0x4  }
0x7d: {  	(v2sf) =	vpush v0, $0x0;
	_ =	sdelay $0xd  }
0x7e: {  	s31 =	sshra.s32 s31, $0x2  }
0x7f: {  	v0 =	vld [tilespmem:s31+$0x4300];
	s29 =	spop (v2sf)  }
0x80: {  	s29 =	sshll.u32 s29, $0x9;
	v1 =	vld [tilespmem:s31+$0x300]  }
0x81: {  	s29 =	sshra.s32 s29, $0x2  }
0x82: {  	v2 =	vld [tilespmem:s29+$0x8300];
	_ =	sdelay $0x2  }
0x83: {  	v0 =	vadd.f32 v0, v1;
	_ =	sdelay $0x1  }
0x84: {  	v0 =	vadd.f32 v0, v2;
	_ =	sdelay $0x1  }
0x85: {  	[tilespmem:s29+$0x8300] =	vst v0  }
0x86: {  	v0 =	vld [tilespmem:s31+$0x310]  }
0x87: {  	v1 =	vld [tilespmem:s31+$0x4310]  }
0x88: {  	v2 =	vld [tilespmem:s29+$0x8310];
	_ =	sdelay $0x3  }
0x89: {  	v0 =	vadd.f32 v1, v0;
	_ =	sdelay $0x1  }
0x8a: {  	v0 =	vadd.f32 v0, v2;
	_ =	sdelay $0x1  }
0x8b: {  	[tilespmem:s29+$0x8310] =	vst v0;
	v0 =	vld [tilespmem:s29+$0x8320]  }
0x8c: {  	v1 =	vld [tilespmem:s31+$0x320]  }
0x8d: {  	v2 =	vld [tilespmem:s31+$0x4320];
	_ =	sdelay $0x4  }
0x8e: {  	v1 =	vadd.f32 v2, v1;
	_ =	sdelay $0x1  }
0x8f: {  	v0 =	vadd.f32 v1, v0;
	_ =	sdelay $0x1  }
0x90: {  	[tilespmem:s29+$0x8320] =	vst v0;
	v0 =	vld [tilespmem:s29+$0x8330]  }
0x91: {  	v1 =	vld [tilespmem:s31+$0x330]  }
0x92: {  	v2 =	vld [tilespmem:s31+$0x4330];
	_ =	sdelay $0x4  }
0x93: {  	v1 =	vadd.f32 v2, v1;
	_ =	sdelay $0x1  }
0x94: {  	v0 =	vadd.f32 v1, v0;
	_ =	sdelay $0x1  }
0x95: {  	[tilespmem:s29+$0x8330] =	vst v0;
	v0 =	vld [tilespmem:s29+$0x8340]  }
0x96: {  	v1 =	vld [tilespmem:s31+$0x340]  }
0x97: {  	v2 =	vld [tilespmem:s31+$0x4340];
	_ =	sdelay $0x4  }
0x98: {  	v1 =	vadd.f32 v2, v1;
	_ =	sdelay $0x1  }
0x99: {  	v0 =	vadd.f32 v1, v0  }
0x9a: {  	v1 =	vld [tilespmem:s29+$0x8350]  }
0x9b: {  	[tilespmem:s29+$0x8340] =	vst v0  }
0x9c: {  	v0 =	vld [tilespmem:s31+$0x350]  }
0x9d: {  	v2 =	vld [tilespmem:s31+$0x4350];
	_ =	sdelay $0x4  }
0x9e: {  	v0 =	vadd.f32 v2, v0;
	_ =	sdelay $0x1  }
0x9f: {  	v0 =	vadd.f32 v0, v1;
	v1 =	vld [tilespmem:s29+$0x8360];
	_ =	sdelay $0x1  }
0xa0: {  	[tilespmem:s29+$0x8350] =	vst v0  }
0xa1: {  	v0 =	vld [tilespmem:s31+$0x360]  }
0xa2: {  	v2 =	vld [tilespmem:s31+$0x4360];
	_ =	sdelay $0x4  }
0xa3: {  	v2 =	vadd.f32 v2, v0  }
0xa4: {  	v0 =	vld [tilespmem:s29+$0x8370]  }
.Ltmp3:
0xa5: {  	v1 =	vadd.f32 v2, v1;
	(pc) =	sbr.rel @p0 .LBB2_3-.Ltmp3, $4  }
0xa6: {  	_ = 	snop  }
0xa7: {  	[tilespmem:s29+$0x8360] =	vst v1  }
0xa8: {  	v1 =	vld [tilespmem:s31+$0x370]  }
0xa9: {  	v2 =	vld [tilespmem:s31+$0x4370]  }
0xaa: {  	_ =	sdelay $0x1  }
0xab: {  	s26 =	sadd.s32 $0x1, s26  }
0xac: {  	p0 =	sne.s32 s26, s25  }
.Ltmp4:
0xad: {  	v1 =	vadd.f32 v2, v1;
	(pc) =	sbr.rel @p0 .LBB2_2-.Ltmp4, $4  }
.Ltmp5:
0xae: {  	_ = 	snop;
	(pc) =	sbr.rel @!p0 .LBB2_5-.Ltmp5, $4  }
0xaf: {  	v0 =	vadd.f32 v1, v0  }
0xb0: {  	_ = 	snop  }
0xb1: {  	[tilespmem:s29+$0x8370] =	vst v0  }
0xb2: {  	_ = 	snop  }
.LBB2_6:
0xb3: {  	_ =	sfence.sel $0x180000  }
0xb4: {  	[bflag:$0x0] =	sbarrier.arrive $0xFFFF  }
0xb5: {  	p0 =	sne.s32 s3, $0x0;
	_ =	strace $0x9000005C  }
0xb6: {  	s0 =	sadd.s32 @!p0 $0x100000, s0;
	[bflag:$0x2] =	sbarrier.arrive $0xFFFF  }
0xb7: {  	[sflag:s0] =	ssyncadd.tile.s32 @!p0 $0x1;
	_ =	shalt  }
.Lfunc_end2:
_tile_overlayer_lowered:
.L_overlay_start_2:
0xb8: {  	(tag) =	ssettag $0x2  }
0xb9: {  	s0 =	rddreg [dreg:$0x0];
	s2 =	stileid.u32  }
0xba: {  	s1 =	rddreg [dreg:$0x1];
	p0 =	sne.s32 s2, $0x0  }
0xbb: {  	s3 =	rddreg [dreg:$0x2];
	[bflag:$0x3] =	sbarrier.arrive $0xFFFF;
	s2 =	simm.s32 @!p0 $0x1C03  }
0xbc: {  	[timem:s3], [sflag:s2] =	dma.local @!p0 [hbm:s0], s1  }
0xbd: {  	s0 =	simm.s32 @!p0 $0x3  }
0xbe: {  	_ =	swait.ge @!p0 [sflag:s0], s1  }
0xbf: {  	s1 =	ssub.s32 @!p0 $0x0, s1;
	[sflag:s0] =	ssyncset.done @!p0 $0x0  }
0xc0: {  	[sflag:s0] =	ssyncadd.s32 @!p0 s1  }
0xc1: {  	[bflag:$0x3] =	sbarrier.arrive $0xFFFF  }
0xc2: {  	_ =	shalt  }

// kernel: kernel.26.cloned.1.call-start
scs
__scs_entry_jumppad:
0x0: {  	(pc) =	sbr.rel $0x88, $3  }
0x1: {  	(tag) =	ssettag $0x0;
	lr =	simm.s32 $0x1  }
0x2: {  	[smem:$0x3F94] =	sst lr;
	_ =	strace $0xD0000000  }
0x3: {  	_ = 	snop  }
0x4: {  	_ = 	snop  }
0x5: {  	_ = 	snop  }
0x6: {  	_ = 	snop  }
0x7: {  	_ = 	snop  }
__scs_overlays_trampoline_lowered:
0x8: {  	[smem:$0x3FA3] =	sst s0  }
0x9: {  	[smem:$0x3FA4] =	sst s1  }
0xa: {  	[smem:$0x3FA5] =	sst s2  }
0xb: {  	[smem:$0x3FA6] =	sst s3  }
0xc: {  	[smem:$0x3FA7] =	sst s4  }
0xd: {  	[smem:$0x3FA8] =	sst s5  }
0xe: {  	[smem:$0x3FA9] =	sst s6  }
0xf: {  	[smem:$0x3FAA] =	sst s7  }
0x10: {  	[smem:$0x3FAB] =	sst s8  }
0x11: {  	[smem:$0x3FAC] =	sst s9;
	s0 =	simm.s32 @!p0 $0x0  }
0x12: {  	s1 =	sld [smem:$0x3F92];
	s0 =	simm.s32 @p0 $0x1  }
0x13: {  	[smem:$0x3FAD] =	sst s0;
	s0 =	simm.s32 @!p1 $0x0  }
0x14: {  	s2 =	sld [smem:$0x3F91];
	s0 =	simm.s32 @p1 $0x1  }
0x15: {  	[smem:$0x3FAE] =	sst s0;
	s0 =	simm.s32 @!p2 $0x0  }
0x16: {  	s3 =	sld [smem:$0x3FDB];
	s0 =	simm.s32 @p2 $0x1  }
0x17: {  	s4 =	simm.s32 $0x1BF5;
	[smem:$0x3FB0] =	sst s0  }
0x18: {  	s0 =	sld [smem:$0x3F93];
	_ =	swait.ge [sflag:s4], $0x0  }
0x19: {  	s7 =	sld [smem:$0x3F94]  }
0x1a: {  	s8 =	sadd.s32 $0xFFFFE003, lr  }
0x1b: {  	s9 =	sadd.s32 $0xFFFFFEF7, lr;
	s5 =	simm.s32 $0xFFFFFFFF;
	p2 =	slt.u32 s8, $0xFFFFF086  }
0x1c: {  	p1 =	slt.u32 s9, $0xF7A;
	s5 =	simm.s32 @!p2 $0x0  }
0x1d: {  	s5 =	simm.s32 @p1 $0x1;
	p0 =	seq.s32 s7, s2  }
0x1e: {  	s7 =	smul.u32 @!p0 $0xF7A, s2;
	p2 =	seq.s32 @!p0 s5, $0x0  }
0x1f: {  	s9 =	smul.u32 $0xF7A, s1;
	s8 =	simm.s32 @!p0 $0x1BF5;
	p2 =	por !p2, p0  }
0x20: {  	[sflag:s8] =	ssyncset.s32 @!p0 $0xFFFFF086;
	s6 =	sadd.s32 @!p0 s3, s7;
	s7 =	simm.s32 @!p0 $0x108  }
0x21: {  	s3 =	sadd.s32 s3, s9;
	s6 =	sadd.s32 @!p0 $0x88, s6;
	s7 =	simm.s32 @p2 $0x1082  }
0x22: {  	[simem:s7], [sflag:s8] =	dma.local @!p0 [hbm:s6], $0xF7A  }
0x23: {  	s9 =	sor.u32 $0xD0000000, s2;
	s6 =	simm.s32 $0x108;
	_ =	swait.ge @!p0 [sflag:s8], $0x0  }
0x24: {  	s3 =	sadd.s32 $0x88, s3;
	s6 =	simm.s32 @!p1 $0x1082;
	[sflag:s4] =	ssyncset.s32 $0xFFFFF086  }
0x25: {  	[simem:s6], [sflag:s4] =	dma.local [hbm:s3], $0xF7A  }
0x26: {  	[smem:$0x3F94] =	sst s1;
	(tag) =	ssettag s2;
	_ =	strace s9  }
0x27: {  	s1 =	sld [smem:$0x3FA4]  }
0x28: {  	s2 =	sld [smem:$0x3FA5]  }
0x29: {  	s4 =	sld [smem:$0x3FA7]  }
0x2a: {  	p0 =	seq.s32 s5, $0x0;
	s5 =	sld [smem:$0x3FA8]  }
0x2b: {  	s6 =	sld [smem:$0x3FA9]  }
0x2c: {  	s7 =	sld [smem:$0x3FAA]  }
0x2d: {  	s3 =	simm.s32 $0x108;
	s8 =	sld [smem:$0x3FAB]  }
0x2e: {  	s3 =	simm.s32 @!p0 $0x1082;
	s9 =	sld [smem:$0x3FAC]  }
0x2f: {  	lr =	sadd.s32 s0, s3;
	s0 =	sld [smem:$0x3FA3]  }
0x30: {  	s3 =	sld [smem:$0x3FA6]  }
0x31: {  	[smem:$0x3FAF] =	sst s10  }
0x32: {  	s10 =	sld [smem:$0x3FAD];
	_ =	sdelay $0x3  }
0x33: {  	p0 =	seq.s32 s10, $0x1;
	s10 =	sld [smem:$0x3FAF];
	_ =	sdelay $0x3  }
0x34: {  	[smem:$0x3FAF] =	sst s10  }
0x35: {  	s10 =	sld [smem:$0x3FAE];
	_ =	sdelay $0x3  }
0x36: {  	p1 =	seq.s32 s10, $0x1;
	s10 =	sld [smem:$0x3FAF];
	_ =	sdelay $0x3  }
0x37: {  	[smem:$0x3FAF] =	sst s10  }
0x38: {  	s10 =	sld [smem:$0x3FB0]  }
0x39: {  	_ = 	snop;
	(pc) =	sbr.ind lr, $3  }
0x3a: {  	_ = 	snop  }
0x3b: {  	_ = 	snop  }
0x3c: {  	p2 =	seq.s32 s10, $0x1;
	s10 =	sld [smem:$0x3FAF]  }
0x3d: {  	_ =	shalt  }
0x3e: {  	_ =	shalt  }
0x3f: {  	_ =	shalt  }
0x40: {  	_ =	shalt  }
0x41: {  	_ =	shalt  }
0x42: {  	_ =	shalt  }
0x43: {  	_ =	shalt  }
0x44: {  	_ =	shalt  }
0x45: {  	_ =	shalt  }
0x46: {  	_ =	shalt  }
0x47: {  	_ =	shalt  }
0x48: {  	_ =	shalt  }
0x49: {  	_ =	shalt  }
0x4a: {  	_ =	shalt  }
0x4b: {  	_ =	shalt  }
0x4c: {  	_ =	shalt  }
0x4d: {  	_ =	shalt  }
0x4e: {  	_ =	shalt  }
0x4f: {  	_ =	shalt  }
0x50: {  	_ =	shalt  }
0x51: {  	_ =	shalt  }
0x52: {  	_ =	shalt  }
0x53: {  	_ =	shalt  }
0x54: {  	_ =	shalt  }
0x55: {  	_ =	shalt  }
0x56: {  	_ =	shalt  }
0x57: {  	_ =	shalt  }
0x58: {  	_ =	shalt  }
0x59: {  	_ =	shalt  }
0x5a: {  	_ =	shalt  }
0x5b: {  	_ =	shalt  }
0x5c: {  	_ =	shalt  }
0x5d: {  	_ =	shalt  }
0x5e: {  	_ =	shalt  }
0x5f: {  	_ =	shalt  }
0x60: {  	_ =	shalt  }
0x61: {  	_ =	shalt  }
0x62: {  	_ =	shalt  }
0x63: {  	_ =	shalt  }
0x64: {  	_ =	shalt  }
0x65: {  	_ =	shalt  }
0x66: {  	_ =	shalt  }
0x67: {  	_ =	shalt  }
0x68: {  	_ =	shalt  }
0x69: {  	_ =	shalt  }
0x6a: {  	_ =	shalt  }
0x6b: {  	_ =	shalt  }
0x6c: {  	_ =	shalt  }
0x6d: {  	_ =	shalt  }
0x6e: {  	_ =	shalt  }
0x6f: {  	_ =	shalt  }
0x70: {  	_ =	shalt  }
0x71: {  	_ =	shalt  }
0x72: {  	_ =	shalt  }
0x73: {  	_ =	shalt  }
0x74: {  	_ =	shalt  }
0x75: {  	_ =	shalt  }
0x76: {  	_ =	shalt  }
0x77: {  	_ =	shalt  }
0x78: {  	_ =	shalt  }
0x79: {  	_ =	shalt  }
0x7a: {  	_ =	shalt  }
0x7b: {  	_ =	shalt  }
0x7c: {  	_ =	shalt  }
0x7d: {  	_ =	shalt  }
0x7e: {  	_ =	shalt  }
0x7f: {  	_ =	shalt  }
0x80: {  	_ =	shalt  }
0x81: {  	_ =	shalt  }
0x82: {  	_ =	shalt  }
0x83: {  	_ =	shalt  }
0x84: {  	_ =	shalt  }
0x85: {  	_ =	shalt  }
0x86: {  	_ =	shalt  }
0x87: {  	_ =	shalt  }
.Lfunc_end0:
.L_simem_size_0:
called_computation.8_lowered:
.L_overlay_start_0:
0x88: {  	s2 =	sld [smem:$0x3FD9]  }
0x89: {  	s3 =	sld [smem:$0x3FFE];
	_ =	sdelay $0x1  }
0x8a: {  	s1 =	srdreg.scid  }
0x8b: {  	s0 =	sand.u32 $0x1, s1  }
0x8c: {  	s17 =	sshll.u32 s0, $0xA;
	s2 =	sadd.s32 s3, s2  }
0x8d: {  	s2 =	sadd.s32 s2, s17  }
0x8e: {  	[smem:$0x3FBB] =	sst s2  }
0x8f: {  	_ = 	snop  }
0x90: {  	s2 =	sld [smem:$0x3FD0];
	(tm) =	ssettm $0x1  }
0x91: {  	s18 =	sld [smem:$0x3FFB];
	_ =	sdelay $0x3  }
0x92: {  	_ =	strace s18  }
0x93: {  	s3 =	sld [smem:$0x3FFC];
	_ =	sdelay $0x3  }
0x94: {  	_ =	strace s3  }
0x95: {  	s3 =	sld [smem:$0x3FFD];
	_ =	sdelay $0x3  }
0x96: {  	_ =	strace s3  }
0x97: {  	_ =	strace $0x8FFFFFFF  }
0x98: {  	s19 =	sld [smem:$0x3FDB];
	_ =	sdelay $0x1  }
0x99: {  	s4 =	simm.s32 $_scs_section_size  }
0x9a: {  	s5 =	simm.s32 $_size__tile_overlayer_lowered;
	s6 =	simm.s32 $_tile_overlayer_lowered  }
0x9b: {  	s22 =	simm.s32 $0x1BFF;
	s21 =	sshll.u32 s6, $0x1;
	s3 =	sadd.s32 s4, s19  }
0x9c: {  	s7 =	simm.s32 $0x0;
	s20 =	sshll.u32 s5, $0x1;
	s5 =	sadd.s32 s21, s3  }
0x9d: {  	[timem:s7], [sflag:s22] =	dma.local [hbm:s5], s20  }
0x9e: {  	_ =	swait.ge [sflag:s22], s20  }
0x9f: {  	s4 =	ssub.s32 $0x0, s20;
	[sflag:s22] =	ssyncset.done $0x0  }
0xa0: {  	[sflag:s22] =	ssyncadd.s32 s4;
	_ =	sdelay $0x1  }
0xa1: {  	s23 =	simm.s32 $0x1B8B  }
0xa2: {  	_ =	swait.ge [sflag:s23], $0x1  }
0xa3: {  	[sflag:s23] =	ssyncset.done $0x0  }
0xa4: {  	s25 =	simm.s32 $0x1B8E;
	s24 =	sld [smem:$0x3FFE];
	[sflag:s23] =	ssyncadd.s32 $0xFFFFFFFF  }
0xa5: {  	s26 =	simm.s32 $execute0_lowered;
	[smem:$0x3FD2] =	sst s25  }
0xa6: {  	s5 =	sshll.u32 s26, $0x1;
	_ =	strace $0x8000005E;
	[dreg:$0x1] =	wrdreg $0xFFFFFFFF  }
0xa7: {  	s28 =	simm.s32 $_size_execute0_lowered;
	s3 =	sadd.s32 s3, s5;
	[dreg:$0x0] =	wrdreg $0x0  }
0xa8: {  	s5 =	sshll.u32 s28, $0x1;
	[dreg:$0x2] =	wrdreg s3  }
0xa9: {  	[dreg:$0x3] =	wrdreg s5  }
0xaa: {  	[dreg:$0x4] =	wrdreg $0xC0  }
0xab: {  	_ =	task [dreg:s7], $0x5FFFF  }
0xac: {  	[dreg:$0x1] =	wrdreg $0xFFFFFFFF  }
0xad: {  	[dreg:$0x0] =	wrdreg $0x60  }
0xae: {  	[dreg:$0x2] =	wrdreg s2  }
0xaf: {  	[dreg:$0x3] =	wrdreg s24  }
0xb0: {  	[dreg:$0x4] =	wrdreg $0x9  }
0xb1: {  	_ =	task.clear_ibuf [dreg:s7], $0x5FFFF;
	_ =	strace $0x9000005E  }
0xb2: {  	s29 =	simm.s32 $0x9;
	_ =	strace $0x80000060  }
0xb3: {  	_ =	swait.ge [sflag:s29], $0x1  }
0xb4: {  	[sflag:s29] =	ssyncadd.s32 $0xFFFFFFFF  }
0xb5: {  	_ =	strace $0x90000060  }
0xb6: {  	_ =	sfence  }
0xb7: {  	s30 =	sld [smem:$0x0];
	_ =	sdelay $0x2  }
0xb8: {  	s31 =	sshll.u32 s1, $0xD;
	s1 =	sshrl.u32 s1, $0x2  }
0xb9: {  	s3 =	sand.u32 $0x4000, s31;
	s1 =	sadd.s32 s1, s30  }
0xba: {  	s0 =	sor.u32 s3, s0;
	s1 =	sshll.u32 s1, $0x11  }
0xbb: {  	s0 =	sor.u32 s1, s0  }
0xbc: {  	s0 =	sadd.s32 $0x8F2B, s0  }
0xbd: {  	[sflag:s0] =	ssyncadd.remote.s32 $0x1  }
0xbe: {  	_ =	sfence.sel $0xFFFF  }
0xbf: {  	[dreg:$0x0] =	wrdreg $0xFFFFFFFF;
	(pc) =	sbr.abs _section_cstart, $3  }
0xc0: {  	[dreg:$0x1] =	wrdreg $0xFFFFFFFF  }
0xc1: {  	_ =	task.clear_ibuf [dreg:s7], $0x2FFFF;
	_ =	strace $0x9FFFFFFF  }
0xc2: {  	(tm) =	ssettm $0x7FFFFFFF  }
0xc3: {  	_ =	shalt  }
tec
execute0_lowered:
.L_overlay_start_1:
0x0: {  	(tag) =	ssettag $0x1  }
0x1: {  	s1 =	rddreg [dreg:$0x0]  }
0x2: {  	s12 =	rddreg [dreg:$0x1]  }
0x3: {  	s0 =	rddreg [dreg:$0x2]  }
0x4: {  	s2 =	simm.s32 $0x0;
	s3 =	srdreg.scid;
	s16 =	simm.s32 $0x80  }
0x5: {  	s17 =	simm.s32 $0x100;
	s18 =	simm.s32 $0x280;
	s19 =	simm.s32 $0x300  }
0x6: {  	s20 =	simm.s32 $0x4300;
	s21 =	simm.s32 $0x1;
	s22 =	simm.s32 $0x2  }
0x7: {  	s23 =	simm.s32 $0x0;
	[smem:$0x7FF] =	sst s2;
	s9 =	sand.u32 $0x1, s3  }
0x8: {  	s4 =	sadd.s32 $0x29600, s12;
	s3 =	stileid.u32;
	s5 =	sadd.s32 $0xA200, s12  }
0x9: {  	s6 =	sadd.s32 $0x47E00, s12;
	s8 =	sadd.s32 $0x1AE00, s12;
	s7 =	sshll.u32 s9, $0x4  }
.Ltmp0:
0xa: {  	s10 =	sadd.s32 $0x1AC00, s12;
	s7 =	sor.u32 s3, s7;
	(pc) =	sbr.rel .LBB2_1-.Ltmp0, $4  }
0xb: {  	s11 =	sadd.s32 $0x25200, s12;
	s14 =	ssub.s32 $0x2, s9;
	s13 =	smul.u32 $0x1400, s7  }
0xc: {  	_ =	strace $0x8000005F;
	s9 =	sadd.s32 $0x1AA00, s12;
	s15 =	sshrl.u32 s14, $0x1  }
0xd: {  	s31 =	ssub.s32 s14, s15;
	s14 =	simm.s32 $0x8300;
	s12 =	sadd.s32 s13, s12  }
0xe: {  	s15 =	simm.s32 $0x3;
	s13 =	smax.u32 s31, $0x1;
	s12 =	sadd.s32 $0x52200, s12  }
.LBB2_5:
0xf: {  	s23 =	sadd.s32 $0x1, s23  }
0x10: {  	p0 =	sne.s32 s23, s13  }
.Ltmp1:
0x11: {  	_ = 	snop;
	(pc) =	sbr.rel @!p0 .LBB2_6-.Ltmp1, $4  }
0x12: {  	[hbm4b:s12+s2] =	stream.linear.scatter [tilespmem:s14], [sflag:$0x3], $0xA000, $0x38;
	[tilespmem:$0x12700] =	vst v63  }
0x13: {  	_ =	swait.ge [sflag:s15], $0xA000  }
0x14: {  	[sflag:s15] =	ssyncset.done $0x0  }
0x15: {  	[sflag:s15] =	ssyncadd.s32 $0xFFFF6000  }
.LBB2_1:
0x16: {  	[tilespmem:s14], [sflag:$0x3] =	stream.linear.gather [hbm4b:s11+s2], $0xA400, $0x38;
	[tilespmem:$0x12700] =	vst v63  }
0x17: {  	_ =	swait.ge [sflag:s15], $0xA400  }
0x18: {  	[sflag:s15] =	ssyncset.done $0x0  }
0x19: {  	[sflag:s15] =	ssyncadd.s32 $0xFFFF5C00  }
0x1a: {  	[tilespmem:s2], [sflag:$0x3] =	stream.linear.gather [hbm4b:s9+s2], $0x80, $0x38;
	[tilespmem:$0x12700] =	vst v63  }
0x1b: {  	_ =	swait.ge [sflag:s15], $0x80  }
0x1c: {  	[sflag:s15] =	ssyncset.done $0x0  }
0x1d: {  	[sflag:s15] =	ssyncadd.s32 $0xFFFFFF80  }
0x1e: {  	[tilespmem:s16], [sflag:$0x3] =	stream.linear.gather [hbm4b:s10+s2], $0x80, $0x38;
	[tilespmem:$0x12700] =	vst v63  }
0x1f: {  	_ =	swait.ge [sflag:s15], $0x80  }
0x20: {  	[sflag:s15] =	ssyncset.done $0x0  }
0x21: {  	[sflag:s15] =	ssyncadd.s32 $0xFFFFFF80  }
0x22: {  	v0 =	vld [tilespmem:s7+$0x0]  }
0x23: {  	v1 =	vld [tilespmem:s7+$0x80];
	_ =	sdelay $0x3  }
0x24: {  	(v2sf) =	vpush v0, $0x0  }
0x25: {  	(v2sf) =	vpush v1, $0x0;
	_ =	sdelay $0xd  }
0x26: {  	s24 =	spop (v2sf)  }
0x27: {  	s25 =	spop (v2sf)  }
0x28: {  	p0 =	slt.s32 s25, $0x1  }
.Ltmp2:
0x29: {  	_ = 	snop;
	(pc) =	sbr.rel @p0 .LBB2_5-.Ltmp2, $2  }
0x2a: {  	_ =	sdelay $0x2  }
0x2b: {  	s26 =	simm.s32 $0x0  }
.LBB2_2:
0x2c: {  	s28 =	sshll.u32 s26, $0x7  }
0x2d: {  	s28 =	sadd.s32 s24, s28  }
0x2e: {  	s28 =	sshrl.u32 s28, $0x3  }
0x2f: {  	s29 =	sand.u32 $0x1FFFFFF0, s28  }
0x30: {  	s30 =	simm.s32 $0x0;
	s28 =	sadd.s32 s5, s29  }
0x31: {  	[tilespmem:s17], [sflag:$0x3] =	stream.linear.gather [hbm4b:s28+s30], $0x80, $0x38;
	[tilespmem:$0x12700] =	vst v63  }
0x32: {  	_ =	swait.ge [sflag:s15], $0x80  }
0x33: {  	[sflag:s15] =	ssyncset.done $0x0  }
0x34: {  	s31 =	sadd.s32 s6, s29;
	s28 =	simm.s32 $0x180;
	[sflag:s15] =	ssyncadd.s32 $0xFFFFFF80  }
0x35: {  	[tilespmem:s28], [sflag:$0x3] =	stream.linear.gather [hbm4b:s31+s30], $0x80, $0x38;
	[tilespmem:$0x12700] =	vst v63  }
0x36: {  	_ =	swait.ge [sflag:s15], $0x80  }
0x37: {  	[sflag:s15] =	ssyncset.done $0x0  }
0x38: {  	s29 =	sadd.s32 s8, s29;
	[sflag:s15] =	ssyncadd.s32 $0xFFFFFF80  }
0x39: {  	[tilespmem:s18], [sflag:$0x3] =	stream.linear.gather [hbm4b:s29+s30], $0x80, $0x38;
	[tilespmem:$0x12700] =	vst v63  }
0x3a: {  	_ =	swait.ge [sflag:s15], $0x80  }
0x3b: {  	[sflag:s15] =	ssyncset.done $0x0  }
0x3c: {  	[sflag:s15] =	ssyncadd.s32 $0xFFFFFF80  }
0x3d: {  	[tilespmem:s19], [sflag:$0x1] =	stream.indirect.gather [hbm4b:s1+s16], $0x80, s17, s16, $0xb8;
	[tilespmem:$0x12700] =	vst v63  }
0x3e: {  	_ = 	snop  }
0x3f: {  	[tilespmem:s20], [sflag:$0x2] =	stream.indirect.gather [hbm4b:s4+s16], $0x80, s18, s16, $0xb8;
	[tilespmem:$0x12700] =	vst v63  }
0x40: {  	_ =	swait.ge [sflag:s21], $0x4000  }
0x41: {  	[sflag:s21] =	ssyncset.done $0x0  }
0x42: {  	[sflag:s21] =	ssyncadd.s32 $0xFFFFC000  }
0x43: {  	_ =	swait.ge [sflag:s22], $0x4000  }
0x44: {  	[sflag:s22] =	ssyncset.done $0x0  }
0x45: {  	[sflag:s22] =	ssyncadd.s32 $0xFFFFC000  }
0x46: {  	v0 =	vld [tilespmem:s28+$0x0];
	_ =	sdelay $0x4  }
0x47: {  	(v2sf) =	vpush v0, $0x0;
	_ =	sdelay $0xd  }
0x48: {  	s31 =	simm.s32 $0x0  }
0x49: {  	v1 =	vld [tilespmem:s31+$0x300];
	s29 =	spop (v2sf)  }
0x4a: {  	v0 =	vld [tilespmem:s31+$0x4300];
	s29 =	sshll.u32 s29, $0x9  }
0x4b: {  	s29 =	sshra.s32 s29, $0x2  }
0x4c: {  	v2 =	vld [tilespmem:s29+$0x8300];
	_ =	sdelay $0x2  }
0x4d: {  	v0 =	vadd.f32 v0, v1;
	_ =	sdelay $0x1  }
0x4e: {  	v0 =	vadd.f32 v0, v2;
	_ =	sdelay $0x1  }
0x4f: {  	[tilespmem:s29+$0x8300] =	vst v0  }
0x50: {  	v0 =	vld [tilespmem:s31+$0x310]  }
0x51: {  	v1 =	vld [tilespmem:s31+$0x4310];
	_ =	sdelay $0x1  }
0x52: {  	v2 =	vld [tilespmem:s29+$0x8310];
	_ =	sdelay $0x2  }
0x53: {  	v0 =	vadd.f32 v1, v0;
	_ =	sdelay $0x1  }
0x54: {  	v0 =	vadd.f32 v0, v2;
	_ =	sdelay $0x1  }
0x55: {  	[tilespmem:s29+$0x8310] =	vst v0  }
0x56: {  	v0 =	vld [tilespmem:s31+$0x320]  }
0x57: {  	v1 =	vld [tilespmem:s31+$0x4320];
	_ =	sdelay $0x1  }
0x58: {  	v2 =	vld [tilespmem:s29+$0x8320];
	_ =	sdelay $0x2  }
0x59: {  	v0 =	vadd.f32 v1, v0;
	_ =	sdelay $0x1  }
0x5a: {  	v0 =	vadd.f32 v0, v2;
	_ =	sdelay $0x1  }
0x5b: {  	[tilespmem:s29+$0x8320] =	vst v0  }
0x5c: {  	v0 =	vld [tilespmem:s31+$0x330]  }
0x5d: {  	v1 =	vld [tilespmem:s31+$0x4330];
	_ =	sdelay $0x1  }
0x5e: {  	v2 =	vld [tilespmem:s29+$0x8330];
	_ =	sdelay $0x2  }
0x5f: {  	v0 =	vadd.f32 v1, v0;
	_ =	sdelay $0x1  }
0x60: {  	v0 =	vadd.f32 v0, v2;
	_ =	sdelay $0x1  }
0x61: {  	[tilespmem:s29+$0x8330] =	vst v0  }
0x62: {  	v0 =	vld [tilespmem:s31+$0x340]  }
0x63: {  	v1 =	vld [tilespmem:s31+$0x4340];
	_ =	sdelay $0x1  }
0x64: {  	v2 =	vld [tilespmem:s29+$0x8340];
	_ =	sdelay $0x2  }
0x65: {  	v0 =	vadd.f32 v1, v0;
	_ =	sdelay $0x1  }
0x66: {  	v0 =	vadd.f32 v0, v2;
	_ =	sdelay $0x1  }
0x67: {  	[tilespmem:s29+$0x8340] =	vst v0  }
0x68: {  	v0 =	vld [tilespmem:s31+$0x350]  }
0x69: {  	v2 =	vld [tilespmem:s31+$0x4350];
	_ =	sdelay $0x1  }
0x6a: {  	v1 =	vld [tilespmem:s29+$0x8350];
	_ =	sdelay $0x2  }
0x6b: {  	v0 =	vadd.f32 v2, v0;
	_ =	sdelay $0x1  }
0x6c: {  	v0 =	vadd.f32 v0, v1;
	_ =	sdelay $0x1  }
0x6d: {  	[tilespmem:s29+$0x8350] =	vst v0  }
0x6e: {  	v0 =	vld [tilespmem:s31+$0x360]  }
0x6f: {  	v2 =	vld [tilespmem:s31+$0x4360];
	_ =	sdelay $0x1  }
0x70: {  	v1 =	vld [tilespmem:s29+$0x8360];
	_ =	sdelay $0x2  }
0x71: {  	v0 =	vadd.f32 v2, v0;
	_ =	sdelay $0x1  }
0x72: {  	v1 =	vadd.f32 v0, v1;
	_ =	sdelay $0x1  }
0x73: {  	v0 =	vld [tilespmem:s29+$0x8370];
	[tilespmem:s29+$0x8360] =	vst v1  }
0x74: {  	v1 =	vld [tilespmem:s31+$0x370]  }
0x75: {  	s30 =	simm.s32 $0x200;
	v2 =	vld [tilespmem:s31+$0x4370]  }
.LBB2_3:
0x76: {  	p0 =	sne.s32 s30, $0xFE00  }
0x77: {  	s28 =	sadd.s32 $0x1, s28;
	s31 =	smov.u32 s30;
	s30 =	sadd.s32 $0x200, s30  }
0x78: {  	_ =	sdelay $0x1  }
0x79: {  	v1 =	vadd.f32 v2, v1;
	_ =	sdelay $0x1  }
0x7a: {  	v0 =	vadd.f32 v1, v0;
	_ =	sdelay $0x1  }
0x7b: {  	[tilespmem:s29+$0x8370] =	vst v0  }
0x7c: {  	v0 =	vld [tilespmem:s28+$0x0];
	_ =	sdelay $0x4  }
0x7d: {  	(v2sf) =	vpush v0, $0x0;
	_ =	sdelay $0xd  }
0x7e: {  	s31 =	sshra.s32 s31, $0x2  }
0x7f: {  	v0 =	vld [tilespmem:s31+$0x4300];
	s29 =	spop (v2sf)  }
0x80: {  	s29 =	sshll.u32 s29, $0x9;
	v1 =	vld [tilespmem:s31+$0x300]  }
0x81: {  	s29 =	sshra.s32 s29, $0x2  }
0x82: {  	v2 =	vld [tilespmem:s29+$0x8300];
	_ =	sdelay $0x2  }
0x83: {  	v0 =	vadd.f32 v0, v1;
	_ =	sdelay $0x1  }
0x84: {  	v0 =	vadd.f32 v0, v2;
	_ =	sdelay $0x1  }
0x85: {  	[tilespmem:s29+$0x8300] =	vst v0  }
0x86: {  	v0 =	vld [tilespmem:s31+$0x310]  }
0x87: {  	v1 =	vld [tilespmem:s31+$0x4310]  }
0x88: {  	v2 =	vld [tilespmem:s29+$0x8310];
	_ =	sdelay $0x3  }
0x89: {  	v0 =	vadd.f32 v1, v0;
	_ =	sdelay $0x1  }
0x8a: {  	v0 =	vadd.f32 v0, v2;
	_ =	sdelay $0x1  }
0x8b: {  	[tilespmem:s29+$0x8310] =	vst v0;
	v0 =	vld [tilespmem:s29+$0x8320]  }
0x8c: {  	v1 =	vld [tilespmem:s31+$0x320]  }
0x8d: {  	v2 =	vld [tilespmem:s31+$0x4320];
	_ =	sdelay $0x4  }
0x8e: {  	v1 =	vadd.f32 v2, v1;
	_ =	sdelay $0x1  }
0x8f: {  	v0 =	vadd.f32 v1, v0;
	_ =	sdelay $0x1  }
0x90: {  	[tilespmem:s29+$0x8320] =	vst v0;
	v0 =	vld [tilespmem:s29+$0x8330]  }
0x91: {  	v1 =	vld [tilespmem:s31+$0x330]  }
0x92: {  	v2 =	vld [tilespmem:s31+$0x4330];
	_ =	sdelay $0x4  }
0x93: {  	v1 =	vadd.f32 v2, v1;
	_ =	sdelay $0x1  }
0x94: {  	v0 =	vadd.f32 v1, v0;
	_ =	sdelay $0x1  }
0x95: {  	[tilespmem:s29+$0x8330] =	vst v0;
	v0 =	vld [tilespmem:s29+$0x8340]  }
0x96: {  	v1 =	vld [tilespmem:s31+$0x340]  }
0x97: {  	v2 =	vld [tilespmem:s31+$0x4340];
	_ =	sdelay $0x4  }
0x98: {  	v1 =	vadd.f32 v2, v1;
	_ =	sdelay $0x1  }
0x99: {  	v0 =	vadd.f32 v1, v0  }
0x9a: {  	v1 =	vld [tilespmem:s29+$0x8350]  }
0x9b: {  	[tilespmem:s29+$0x8340] =	vst v0  }
0x9c: {  	v0 =	vld [tilespmem:s31+$0x350]  }
0x9d: {  	v2 =	vld [tilespmem:s31+$0x4350];
	_ =	sdelay $0x4  }
0x9e: {  	v0 =	vadd.f32 v2, v0;
	_ =	sdelay $0x1  }
0x9f: {  	v0 =	vadd.f32 v0, v1;
	v1 =	vld [tilespmem:s29+$0x8360];
	_ =	sdelay $0x1  }
0xa0: {  	[tilespmem:s29+$0x8350] =	vst v0  }
0xa1: {  	v0 =	vld [tilespmem:s31+$0x360]  }
0xa2: {  	v2 =	vld [tilespmem:s31+$0x4360];
	_ =	sdelay $0x4  }
0xa3: {  	v2 =	vadd.f32 v2, v0  }
0xa4: {  	v0 =	vld [tilespmem:s29+$0x8370]  }
.Ltmp3:
0xa5: {  	v1 =	vadd.f32 v2, v1;
	(pc) =	sbr.rel @p0 .LBB2_3-.Ltmp3, $4  }
0xa6: {  	_ = 	snop  }
0xa7: {  	[tilespmem:s29+$0x8360] =	vst v1  }
0xa8: {  	v1 =	vld [tilespmem:s31+$0x370]  }
0xa9: {  	v2 =	vld [tilespmem:s31+$0x4370]  }
0xaa: {  	_ =	sdelay $0x1  }
0xab: {  	s26 =	sadd.s32 $0x1, s26  }
0xac: {  	p0 =	sne.s32 s26, s25  }
.Ltmp4:
0xad: {  	v1 =	vadd.f32 v2, v1;
	(pc) =	sbr.rel @p0 .LBB2_2-.Ltmp4, $4  }
.Ltmp5:
0xae: {  	_ = 	snop;
	(pc) =	sbr.rel @!p0 .LBB2_5-.Ltmp5, $4  }
0xaf: {  	v0 =	vadd.f32 v1, v0  }
0xb0: {  	_ = 	snop  }
0xb1: {  	[tilespmem:s29+$0x8370] =	vst v0  }
0xb2: {  	_ = 	snop  }
.LBB2_6:
0xb3: {  	_ =	sfence.sel $0x180000  }
0xb4: {  	[bflag:$0x0] =	sbarrier.arrive $0xFFFF  }
0xb5: {  	p0 =	sne.s32 s3, $0x0;
	_ =	strace $0x9000005F  }
0xb6: {  	s0 =	sadd.s32 @!p0 $0x100000, s0;
	[bflag:$0x2] =	sbarrier.arrive $0xFFFF  }
0xb7: {  	[sflag:s0] =	ssyncadd.tile.s32 @!p0 $0x1;
	_ =	shalt  }
.Lfunc_end2:
_tile_overlayer_lowered:
.L_overlay_start_2:
0xb8: {  	(tag) =	ssettag $0x2  }
0xb9: {  	s0 =	rddreg [dreg:$0x0];
	s2 =	stileid.u32  }
0xba: {  	s1 =	rddreg [dreg:$0x1];
	p0 =	sne.s32 s2, $0x0  }
0xbb: {  	s3 =	rddreg [dreg:$0x2];
	[bflag:$0x3] =	sbarrier.arrive $0xFFFF;
	s2 =	simm.s32 @!p0 $0x1C03  }
0xbc: {  	[timem:s3], [sflag:s2] =	dma.local @!p0 [hbm:s0], s1  }
0xbd: {  	s0 =	simm.s32 @!p0 $0x3  }
0xbe: {  	_ =	swait.ge @!p0 [sflag:s0], s1  }
0xbf: {  	s1 =	ssub.s32 @!p0 $0x0, s1;
	[sflag:s0] =	ssyncset.done @!p0 $0x0  }
0xc0: {  	[sflag:s0] =	ssyncadd.s32 @!p0 s1  }
0xc1: {  	[bflag:$0x3] =	sbarrier.arrive $0xFFFF  }
0xc2: {  	_ =	shalt  }

</sc_bundles>
